<compile_context>
chip_gen: v7x
topology: tpu7x:2x2x1
jax: 0.10.2.dev20260603
libtpu: 0.0.44.dev20260713+nightly
codegen_flags: <defaults>
</compile_context>

<pallas_src>
import functools

import jax
import jax.numpy as jnp
from jax import lax
from jax.experimental import pallas as pl
from jax.experimental.pallas import tpu as pltpu
from jax.experimental.pallas import tpu_sc as plsc

NC = 2
NS = 16
NW = NC * NS
L = 16
NSLOT = 3

BIG = 3.0e38


def _make_sc_call(E, C, N, B):
    n_chunks = E // B
    n_rounds = (n_chunks + NW - 1) // NW
    n_loop = -(-(n_rounds + NSLOT - 1) // NSLOT) * NSLOT
    tiles_per_chunk = B // 128
    rc_rows = 2 * tiles_per_chunk

    mesh = plsc.VectorSubcoreMesh(core_axis_name="c", subcore_axis_name="s")

    @functools.partial(
        pl.kernel,
        mesh=mesh,
        compiler_params=pltpu.CompilerParams(
            needs_layout_passes=False,
        ),
        out_type=(
            jax.ShapeDtypeStruct((C, E), jnp.float32),
            jax.ShapeDtypeStruct((NW * L,), jnp.float32),
        ),
        scratch_types=[
            pltpu.VMEM((N // 8,), jnp.int32),
            *[pltpu.VMEM((rc_rows, 128), jnp.int32) for _ in range(NSLOT)],
            *[pltpu.VMEM((C, B), jnp.float32) for _ in range(NSLOT)],
            pltpu.VMEM((L,), jnp.float32),
            *[pltpu.SemaphoreType.DMA for _ in range(2 * NSLOT)],
        ],
    )
    def sc_call(bl_hbm, ei_hbm, atom_hbm, out_hbm, viol_hbm,
                atom_v, rc0, rc1, rc2, bl0, bl1, bl2, acc_v,
                isem0, isem1, isem2, osem0, osem1, osem2):
        rc_v = (rc0, rc1, rc2)
        bl_v = (bl0, bl1, bl2)
        isem = (isem0, isem1, isem2)
        osem = (osem0, osem1, osem2)

        cid = lax.axis_index("c")
        sid = lax.axis_index("s")
        wid = sid * NC + cid

        pltpu.sync_copy(atom_hbm, atom_v)

        def in_copies(chunk, s):
            return (
                pltpu.make_async_copy(
                    ei_hbm.at[pl.ds(chunk * rc_rows, rc_rows), :],
                    rc_v[s], isem[s]),
                pltpu.make_async_copy(
                    bl_hbm.at[:, pl.ds(chunk * B, B)], bl_v[s], isem[s]),
            )

        def out_copy(chunk, s):
            return pltpu.make_async_copy(
                bl_v[s], out_hbm.at[:, pl.ds(chunk * B, B)], osem[s])

        def issue_in(ri, s):
            chunk = ri * NW + wid

            @pl.when((ri < n_rounds) & (chunk < n_chunks))
            def _():
                for c in in_copies(chunk, s):
                    c.start()

        def wait_in(ri, s):
            chunk = ri * NW + wid

            @pl.when((ri < n_rounds) & (chunk < n_chunks))
            def _():
                for c in in_copies(chunk, s):
                    c.wait()

        def issue_out(ri, s):
            chunk = ri * NW + wid

            @pl.when((ri < n_rounds) & (chunk < n_chunks))
            def _():
                out_copy(chunk, s).start()

        def wait_out(ri, s):
            chunk = ri * NW + wid

            @pl.when((ri >= 0) & (ri < n_rounds) & (chunk < n_chunks))
            def _():
                out_copy(chunk, s).wait()

        def compute(ri, s, acc):
            chunk = ri * NW + wid

            def grp_outer(tt, acc):
                for gg in range(8):
                    off = gg * L
                    r = rc_v[s][2 * tt, pl.ds(off, L)]
                    c = rc_v[s][2 * tt + 1, pl.ds(off, L)]
                    w1 = plsc.load_gather(
                        atom_v, [lax.shift_right_logical(r, 3)])
                    w2 = plsc.load_gather(
                        atom_v, [lax.shift_right_logical(c, 3)])
                    t1 = lax.shift_right_logical(
                        w1, lax.shift_left(r & 7, 2)) & 7
                    t2 = lax.shift_right_logical(
                        w2, lax.shift_left(c & 7, 2)) & 7
                    is4 = (t1 == 4) | (t2 == 4)
                    is5 = (t1 == 5) | (t2 == 5)
                    sub4 = jnp.where(is4, 100.0, 0.0).astype(jnp.float32)
                    sub45 = sub4 + jnp.where(is5, 50.0, 0.0).astype(
                        jnp.float32)
                    s4x = jnp.where(is4, 100.0, BIG).astype(jnp.float32)
                    zero = jnp.zeros((L,), jnp.float32)
                    boff = tt * 128 + off
                    gacc = None
                    for ci in range(1, C):
                        x = bl_v[s][ci, pl.ds(boff, L)]
                        v = jnp.maximum(x - s4x, zero)
                        gacc = v if gacc is None else gacc + v
                        bl_v[s][ci, pl.ds(boff, L)] = (
                            x - sub4 if ci == 1 else x - sub45)
                    acc = acc + gacc
                return acc

            return lax.cond(
                (ri < n_rounds) & (chunk < n_chunks),
                lambda a: lax.fori_loop(0, tiles_per_chunk, grp_outer, a),
                lambda a: a,
                acc,
            )

        issue_in(jnp.int32(0), 0)

        def loop_body(rp, acc):
            for b in range(NSLOT):
                ri = rp * NSLOT + b
                s_next = (b + 1) % NSLOT
                wait_out(ri + 1 - NSLOT, s_next)
                issue_in(ri + 1, s_next)
                wait_in(ri, b)
                acc = compute(ri, b, acc)
                issue_out(ri, b)
            return acc

        acc = lax.fori_loop(0, n_loop // NSLOT, loop_body,
                            jnp.zeros((L,), jnp.float32))
        acc_v[...] = acc
        pltpu.sync_copy(acc_v, viol_hbm.at[pl.ds(wid * L, L)])

    return sc_call


def kernel(bond_logits, edge_index, atom_types):
    E, C = bond_logits.shape
    N = atom_types.shape[0]
    B = 2560
    assert E % B == 0 and B % 512 == 0 and N % 8 == 0
    ei_view = edge_index.reshape(2, E // 128, 128).swapaxes(0, 1).reshape(
        2 * E // 128, 128)
    shifts = (4 * jnp.arange(8, dtype=jnp.int32))[None, :]
    atom_packed = jnp.sum(
        atom_types.reshape(N // 8, 8) << shifts, axis=1, dtype=jnp.int32)
    sc_call = _make_sc_call(E, C, N, B)
    out_t, partials = sc_call(bond_logits.T, ei_view, atom_packed)
    return out_t.T, jnp.sum(partials) / E

# --- scband reference (transcript-rebuilt; emitter-appended) ---
"""Pipeline reference for scband-bond-constraint-layer-33887291965649 (READ-ONLY COPY).

The authoritative reference and input builder live on the scoring server;
editing this copy changes nothing except your own understanding.
"""

import jax, jax.numpy as jnp
import numpy as np


def setup_inputs(seed: int = 0) -> dict:
    key = jax.random.key(seed)
    k1, k2, k3 = jax.random.split(key, 3)
    E = 6400000
    N = 100000
    C = 5
    bond_logits = jax.random.normal(k1, (E, C), dtype=jnp.float32)
    edge_index = jax.random.randint(k2, (2, E), 0, N, dtype=jnp.int64)
    atom_types = jax.random.randint(k3, (N,), 0, 8, dtype=jnp.int64)
    return {"bond_logits": bond_logits, "edge_index": edge_index, "atom_types": atom_types}


def reference(bond_logits, edge_index, atom_types):
    # Faithful vectorization of the per-edge loop in BondConstraintLayer.forward.
    # Original semantics per edge i:
    #   if atom_type[row_i]==4 or atom_type[col_i]==4:
    #       bond_logits[i,1:] -= 100.0; violations += sum(relu(bond_logits[i,1:]))  (after subtraction)
    #   if atom_type[row_i]==5 or atom_type[col_i]==5:
    #       bond_logits[i,2:] -= 50.0
    E = bond_logits.shape[0]
    row = edge_index[0]
    col = edge_index[1]
    t1 = jnp.take(atom_types, row, axis=0)  # gather, SparseCore-friendly
    t2 = jnp.take(atom_types, col, axis=0)
    m4 = ((t1 == 4) | (t2 == 4)).astype(bond_logits.dtype)
    m5 = ((t1 == 5) | (t2 == 5)).astype(bond_logits.dtype)
    # step 1: subtract 100 from columns 1: for edges touching atom type 4
    bl = bond_logits.at[:, 1:].add(-100.0 * m4[:, None])
    # violations computed on the post-subtraction logits, only for masked edges
    violations = jnp.sum(jax.nn.relu(bl[:, 1:]) * m4[:, None])
    # step 2: subtract 50 from columns 2: for edges touching atom type 5
    bl = bl.at[:, 2:].add(-50.0 * m5[:, None])
    return (bl, violations / E)

if __name__ == "__main__":
    import jax
    _d = setup_inputs()
    print(jax.jit(kernel)(*tuple(_d.values())))

</pallas_src>

<mosaic_0001>
#map = affine_map<(d0, d1) -> (0, 0)>
#map1 = affine_map<(d0, d1) -> (0)>
module attributes {stable_mosaic.version = 14 : i64} {
  func.func @sc_call(%arg0: i32, %arg1: i32, %arg2: memref<5x6400000xf32, #tpu.memory_space<hbm>>, %arg3: memref<100000x128xi32, #tpu.memory_space<hbm>>, %arg4: memref<12500xi32, #tpu.memory_space<hbm>>, %arg5: memref<5x6400000xf32, #tpu.memory_space<hbm>>, %arg6: memref<512xf32, #tpu.memory_space<hbm>>, %arg7: memref<12500xi32, #tpu.memory_space<vmem>>, %arg8: memref<40x128xi32, #tpu.memory_space<vmem>>, %arg9: memref<40x128xi32, #tpu.memory_space<vmem>>, %arg10: memref<40x128xi32, #tpu.memory_space<vmem>>, %arg11: memref<5x2560xf32, #tpu.memory_space<vmem>>, %arg12: memref<5x2560xf32, #tpu.memory_space<vmem>>, %arg13: memref<5x2560xf32, #tpu.memory_space<vmem>>, %arg14: memref<16xf32, #tpu.memory_space<vmem>>, %arg15: memref<!tpu.dma_semaphore, #tpu.memory_space<semaphore_mem>>, %arg16: memref<!tpu.dma_semaphore, #tpu.memory_space<semaphore_mem>>, %arg17: memref<!tpu.dma_semaphore, #tpu.memory_space<semaphore_mem>>, %arg18: memref<!tpu.dma_semaphore, #tpu.memory_space<semaphore_mem>>, %arg19: memref<!tpu.dma_semaphore, #tpu.memory_space<semaphore_mem>>, %arg20: memref<!tpu.dma_semaphore, #tpu.memory_space<semaphore_mem>>) attributes {dimension_semantics = [#tpu.dimension_semantics<core_parallel>, #tpu.dimension_semantics<subcore_parallel>], iteration_bounds = array<i64: 2, 16>, scalar_prefetch = 0 : i64, scratch_operands = 14 : i64, tpu.core_type = #tpu.core_type<sc_vector_subcore>, window_params = [{transform_indices = #map}, {transform_indices = #map}, {transform_indices = #map1}, {transform_indices = #map}, {transform_indices = #map1}]} {
    %mul3A = arith.constant 2 : i32
    %mul3A_0 = arith.muli %arg1, %mul3A : i32
    %add3A = arith.addi %mul3A_0, %arg0 : i32
    "tpu.region"() ({
      %run_scoped3A = tpu.sem_alloc : memref<!tpu.dma_semaphore, #tpu.memory_space<semaphore_mem>>
      tpu.enqueue_dma source(%arg4 : memref<12500xi32, #tpu.memory_space<hbm>>) target(%arg7 : memref<12500xi32, #tpu.memory_space<vmem>>) target_semaphore(%run_scoped3A : memref<!tpu.dma_semaphore, #tpu.memory_space<semaphore_mem>>)
      tpu.wait_dma2 semaphore(%run_scoped3A : memref<!tpu.dma_semaphore, #tpu.memory_space<semaphore_mem>>) src(%arg4 : memref<12500xi32, #tpu.memory_space<hbm>>) dst(%arg7 : memref<12500xi32, #tpu.memory_space<vmem>>)
      tpu.yield
    }) : () -> ()
    %mul3A_1 = arith.constant 0 : i32
    %mul3A_2 = arith.constant 32 : i32
    %mul3A_3 = arith.muli %mul3A_1, %mul3A_2 : i32
    %add3A_4 = arith.addi %mul3A_3, %add3A : i32
    %lt3A = arith.constant 0 : i32
    %lt3A_5 = arith.constant 79 : i32
    %lt3A_6 = arith.cmpi slt, %lt3A, %lt3A_5 : i32
    %lt3A_7 = arith.constant 2500 : i32
    %lt3A_8 = arith.cmpi slt, %add3A_4, %lt3A_7 : i32
    %and3A = arith.andi %lt3A_6, %lt3A_8 : i1
    %convert_element_type3A = arith.extui %and3A : i1 to i32
    %cond3A = arith.constant 0 : i32
    %cond3A_9 = arith.cmpi ne, %convert_element_type3A, %cond3A : i32
    scf.if %cond3A_9 {
      %mul3A_19 = arith.constant 40 : i32
      %mul3A_20 = arith.muli %add3A_4, %mul3A_19 : i32
      %mul3A_21 = arith.constant 2560 : i32
      %mul3A_22 = arith.muli %add3A_4, %mul3A_21 : i32
      %dma_start3A = arith.constant 0 : i32
      %dma_start3A_23 = tpu.memref_slice %arg3[%mul3A_20, %dma_start3A] : memref<100000x128xi32, #tpu.memory_space<hbm>> -> memref<40x128xi32, #tpu.memory_space<hbm>>
      %dma_start3A_24 = arith.constant 0 : i32
      %dma_start3A_25 = tpu.memref_slice %arg3[%mul3A_20, %dma_start3A_24] : memref<100000x128xi32, #tpu.memory_space<hbm>> -> memref<40x128xi32, #tpu.memory_space<hbm>>
      tpu.enqueue_dma source(%dma_start3A_25 : memref<40x128xi32, #tpu.memory_space<hbm>>) target(%arg8 : memref<40x128xi32, #tpu.memory_space<vmem>>) target_semaphore(%arg15 : memref<!tpu.dma_semaphore, #tpu.memory_space<semaphore_mem>>)
      %dma_start3A_26 = arith.constant 0 : i32
      %dma_start3A_27 = tpu.memref_slice %arg2[%dma_start3A_26, %mul3A_22] : memref<5x6400000xf32, #tpu.memory_space<hbm>> -> memref<5x2560xf32, #tpu.memory_space<hbm>>
      %dma_start3A_28 = arith.constant 0 : i32
      %dma_start3A_29 = tpu.memref_slice %arg2[%dma_start3A_28, %mul3A_22] : memref<5x6400000xf32, #tpu.memory_space<hbm>> -> memref<5x2560xf32, #tpu.memory_space<hbm>>
      tpu.enqueue_dma source(%dma_start3A_29 : memref<5x2560xf32, #tpu.memory_space<hbm>>) target(%arg11 : memref<5x2560xf32, #tpu.memory_space<vmem>>) target_semaphore(%arg15 : memref<!tpu.dma_semaphore, #tpu.memory_space<semaphore_mem>>)
    } else {
    }
    %broadcast_in_dim3A = arith.constant 0.000000e+00 : f32
    %broadcast_in_dim3A_10 = vector.broadcast %broadcast_in_dim3A : f32 to vector<16xf32>
    %scan3A = arith.constant 0 : i32
    %scan3A_11 = arith.constant 27 : i32
    %scan3A_12 = arith.addi %scan3A, %scan3A_11 : i32
    %scan3A_13 = arith.constant 1 : i32
    %scan3A_14 = scf.for %scan3A_19 = %scan3A to %scan3A_12 step %scan3A_13 iter_args(%scan3A_20 = %broadcast_in_dim3A_10) -> (vector<16xf32>)  : i32 {
      %mul3A_21 = arith.constant 3 : i32
      %mul3A_22 = arith.muli %scan3A_19, %mul3A_21 : i32
      %add3A_23 = arith.constant 0 : i32
      %add3A_24 = arith.addi %mul3A_22, %add3A_23 : i32
      %add3A_25 = arith.constant 1 : i32
      %add3A_26 = arith.addi %add3A_24, %add3A_25 : i32
      %sub3A = arith.constant 3 : i32
      %sub3A_27 = arith.subi %add3A_26, %sub3A : i32
      %mul3A_28 = arith.constant 32 : i32
      %mul3A_29 = arith.muli %sub3A_27, %mul3A_28 : i32
      %add3A_30 = arith.addi %mul3A_29, %add3A : i32
      %ge3A = arith.constant 0 : i32
      %ge3A_31 = arith.cmpi sge, %sub3A_27, %ge3A : i32
      %lt3A_32 = arith.constant 79 : i32
      %lt3A_33 = arith.cmpi slt, %sub3A_27, %lt3A_32 : i32
      %and3A_34 = arith.andi %ge3A_31, %lt3A_33 : i1
      %lt3A_35 = arith.constant 2500 : i32
      %lt3A_36 = arith.cmpi slt, %add3A_30, %lt3A_35 : i32
      %and3A_37 = arith.andi %and3A_34, %lt3A_36 : i1
      %convert_element_type3A_38 = arith.extui %and3A_37 : i1 to i32
      %cond3A_39 = arith.constant 0 : i32
      %cond3A_40 = arith.cmpi ne, %convert_element_type3A_38, %cond3A_39 : i32
      scf.if %cond3A_40 {
        %mul3A_226 = arith.constant 2560 : i32
        %mul3A_227 = arith.muli %add3A_30, %mul3A_226 : i32
        %dma_wait3A = arith.constant 0 : i32
        %dma_wait3A_228 = tpu.memref_slice %arg5[%dma_wait3A, %mul3A_227] : memref<5x6400000xf32, #tpu.memory_space<hbm>> -> memref<5x2560xf32, #tpu.memory_space<hbm>>
        %dma_wait3A_229 = arith.constant 0 : i32
        %dma_wait3A_230 = tpu.memref_slice %arg5[%dma_wait3A_229, %mul3A_227] : memref<5x6400000xf32, #tpu.memory_space<hbm>> -> memref<5x2560xf32, #tpu.memory_space<hbm>>
        tpu.wait_dma2 semaphore(%arg19 : memref<!tpu.dma_semaphore, #tpu.memory_space<semaphore_mem>>) src(%arg12 : memref<5x2560xf32, #tpu.memory_space<vmem>>) dst(%dma_wait3A_230 : memref<5x2560xf32, #tpu.memory_space<hbm>>)
      } else {
      }
      %add3A_41 = arith.constant 1 : i32
      %add3A_42 = arith.addi %add3A_24, %add3A_41 : i32
      %mul3A_43 = arith.constant 32 : i32
      %mul3A_44 = arith.muli %add3A_42, %mul3A_43 : i32
      %add3A_45 = arith.addi %mul3A_44, %add3A : i32
      %lt3A_46 = arith.constant 79 : i32
      %lt3A_47 = arith.cmpi slt, %add3A_42, %lt3A_46 : i32
      %lt3A_48 = arith.constant 2500 : i32
      %lt3A_49 = arith.cmpi slt, %add3A_45, %lt3A_48 : i32
      %and3A_50 = arith.andi %lt3A_47, %lt3A_49 : i1
      %convert_element_type3A_51 = arith.extui %and3A_50 : i1 to i32
      %cond3A_52 = arith.constant 0 : i32
      %cond3A_53 = arith.cmpi ne, %convert_element_type3A_51, %cond3A_52 : i32
      scf.if %cond3A_53 {
        %mul3A_226 = arith.constant 40 : i32
        %mul3A_227 = arith.muli %add3A_45, %mul3A_226 : i32
        %mul3A_228 = arith.constant 2560 : i32
        %mul3A_229 = arith.muli %add3A_45, %mul3A_228 : i32
        %dma_start3A = arith.constant 0 : i32
        %dma_start3A_230 = tpu.memref_slice %arg3[%mul3A_227, %dma_start3A] : memref<100000x128xi32, #tpu.memory_space<hbm>> -> memref<40x128xi32, #tpu.memory_space<hbm>>
        %dma_start3A_231 = arith.constant 0 : i32
        %dma_start3A_232 = tpu.memref_slice %arg3[%mul3A_227, %dma_start3A_231] : memref<100000x128xi32, #tpu.memory_space<hbm>> -> memref<40x128xi32, #tpu.memory_space<hbm>>
        tpu.enqueue_dma source(%dma_start3A_232 : memref<40x128xi32, #tpu.memory_space<hbm>>) target(%arg9 : memref<40x128xi32, #tpu.memory_space<vmem>>) target_semaphore(%arg16 : memref<!tpu.dma_semaphore, #tpu.memory_space<semaphore_mem>>)
        %dma_start3A_233 = arith.constant 0 : i32
        %dma_start3A_234 = tpu.memref_slice %arg2[%dma_start3A_233, %mul3A_229] : memref<5x6400000xf32, #tpu.memory_space<hbm>> -> memref<5x2560xf32, #tpu.memory_space<hbm>>
        %dma_start3A_235 = arith.constant 0 : i32
        %dma_start3A_236 = tpu.memref_slice %arg2[%dma_start3A_235, %mul3A_229] : memref<5x6400000xf32, #tpu.memory_space<hbm>> -> memref<5x2560xf32, #tpu.memory_space<hbm>>
        tpu.enqueue_dma source(%dma_start3A_236 : memref<5x2560xf32, #tpu.memory_space<hbm>>) target(%arg12 : memref<5x2560xf32, #tpu.memory_space<vmem>>) target_semaphore(%arg16 : memref<!tpu.dma_semaphore, #tpu.memory_space<semaphore_mem>>)
      } else {
      }
      %mul3A_54 = arith.constant 32 : i32
      %mul3A_55 = arith.muli %add3A_24, %mul3A_54 : i32
      %add3A_56 = arith.addi %mul3A_55, %add3A : i32
      %lt3A_57 = arith.constant 79 : i32
      %lt3A_58 = arith.cmpi slt, %add3A_24, %lt3A_57 : i32
      %lt3A_59 = arith.constant 2500 : i32
      %lt3A_60 = arith.cmpi slt, %add3A_56, %lt3A_59 : i32
      %and3A_61 = arith.andi %lt3A_58, %lt3A_60 : i1
      %convert_element_type3A_62 = arith.extui %and3A_61 : i1 to i32
      %cond3A_63 = arith.constant 0 : i32
      %cond3A_64 = arith.cmpi ne, %convert_element_type3A_62, %cond3A_63 : i32
      scf.if %cond3A_64 {
        %mul3A_226 = arith.constant 40 : i32
        %mul3A_227 = arith.muli %add3A_56, %mul3A_226 : i32
        %mul3A_228 = arith.constant 2560 : i32
        %mul3A_229 = arith.muli %add3A_56, %mul3A_228 : i32
        %dma_wait3A = arith.constant 0 : i32
        %dma_wait3A_230 = tpu.memref_slice %arg3[%mul3A_227, %dma_wait3A] : memref<100000x128xi32, #tpu.memory_space<hbm>> -> memref<40x128xi32, #tpu.memory_space<hbm>>
        %dma_wait3A_231 = arith.constant 0 : i32
        %dma_wait3A_232 = tpu.memref_slice %arg3[%mul3A_227, %dma_wait3A_231] : memref<100000x128xi32, #tpu.memory_space<hbm>> -> memref<40x128xi32, #tpu.memory_space<hbm>>
        tpu.wait_dma2 semaphore(%arg15 : memref<!tpu.dma_semaphore, #tpu.memory_space<semaphore_mem>>) src(%dma_wait3A_232 : memref<40x128xi32, #tpu.memory_space<hbm>>) dst(%arg8 : memref<40x128xi32, #tpu.memory_space<vmem>>)
        %dma_wait3A_233 = arith.constant 0 : i32
        %dma_wait3A_234 = tpu.memref_slice %arg2[%dma_wait3A_233, %mul3A_229] : memref<5x6400000xf32, #tpu.memory_space<hbm>> -> memref<5x2560xf32, #tpu.memory_space<hbm>>
        %dma_wait3A_235 = arith.constant 0 : i32
        %dma_wait3A_236 = tpu.memref_slice %arg2[%dma_wait3A_235, %mul3A_229] : memref<5x6400000xf32, #tpu.memory_space<hbm>> -> memref<5x2560xf32, #tpu.memory_space<hbm>>
        tpu.wait_dma2 semaphore(%arg15 : memref<!tpu.dma_semaphore, #tpu.memory_space<semaphore_mem>>) src(%dma_wait3A_236 : memref<5x2560xf32, #tpu.memory_space<hbm>>) dst(%arg11 : memref<5x2560xf32, #tpu.memory_space<vmem>>)
      } else {
      }
      %mul3A_65 = arith.constant 32 : i32
      %mul3A_66 = arith.muli %add3A_24, %mul3A_65 : i32
      %add3A_67 = arith.addi %mul3A_66, %add3A : i32
      %lt3A_68 = arith.constant 79 : i32
      %lt3A_69 = arith.cmpi slt, %add3A_24, %lt3A_68 : i32
      %lt3A_70 = arith.constant 2500 : i32
      %lt3A_71 = arith.cmpi slt, %add3A_67, %lt3A_70 : i32
      %and3A_72 = arith.andi %lt3A_69, %lt3A_71 : i1
      %convert_element_type3A_73 = arith.extui %and3A_72 : i1 to i32
      %cond3A_74 = arith.constant 0 : i32
      %cond3A_75 = arith.cmpi ne, %convert_element_type3A_73, %cond3A_74 : i32
      %cond3A_76 = scf.if %cond3A_75 -> (vector<16xf32>) {
        %scan3A_226 = arith.constant 0 : i32
        %scan3A_227 = arith.constant 20 : i32
        %scan3A_228 = arith.addi %scan3A_226, %scan3A_227 : i32
        %scan3A_229 = arith.constant 1 : i32
        %scan3A_230 = scf.for %scan3A_232 = %scan3A_226 to %scan3A_228 step %scan3A_229 iter_args(%scan3A_233 = %scan3A_20) -> (vector<16xf32>)  : i32 {
          %mul3A_234 = arith.constant 2 : i32
          %mul3A_235 = arith.muli %mul3A_234, %scan3A_232 : i32
          %get3A = arith.index_cast %mul3A_235 : i32 to index
          %get3A_236 = arith.constant 0 : index
          %get3A_237 = tpu.vector_load %arg8[%get3A, %get3A_236] {strides = array<i32>} : memref<40x128xi32, #tpu.memory_space<vmem>>, vector<16xi32>,
          %mul3A_238 = arith.constant 2 : i32
          %mul3A_239 = arith.muli %mul3A_238, %scan3A_232 : i32
          %add3A_240 = arith.constant 1 : i32
          %add3A_241 = arith.addi %mul3A_239, %add3A_240 : i32
          %get3A_242 = arith.index_cast %add3A_241 : i32 to index
          %get3A_243 = arith.constant 0 : index
          %get3A_244 = tpu.vector_load %arg8[%get3A_242, %get3A_243] {strides = array<i32>} : memref<40x128xi32, #tpu.memory_space<vmem>>, vector<16xi32>,
          %shift_right_logical3A = arith.constant 3 : i32
          %shift_right_logical3A_245 = vector.broadcast %shift_right_logical3A : i32 to vector<16xi32>
          %shift_right_logical3A_246 = arith.shrui %get3A_237, %shift_right_logical3A_245 : vector<16xi32>
          %gather3A = tpu.vector_load_idx %arg7[%shift_right_logical3A_246] : memref<12500xi32, #tpu.memory_space<vmem>>[vector<16xi32>], vector<16xi32>,
          %shift_right_logical3A_247 = arith.constant 3 : i32
          %shift_right_logical3A_248 = vector.broadcast %shift_right_logical3A_247 : i32 to vector<16xi32>
          %shift_right_logical3A_249 = arith.shrui %get3A_244, %shift_right_logical3A_248 : vector<16xi32>
          %gather3A_250 = tpu.vector_load_idx %arg7[%shift_right_logical3A_249] : memref<12500xi32, #tpu.memory_space<vmem>>[vector<16xi32>], vector<16xi32>,
          %and3A_251 = arith.constant 7 : i32
          %and3A_252 = vector.broadcast %and3A_251 : i32 to vector<16xi32>
          %and3A_253 = arith.andi %get3A_237, %and3A_252 : vector<16xi32>
          %shift_left3A = arith.constant 2 : i32
          %shift_left3A_254 = vector.broadcast %shift_left3A : i32 to vector<16xi32>
          %shift_left3A_255 = arith.shli %and3A_253, %shift_left3A_254 : vector<16xi32>
          %shift_right_logical3A_256 = arith.shrui %gather3A, %shift_left3A_255 : vector<16xi32>
          %and3A_257 = arith.constant 7 : i32
          %and3A_258 = vector.broadcast %and3A_257 : i32 to vector<16xi32>
          %and3A_259 = arith.andi %shift_right_logical3A_256, %and3A_258 : vector<16xi32>
          %and3A_260 = arith.constant 7 : i32
          %and3A_261 = vector.broadcast %and3A_260 : i32 to vector<16xi32>
          %and3A_262 = arith.andi %get3A_244, %and3A_261 : vector<16xi32>
          %shift_left3A_263 = arith.constant 2 : i32
          %shift_left3A_264 = vector.broadcast %shift_left3A_263 : i32 to vector<16xi32>
          %shift_left3A_265 = arith.shli %and3A_262, %shift_left3A_264 : vector<16xi32>
          %shift_right_logical3A_266 = arith.shrui %gather3A_250, %shift_left3A_265 : vector<16xi32>
          %and3A_267 = arith.constant 7 : i32
          %and3A_268 = vector.broadcast %and3A_267 : i32 to vector<16xi32>
          %and3A_269 = arith.andi %shift_right_logical3A_266, %and3A_268 : vector<16xi32>
          %eq3A = arith.constant 4 : i32
          %eq3A_270 = vector.broadcast %eq3A : i32 to vector<16xi32>
          %eq3A_271 = arith.cmpi eq, %and3A_259, %eq3A_270 : vector<16xi32>
          %eq3A_272 = arith.constant 4 : i32
          %eq3A_273 = vector.broadcast %eq3A_272 : i32 to vector<16xi32>
          %eq3A_274 = arith.cmpi eq, %and3A_269, %eq3A_273 : vector<16xi32>
          %or3A = arith.ori %eq3A_271, %eq3A_274 : vector<16xi1>
          %eq3A_275 = arith.constant 5 : i32
          %eq3A_276 = vector.broadcast %eq3A_275 : i32 to vector<16xi32>
          %eq3A_277 = arith.cmpi eq, %and3A_259, %eq3A_276 : vector<16xi32>
          %eq3A_278 = arith.constant 5 : i32
          %eq3A_279 = vector.broadcast %eq3A_278 : i32 to vector<16xi32>
          %eq3A_280 = arith.cmpi eq, %and3A_269, %eq3A_279 : vector<16xi32>
          %or3A_281 = arith.ori %eq3A_277, %eq3A_280 : vector<16xi1>
          %jit3A = arith.constant 1.000000e+02 : f32
          %jit3A_282 = arith.constant 0.000000e+00 : f32
          %broadcast_in_dim3A_283 = vector.broadcast %jit3A : f32 to vector<16xf32>
          %broadcast_in_dim3A_284 = vector.broadcast %jit3A_282 : f32 to vector<16xf32>
          %select_n3A = arith.select %or3A, %broadcast_in_dim3A_283, %broadcast_in_dim3A_284 : vector<16xi1>, vector<16xf32>
          %jit3A_285 = arith.constant 5.000000e+01 : f32
          %jit3A_286 = arith.constant 0.000000e+00 : f32
          %broadcast_in_dim3A_287 = vector.broadcast %jit3A_285 : f32 to vector<16xf32>
          %broadcast_in_dim3A_288 = vector.broadcast %jit3A_286 : f32 to vector<16xf32>
          %select_n3A_289 = arith.select %or3A_281, %broadcast_in_dim3A_287, %broadcast_in_dim3A_288 : vector<16xi1>, vector<16xf32>
          %add3A_290 = arith.addf %select_n3A, %select_n3A_289 : vector<16xf32>
          %jit3A_291 = arith.constant 1.000000e+02 : f32
          %jit3A_292 = arith.constant 3.000000e+38 : f32
          %broadcast_in_dim3A_293 = vector.broadcast %jit3A_291 : f32 to vector<16xf32>
          %broadcast_in_dim3A_294 = vector.broadcast %jit3A_292 : f32 to vector<16xf32>
          %select_n3A_295 = arith.select %or3A, %broadcast_in_dim3A_293, %broadcast_in_dim3A_294 : vector<16xi1>, vector<16xf32>
          %broadcast_in_dim3A_296 = arith.constant 0.000000e+00 : f32
          %broadcast_in_dim3A_297 = vector.broadcast %broadcast_in_dim3A_296 : f32 to vector<16xf32>
          %mul3A_298 = arith.constant 128 : i32
          %mul3A_299 = arith.muli %scan3A_232, %mul3A_298 : i32
          %add3A_300 = arith.constant 0 : i32
          %add3A_301 = arith.addi %mul3A_299, %add3A_300 : i32
          %get3A_302 = arith.constant 1 : i32
          %get3A_303 = arith.index_cast %get3A_302 : i32 to index
          %get3A_304 = arith.index_cast %add3A_301 : i32 to index
          %get3A_305 = tpu.vector_load %arg11[%get3A_303, %get3A_304] {strides = array<i32>} : memref<5x2560xf32, #tpu.memory_space<vmem>>, vector<16xf32>,
          %sub3A_306 = arith.subf %get3A_305, %select_n3A_295 : vector<16xf32>
          %max3A = arith.maximumf %sub3A_306, %broadcast_in_dim3A_297 : vector<16xf32>
          %sub3A_307 = arith.subf %get3A_305, %select_n3A : vector<16xf32>
          %swap3A_308 = arith.constant 1 : i32
          %swap3A_309 = arith.index_cast %swap3A_308 : i32 to index
          %swap3A_310 = arith.index_cast %add3A_301 : i32 to index
          %swap3A_311 = tpu.vector_load %arg11[%swap3A_309, %swap3A_310] {strides = array<i32>} : memref<5x2560xf32, #tpu.memory_space<vmem>>, vector<16xf32>,
          tpu.vector_store %arg11[%swap3A_309, %swap3A_310], %sub3A_307 {strides = array<i32>} : memref<5x2560xf32, #tpu.memory_space<vmem>>, vector<16xf32>,
          %get3A_312 = arith.constant 2 : i32
          %get3A_313 = arith.index_cast %get3A_312 : i32 to index
          %get3A_314 = arith.index_cast %add3A_301 : i32 to index
          %get3A_315 = tpu.vector_load %arg11[%get3A_313, %get3A_314] {strides = array<i32>} : memref<5x2560xf32, #tpu.memory_space<vmem>>, vector<16xf32>,
          %sub3A_316 = arith.subf %get3A_315, %select_n3A_295 : vector<16xf32>
          %max3A_317 = arith.maximumf %sub3A_316, %broadcast_in_dim3A_297 : vector<16xf32>
          %add3A_318 = arith.addf %max3A, %max3A_317 : vector<16xf32>
          %sub3A_319 = arith.subf %get3A_315, %add3A_290 : vector<16xf32>
          %swap3A_320 = arith.constant 2 : i32
          %swap3A_321 = arith.index_cast %swap3A_320 : i32 to index
          %swap3A_322 = arith.index_cast %add3A_301 : i32 to index
          %swap3A_323 = tpu.vector_load %arg11[%swap3A_321, %swap3A_322] {strides = array<i32>} : memref<5x2560xf32, #tpu.memory_space<vmem>>, vector<16xf32>,
          tpu.vector_store %arg11[%swap3A_321, %swap3A_322], %sub3A_319 {strides = array<i32>} : memref<5x2560xf32, #tpu.memory_space<vmem>>, vector<16xf32>,
          %get3A_324 = arith.constant 3 : i32
          %get3A_325 = arith.index_cast %get3A_324 : i32 to index
          %get3A_326 = arith.index_cast %add3A_301 : i32 to index
          %get3A_327 = tpu.vector_load %arg11[%get3A_325, %get3A_326] {strides = array<i32>} : memref<5x2560xf32, #tpu.memory_space<vmem>>, vector<16xf32>,
          %sub3A_328 = arith.subf %get3A_327, %select_n3A_295 : vector<16xf32>
          %max3A_329 = arith.maximumf %sub3A_328, %broadcast_in_dim3A_297 : vector<16xf32>
          %add3A_330 = arith.addf %add3A_318, %max3A_329 : vector<16xf32>
          %sub3A_331 = arith.subf %get3A_327, %add3A_290 : vector<16xf32>
          %swap3A_332 = arith.constant 3 : i32
          %swap3A_333 = arith.index_cast %swap3A_332 : i32 to index
          %swap3A_334 = arith.index_cast %add3A_301 : i32 to index
          %swap3A_335 = tpu.vector_load %arg11[%swap3A_333, %swap3A_334] {strides = array<i32>} : memref<5x2560xf32, #tpu.memory_space<vmem>>, vector<16xf32>,
          tpu.vector_store %arg11[%swap3A_333, %swap3A_334], %sub3A_331 {strides = array<i32>} : memref<5x2560xf32, #tpu.memory_space<vmem>>, vector<16xf32>,
          %get3A_336 = arith.constant 4 : i32
          %get3A_337 = arith.index_cast %get3A_336 : i32 to index
          %get3A_338 = arith.index_cast %add3A_301 : i32 to index
          %get3A_339 = tpu.vector_load %arg11[%get3A_337, %get3A_338] {strides = array<i32>} : memref<5x2560xf32, #tpu.memory_space<vmem>>, vector<16xf32>,
          %sub3A_340 = arith.subf %get3A_339, %select_n3A_295 : vector<16xf32>
          %max3A_341 = arith.maximumf %sub3A_340, %broadcast_in_dim3A_297 : vector<16xf32>
          %add3A_342 = arith.addf %add3A_330, %max3A_341 : vector<16xf32>
          %sub3A_343 = arith.subf %get3A_339, %add3A_290 : vector<16xf32>
          %swap3A_344 = arith.constant 4 : i32
          %swap3A_345 = arith.index_cast %swap3A_344 : i32 to index
          %swap3A_346 = arith.index_cast %add3A_301 : i32 to index
          %swap3A_347 = tpu.vector_load %arg11[%swap3A_345, %swap3A_346] {strides = array<i32>} : memref<5x2560xf32, #tpu.memory_space<vmem>>, vector<16xf32>,
          tpu.vector_store %arg11[%swap3A_345, %swap3A_346], %sub3A_343 {strides = array<i32>} : memref<5x2560xf32, #tpu.memory_space<vmem>>, vector<16xf32>,
          %add3A_348 = arith.addf %scan3A_233, %add3A_342 : vector<16xf32>
          %mul3A_349 = arith.constant 2 : i32
          %mul3A_350 = arith.muli %mul3A_349, %scan3A_232 : i32
          %get3A_351 = arith.index_cast %mul3A_350 : i32 to index
          %get3A_352 = arith.constant 16 : index
          %get3A_353 = tpu.vector_load %arg8[%get3A_351, %get3A_352] {strides = array<i32>} : memref<40x128xi32, #tpu.memory_space<vmem>>, vector<16xi32>,
          %mul3A_354 = arith.constant 2 : i32
          %mul3A_355 = arith.muli %mul3A_354, %scan3A_232 : i32
          %add3A_356 = arith.constant 1 : i32
          %add3A_357 = arith.addi %mul3A_355, %add3A_356 : i32
          %get3A_358 = arith.index_cast %add3A_357 : i32 to index
          %get3A_359 = arith.constant 16 : index
          %get3A_360 = tpu.vector_load %arg8[%get3A_358, %get3A_359] {strides = array<i32>} : memref<40x128xi32, #tpu.memory_space<vmem>>, vector<16xi32>,
          %shift_right_logical3A_361 = arith.constant 3 : i32
          %shift_right_logical3A_362 = vector.broadcast %shift_right_logical3A_361 : i32 to vector<16xi32>
          %shift_right_logical3A_363 = arith.shrui %get3A_353, %shift_right_logical3A_362 : vector<16xi32>
          %gather3A_364 = tpu.vector_load_idx %arg7[%shift_right_logical3A_363] : memref<12500xi32, #tpu.memory_space<vmem>>[vector<16xi32>], vector<16xi32>,
          %shift_right_logical3A_365 = arith.constant 3 : i32
          %shift_right_logical3A_366 = vector.broadcast %shift_right_logical3A_365 : i32 to vector<16xi32>
          %shift_right_logical3A_367 = arith.shrui %get3A_360, %shift_right_logical3A_366 : vector<16xi32>
          %gather3A_368 = tpu.vector_load_idx %arg7[%shift_right_logical3A_367] : memref<12500xi32, #tpu.memory_space<vmem>>[vector<16xi32>], vector<16xi32>,
          %and3A_369 = arith.constant 7 : i32
          %and3A_370 = vector.broadcast %and3A_369 : i32 to vector<16xi32>
          %and3A_371 = arith.andi %get3A_353, %and3A_370 : vector<16xi32>
          %shift_left3A_372 = arith.constant 2 : i32
          %shift_left3A_373 = vector.broadcast %shift_left3A_372 : i32 to vector<16xi32>
          %shift_left3A_374 = arith.shli %and3A_371, %shift_left3A_373 : vector<16xi32>
          %shift_right_logical3A_375 = arith.shrui %gather3A_364, %shift_left3A_374 : vector<16xi32>
          %and3A_376 = arith.constant 7 : i32
          %and3A_377 = vector.broadcast %and3A_376 : i32 to vector<16xi32>
          %and3A_378 = arith.andi %shift_right_logical3A_375, %and3A_377 : vector<16xi32>
          %and3A_379 = arith.constant 7 : i32
          %and3A_380 = vector.broadcast %and3A_379 : i32 to vector<16xi32>
          %and3A_381 = arith.andi %get3A_360, %and3A_380 : vector<16xi32>
          %shift_left3A_382 = arith.constant 2 : i32
          %shift_left3A_383 = vector.broadcast %shift_left3A_382 : i32 to vector<16xi32>
          %shift_left3A_384 = arith.shli %and3A_381, %shift_left3A_383 : vector<16xi32>
          %shift_right_logical3A_385 = arith.shrui %gather3A_368, %shift_left3A_384 : vector<16xi32>
          %and3A_386 = arith.constant 7 : i32
          %and3A_387 = vector.broadcast %and3A_386 : i32 to vector<16xi32>
          %and3A_388 = arith.andi %shift_right_logical3A_385, %and3A_387 : vector<16xi32>
          %eq3A_389 = arith.constant 4 : i32
          %eq3A_390 = vector.broadcast %eq3A_389 : i32 to vector<16xi32>
          %eq3A_391 = arith.cmpi eq, %and3A_378, %eq3A_390 : vector<16xi32>
          %eq3A_392 = arith.constant 4 : i32
          %eq3A_393 = vector.broadcast %eq3A_392 : i32 to vector<16xi32>
          %eq3A_394 = arith.cmpi eq, %and3A_388, %eq3A_393 : vector<16xi32>
          %or3A_395 = arith.ori %eq3A_391, %eq3A_394 : vector<16xi1>
          %eq3A_396 = arith.constant 5 : i32
          %eq3A_397 = vector.broadcast %eq3A_396 : i32 to vector<16xi32>
          %eq3A_398 = arith.cmpi eq, %and3A_378, %eq3A_397 : vector<16xi32>
          %eq3A_399 = arith.constant 5 : i32
          %eq3A_400 = vector.broadcast %eq3A_399 : i32 to vector<16xi32>
          %eq3A_401 = arith.cmpi eq, %and3A_388, %eq3A_400 : vector<16xi32>
          %or3A_402 = arith.ori %eq3A_398, %eq3A_401 : vector<16xi1>
          %jit3A_403 = arith.constant 1.000000e+02 : f32
          %jit3A_404 = arith.constant 0.000000e+00 : f32
          %broadcast_in_dim3A_405 = vector.broadcast %jit3A_403 : f32 to vector<16xf32>
          %broadcast_in_dim3A_406 = vector.broadcast %jit3A_404 : f32 to vector<16xf32>
          %select_n3A_407 = arith.select %or3A_395, %broadcast_in_dim3A_405, %broadcast_in_dim3A_406 : vector<16xi1>, vector<16xf32>
          %jit3A_408 = arith.constant 5.000000e+01 : f32
          %jit3A_409 = arith.constant 0.000000e+00 : f32
          %broadcast_in_dim3A_410 = vector.broadcast %jit3A_408 : f32 to vector<16xf32>
          %broadcast_in_dim3A_411 = vector.broadcast %jit3A_409 : f32 to vector<16xf32>
          %select_n3A_412 = arith.select %or3A_402, %broadcast_in_dim3A_410, %broadcast_in_dim3A_411 : vector<16xi1>, vector<16xf32>
          %add3A_413 = arith.addf %select_n3A_407, %select_n3A_412 : vector<16xf32>
          %jit3A_414 = arith.constant 1.000000e+02 : f32
          %jit3A_415 = arith.constant 3.000000e+38 : f32
          %broadcast_in_dim3A_416 = vector.broadcast %jit3A_414 : f32 to vector<16xf32>
          %broadcast_in_dim3A_417 = vector.broadcast %jit3A_415 : f32 to vector<16xf32>
          %select_n3A_418 = arith.select %or3A_395, %broadcast_in_dim3A_416, %broadcast_in_dim3A_417 : vector<16xi1>, vector<16xf32>
          %broadcast_in_dim3A_419 = arith.constant 0.000000e+00 : f32
          %broadcast_in_dim3A_420 = vector.broadcast %broadcast_in_dim3A_419 : f32 to vector<16xf32>
          %mul3A_421 = arith.constant 128 : i32
          %mul3A_422 = arith.muli %scan3A_232, %mul3A_421 : i32
          %add3A_423 = arith.constant 16 : i32
          %add3A_424 = arith.addi %mul3A_422, %add3A_423 : i32
          %get3A_425 = arith.constant 1 : i32
          %get3A_426 = arith.index_cast %get3A_425 : i32 to index
          %get3A_427 = arith.index_cast %add3A_424 : i32 to index
          %get3A_428 = tpu.vector_load %arg11[%get3A_426, %get3A_427] {strides = array<i32>} : memref<5x2560xf32, #tpu.memory_space<vmem>>, vector<16xf32>,
          %sub3A_429 = arith.subf %get3A_428, %select_n3A_418 : vector<16xf32>
          %max3A_430 = arith.maximumf %sub3A_429, %broadcast_in_dim3A_420 : vector<16xf32>
          %sub3A_431 = arith.subf %get3A_428, %select_n3A_407 : vector<16xf32>
          %swap3A_432 = arith.constant 1 : i32
          %swap3A_433 = arith.index_cast %swap3A_432 : i32 to index
          %swap3A_434 = arith.index_cast %add3A_424 : i32 to index
          %swap3A_435 = tpu.vector_load %arg11[%swap3A_433, %swap3A_434] {strides = array<i32>} : memref<5x2560xf32, #tpu.memory_space<vmem>>, vector<16xf32>,
          tpu.vector_store %arg11[%swap3A_433, %swap3A_434], %sub3A_431 {strides = array<i32>} : memref<5x2560xf32, #tpu.memory_space<vmem>>, vector<16xf32>,
          %get3A_436 = arith.constant 2 : i32
          %get3A_437 = arith.index_cast %get3A_436 : i32 to index
          %get3A_438 = arith.index_cast %add3A_424 : i32 to index
          %get3A_439 = tpu.vector_load %arg11[%get3A_437, %get3A_438] {strides = array<i32>} : memref<5x2560xf32, #tpu.memory_space<vmem>>, vector<16xf32>,
          %sub3A_440 = arith.subf %get3A_439, %select_n3A_418 : vector<16xf32>
          %max3A_441 = arith.maximumf %sub3A_440, %broadcast_in_dim3A_420 : vector<16xf32>
          %add3A_442 = arith.addf %max3A_430, %max3A_441 : vector<16xf32>
          %sub3A_443 = arith.subf %get3A_439, %add3A_413 : vector<16xf32>
          %swap3A_444 = arith.constant 2 : i32
          %swap3A_445 = arith.index_cast %swap3A_444 : i32 to index
          %swap3A_446 = arith.index_cast %add3A_424 : i32 to index
          %swap3A_447 = tpu.vector_load %arg11[%swap3A_445, %swap3A_446] {strides = array<i32>} : memref<5x2560xf32, #tpu.memory_space<vmem>>, vector<16xf32>,
          tpu.vector_store %arg11[%swap3A_445, %swap3A_446], %sub3A_443 {strides = array<i32>} : memref<5x2560xf32, #tpu.memory_space<vmem>>, vector<16xf32>,
          %get3A_448 = arith.constant 3 : i32
          %get3A_449 = arith.index_cast %get3A_448 : i32 to index
          %get3A_450 = arith.index_cast %add3A_424 : i32 to index
          %get3A_451 = tpu.vector_load %arg11[%get3A_449, %get3A_450] {strides = array<i32>} : memref<5x2560xf32, #tpu.memory_space<vmem>>, vector<16xf32>,
          %sub3A_452 = arith.subf %get3A_451, %select_n3A_418 : vector<16xf32>
          %max3A_453 = arith.maximumf %sub3A_452, %broadcast_in_dim3A_420 : vector<16xf32>
          %add3A_454 = arith.addf %add3A_442, %max3A_453 : vector<16xf32>
          %sub3A_455 = arith.subf %get3A_451, %add3A_413 : vector<16xf32>
          %swap3A_456 = arith.constant 3 : i32
          %swap3A_457 = arith.index_cast %swap3A_456 : i32 to index
          %swap3A_458 = arith.index_cast %add3A_424 : i32 to index
          %swap3A_459 = tpu.vector_load %arg11[%swap3A_457, %swap3A_458] {strides = array<i32>} : memref<5x2560xf32, #tpu.memory_space<vmem>>, vector<16xf32>,
          tpu.vector_store %arg11[%swap3A_457, %swap3A_458], %sub3A_455 {strides = array<i32>} : memref<5x2560xf32, #tpu.memory_space<vmem>>, vector<16xf32>,
          %get3A_460 = arith.constant 4 : i32
          %get3A_461 = arith.index_cast %get3A_460 : i32 to index
          %get3A_462 = arith.index_cast %add3A_424 : i32 to index
          %get3A_463 = tpu.vector_load %arg11[%get3A_461, %get3A_462] {strides = array<i32>} : memref<5x2560xf32, #tpu.memory_space<vmem>>, vector<16xf32>,
          %sub3A_464 = arith.subf %get3A_463, %select_n3A_418 : vector<16xf32>
          %max3A_465 = arith.maximumf %sub3A_464, %broadcast_in_dim3A_420 : vector<16xf32>
          %add3A_466 = arith.addf %add3A_454, %max3A_465 : vector<16xf32>
          %sub3A_467 = arith.subf %get3A_463, %add3A_413 : vector<16xf32>
          %swap3A_468 = arith.constant 4 : i32
          %swap3A_469 = arith.index_cast %swap3A_468 : i32 to index
          %swap3A_470 = arith.index_cast %add3A_424 : i32 to index
          %swap3A_471 = tpu.vector_load %arg11[%swap3A_469, %swap3A_470] {strides = array<i32>} : memref<5x2560xf32, #tpu.memory_space<vmem>>, vector<16xf32>,
          tpu.vector_store %arg11[%swap3A_469, %swap3A_470], %sub3A_467 {strides = array<i32>} : memref<5x2560xf32, #tpu.memory_space<vmem>>, vector<16xf32>,
          %add3A_472 = arith.addf %add3A_348, %add3A_466 : vector<16xf32>
          %mul3A_473 = arith.constant 2 : i32
          %mul3A_474 = arith.muli %mul3A_473, %scan3A_232 : i32
          %get3A_475 = arith.index_cast %mul3A_474 : i32 to index
          %get3A_476 = arith.constant 32 : index
          %get3A_477 = tpu.vector_load %arg8[%get3A_475, %get3A_476] {strides = array<i32>} : memref<40x128xi32, #tpu.memory_space<vmem>>, vector<16xi32>,
          %mul3A_478 = arith.constant 2 : i32
          %mul3A_479 = arith.muli %mul3A_478, %scan3A_232 : i32
          %add3A_480 = arith.constant 1 : i32
          %add3A_481 = arith.addi %mul3A_479, %add3A_480 : i32
          %get3A_482 = arith.index_cast %add3A_481 : i32 to index
          %get3A_483 = arith.constant 32 : index
          %get3A_484 = tpu.vector_load %arg8[%get3A_482, %get3A_483] {strides = array<i32>} : memref<40x128xi32, #tpu.memory_space<vmem>>, vector<16xi32>,
          %shift_right_logical3A_485 = arith.constant 3 : i32
          %shift_right_logical3A_486 = vector.broadcast %shift_right_logical3A_485 : i32 to vector<16xi32>
          %shift_right_logical3A_487 = arith.shrui %get3A_477, %shift_right_logical3A_486 : vector<16xi32>
          %gather3A_488 = tpu.vector_load_idx %arg7[%shift_right_logical3A_487] : memref<12500xi32, #tpu.memory_space<vmem>>[vector<16xi32>], vector<16xi32>,
          %shift_right_logical3A_489 = arith.constant 3 : i32
          %shift_right_logical3A_490 = vector.broadcast %shift_right_logical3A_489 : i32 to vector<16xi32>
          %shift_right_logical3A_491 = arith.shrui %get3A_484, %shift_right_logical3A_490 : vector<16xi32>
          %gather3A_492 = tpu.vector_load_idx %arg7[%shift_right_logical3A_491] : memref<12500xi32, #tpu.memory_space<vmem>>[vector<16xi32>], vector<16xi32>,
          %and3A_493 = arith.constant 7 : i32
          %and3A_494 = vector.broadcast %and3A_493 : i32 to vector<16xi32>
          %and3A_495 = arith.andi %get3A_477, %and3A_494 : vector<16xi32>
          %shift_left3A_496 = arith.constant 2 : i32
          %shift_left3A_497 = vector.broadcast %shift_left3A_496 : i32 to vector<16xi32>
          %shift_left3A_498 = arith.shli %and3A_495, %shift_left3A_497 : vector<16xi32>
          %shift_right_logical3A_499 = arith.shrui %gather3A_488, %shift_left3A_498 : vector<16xi32>
          %and3A_500 = arith.constant 7 : i32
          %and3A_501 = vector.broadcast %and3A_500 : i32 to vector<16xi32>
          %and3A_502 = arith.andi %shift_right_logical3A_499, %and3A_501 : vector<16xi32>
          %and3A_503 = arith.constant 7 : i32
          %and3A_504 = vector.broadcast %and3A_503 : i32 to vector<16xi32>
          %and3A_505 = arith.andi %get3A_484, %and3A_504 : vector<16xi32>
          %shift_left3A_506 = arith.constant 2 : i32
          %shift_left3A_507 = vector.broadcast %shift_left3A_506 : i32 to vector<16xi32>
          %shift_left3A_508 = arith.shli %and3A_505, %shift_left3A_507 : vector<16xi32>
          %shift_right_logical3A_509 = arith.shrui %gather3A_492, %shift_left3A_508 : vector<16xi32>
          %and3A_510 = arith.constant 7 : i32
          %and3A_511 = vector.broadcast %and3A_510 : i32 to vector<16xi32>
          %and3A_512 = arith.andi %shift_right_logical3A_509, %and3A_511 : vector<16xi32>
          %eq3A_513 = arith.constant 4 : i32
          %eq3A_514 = vector.broadcast %eq3A_513 : i32 to vector<16xi32>
          %eq3A_515 = arith.cmpi eq, %and3A_502, %eq3A_514 : vector<16xi32>
          %eq3A_516 = arith.constant 4 : i32
          %eq3A_517 = vector.broadcast %eq3A_516 : i32 to vector<16xi32>
          %eq3A_518 = arith.cmpi eq, %and3A_512, %eq3A_517 : vector<16xi32>
          %or3A_519 = arith.ori %eq3A_515, %eq3A_518 : vector<16xi1>
          %eq3A_520 = arith.constant 5 : i32
          %eq3A_521 = vector.broadcast %eq3A_520 : i32 to vector<16xi32>
          %eq3A_522 = arith.cmpi eq, %and3A_502, %eq3A_521 : vector<16xi32>
          %eq3A_523 = arith.constant 5 : i32
          %eq3A_524 = vector.broadcast %eq3A_523 : i32 to vector<16xi32>
          %eq3A_525 = arith.cmpi eq, %and3A_512, %eq3A_524 : vector<16xi32>
          %or3A_526 = arith.ori %eq3A_522, %eq3A_525 : vector<16xi1>
          %jit3A_527 = arith.constant 1.000000e+02 : f32
          %jit3A_528 = arith.constant 0.000000e+00 : f32
          %broadcast_in_dim3A_529 = vector.broadcast %jit3A_527 : f32 to vector<16xf32>
          %broadcast_in_dim3A_530 = vector.broadcast %jit3A_528 : f32 to vector<16xf32>
          %select_n3A_531 = arith.select %or3A_519, %broadcast_in_dim3A_529, %broadcast_in_dim3A_530 : vector<16xi1>, vector<16xf32>
          %jit3A_532 = arith.constant 5.000000e+01 : f32
          %jit3A_533 = arith.constant 0.000000e+00 : f32
          %broadcast_in_dim3A_534 = vector.broadcast %jit3A_532 : f32 to vector<16xf32>
          %broadcast_in_dim3A_535 = vector.broadcast %jit3A_533 : f32 to vector<16xf32>
          %select_n3A_536 = arith.select %or3A_526, %broadcast_in_dim3A_534, %broadcast_in_dim3A_535 : vector<16xi1>, vector<16xf32>
          %add3A_537 = arith.addf %select_n3A_531, %select_n3A_536 : vector<16xf32>
          %jit3A_538 = arith.constant 1.000000e+02 : f32
          %jit3A_539 = arith.constant 3.000000e+38 : f32
          %broadcast_in_dim3A_540 = vector.broadcast %jit3A_538 : f32 to vector<16xf32>
          %broadcast_in_dim3A_541 = vector.broadcast %jit3A_539 : f32 to vector<16xf32>
          %select_n3A_542 = arith.select %or3A_519, %broadcast_in_dim3A_540, %broadcast_in_dim3A_541 : vector<16xi1>, vector<16xf32>
          %broadcast_in_dim3A_543 = arith.constant 0.000000e+00 : f32
          %broadcast_in_dim3A_544 = vector.broadcast %broadcast_in_dim3A_543 : f32 to vector<16xf32>
          %mul3A_545 = arith.constant 128 : i32
          %mul3A_546 = arith.muli %scan3A_232, %mul3A_545 : i32
          %add3A_547 = arith.constant 32 : i32
          %add3A_548 = arith.addi %mul3A_546, %add3A_547 : i32
          %get3A_549 = arith.constant 1 : i32
          %get3A_550 = arith.index_cast %get3A_549 : i32 to index
          %get3A_551 = arith.index_cast %add3A_548 : i32 to index
          %get3A_552 = tpu.vector_load %arg11[%get3A_550, %get3A_551] {strides = array<i32>} : memref<5x2560xf32, #tpu.memory_space<vmem>>, vector<16xf32>,
          %sub3A_553 = arith.subf %get3A_552, %select_n3A_542 : vector<16xf32>
          %max3A_554 = arith.maximumf %sub3A_553, %broadcast_in_dim3A_544 : vector<16xf32>
          %sub3A_555 = arith.subf %get3A_552, %select_n3A_531 : vector<16xf32>
          %swap3A_556 = arith.constant 1 : i32
          %swap3A_557 = arith.index_cast %swap3A_556 : i32 to index
          %swap3A_558 = arith.index_cast %add3A_548 : i32 to index
          %swap3A_559 = tpu.vector_load %arg11[%swap3A_557, %swap3A_558] {strides = array<i32>} : memref<5x2560xf32, #tpu.memory_space<vmem>>, vector<16xf32>,
          tpu.vector_store %arg11[%swap3A_557, %swap3A_558], %sub3A_555 {strides = array<i32>} : memref<5x2560xf32, #tpu.memory_space<vmem>>, vector<16xf32>,
          %get3A_560 = arith.constant 2 : i32
          %get3A_561 = arith.index_cast %get3A_560 : i32 to index
          %get3A_562 = arith.index_cast %add3A_548 : i32 to index
          %get3A_563 = tpu.vector_load %arg11[%get3A_561, %get3A_562] {strides = array<i32>} : memref<5x2560xf32, #tpu.memory_space<vmem>>, vector<16xf32>,
          %sub3A_564 = arith.subf %get3A_563, %select_n3A_542 : vector<16xf32>
          %max3A_565 = arith.maximumf %sub3A_564, %broadcast_in_dim3A_544 : vector<16xf32>
          %add3A_566 = arith.addf %max3A_554, %max3A_565 : vector<16xf32>
          %sub3A_567 = arith.subf %get3A_563, %add3A_537 : vector<16xf32>
          %swap3A_568 = arith.constant 2 : i32
          %swap3A_569 = arith.index_cast %swap3A_568 : i32 to index
          %swap3A_570 = arith.index_cast %add3A_548 : i32 to index
          %swap3A_571 = tpu.vector_load %arg11[%swap3A_569, %swap3A_570] {strides = array<i32>} : memref<5x2560xf32, #tpu.memory_space<vmem>>, vector<16xf32>,
          tpu.vector_store %arg11[%swap3A_569, %swap3A_570], %sub3A_567 {strides = array<i32>} : memref<5x2560xf32, #tpu.memory_space<vmem>>, vector<16xf32>,
          %get3A_572 = arith.constant 3 : i32
          %get3A_573 = arith.index_cast %get3A_572 : i32 to index
          %get3A_574 = arith.index_cast %add3A_548 : i32 to index
          %get3A_575 = tpu.vector_load %arg11[%get3A_573, %get3A_574] {strides = array<i32>} : memref<5x2560xf32, #tpu.memory_space<vmem>>, vector<16xf32>,
          %sub3A_576 = arith.subf %get3A_575, %select_n3A_542 : vector<16xf32>
          %max3A_577 = arith.maximumf %sub3A_576, %broadcast_in_dim3A_544 : vector<16xf32>
          %add3A_578 = arith.addf %add3A_566, %max3A_577 : vector<16xf32>
          %sub3A_579 = arith.subf %get3A_575, %add3A_537 : vector<16xf32>
          %swap3A_580 = arith.constant 3 : i32
          %swap3A_581 = arith.index_cast %swap3A_580 : i32 to index
          %swap3A_582 = arith.index_cast %add3A_548 : i32 to index
          %swap3A_583 = tpu.vector_load %arg11[%swap3A_581, %swap3A_582] {strides = array<i32>} : memref<5x2560xf32, #tpu.memory_space<vmem>>, vector<16xf32>,
          tpu.vector_store %arg11[%swap3A_581, %swap3A_582], %sub3A_579 {strides = array<i32>} : memref<5x2560xf32, #tpu.memory_space<vmem>>, vector<16xf32>,
          %get3A_584 = arith.constant 4 : i32
          %get3A_585 = arith.index_cast %get3A_584 : i32 to index
          %get3A_586 = arith.index_cast %add3A_548 : i32 to index
          %get3A_587 = tpu.vector_load %arg11[%get3A_585, %get3A_586] {strides = array<i32>} : memref<5x2560xf32, #tpu.memory_space<vmem>>, vector<16xf32>,
          %sub3A_588 = arith.subf %get3A_587, %select_n3A_542 : vector<16xf32>
          %max3A_589 = arith.maximumf %sub3A_588, %broadcast_in_dim3A_544 : vector<16xf32>
          %add3A_590 = arith.addf %add3A_578, %max3A_589 : vector<16xf32>
          %sub3A_591 = arith.subf %get3A_587, %add3A_537 : vector<16xf32>
          %swap3A_592 = arith.constant 4 : i32
          %swap3A_593 = arith.index_cast %swap3A_592 : i32 to index
          %swap3A_594 = arith.index_cast %add3A_548 : i32 to index
          %swap3A_595 = tpu.vector_load %arg11[%swap3A_593, %swap3A_594] {strides = array<i32>} : memref<5x2560xf32, #tpu.memory_space<vmem>>, vector<16xf32>,
          tpu.vector_store %arg11[%swap3A_593, %swap3A_594], %sub3A_591 {strides = array<i32>} : memref<5x2560xf32, #tpu.memory_space<vmem>>, vector<16xf32>,
          %add3A_596 = arith.addf %add3A_472, %add3A_590 : vector<16xf32>
          %mul3A_597 = arith.constant 2 : i32
          %mul3A_598 = arith.muli %mul3A_597, %scan3A_232 : i32
          %get3A_599 = arith.index_cast %mul3A_598 : i32 to index
          %get3A_600 = arith.constant 48 : index
          %get3A_601 = tpu.vector_load %arg8[%get3A_599, %get3A_600] {strides = array<i32>} : memref<40x128xi32, #tpu.memory_space<vmem>>, vector<16xi32>,
          %mul3A_602 = arith.constant 2 : i32
          %mul3A_603 = arith.muli %mul3A_602, %scan3A_232 : i32
          %add3A_604 = arith.constant 1 : i32
          %add3A_605 = arith.addi %mul3A_603, %add3A_604 : i32
          %get3A_606 = arith.index_cast %add3A_605 : i32 to index
          %get3A_607 = arith.constant 48 : index
          %get3A_608 = tpu.vector_load %arg8[%get3A_606, %get3A_607] {strides = array<i32>} : memref<40x128xi32, #tpu.memory_space<vmem>>, vector<16xi32>,
          %shift_right_logical3A_609 = arith.constant 3 : i32
          %shift_right_logical3A_610 = vector.broadcast %shift_right_logical3A_609 : i32 to vector<16xi32>
          %shift_right_logical3A_611 = arith.shrui %get3A_601, %shift_right_logical3A_610 : vector<16xi32>
          %gather3A_612 = tpu.vector_load_idx %arg7[%shift_right_logical3A_611] : memref<12500xi32, #tpu.memory_space<vmem>>[vector<16xi32>], vector<16xi32>,
          %shift_right_logical3A_613 = arith.constant 3 : i32
          %shift_right_logical3A_614 = vector.broadcast %shift_right_logical3A_613 : i32 to vector<16xi32>
          %shift_right_logical3A_615 = arith.shrui %get3A_608, %shift_right_logical3A_614 : vector<16xi32>
          %gather3A_616 = tpu.vector_load_idx %arg7[%shift_right_logical3A_615] : memref<12500xi32, #tpu.memory_space<vmem>>[vector<16xi32>], vector<16xi32>,
          %and3A_617 = arith.constant 7 : i32
          %and3A_618 = vector.broadcast %and3A_617 : i32 to vector<16xi32>
          %and3A_619 = arith.andi %get3A_601, %and3A_618 : vector<16xi32>
          %shift_left3A_620 = arith.constant 2 : i32
          %shift_left3A_621 = vector.broadcast %shift_left3A_620 : i32 to vector<16xi32>
          %shift_left3A_622 = arith.shli %and3A_619, %shift_left3A_621 : vector<16xi32>
          %shift_right_logical3A_623 = arith.shrui %gather3A_612, %shift_left3A_622 : vector<16xi32>
          %and3A_624 = arith.constant 7 : i32
          %and3A_625 = vector.broadcast %and3A_624 : i32 to vector<16xi32>
          %and3A_626 = arith.andi %shift_right_logical3A_623, %and3A_625 : vector<16xi32>
          %and3A_627 = arith.constant 7 : i32
          %and3A_628 = vector.broadcast %and3A_627 : i32 to vector<16xi32>
          %and3A_629 = arith.andi %get3A_608, %and3A_628 : vector<16xi32>
          %shift_left3A_630 = arith.constant 2 : i32
          %shift_left3A_631 = vector.broadcast %shift_left3A_630 : i32 to vector<16xi32>
          %shift_left3A_632 = arith.shli %and3A_629, %shift_left3A_631 : vector<16xi32>
          %shift_right_logical3A_633 = arith.shrui %gather3A_616, %shift_left3A_632 : vector<16xi32>
          %and3A_634 = arith.constant 7 : i32
          %and3A_635 = vector.broadcast %and3A_634 : i32 to vector<16xi32>
          %and3A_636 = arith.andi %shift_right_logical3A_633, %and3A_635 : vector<16xi32>
          %eq3A_637 = arith.constant 4 : i32
          %eq3A_638 = vector.broadcast %eq3A_637 : i32 to vector<16xi32>
          %eq3A_639 = arith.cmpi eq, %and3A_626, %eq3A_638 : vector<16xi32>
          %eq3A_640 = arith.constant 4 : i32
          %eq3A_641 = vector.broadcast %eq3A_640 : i32 to vector<16xi32>
          %eq3A_642 = arith.cmpi eq, %and3A_636, %eq3A_641 : vector<16xi32>
          %or3A_643 = arith.ori %eq3A_639, %eq3A_642 : vector<16xi1>
          %eq3A_644 = arith.constant 5 : i32
          %eq3A_645 = vector.broadcast %eq3A_644 : i32 to vector<16xi32>
          %eq3A_646 = arith.cmpi eq, %and3A_626, %eq3A_645 : vector<16xi32>
          %eq3A_647 = arith.constant 5 : i32
          %eq3A_648 = vector.broadcast %eq3A_647 : i32 to vector<16xi32>
          %eq3A_649 = arith.cmpi eq, %and3A_636, %eq3A_648 : vector<16xi32>
          %or3A_650 = arith.ori %eq3A_646, %eq3A_649 : vector<16xi1>
          %jit3A_651 = arith.constant 1.000000e+02 : f32
          %jit3A_652 = arith.constant 0.000000e+00 : f32
          %broadcast_in_dim3A_653 = vector.broadcast %jit3A_651 : f32 to vector<16xf32>
          %broadcast_in_dim3A_654 = vector.broadcast %jit3A_652 : f32 to vector<16xf32>
          %select_n3A_655 = arith.select %or3A_643, %broadcast_in_dim3A_653, %broadcast_in_dim3A_654 : vector<16xi1>, vector<16xf32>
          %jit3A_656 = arith.constant 5.000000e+01 : f32
          %jit3A_657 = arith.constant 0.000000e+00 : f32
          %broadcast_in_dim3A_658 = vector.broadcast %jit3A_656 : f32 to vector<16xf32>
          %broadcast_in_dim3A_659 = vector.broadcast %jit3A_657 : f32 to vector<16xf32>
          %select_n3A_660 = arith.select %or3A_650, %broadcast_in_dim3A_658, %broadcast_in_dim3A_659 : vector<16xi1>, vector<16xf32>
          %add3A_661 = arith.addf %select_n3A_655, %select_n3A_660 : vector<16xf32>
          %jit3A_662 = arith.constant 1.000000e+02 : f32
          %jit3A_663 = arith.constant 3.000000e+38 : f32
          %broadcast_in_dim3A_664 = vector.broadcast %jit3A_662 : f32 to vector<16xf32>
          %broadcast_in_dim3A_665 = vector.broadcast %jit3A_663 : f32 to vector<16xf32>
          %select_n3A_666 = arith.select %or3A_643, %broadcast_in_dim3A_664, %broadcast_in_dim3A_665 : vector<16xi1>, vector<16xf32>
          %broadcast_in_dim3A_667 = arith.constant 0.000000e+00 : f32
          %broadcast_in_dim3A_668 = vector.broadcast %broadcast_in_dim3A_667 : f32 to vector<16xf32>
          %mul3A_669 = arith.constant 128 : i32
          %mul3A_670 = arith.muli %scan3A_232, %mul3A_669 : i32
          %add3A_671 = arith.constant 48 : i32
          %add3A_672 = arith.addi %mul3A_670, %add3A_671 : i32
          %get3A_673 = arith.constant 1 : i32
          %get3A_674 = arith.index_cast %get3A_673 : i32 to index
          %get3A_675 = arith.index_cast %add3A_672 : i32 to index
          %get3A_676 = tpu.vector_load %arg11[%get3A_674, %get3A_675] {strides = array<i32>} : memref<5x2560xf32, #tpu.memory_space<vmem>>, vector<16xf32>,
          %sub3A_677 = arith.subf %get3A_676, %select_n3A_666 : vector<16xf32>
          %max3A_678 = arith.maximumf %sub3A_677, %broadcast_in_dim3A_668 : vector<16xf32>
          %sub3A_679 = arith.subf %get3A_676, %select_n3A_655 : vector<16xf32>
          %swap3A_680 = arith.constant 1 : i32
          %swap3A_681 = arith.index_cast %swap3A_680 : i32 to index
          %swap3A_682 = arith.index_cast %add3A_672 : i32 to index
          %swap3A_683 = tpu.vector_load %arg11[%swap3A_681, %swap3A_682] {strides = array<i32>} : memref<5x2560xf32, #tpu.memory_space<vmem>>, vector<16xf32>,
          tpu.vector_store %arg11[%swap3A_681, %swap3A_682], %sub3A_679 {strides = array<i32>} : memref<5x2560xf32, #tpu.memory_space<vmem>>, vector<16xf32>,
          %get3A_684 = arith.constant 2 : i32
          %get3A_685 = arith.index_cast %get3A_684 : i32 to index
          %get3A_686 = arith.index_cast %add3A_672 : i32 to index
          %get3A_687 = tpu.vector_load %arg11[%get3A_685, %get3A_686] {strides = array<i32>} : memref<5x2560xf32, #tpu.memory_space<vmem>>, vector<16xf32>,
          %sub3A_688 = arith.subf %get3A_687, %select_n3A_666 : vector<16xf32>
          %max3A_689 = arith.maximumf %sub3A_688, %broadcast_in_dim3A_668 : vector<16xf32>
          %add3A_690 = arith.addf %max3A_678, %max3A_689 : vector<16xf32>
          %sub3A_691 = arith.subf %get3A_687, %add3A_661 : vector<16xf32>
          %swap3A_692 = arith.constant 2 : i32
          %swap3A_693 = arith.index_cast %swap3A_692 : i32 to index
          %swap3A_694 = arith.index_cast %add3A_672 : i32 to index
          %swap3A_695 = tpu.vector_load %arg11[%swap3A_693, %swap3A_694] {strides = array<i32>} : memref<5x2560xf32, #tpu.memory_space<vmem>>, vector<16xf32>,
          tpu.vector_store %arg11[%swap3A_693, %swap3A_694], %sub3A_691 {strides = array<i32>} : memref<5x2560xf32, #tpu.memory_space<vmem>>, vector<16xf32>,
          %get3A_696 = arith.constant 3 : i32
          %get3A_697 = arith.index_cast %get3A_696 : i32 to index
          %get3A_698 = arith.index_cast %add3A_672 : i32 to index
          %get3A_699 = tpu.vector_load %arg11[%get3A_697, %get3A_698] {strides = array<i32>} : memref<5x2560xf32, #tpu.memory_space<vmem>>, vector<16xf32>,
          %sub3A_700 = arith.subf %get3A_699, %select_n3A_666 : vector<16xf32>
          %max3A_701 = arith.maximumf %sub3A_700, %broadcast_in_dim3A_668 : vector<16xf32>
          %add3A_702 = arith.addf %add3A_690, %max3A_701 : vector<16xf32>
          %sub3A_703 = arith.subf %get3A_699, %add3A_661 : vector<16xf32>
          %swap3A_704 = arith.constant 3 : i32
          %swap3A_705 = arith.index_cast %swap3A_704 : i32 to index
          %swap3A_706 = arith.index_cast %add3A_672 : i32 to index
          %swap3A_707 = tpu.vector_load %arg11[%swap3A_705, %swap3A_706] {strides = array<i32>} : memref<5x2560xf32, #tpu.memory_space<vmem>>, vector<16xf32>,
          tpu.vector_store %arg11[%swap3A_705, %swap3A_706], %sub3A_703 {strides = array<i32>} : memref<5x2560xf32, #tpu.memory_space<vmem>>, vector<16xf32>,
          %get3A_708 = arith.constant 4 : i32
          %get3A_709 = arith.index_cast %get3A_708 : i32 to index
          %get3A_710 = arith.index_cast %add3A_672 : i32 to index
          %get3A_711 = tpu.vector_load %arg11[%get3A_709, %get3A_710] {strides = array<i32>} : memref<5x2560xf32, #tpu.memory_space<vmem>>, vector<16xf32>,
          %sub3A_712 = arith.subf %get3A_711, %select_n3A_666 : vector<16xf32>
          %max3A_713 = arith.maximumf %sub3A_712, %broadcast_in_dim3A_668 : vector<16xf32>
          %add3A_714 = arith.addf %add3A_702, %max3A_713 : vector<16xf32>
          %sub3A_715 = arith.subf %get3A_711, %add3A_661 : vector<16xf32>
          %swap3A_716 = arith.constant 4 : i32
          %swap3A_717 = arith.index_cast %swap3A_716 : i32 to index
          %swap3A_718 = arith.index_cast %add3A_672 : i32 to index
          %swap3A_719 = tpu.vector_load %arg11[%swap3A_717, %swap3A_718] {strides = array<i32>} : memref<5x2560xf32, #tpu.memory_space<vmem>>, vector<16xf32>,
          tpu.vector_store %arg11[%swap3A_717, %swap3A_718], %sub3A_715 {strides = array<i32>} : memref<5x2560xf32, #tpu.memory_space<vmem>>, vector<16xf32>,
          %add3A_720 = arith.addf %add3A_596, %add3A_714 : vector<16xf32>
          %mul3A_721 = arith.constant 2 : i32
          %mul3A_722 = arith.muli %mul3A_721, %scan3A_232 : i32
          %get3A_723 = arith.index_cast %mul3A_722 : i32 to index
          %get3A_724 = arith.constant 64 : index
          %get3A_725 = tpu.vector_load %arg8[%get3A_723, %get3A_724] {strides = array<i32>} : memref<40x128xi32, #tpu.memory_space<vmem>>, vector<16xi32>,
          %mul3A_726 = arith.constant 2 : i32
          %mul3A_727 = arith.muli %mul3A_726, %scan3A_232 : i32
          %add3A_728 = arith.constant 1 : i32
          %add3A_729 = arith.addi %mul3A_727, %add3A_728 : i32
          %get3A_730 = arith.index_cast %add3A_729 : i32 to index
          %get3A_731 = arith.constant 64 : index
          %get3A_732 = tpu.vector_load %arg8[%get3A_730, %get3A_731] {strides = array<i32>} : memref<40x128xi32, #tpu.memory_space<vmem>>, vector<16xi32>,
          %shift_right_logical3A_733 = arith.constant 3 : i32
          %shift_right_logical3A_734 = vector.broadcast %shift_right_logical3A_733 : i32 to vector<16xi32>
          %shift_right_logical3A_735 = arith.shrui %get3A_725, %shift_right_logical3A_734 : vector<16xi32>
          %gather3A_736 = tpu.vector_load_idx %arg7[%shift_right_logical3A_735] : memref<12500xi32, #tpu.memory_space<vmem>>[vector<16xi32>], vector<16xi32>,
          %shift_right_logical3A_737 = arith.constant 3 : i32
          %shift_right_logical3A_738 = vector.broadcast %shift_right_logical3A_737 : i32 to vector<16xi32>
          %shift_right_logical3A_739 = arith.shrui %get3A_732, %shift_right_logical3A_738 : vector<16xi32>
          %gather3A_740 = tpu.vector_load_idx %arg7[%shift_right_logical3A_739] : memref<12500xi32, #tpu.memory_space<vmem>>[vector<16xi32>], vector<16xi32>,
          %and3A_741 = arith.constant 7 : i32
          %and3A_742 = vector.broadcast %and3A_741 : i32 to vector<16xi32>
          %and3A_743 = arith.andi %get3A_725, %and3A_742 : vector<16xi32>
          %shift_left3A_744 = arith.constant 2 : i32
          %shift_left3A_745 = vector.broadcast %shift_left3A_744 : i32 to vector<16xi32>
          %shift_left3A_746 = arith.shli %and3A_743, %shift_left3A_745 : vector<16xi32>
          %shift_right_logical3A_747 = arith.shrui %gather3A_736, %shift_left3A_746 : vector<16xi32>
          %and3A_748 = arith.constant 7 : i32
          %and3A_749 = vector.broadcast %and3A_748 : i32 to vector<16xi32>
          %and3A_750 = arith.andi %shift_right_logical3A_747, %and3A_749 : vector<16xi32>
          %and3A_751 = arith.constant 7 : i32
          %and3A_752 = vector.broadcast %and3A_751 : i32 to vector<16xi32>
          %and3A_753 = arith.andi %get3A_732, %and3A_752 : vector<16xi32>
          %shift_left3A_754 = arith.constant 2 : i32
          %shift_left3A_755 = vector.broadcast %shift_left3A_754 : i32 to vector<16xi32>
          %shift_left3A_756 = arith.shli %and3A_753, %shift_left3A_755 : vector<16xi32>
          %shift_right_logical3A_757 = arith.shrui %gather3A_740, %shift_left3A_756 : vector<16xi32>
          %and3A_758 = arith.constant 7 : i32
          %and3A_759 = vector.broadcast %and3A_758 : i32 to vector<16xi32>
          %and3A_760 = arith.andi %shift_right_logical3A_757, %and3A_759 : vector<16xi32>
          %eq3A_761 = arith.constant 4 : i32
          %eq3A_762 = vector.broadcast %eq3A_761 : i32 to vector<16xi32>
          %eq3A_763 = arith.cmpi eq, %and3A_750, %eq3A_762 : vector<16xi32>
          %eq3A_764 = arith.constant 4 : i32
          %eq3A_765 = vector.broadcast %eq3A_764 : i32 to vector<16xi32>
          %eq3A_766 = arith.cmpi eq, %and3A_760, %eq3A_765 : vector<16xi32>
          %or3A_767 = arith.ori %eq3A_763, %eq3A_766 : vector<16xi1>
          %eq3A_768 = arith.constant 5 : i32
          %eq3A_769 = vector.broadcast %eq3A_768 : i32 to vector<16xi32>
          %eq3A_770 = arith.cmpi eq, %and3A_750, %eq3A_769 : vector<16xi32>
          %eq3A_771 = arith.constant 5 : i32
          %eq3A_772 = vector.broadcast %eq3A_771 : i32 to vector<16xi32>
          %eq3A_773 = arith.cmpi eq, %and3A_760, %eq3A_772 : vector<16xi32>
          %or3A_774 = arith.ori %eq3A_770, %eq3A_773 : vector<16xi1>
          %jit3A_775 = arith.constant 1.000000e+02 : f32
          %jit3A_776 = arith.constant 0.000000e+00 : f32
          %broadcast_in_dim3A_777 = vector.broadcast %jit3A_775 : f32 to vector<16xf32>
          %broadcast_in_dim3A_778 = vector.broadcast %jit3A_776 : f32 to vector<16xf32>
          %select_n3A_779 = arith.select %or3A_767, %broadcast_in_dim3A_777, %broadcast_in_dim3A_778 : vector<16xi1>, vector<16xf32>
          %jit3A_780 = arith.constant 5.000000e+01 : f32
          %jit3A_781 = arith.constant 0.000000e+00 : f32
          %broadcast_in_dim3A_782 = vector.broadcast %jit3A_780 : f32 to vector<16xf32>
          %broadcast_in_dim3A_783 = vector.broadcast %jit3A_781 : f32 to vector<16xf32>
          %select_n3A_784 = arith.select %or3A_774, %broadcast_in_dim3A_782, %broadcast_in_dim3A_783 : vector<16xi1>, vector<16xf32>
          %add3A_785 = arith.addf %select_n3A_779, %select_n3A_784 : vector<16xf32>
          %jit3A_786 = arith.constant 1.000000e+02 : f32
          %jit3A_787 = arith.constant 3.000000e+38 : f32
          %broadcast_in_dim3A_788 = vector.broadcast %jit3A_786 : f32 to vector<16xf32>
          %broadcast_in_dim3A_789 = vector.broadcast %jit3A_787 : f32 to vector<16xf32>
          %select_n3A_790 = arith.select %or3A_767, %broadcast_in_dim3A_788, %broadcast_in_dim3A_789 : vector<16xi1>, vector<16xf32>
          %broadcast_in_dim3A_791 = arith.constant 0.000000e+00 : f32
          %broadcast_in_dim3A_792 = vector.broadcast %broadcast_in_dim3A_791 : f32 to vector<16xf32>
          %mul3A_793 = arith.constant 128 : i32
          %mul3A_794 = arith.muli %scan3A_232, %mul3A_793 : i32
          %add3A_795 = arith.constant 64 : i32
          %add3A_796 = arith.addi %mul3A_794, %add3A_795 : i32
          %get3A_797 = arith.constant 1 : i32
          %get3A_798 = arith.index_cast %get3A_797 : i32 to index
          %get3A_799 = arith.index_cast %add3A_796 : i32 to index
          %get3A_800 = tpu.vector_load %arg11[%get3A_798, %get3A_799] {strides = array<i32>} : memref<5x2560xf32, #tpu.memory_space<vmem>>, vector<16xf32>,
          %sub3A_801 = arith.subf %get3A_800, %select_n3A_790 : vector<16xf32>
          %max3A_802 = arith.maximumf %sub3A_801, %broadcast_in_dim3A_792 : vector<16xf32>
          %sub3A_803 = arith.subf %get3A_800, %select_n3A_779 : vector<16xf32>
          %swap3A_804 = arith.constant 1 : i32
          %swap3A_805 = arith.index_cast %swap3A_804 : i32 to index
          %swap3A_806 = arith.index_cast %add3A_796 : i32 to index
          %swap3A_807 = tpu.vector_load %arg11[%swap3A_805, %swap3A_806] {strides = array<i32>} : memref<5x2560xf32, #tpu.memory_space<vmem>>, vector<16xf32>,
          tpu.vector_store %arg11[%swap3A_805, %swap3A_806], %sub3A_803 {strides = array<i32>} : memref<5x2560xf32, #tpu.memory_space<vmem>>, vector<16xf32>,
          %get3A_808 = arith.constant 2 : i32
          %get3A_809 = arith.index_cast %get3A_808 : i32 to index
          %get3A_810 = arith.index_cast %add3A_796 : i32 to index
          %get3A_811 = tpu.vector_load %arg11[%get3A_809, %get3A_810] {strides = array<i32>} : memref<5x2560xf32, #tpu.memory_space<vmem>>, vector<16xf32>,
          %sub3A_812 = arith.subf %get3A_811, %select_n3A_790 : vector<16xf32>
          %max3A_813 = arith.maximumf %sub3A_812, %broadcast_in_dim3A_792 : vector<16xf32>
          %add3A_814 = arith.addf %max3A_802, %max3A_813 : vector<16xf32>
          %sub3A_815 = arith.subf %get3A_811, %add3A_785 : vector<16xf32>
          %swap3A_816 = arith.constant 2 : i32
          %swap3A_817 = arith.index_cast %swap3A_816 : i32 to index
          %swap3A_818 = arith.index_cast %add3A_796 : i32 to index
          %swap3A_819 = tpu.vector_load %arg11[%swap3A_817, %swap3A_818] {strides = array<i32>} : memref<5x2560xf32, #tpu.memory_space<vmem>>, vector<16xf32>,
          tpu.vector_store %arg11[%swap3A_817, %swap3A_818], %sub3A_815 {strides = array<i32>} : memref<5x2560xf32, #tpu.memory_space<vmem>>, vector<16xf32>,
          %get3A_820 = arith.constant 3 : i32
          %get3A_821 = arith.index_cast %get3A_820 : i32 to index
          %get3A_822 = arith.index_cast %add3A_796 : i32 to index
          %get3A_823 = tpu.vector_load %arg11[%get3A_821, %get3A_822] {strides = array<i32>} : memref<5x2560xf32, #tpu.memory_space<vmem>>, vector<16xf32>,
          %sub3A_824 = arith.subf %get3A_823, %select_n3A_790 : vector<16xf32>
          %max3A_825 = arith.maximumf %sub3A_824, %broadcast_in_dim3A_792 : vector<16xf32>
          %add3A_826 = arith.addf %add3A_814, %max3A_825 : vector<16xf32>
          %sub3A_827 = arith.subf %get3A_823, %add3A_785 : vector<16xf32>
          %swap3A_828 = arith.constant 3 : i32
          %swap3A_829 = arith.index_cast %swap3A_828 : i32 to index
          %swap3A_830 = arith.index_cast %add3A_796 : i32 to index
          %swap3A_831 = tpu.vector_load %arg11[%swap3A_829, %swap3A_830] {strides = array<i32>} : memref<5x2560xf32, #tpu.memory_space<vmem>>, vector<16xf32>,
          tpu.vector_store %arg11[%swap3A_829, %swap3A_830], %sub3A_827 {strides = array<i32>} : memref<5x2560xf32, #tpu.memory_space<vmem>>, vector<16xf32>,
          %get3A_832 = arith.constant 4 : i32
          %get3A_833 = arith.index_cast %get3A_832 : i32 to index
          %get3A_834 = arith.index_cast %add3A_796 : i32 to index
          %get3A_835 = tpu.vector_load %arg11[%get3A_833, %get3A_834] {strides = array<i32>} : memref<5x2560xf32, #tpu.memory_space<vmem>>, vector<16xf32>,
          %sub3A_836 = arith.subf %get3A_835, %select_n3A_790 : vector<16xf32>
          %max3A_837 = arith.maximumf %sub3A_836, %broadcast_in_dim3A_792 : vector<16xf32>
          %add3A_838 = arith.addf %add3A_826, %max3A_837 : vector<16xf32>
          %sub3A_839 = arith.subf %get3A_835, %add3A_785 : vector<16xf32>
          %swap3A_840 = arith.constant 4 : i32
          %swap3A_841 = arith.index_cast %swap3A_840 : i32 to index
          %swap3A_842 = arith.index_cast %add3A_796 : i32 to index
          %swap3A_843 = tpu.vector_load %arg11[%swap3A_841, %swap3A_842] {strides = array<i32>} : memref<5x2560xf32, #tpu.memory_space<vmem>>, vector<16xf32>,
          tpu.vector_store %arg11[%swap3A_841, %swap3A_842], %sub3A_839 {strides = array<i32>} : memref<5x2560xf32, #tpu.memory_space<vmem>>, vector<16xf32>,
          %add3A_844 = arith.addf %add3A_720, %add3A_838 : vector<16xf32>
          %mul3A_845 = arith.constant 2 : i32
          %mul3A_846 = arith.muli %mul3A_845, %scan3A_232 : i32
          %get3A_847 = arith.index_cast %mul3A_846 : i32 to index
          %get3A_848 = arith.constant 80 : index
          %get3A_849 = tpu.vector_load %arg8[%get3A_847, %get3A_848] {strides = array<i32>} : memref<40x128xi32, #tpu.memory_space<vmem>>, vector<16xi32>,
          %mul3A_850 = arith.constant 2 : i32
          %mul3A_851 = arith.muli %mul3A_850, %scan3A_232 : i32
          %add3A_852 = arith.constant 1 : i32
          %add3A_853 = arith.addi %mul3A_851, %add3A_852 : i32
          %get3A_854 = arith.index_cast %add3A_853 : i32 to index
          %get3A_855 = arith.constant 80 : index
          %get3A_856 = tpu.vector_load %arg8[%get3A_854, %get3A_855] {strides = array<i32>} : memref<40x128xi32, #tpu.memory_space<vmem>>, vector<16xi32>,
          %shift_right_logical3A_857 = arith.constant 3 : i32
          %shift_right_logical3A_858 = vector.broadcast %shift_right_logical3A_857 : i32 to vector<16xi32>
          %shift_right_logical3A_859 = arith.shrui %get3A_849, %shift_right_logical3A_858 : vector<16xi32>
          %gather3A_860 = tpu.vector_load_idx %arg7[%shift_right_logical3A_859] : memref<12500xi32, #tpu.memory_space<vmem>>[vector<16xi32>], vector<16xi32>,
          %shift_right_logical3A_861 = arith.constant 3 : i32
          %shift_right_logical3A_862 = vector.broadcast %shift_right_logical3A_861 : i32 to vector<16xi32>
          %shift_right_logical3A_863 = arith.shrui %get3A_856, %shift_right_logical3A_862 : vector<16xi32>
          %gather3A_864 = tpu.vector_load_idx %arg7[%shift_right_logical3A_863] : memref<12500xi32, #tpu.memory_space<vmem>>[vector<16xi32>], vector<16xi32>,
          %and3A_865 = arith.constant 7 : i32
          %and3A_866 = vector.broadcast %and3A_865 : i32 to vector<16xi32>
          %and3A_867 = arith.andi %get3A_849, %and3A_866 : vector<16xi32>
          %shift_left3A_868 = arith.constant 2 : i32
          %shift_left3A_869 = vector.broadcast %shift_left3A_868 : i32 to vector<16xi32>
          %shift_left3A_870 = arith.shli %and3A_867, %shift_left3A_869 : vector<16xi32>
          %shift_right_logical3A_871 = arith.shrui %gather3A_860, %shift_left3A_870 : vector<16xi32>
          %and3A_872 = arith.constant 7 : i32
          %and3A_873 = vector.broadcast %and3A_872 : i32 to vector<16xi32>
          %and3A_874 = arith.andi %shift_right_logical3A_871, %and3A_873 : vector<16xi32>
          %and3A_875 = arith.constant 7 : i32
          %and3A_876 = vector.broadcast %and3A_875 : i32 to vector<16xi32>
          %and3A_877 = arith.andi %get3A_856, %and3A_876 : vector<16xi32>
          %shift_left3A_878 = arith.constant 2 : i32
          %shift_left3A_879 = vector.broadcast %shift_left3A_878 : i32 to vector<16xi32>
          %shift_left3A_880 = arith.shli %and3A_877, %shift_left3A_879 : vector<16xi32>
          %shift_right_logical3A_881 = arith.shrui %gather3A_864, %shift_left3A_880 : vector<16xi32>
          %and3A_882 = arith.constant 7 : i32
          %and3A_883 = vector.broadcast %and3A_882 : i32 to vector<16xi32>
          %and3A_884 = arith.andi %shift_right_logical3A_881, %and3A_883 : vector<16xi32>
          %eq3A_885 = arith.constant 4 : i32
          %eq3A_886 = vector.broadcast %eq3A_885 : i32 to vector<16xi32>
          %eq3A_887 = arith.cmpi eq, %and3A_874, %eq3A_886 : vector<16xi32>
          %eq3A_888 = arith.constant 4 : i32
          %eq3A_889 = vector.broadcast %eq3A_888 : i32 to vector<16xi32>
          %eq3A_890 = arith.cmpi eq, %and3A_884, %eq3A_889 : vector<16xi32>
          %or3A_891 = arith.ori %eq3A_887, %eq3A_890 : vector<16xi1>
          %eq3A_892 = arith.constant 5 : i32
          %eq3A_893 = vector.broadcast %eq3A_892 : i32 to vector<16xi32>
          %eq3A_894 = arith.cmpi eq, %and3A_874, %eq3A_893 : vector<16xi32>
          %eq3A_895 = arith.constant 5 : i32
          %eq3A_896 = vector.broadcast %eq3A_895 : i32 to vector<16xi32>
          %eq3A_897 = arith.cmpi eq, %and3A_884, %eq3A_896 : vector<16xi32>
          %or3A_898 = arith.ori %eq3A_894, %eq3A_897 : vector<16xi1>
          %jit3A_899 = arith.constant 1.000000e+02 : f32
          %jit3A_900 = arith.constant 0.000000e+00 : f32
          %broadcast_in_dim3A_901 = vector.broadcast %jit3A_899 : f32 to vector<16xf32>
          %broadcast_in_dim3A_902 = vector.broadcast %jit3A_900 : f32 to vector<16xf32>
          %select_n3A_903 = arith.select %or3A_891, %broadcast_in_dim3A_901, %broadcast_in_dim3A_902 : vector<16xi1>, vector<16xf32>
          %jit3A_904 = arith.constant 5.000000e+01 : f32
          %jit3A_905 = arith.constant 0.000000e+00 : f32
          %broadcast_in_dim3A_906 = vector.broadcast %jit3A_904 : f32 to vector<16xf32>
          %broadcast_in_dim3A_907 = vector.broadcast %jit3A_905 : f32 to vector<16xf32>
          %select_n3A_908 = arith.select %or3A_898, %broadcast_in_dim3A_906, %broadcast_in_dim3A_907 : vector<16xi1>, vector<16xf32>
          %add3A_909 = arith.addf %select_n3A_903, %select_n3A_908 : vector<16xf32>
          %jit3A_910 = arith.constant 1.000000e+02 : f32
          %jit3A_911 = arith.constant 3.000000e+38 : f32
          %broadcast_in_dim3A_912 = vector.broadcast %jit3A_910 : f32 to vector<16xf32>
          %broadcast_in_dim3A_913 = vector.broadcast %jit3A_911 : f32 to vector<16xf32>
          %select_n3A_914 = arith.select %or3A_891, %broadcast_in_dim3A_912, %broadcast_in_dim3A_913 : vector<16xi1>, vector<16xf32>
          %broadcast_in_dim3A_915 = arith.constant 0.000000e+00 : f32
          %broadcast_in_dim3A_916 = vector.broadcast %broadcast_in_dim3A_915 : f32 to vector<16xf32>
          %mul3A_917 = arith.constant 128 : i32
          %mul3A_918 = arith.muli %scan3A_232, %mul3A_917 : i32
          %add3A_919 = arith.constant 80 : i32
          %add3A_920 = arith.addi %mul3A_918, %add3A_919 : i32
          %get3A_921 = arith.constant 1 : i32
          %get3A_922 = arith.index_cast %get3A_921 : i32 to index
          %get3A_923 = arith.index_cast %add3A_920 : i32 to index
          %get3A_924 = tpu.vector_load %arg11[%get3A_922, %get3A_923] {strides = array<i32>} : memref<5x2560xf32, #tpu.memory_space<vmem>>, vector<16xf32>,
          %sub3A_925 = arith.subf %get3A_924, %select_n3A_914 : vector<16xf32>
          %max3A_926 = arith.maximumf %sub3A_925, %broadcast_in_dim3A_916 : vector<16xf32>
          %sub3A_927 = arith.subf %get3A_924, %select_n3A_903 : vector<16xf32>
          %swap3A_928 = arith.constant 1 : i32
          %swap3A_929 = arith.index_cast %swap3A_928 : i32 to index
          %swap3A_930 = arith.index_cast %add3A_920 : i32 to index
          %swap3A_931 = tpu.vector_load %arg11[%swap3A_929, %swap3A_930] {strides = array<i32>} : memref<5x2560xf32, #tpu.memory_space<vmem>>, vector<16xf32>,
          tpu.vector_store %arg11[%swap3A_929, %swap3A_930], %sub3A_927 {strides = array<i32>} : memref<5x2560xf32, #tpu.memory_space<vmem>>, vector<16xf32>,
          %get3A_932 = arith.constant 2 : i32
          %get3A_933 = arith.index_cast %get3A_932 : i32 to index
          %get3A_934 = arith.index_cast %add3A_920 : i32 to index
          %get3A_935 = tpu.vector_load %arg11[%get3A_933, %get3A_934] {strides = array<i32>} : memref<5x2560xf32, #tpu.memory_space<vmem>>, vector<16xf32>,
          %sub3A_936 = arith.subf %get3A_935, %select_n3A_914 : vector<16xf32>
          %max3A_937 = arith.maximumf %sub3A_936, %broadcast_in_dim3A_916 : vector<16xf32>
          %add3A_938 = arith.addf %max3A_926, %max3A_937 : vector<16xf32>
          %sub3A_939 = arith.subf %get3A_935, %add3A_909 : vector<16xf32>
          %swap3A_940 = arith.constant 2 : i32
          %swap3A_941 = arith.index_cast %swap3A_940 : i32 to index
          %swap3A_942 = arith.index_cast %add3A_920 : i32 to index
          %swap3A_943 = tpu.vector_load %arg11[%swap3A_941, %swap3A_942] {strides = array<i32>} : memref<5x2560xf32, #tpu.memory_space<vmem>>, vector<16xf32>,
          tpu.vector_store %arg11[%swap3A_941, %swap3A_942], %sub3A_939 {strides = array<i32>} : memref<5x2560xf32, #tpu.memory_space<vmem>>, vector<16xf32>,
          %get3A_944 = arith.constant 3 : i32
          %get3A_945 = arith.index_cast %get3A_944 : i32 to index
          %get3A_946 = arith.index_cast %add3A_920 : i32 to index
          %get3A_947 = tpu.vector_load %arg11[%get3A_945, %get3A_946] {strides = array<i32>} : memref<5x2560xf32, #tpu.memory_space<vmem>>, vector<16xf32>,
          %sub3A_948 = arith.subf %get3A_947, %select_n3A_914 : vector<16xf32>
          %max3A_949 = arith.maximumf %sub3A_948, %broadcast_in_dim3A_916 : vector<16xf32>
          %add3A_950 = arith.addf %add3A_938, %max3A_949 : vector<16xf32>
          %sub3A_951 = arith.subf %get3A_947, %add3A_909 : vector<16xf32>
          %swap3A_952 = arith.constant 3 : i32
          %swap3A_953 = arith.index_cast %swap3A_952 : i32 to index
          %swap3A_954 = arith.index_cast %add3A_920 : i32 to index
          %swap3A_955 = tpu.vector_load %arg11[%swap3A_953, %swap3A_954] {strides = array<i32>} : memref<5x2560xf32, #tpu.memory_space<vmem>>, vector<16xf32>,
          tpu.vector_store %arg11[%swap3A_953, %swap3A_954], %sub3A_951 {strides = array<i32>} : memref<5x2560xf32, #tpu.memory_space<vmem>>, vector<16xf32>,
          %get3A_956 = arith.constant 4 : i32
          %get3A_957 = arith.index_cast %get3A_956 : i32 to index
          %get3A_958 = arith.index_cast %add3A_920 : i32 to index
          %get3A_959 = tpu.vector_load %arg11[%get3A_957, %get3A_958] {strides = array<i32>} : memref<5x2560xf32, #tpu.memory_space<vmem>>, vector<16xf32>,
          %sub3A_960 = arith.subf %get3A_959, %select_n3A_914 : vector<16xf32>
          %max3A_961 = arith.maximumf %sub3A_960, %broadcast_in_dim3A_916 : vector<16xf32>
          %add3A_962 = arith.addf %add3A_950, %max3A_961 : vector<16xf32>
          %sub3A_963 = arith.subf %get3A_959, %add3A_909 : vector<16xf32>
          %swap3A_964 = arith.constant 4 : i32
          %swap3A_965 = arith.index_cast %swap3A_964 : i32 to index
          %swap3A_966 = arith.index_cast %add3A_920 : i32 to index
          %swap3A_967 = tpu.vector_load %arg11[%swap3A_965, %swap3A_966] {strides = array<i32>} : memref<5x2560xf32, #tpu.memory_space<vmem>>, vector<16xf32>,
          tpu.vector_store %arg11[%swap3A_965, %swap3A_966], %sub3A_963 {strides = array<i32>} : memref<5x2560xf32, #tpu.memory_space<vmem>>, vector<16xf32>,
          %add3A_968 = arith.addf %add3A_844, %add3A_962 : vector<16xf32>
          %mul3A_969 = arith.constant 2 : i32
          %mul3A_970 = arith.muli %mul3A_969, %scan3A_232 : i32
          %get3A_971 = arith.index_cast %mul3A_970 : i32 to index
          %get3A_972 = arith.constant 96 : index
          %get3A_973 = tpu.vector_load %arg8[%get3A_971, %get3A_972] {strides = array<i32>} : memref<40x128xi32, #tpu.memory_space<vmem>>, vector<16xi32>,
          %mul3A_974 = arith.constant 2 : i32
          %mul3A_975 = arith.muli %mul3A_974, %scan3A_232 : i32
          %add3A_976 = arith.constant 1 : i32
          %add3A_977 = arith.addi %mul3A_975, %add3A_976 : i32
          %get3A_978 = arith.index_cast %add3A_977 : i32 to index
          %get3A_979 = arith.constant 96 : index
          %get3A_980 = tpu.vector_load %arg8[%get3A_978, %get3A_979] {strides = array<i32>} : memref<40x128xi32, #tpu.memory_space<vmem>>, vector<16xi32>,
          %shift_right_logical3A_981 = arith.constant 3 : i32
          %shift_right_logical3A_982 = vector.broadcast %shift_right_logical3A_981 : i32 to vector<16xi32>
          %shift_right_logical3A_983 = arith.shrui %get3A_973, %shift_right_logical3A_982 : vector<16xi32>
          %gather3A_984 = tpu.vector_load_idx %arg7[%shift_right_logical3A_983] : memref<12500xi32, #tpu.memory_space<vmem>>[vector<16xi32>], vector<16xi32>,
          %shift_right_logical3A_985 = arith.constant 3 : i32
          %shift_right_logical3A_986 = vector.broadcast %shift_right_logical3A_985 : i32 to vector<16xi32>
          %shift_right_logical3A_987 = arith.shrui %get3A_980, %shift_right_logical3A_986 : vector<16xi32>
          %gather3A_988 = tpu.vector_load_idx %arg7[%shift_right_logical3A_987] : memref<12500xi32, #tpu.memory_space<vmem>>[vector<16xi32>], vector<16xi32>,
          %and3A_989 = arith.constant 7 : i32
          %and3A_990 = vector.broadcast %and3A_989 : i32 to vector<16xi32>
          %and3A_991 = arith.andi %get3A_973, %and3A_990 : vector<16xi32>
          %shift_left3A_992 = arith.constant 2 : i32
          %shift_left3A_993 = vector.broadcast %shift_left3A_992 : i32 to vector<16xi32>
          %shift_left3A_994 = arith.shli %and3A_991, %shift_left3A_993 : vector<16xi32>
          %shift_right_logical3A_995 = arith.shrui %gather3A_984, %shift_left3A_994 : vector<16xi32>
          %and3A_996 = arith.constant 7 : i32
          %and3A_997 = vector.broadcast %and3A_996 : i32 to vector<16xi32>
          %and3A_998 = arith.andi %shift_right_logical3A_995, %and3A_997 : vector<16xi32>
          %and3A_999 = arith.constant 7 : i32
          %and3A_1000 = vector.broadcast %and3A_999 : i32 to vector<16xi32>
          %and3A_1001 = arith.andi %get3A_980, %and3A_1000 : vector<16xi32>
          %shift_left3A_1002 = arith.constant 2 : i32
          %shift_left3A_1003 = vector.broadcast %shift_left3A_1002 : i32 to vector<16xi32>
          %shift_left3A_1004 = arith.shli %and3A_1001, %shift_left3A_1003 : vector<16xi32>
          %shift_right_logical3A_1005 = arith.shrui %gather3A_988, %shift_left3A_1004 : vector<16xi32>
          %and3A_1006 = arith.constant 7 : i32
          %and3A_1007 = vector.broadcast %and3A_1006 : i32 to vector<16xi32>
          %and3A_1008 = arith.andi %shift_right_logical3A_1005, %and3A_1007 : vector<16xi32>
          %eq3A_1009 = arith.constant 4 : i32
          %eq3A_1010 = vector.broadcast %eq3A_1009 : i32 to vector<16xi32>
          %eq3A_1011 = arith.cmpi eq, %and3A_998, %eq3A_1010 : vector<16xi32>
          %eq3A_1012 = arith.constant 4 : i32
          %eq3A_1013 = vector.broadcast %eq3A_1012 : i32 to vector<16xi32>
          %eq3A_1014 = arith.cmpi eq, %and3A_1008, %eq3A_1013 : vector<16xi32>
          %or3A_1015 = arith.ori %eq3A_1011, %eq3A_1014 : vector<16xi1>
          %eq3A_1016 = arith.constant 5 : i32
          %eq3A_1017 = vector.broadcast %eq3A_1016 : i32 to vector<16xi32>
          %eq3A_1018 = arith.cmpi eq, %and3A_998, %eq3A_1017 : vector<16xi32>
          %eq3A_1019 = arith.constant 5 : i32
          %eq3A_1020 = vector.broadcast %eq3A_1019 : i32 to vector<16xi32>
          %eq3A_1021 = arith.cmpi eq, %and3A_1008, %eq3A_1020 : vector<16xi32>
          %or3A_1022 = arith.ori %eq3A_1018, %eq3A_1021 : vector<16xi1>
          %jit3A_1023 = arith.constant 1.000000e+02 : f32
          %jit3A_1024 = arith.constant 0.000000e+00 : f32
          %broadcast_in_dim3A_1025 = vector.broadcast %jit3A_1023 : f32 to vector<16xf32>
          %broadcast_in_dim3A_1026 = vector.broadcast %jit3A_1024 : f32 to vector<16xf32>
          %select_n3A_1027 = arith.select %or3A_1015, %broadcast_in_dim3A_1025, %broadcast_in_dim3A_1026 : vector<16xi1>, vector<16xf32>
          %jit3A_1028 = arith.constant 5.000000e+01 : f32
          %jit3A_1029 = arith.constant 0.000000e+00 : f32
          %broadcast_in_dim3A_1030 = vector.broadcast %jit3A_1028 : f32 to vector<16xf32>
          %broadcast_in_dim3A_1031 = vector.broadcast %jit3A_1029 : f32 to vector<16xf32>
          %select_n3A_1032 = arith.select %or3A_1022, %broadcast_in_dim3A_1030, %broadcast_in_dim3A_1031 : vector<16xi1>, vector<16xf32>
          %add3A_1033 = arith.addf %select_n3A_1027, %select_n3A_1032 : vector<16xf32>
          %jit3A_1034 = arith.constant 1.000000e+02 : f32
          %jit3A_1035 = arith.constant 3.000000e+38 : f32
          %broadcast_in_dim3A_1036 = vector.broadcast %jit3A_1034 : f32 to vector<16xf32>
          %broadcast_in_dim3A_1037 = vector.broadcast %jit3A_1035 : f32 to vector<16xf32>
          %select_n3A_1038 = arith.select %or3A_1015, %broadcast_in_dim3A_1036, %broadcast_in_dim3A_1037 : vector<16xi1>, vector<16xf32>
          %broadcast_in_dim3A_1039 = arith.constant 0.000000e+00 : f32
          %broadcast_in_dim3A_1040 = vector.broadcast %broadcast_in_dim3A_1039 : f32 to vector<16xf32>
          %mul3A_1041 = arith.constant 128 : i32
          %mul3A_1042 = arith.muli %scan3A_232, %mul3A_1041 : i32
          %add3A_1043 = arith.constant 96 : i32
          %add3A_1044 = arith.addi %mul3A_1042, %add3A_1043 : i32
          %get3A_1045 = arith.constant 1 : i32
          %get3A_1046 = arith.index_cast %get3A_1045 : i32 to index
          %get3A_1047 = arith.index_cast %add3A_1044 : i32 to index
          %get3A_1048 = tpu.vector_load %arg11[%get3A_1046, %get3A_1047] {strides = array<i32>} : memref<5x2560xf32, #tpu.memory_space<vmem>>, vector<16xf32>,
          %sub3A_1049 = arith.subf %get3A_1048, %select_n3A_1038 : vector<16xf32>
          %max3A_1050 = arith.maximumf %sub3A_1049, %broadcast_in_dim3A_1040 : vector<16xf32>
          %sub3A_1051 = arith.subf %get3A_1048, %select_n3A_1027 : vector<16xf32>
          %swap3A_1052 = arith.constant 1 : i32
          %swap3A_1053 = arith.index_cast %swap3A_1052 : i32 to index
          %swap3A_1054 = arith.index_cast %add3A_1044 : i32 to index
          %swap3A_1055 = tpu.vector_load %arg11[%swap3A_1053, %swap3A_1054] {strides = array<i32>} : memref<5x2560xf32, #tpu.memory_space<vmem>>, vector<16xf32>,
          tpu.vector_store %arg11[%swap3A_1053, %swap3A_1054], %sub3A_1051 {strides = array<i32>} : memref<5x2560xf32, #tpu.memory_space<vmem>>, vector<16xf32>,
          %get3A_1056 = arith.constant 2 : i32
          %get3A_1057 = arith.index_cast %get3A_1056 : i32 to index
          %get3A_1058 = arith.index_cast %add3A_1044 : i32 to index
          %get3A_1059 = tpu.vector_load %arg11[%get3A_1057, %get3A_1058] {strides = array<i32>} : memref<5x2560xf32, #tpu.memory_space<vmem>>, vector<16xf32>,
          %sub3A_1060 = arith.subf %get3A_1059, %select_n3A_1038 : vector<16xf32>
          %max3A_1061 = arith.maximumf %sub3A_1060, %broadcast_in_dim3A_1040 : vector<16xf32>
          %add3A_1062 = arith.addf %max3A_1050, %max3A_1061 : vector<16xf32>
          %sub3A_1063 = arith.subf %get3A_1059, %add3A_1033 : vector<16xf32>
          %swap3A_1064 = arith.constant 2 : i32
          %swap3A_1065 = arith.index_cast %swap3A_1064 : i32 to index
          %swap3A_1066 = arith.index_cast %add3A_1044 : i32 to index
          %swap3A_1067 = tpu.vector_load %arg11[%swap3A_1065, %swap3A_1066] {strides = array<i32>} : memref<5x2560xf32, #tpu.memory_space<vmem>>, vector<16xf32>,
          tpu.vector_store %arg11[%swap3A_1065, %swap3A_1066], %sub3A_1063 {strides = array<i32>} : memref<5x2560xf32, #tpu.memory_space<vmem>>, vector<16xf32>,
          %get3A_1068 = arith.constant 3 : i32
          %get3A_1069 = arith.index_cast %get3A_1068 : i32 to index
          %get3A_1070 = arith.index_cast %add3A_1044 : i32 to index
          %get3A_1071 = tpu.vector_load %arg11[%get3A_1069, %get3A_1070] {strides = array<i32>} : memref<5x2560xf32, #tpu.memory_space<vmem>>, vector<16xf32>,
          %sub3A_1072 = arith.subf %get3A_1071, %select_n3A_1038 : vector<16xf32>
          %max3A_1073 = arith.maximumf %sub3A_1072, %broadcast_in_dim3A_1040 : vector<16xf32>
          %add3A_1074 = arith.addf %add3A_1062, %max3A_1073 : vector<16xf32>
          %sub3A_1075 = arith.subf %get3A_1071, %add3A_1033 : vector<16xf32>
          %swap3A_1076 = arith.constant 3 : i32
          %swap3A_1077 = arith.index_cast %swap3A_1076 : i32 to index
          %swap3A_1078 = arith.index_cast %add3A_1044 : i32 to index
          %swap3A_1079 = tpu.vector_load %arg11[%swap3A_1077, %swap3A_1078] {strides = array<i32>} : memref<5x2560xf32, #tpu.memory_space<vmem>>, vector<16xf32>,
          tpu.vector_store %arg11[%swap3A_1077, %swap3A_1078], %sub3A_1075 {strides = array<i32>} : memref<5x2560xf32, #tpu.memory_space<vmem>>, vector<16xf32>,
          %get3A_1080 = arith.constant 4 : i32
          %get3A_1081 = arith.index_cast %get3A_1080 : i32 to index
          %get3A_1082 = arith.index_cast %add3A_1044 : i32 to index
          %get3A_1083 = tpu.vector_load %arg11[%get3A_1081, %get3A_1082] {strides = array<i32>} : memref<5x2560xf32, #tpu.memory_space<vmem>>, vector<16xf32>,
          %sub3A_1084 = arith.subf %get3A_1083, %select_n3A_1038 : vector<16xf32>
          %max3A_1085 = arith.maximumf %sub3A_1084, %broadcast_in_dim3A_1040 : vector<16xf32>
          %add3A_1086 = arith.addf %add3A_1074, %max3A_1085 : vector<16xf32>
          %sub3A_1087 = arith.subf %get3A_1083, %add3A_1033 : vector<16xf32>
          %swap3A_1088 = arith.constant 4 : i32
          %swap3A_1089 = arith.index_cast %swap3A_1088 : i32 to index
          %swap3A_1090 = arith.index_cast %add3A_1044 : i32 to index
          %swap3A_1091 = tpu.vector_load %arg11[%swap3A_1089, %swap3A_1090] {strides = array<i32>} : memref<5x2560xf32, #tpu.memory_space<vmem>>, vector<16xf32>,
          tpu.vector_store %arg11[%swap3A_1089, %swap3A_1090], %sub3A_1087 {strides = array<i32>} : memref<5x2560xf32, #tpu.memory_space<vmem>>, vector<16xf32>,
          %add3A_1092 = arith.addf %add3A_968, %add3A_1086 : vector<16xf32>
          %mul3A_1093 = arith.constant 2 : i32
          %mul3A_1094 = arith.muli %mul3A_1093, %scan3A_232 : i32
          %get3A_1095 = arith.index_cast %mul3A_1094 : i32 to index
          %get3A_1096 = arith.constant 112 : index
          %get3A_1097 = tpu.vector_load %arg8[%get3A_1095, %get3A_1096] {strides = array<i32>} : memref<40x128xi32, #tpu.memory_space<vmem>>, vector<16xi32>,
          %mul3A_1098 = arith.constant 2 : i32
          %mul3A_1099 = arith.muli %mul3A_1098, %scan3A_232 : i32
          %add3A_1100 = arith.constant 1 : i32
          %add3A_1101 = arith.addi %mul3A_1099, %add3A_1100 : i32
          %get3A_1102 = arith.index_cast %add3A_1101 : i32 to index
          %get3A_1103 = arith.constant 112 : index
          %get3A_1104 = tpu.vector_load %arg8[%get3A_1102, %get3A_1103] {strides = array<i32>} : memref<40x128xi32, #tpu.memory_space<vmem>>, vector<16xi32>,
          %shift_right_logical3A_1105 = arith.constant 3 : i32
          %shift_right_logical3A_1106 = vector.broadcast %shift_right_logical3A_1105 : i32 to vector<16xi32>
          %shift_right_logical3A_1107 = arith.shrui %get3A_1097, %shift_right_logical3A_1106 : vector<16xi32>
          %gather3A_1108 = tpu.vector_load_idx %arg7[%shift_right_logical3A_1107] : memref<12500xi32, #tpu.memory_space<vmem>>[vector<16xi32>], vector<16xi32>,
          %shift_right_logical3A_1109 = arith.constant 3 : i32
          %shift_right_logical3A_1110 = vector.broadcast %shift_right_logical3A_1109 : i32 to vector<16xi32>
          %shift_right_logical3A_1111 = arith.shrui %get3A_1104, %shift_right_logical3A_1110 : vector<16xi32>
          %gather3A_1112 = tpu.vector_load_idx %arg7[%shift_right_logical3A_1111] : memref<12500xi32, #tpu.memory_space<vmem>>[vector<16xi32>], vector<16xi32>,
          %and3A_1113 = arith.constant 7 : i32
          %and3A_1114 = vector.broadcast %and3A_1113 : i32 to vector<16xi32>
          %and3A_1115 = arith.andi %get3A_1097, %and3A_1114 : vector<16xi32>
          %shift_left3A_1116 = arith.constant 2 : i32
          %shift_left3A_1117 = vector.broadcast %shift_left3A_1116 : i32 to vector<16xi32>
          %shift_left3A_1118 = arith.shli %and3A_1115, %shift_left3A_1117 : vector<16xi32>
          %shift_right_logical3A_1119 = arith.shrui %gather3A_1108, %shift_left3A_1118 : vector<16xi32>
          %and3A_1120 = arith.constant 7 : i32
          %and3A_1121 = vector.broadcast %and3A_1120 : i32 to vector<16xi32>
          %and3A_1122 = arith.andi %shift_right_logical3A_1119, %and3A_1121 : vector<16xi32>
          %and3A_1123 = arith.constant 7 : i32
          %and3A_1124 = vector.broadcast %and3A_1123 : i32 to vector<16xi32>
          %and3A_1125 = arith.andi %get3A_1104, %and3A_1124 : vector<16xi32>
          %shift_left3A_1126 = arith.constant 2 : i32
          %shift_left3A_1127 = vector.broadcast %shift_left3A_1126 : i32 to vector<16xi32>
          %shift_left3A_1128 = arith.shli %and3A_1125, %shift_left3A_1127 : vector<16xi32>
          %shift_right_logical3A_1129 = arith.shrui %gather3A_1112, %shift_left3A_1128 : vector<16xi32>
          %and3A_1130 = arith.constant 7 : i32
          %and3A_1131 = vector.broadcast %and3A_1130 : i32 to vector<16xi32>
          %and3A_1132 = arith.andi %shift_right_logical3A_1129, %and3A_1131 : vector<16xi32>
          %eq3A_1133 = arith.constant 4 : i32
          %eq3A_1134 = vector.broadcast %eq3A_1133 : i32 to vector<16xi32>
          %eq3A_1135 = arith.cmpi eq, %and3A_1122, %eq3A_1134 : vector<16xi32>
          %eq3A_1136 = arith.constant 4 : i32
          %eq3A_1137 = vector.broadcast %eq3A_1136 : i32 to vector<16xi32>
          %eq3A_1138 = arith.cmpi eq, %and3A_1132, %eq3A_1137 : vector<16xi32>
          %or3A_1139 = arith.ori %eq3A_1135, %eq3A_1138 : vector<16xi1>
          %eq3A_1140 = arith.constant 5 : i32
          %eq3A_1141 = vector.broadcast %eq3A_1140 : i32 to vector<16xi32>
          %eq3A_1142 = arith.cmpi eq, %and3A_1122, %eq3A_1141 : vector<16xi32>
          %eq3A_1143 = arith.constant 5 : i32
          %eq3A_1144 = vector.broadcast %eq3A_1143 : i32 to vector<16xi32>
          %eq3A_1145 = arith.cmpi eq, %and3A_1132, %eq3A_1144 : vector<16xi32>
          %or3A_1146 = arith.ori %eq3A_1142, %eq3A_1145 : vector<16xi1>
          %jit3A_1147 = arith.constant 1.000000e+02 : f32
          %jit3A_1148 = arith.constant 0.000000e+00 : f32
          %broadcast_in_dim3A_1149 = vector.broadcast %jit3A_1147 : f32 to vector<16xf32>
          %broadcast_in_dim3A_1150 = vector.broadcast %jit3A_1148 : f32 to vector<16xf32>
          %select_n3A_1151 = arith.select %or3A_1139, %broadcast_in_dim3A_1149, %broadcast_in_dim3A_1150 : vector<16xi1>, vector<16xf32>
          %jit3A_1152 = arith.constant 5.000000e+01 : f32
          %jit3A_1153 = arith.constant 0.000000e+00 : f32
          %broadcast_in_dim3A_1154 = vector.broadcast %jit3A_1152 : f32 to vector<16xf32>
          %broadcast_in_dim3A_1155 = vector.broadcast %jit3A_1153 : f32 to vector<16xf32>
          %select_n3A_1156 = arith.select %or3A_1146, %broadcast_in_dim3A_1154, %broadcast_in_dim3A_1155 : vector<16xi1>, vector<16xf32>
          %add3A_1157 = arith.addf %select_n3A_1151, %select_n3A_1156 : vector<16xf32>
          %jit3A_1158 = arith.constant 1.000000e+02 : f32
          %jit3A_1159 = arith.constant 3.000000e+38 : f32
          %broadcast_in_dim3A_1160 = vector.broadcast %jit3A_1158 : f32 to vector<16xf32>
          %broadcast_in_dim3A_1161 = vector.broadcast %jit3A_1159 : f32 to vector<16xf32>
          %select_n3A_1162 = arith.select %or3A_1139, %broadcast_in_dim3A_1160, %broadcast_in_dim3A_1161 : vector<16xi1>, vector<16xf32>
          %broadcast_in_dim3A_1163 = arith.constant 0.000000e+00 : f32
          %broadcast_in_dim3A_1164 = vector.broadcast %broadcast_in_dim3A_1163 : f32 to vector<16xf32>
          %mul3A_1165 = arith.constant 128 : i32
          %mul3A_1166 = arith.muli %scan3A_232, %mul3A_1165 : i32
          %add3A_1167 = arith.constant 112 : i32
          %add3A_1168 = arith.addi %mul3A_1166, %add3A_1167 : i32
          %get3A_1169 = arith.constant 1 : i32
          %get3A_1170 = arith.index_cast %get3A_1169 : i32 to index
          %get3A_1171 = arith.index_cast %add3A_1168 : i32 to index
          %get3A_1172 = tpu.vector_load %arg11[%get3A_1170, %get3A_1171] {strides = array<i32>} : memref<5x2560xf32, #tpu.memory_space<vmem>>, vector<16xf32>,
          %sub3A_1173 = arith.subf %get3A_1172, %select_n3A_1162 : vector<16xf32>
          %max3A_1174 = arith.maximumf %sub3A_1173, %broadcast_in_dim3A_1164 : vector<16xf32>
          %sub3A_1175 = arith.subf %get3A_1172, %select_n3A_1151 : vector<16xf32>
          %swap3A_1176 = arith.constant 1 : i32
          %swap3A_1177 = arith.index_cast %swap3A_1176 : i32 to index
          %swap3A_1178 = arith.index_cast %add3A_1168 : i32 to index
          %swap3A_1179 = tpu.vector_load %arg11[%swap3A_1177, %swap3A_1178] {strides = array<i32>} : memref<5x2560xf32, #tpu.memory_space<vmem>>, vector<16xf32>,
          tpu.vector_store %arg11[%swap3A_1177, %swap3A_1178], %sub3A_1175 {strides = array<i32>} : memref<5x2560xf32, #tpu.memory_space<vmem>>, vector<16xf32>,
          %get3A_1180 = arith.constant 2 : i32
          %get3A_1181 = arith.index_cast %get3A_1180 : i32 to index
          %get3A_1182 = arith.index_cast %add3A_1168 : i32 to index
          %get3A_1183 = tpu.vector_load %arg11[%get3A_1181, %get3A_1182] {strides = array<i32>} : memref<5x2560xf32, #tpu.memory_space<vmem>>, vector<16xf32>,
          %sub3A_1184 = arith.subf %get3A_1183, %select_n3A_1162 : vector<16xf32>
          %max3A_1185 = arith.maximumf %sub3A_1184, %broadcast_in_dim3A_1164 : vector<16xf32>
          %add3A_1186 = arith.addf %max3A_1174, %max3A_1185 : vector<16xf32>
          %sub3A_1187 = arith.subf %get3A_1183, %add3A_1157 : vector<16xf32>
          %swap3A_1188 = arith.constant 2 : i32
          %swap3A_1189 = arith.index_cast %swap3A_1188 : i32 to index
          %swap3A_1190 = arith.index_cast %add3A_1168 : i32 to index
          %swap3A_1191 = tpu.vector_load %arg11[%swap3A_1189, %swap3A_1190] {strides = array<i32>} : memref<5x2560xf32, #tpu.memory_space<vmem>>, vector<16xf32>,
          tpu.vector_store %arg11[%swap3A_1189, %swap3A_1190], %sub3A_1187 {strides = array<i32>} : memref<5x2560xf32, #tpu.memory_space<vmem>>, vector<16xf32>,
          %get3A_1192 = arith.constant 3 : i32
          %get3A_1193 = arith.index_cast %get3A_1192 : i32 to index
          %get3A_1194 = arith.index_cast %add3A_1168 : i32 to index
          %get3A_1195 = tpu.vector_load %arg11[%get3A_1193, %get3A_1194] {strides = array<i32>} : memref<5x2560xf32, #tpu.memory_space<vmem>>, vector<16xf32>,
          %sub3A_1196 = arith.subf %get3A_1195, %select_n3A_1162 : vector<16xf32>
          %max3A_1197 = arith.maximumf %sub3A_1196, %broadcast_in_dim3A_1164 : vector<16xf32>
          %add3A_1198 = arith.addf %add3A_1186, %max3A_1197 : vector<16xf32>
          %sub3A_1199 = arith.subf %get3A_1195, %add3A_1157 : vector<16xf32>
          %swap3A_1200 = arith.constant 3 : i32
          %swap3A_1201 = arith.index_cast %swap3A_1200 : i32 to index
          %swap3A_1202 = arith.index_cast %add3A_1168 : i32 to index
          %swap3A_1203 = tpu.vector_load %arg11[%swap3A_1201, %swap3A_1202] {strides = array<i32>} : memref<5x2560xf32, #tpu.memory_space<vmem>>, vector<16xf32>,
          tpu.vector_store %arg11[%swap3A_1201, %swap3A_1202], %sub3A_1199 {strides = array<i32>} : memref<5x2560xf32, #tpu.memory_space<vmem>>, vector<16xf32>,
          %get3A_1204 = arith.constant 4 : i32
          %get3A_1205 = arith.index_cast %get3A_1204 : i32 to index
          %get3A_1206 = arith.index_cast %add3A_1168 : i32 to index
          %get3A_1207 = tpu.vector_load %arg11[%get3A_1205, %get3A_1206] {strides = array<i32>} : memref<5x2560xf32, #tpu.memory_space<vmem>>, vector<16xf32>,
          %sub3A_1208 = arith.subf %get3A_1207, %select_n3A_1162 : vector<16xf32>
          %max3A_1209 = arith.maximumf %sub3A_1208, %broadcast_in_dim3A_1164 : vector<16xf32>
          %add3A_1210 = arith.addf %add3A_1198, %max3A_1209 : vector<16xf32>
          %sub3A_1211 = arith.subf %get3A_1207, %add3A_1157 : vector<16xf32>
          %swap3A_1212 = arith.constant 4 : i32
          %swap3A_1213 = arith.index_cast %swap3A_1212 : i32 to index
          %swap3A_1214 = arith.index_cast %add3A_1168 : i32 to index
          %swap3A_1215 = tpu.vector_load %arg11[%swap3A_1213, %swap3A_1214] {strides = array<i32>} : memref<5x2560xf32, #tpu.memory_space<vmem>>, vector<16xf32>,
          tpu.vector_store %arg11[%swap3A_1213, %swap3A_1214], %sub3A_1211 {strides = array<i32>} : memref<5x2560xf32, #tpu.memory_space<vmem>>, vector<16xf32>,
          %add3A_1216 = arith.addf %add3A_1092, %add3A_1210 : vector<16xf32>
          scf.yield %add3A_1216 : vector<16xf32>
        }
        %scan3A_231 = arith.constant 20 : i32
        scf.yield %scan3A_230 : vector<16xf32>
      } else {
        scf.yield %scan3A_20 : vector<16xf32>
      }
      %mul3A_77 = arith.constant 32 : i32
      %mul3A_78 = arith.muli %add3A_24, %mul3A_77 : i32
      %add3A_79 = arith.addi %mul3A_78, %add3A : i32
      %lt3A_80 = arith.constant 79 : i32
      %lt3A_81 = arith.cmpi slt, %add3A_24, %lt3A_80 : i32
      %lt3A_82 = arith.constant 2500 : i32
      %lt3A_83 = arith.cmpi slt, %add3A_79, %lt3A_82 : i32
      %and3A_84 = arith.andi %lt3A_81, %lt3A_83 : i1
      %convert_element_type3A_85 = arith.extui %and3A_84 : i1 to i32
      %cond3A_86 = arith.constant 0 : i32
      %cond3A_87 = arith.cmpi ne, %convert_element_type3A_85, %cond3A_86 : i32
      scf.if %cond3A_87 {
        %mul3A_226 = arith.constant 2560 : i32
        %mul3A_227 = arith.muli %add3A_79, %mul3A_226 : i32
        %dma_start3A = arith.constant 0 : i32
        %dma_start3A_228 = tpu.memref_slice %arg5[%dma_start3A, %mul3A_227] : memref<5x6400000xf32, #tpu.memory_space<hbm>> -> memref<5x2560xf32, #tpu.memory_space<hbm>>
        %dma_start3A_229 = arith.constant 0 : i32
        %dma_start3A_230 = tpu.memref_slice %arg5[%dma_start3A_229, %mul3A_227] : memref<5x6400000xf32, #tpu.memory_space<hbm>> -> memref<5x2560xf32, #tpu.memory_space<hbm>>
        tpu.enqueue_dma source(%arg11 : memref<5x2560xf32, #tpu.memory_space<vmem>>) target(%dma_start3A_230 : memref<5x2560xf32, #tpu.memory_space<hbm>>) target_semaphore(%arg18 : memref<!tpu.dma_semaphore, #tpu.memory_space<semaphore_mem>>)
      } else {
      }
      %mul3A_88 = arith.constant 3 : i32
      %mul3A_89 = arith.muli %scan3A_19, %mul3A_88 : i32
      %add3A_90 = arith.constant 1 : i32
      %add3A_91 = arith.addi %mul3A_89, %add3A_90 : i32
      %add3A_92 = arith.constant 1 : i32
      %add3A_93 = arith.addi %add3A_91, %add3A_92 : i32
      %sub3A_94 = arith.constant 3 : i32
      %sub3A_95 = arith.subi %add3A_93, %sub3A_94 : i32
      %mul3A_96 = arith.constant 32 : i32
      %mul3A_97 = arith.muli %sub3A_95, %mul3A_96 : i32
      %add3A_98 = arith.addi %mul3A_97, %add3A : i32
      %ge3A_99 = arith.constant 0 : i32
      %ge3A_100 = arith.cmpi sge, %sub3A_95, %ge3A_99 : i32
      %lt3A_101 = arith.constant 79 : i32
      %lt3A_102 = arith.cmpi slt, %sub3A_95, %lt3A_101 : i32
      %and3A_103 = arith.andi %ge3A_100, %lt3A_102 : i1
      %lt3A_104 = arith.constant 2500 : i32
      %lt3A_105 = arith.cmpi slt, %add3A_98, %lt3A_104 : i32
      %and3A_106 = arith.andi %and3A_103, %lt3A_105 : i1
      %convert_element_type3A_107 = arith.extui %and3A_106 : i1 to i32
      %cond3A_108 = arith.constant 0 : i32
      %cond3A_109 = arith.cmpi ne, %convert_element_type3A_107, %cond3A_108 : i32
      scf.if %cond3A_109 {
        %mul3A_226 = arith.constant 2560 : i32
        %mul3A_227 = arith.muli %add3A_98, %mul3A_226 : i32
        %dma_wait3A = arith.constant 0 : i32
        %dma_wait3A_228 = tpu.memref_slice %arg5[%dma_wait3A, %mul3A_227] : memref<5x6400000xf32, #tpu.memory_space<hbm>> -> memref<5x2560xf32, #tpu.memory_space<hbm>>
        %dma_wait3A_229 = arith.constant 0 : i32
        %dma_wait3A_230 = tpu.memref_slice %arg5[%dma_wait3A_229, %mul3A_227] : memref<5x6400000xf32, #tpu.memory_space<hbm>> -> memref<5x2560xf32, #tpu.memory_space<hbm>>
        tpu.wait_dma2 semaphore(%arg20 : memref<!tpu.dma_semaphore, #tpu.memory_space<semaphore_mem>>) src(%arg13 : memref<5x2560xf32, #tpu.memory_space<vmem>>) dst(%dma_wait3A_230 : memref<5x2560xf32, #tpu.memory_space<hbm>>)
      } else {
      }
      %add3A_110 = arith.constant 1 : i32
      %add3A_111 = arith.addi %add3A_91, %add3A_110 : i32
      %mul3A_112 = arith.constant 32 : i32
      %mul3A_113 = arith.muli %add3A_111, %mul3A_112 : i32
      %add3A_114 = arith.addi %mul3A_113, %add3A : i32
      %lt3A_115 = arith.constant 79 : i32
      %lt3A_116 = arith.cmpi slt, %add3A_111, %lt3A_115 : i32
      %lt3A_117 = arith.constant 2500 : i32
      %lt3A_118 = arith.cmpi slt, %add3A_114, %lt3A_117 : i32
      %and3A_119 = arith.andi %lt3A_116, %lt3A_118 : i1
      %convert_element_type3A_120 = arith.extui %and3A_119 : i1 to i32
      %cond3A_121 = arith.constant 0 : i32
      %cond3A_122 = arith.cmpi ne, %convert_element_type3A_120, %cond3A_121 : i32
      scf.if %cond3A_122 {
        %mul3A_226 = arith.constant 40 : i32
        %mul3A_227 = arith.muli %add3A_114, %mul3A_226 : i32
        %mul3A_228 = arith.constant 2560 : i32
        %mul3A_229 = arith.muli %add3A_114, %mul3A_228 : i32
        %dma_start3A = arith.constant 0 : i32
        %dma_start3A_230 = tpu.memref_slice %arg3[%mul3A_227, %dma_start3A] : memref<100000x128xi32, #tpu.memory_space<hbm>> -> memref<40x128xi32, #tpu.memory_space<hbm>>
        %dma_start3A_231 = arith.constant 0 : i32
        %dma_start3A_232 = tpu.memref_slice %arg3[%mul3A_227, %dma_start3A_231] : memref<100000x128xi32, #tpu.memory_space<hbm>> -> memref<40x128xi32, #tpu.memory_space<hbm>>
        tpu.enqueue_dma source(%dma_start3A_232 : memref<40x128xi32, #tpu.memory_space<hbm>>) target(%arg10 : memref<40x128xi32, #tpu.memory_space<vmem>>) target_semaphore(%arg17 : memref<!tpu.dma_semaphore, #tpu.memory_space<semaphore_mem>>)
        %dma_start3A_233 = arith.constant 0 : i32
        %dma_start3A_234 = tpu.memref_slice %arg2[%dma_start3A_233, %mul3A_229] : memref<5x6400000xf32, #tpu.memory_space<hbm>> -> memref<5x2560xf32, #tpu.memory_space<hbm>>
        %dma_start3A_235 = arith.constant 0 : i32
        %dma_start3A_236 = tpu.memref_slice %arg2[%dma_start3A_235, %mul3A_229] : memref<5x6400000xf32, #tpu.memory_space<hbm>> -> memref<5x2560xf32, #tpu.memory_space<hbm>>
        tpu.enqueue_dma source(%dma_start3A_236 : memref<5x2560xf32, #tpu.memory_space<hbm>>) target(%arg13 : memref<5x2560xf32, #tpu.memory_space<vmem>>) target_semaphore(%arg17 : memref<!tpu.dma_semaphore, #tpu.memory_space<semaphore_mem>>)
      } else {
      }
      %mul3A_123 = arith.constant 32 : i32
      %mul3A_124 = arith.muli %add3A_91, %mul3A_123 : i32
      %add3A_125 = arith.addi %mul3A_124, %add3A : i32
      %lt3A_126 = arith.constant 79 : i32
      %lt3A_127 = arith.cmpi slt, %add3A_91, %lt3A_126 : i32
      %lt3A_128 = arith.constant 2500 : i32
      %lt3A_129 = arith.cmpi slt, %add3A_125, %lt3A_128 : i32
      %and3A_130 = arith.andi %lt3A_127, %lt3A_129 : i1
      %convert_element_type3A_131 = arith.extui %and3A_130 : i1 to i32
      %cond3A_132 = arith.constant 0 : i32
      %cond3A_133 = arith.cmpi ne, %convert_element_type3A_131, %cond3A_132 : i32
      scf.if %cond3A_133 {
        %mul3A_226 = arith.constant 40 : i32
        %mul3A_227 = arith.muli %add3A_125, %mul3A_226 : i32
        %mul3A_228 = arith.constant 2560 : i32
        %mul3A_229 = arith.muli %add3A_125, %mul3A_228 : i32
        %dma_wait3A = arith.constant 0 : i32
        %dma_wait3A_230 = tpu.memref_slice %arg3[%mul3A_227, %dma_wait3A] : memref<100000x128xi32, #tpu.memory_space<hbm>> -> memref<40x128xi32, #tpu.memory_space<hbm>>
        %dma_wait3A_231 = arith.constant 0 : i32
        %dma_wait3A_232 = tpu.memref_slice %arg3[%mul3A_227, %dma_wait3A_231] : memref<100000x128xi32, #tpu.memory_space<hbm>> -> memref<40x128xi32, #tpu.memory_space<hbm>>
        tpu.wait_dma2 semaphore(%arg16 : memref<!tpu.dma_semaphore, #tpu.memory_space<semaphore_mem>>) src(%dma_wait3A_232 : memref<40x128xi32, #tpu.memory_space<hbm>>) dst(%arg9 : memref<40x128xi32, #tpu.memory_space<vmem>>)
        %dma_wait3A_233 = arith.constant 0 : i32
        %dma_wait3A_234 = tpu.memref_slice %arg2[%dma_wait3A_233, %mul3A_229] : memref<5x6400000xf32, #tpu.memory_space<hbm>> -> memref<5x2560xf32, #tpu.memory_space<hbm>>
        %dma_wait3A_235 = arith.constant 0 : i32
        %dma_wait3A_236 = tpu.memref_slice %arg2[%dma_wait3A_235, %mul3A_229] : memref<5x6400000xf32, #tpu.memory_space<hbm>> -> memref<5x2560xf32, #tpu.memory_space<hbm>>
        tpu.wait_dma2 semaphore(%arg16 : memref<!tpu.dma_semaphore, #tpu.memory_space<semaphore_mem>>) src(%dma_wait3A_236 : memref<5x2560xf32, #tpu.memory_space<hbm>>) dst(%arg12 : memref<5x2560xf32, #tpu.memory_space<vmem>>)
      } else {
      }
      %mul3A_134 = arith.constant 32 : i32
      %mul3A_135 = arith.muli %add3A_91, %mul3A_134 : i32
      %add3A_136 = arith.addi %mul3A_135, %add3A : i32
      %lt3A_137 = arith.constant 79 : i32
      %lt3A_138 = arith.cmpi slt, %add3A_91, %lt3A_137 : i32
      %lt3A_139 = arith.constant 2500 : i32
      %lt3A_140 = arith.cmpi slt, %add3A_136, %lt3A_139 : i32
      %and3A_141 = arith.andi %lt3A_138, %lt3A_140 : i1
      %convert_element_type3A_142 = arith.extui %and3A_141 : i1 to i32
      %cond3A_143 = arith.constant 0 : i32
      %cond3A_144 = arith.cmpi ne, %convert_element_type3A_142, %cond3A_143 : i32
      %cond3A_145 = scf.if %cond3A_144 -> (vector<16xf32>) {
        %scan3A_226 = arith.constant 0 : i32
        %scan3A_227 = arith.constant 20 : i32
        %scan3A_228 = arith.addi %scan3A_226, %scan3A_227 : i32
        %scan3A_229 = arith.constant 1 : i32
        %scan3A_230 = scf.for %scan3A_232 = %scan3A_226 to %scan3A_228 step %scan3A_229 iter_args(%scan3A_233 = %cond3A_76) -> (vector<16xf32>)  : i32 {
          %mul3A_234 = arith.constant 2 : i32
          %mul3A_235 = arith.muli %mul3A_234, %scan3A_232 : i32
          %get3A = arith.index_cast %mul3A_235 : i32 to index
          %get3A_236 = arith.constant 0 : index
          %get3A_237 = tpu.vector_load %arg9[%get3A, %get3A_236] {strides = array<i32>} : memref<40x128xi32, #tpu.memory_space<vmem>>, vector<16xi32>,
          %mul3A_238 = arith.constant 2 : i32
          %mul3A_239 = arith.muli %mul3A_238, %scan3A_232 : i32
          %add3A_240 = arith.constant 1 : i32
          %add3A_241 = arith.addi %mul3A_239, %add3A_240 : i32
          %get3A_242 = arith.index_cast %add3A_241 : i32 to index
          %get3A_243 = arith.constant 0 : index
          %get3A_244 = tpu.vector_load %arg9[%get3A_242, %get3A_243] {strides = array<i32>} : memref<40x128xi32, #tpu.memory_space<vmem>>, vector<16xi32>,
          %shift_right_logical3A = arith.constant 3 : i32
          %shift_right_logical3A_245 = vector.broadcast %shift_right_logical3A : i32 to vector<16xi32>
          %shift_right_logical3A_246 = arith.shrui %get3A_237, %shift_right_logical3A_245 : vector<16xi32>
          %gather3A = tpu.vector_load_idx %arg7[%shift_right_logical3A_246] : memref<12500xi32, #tpu.memory_space<vmem>>[vector<16xi32>], vector<16xi32>,
          %shift_right_logical3A_247 = arith.constant 3 : i32
          %shift_right_logical3A_248 = vector.broadcast %shift_right_logical3A_247 : i32 to vector<16xi32>
          %shift_right_logical3A_249 = arith.shrui %get3A_244, %shift_right_logical3A_248 : vector<16xi32>
          %gather3A_250 = tpu.vector_load_idx %arg7[%shift_right_logical3A_249] : memref<12500xi32, #tpu.memory_space<vmem>>[vector<16xi32>], vector<16xi32>,
          %and3A_251 = arith.constant 7 : i32
          %and3A_252 = vector.broadcast %and3A_251 : i32 to vector<16xi32>
          %and3A_253 = arith.andi %get3A_237, %and3A_252 : vector<16xi32>
          %shift_left3A = arith.constant 2 : i32
          %shift_left3A_254 = vector.broadcast %shift_left3A : i32 to vector<16xi32>
          %shift_left3A_255 = arith.shli %and3A_253, %shift_left3A_254 : vector<16xi32>
          %shift_right_logical3A_256 = arith.shrui %gather3A, %shift_left3A_255 : vector<16xi32>
          %and3A_257 = arith.constant 7 : i32
          %and3A_258 = vector.broadcast %and3A_257 : i32 to vector<16xi32>
          %and3A_259 = arith.andi %shift_right_logical3A_256, %and3A_258 : vector<16xi32>
          %and3A_260 = arith.constant 7 : i32
          %and3A_261 = vector.broadcast %and3A_260 : i32 to vector<16xi32>
          %and3A_262 = arith.andi %get3A_244, %and3A_261 : vector<16xi32>
          %shift_left3A_263 = arith.constant 2 : i32
          %shift_left3A_264 = vector.broadcast %shift_left3A_263 : i32 to vector<16xi32>
          %shift_left3A_265 = arith.shli %and3A_262, %shift_left3A_264 : vector<16xi32>
          %shift_right_logical3A_266 = arith.shrui %gather3A_250, %shift_left3A_265 : vector<16xi32>
          %and3A_267 = arith.constant 7 : i32
          %and3A_268 = vector.broadcast %and3A_267 : i32 to vector<16xi32>
          %and3A_269 = arith.andi %shift_right_logical3A_266, %and3A_268 : vector<16xi32>
          %eq3A = arith.constant 4 : i32
          %eq3A_270 = vector.broadcast %eq3A : i32 to vector<16xi32>
          %eq3A_271 = arith.cmpi eq, %and3A_259, %eq3A_270 : vector<16xi32>
          %eq3A_272 = arith.constant 4 : i32
          %eq3A_273 = vector.broadcast %eq3A_272 : i32 to vector<16xi32>
          %eq3A_274 = arith.cmpi eq, %and3A_269, %eq3A_273 : vector<16xi32>
          %or3A = arith.ori %eq3A_271, %eq3A_274 : vector<16xi1>
          %eq3A_275 = arith.constant 5 : i32
          %eq3A_276 = vector.broadcast %eq3A_275 : i32 to vector<16xi32>
          %eq3A_277 = arith.cmpi eq, %and3A_259, %eq3A_276 : vector<16xi32>
          %eq3A_278 = arith.constant 5 : i32
          %eq3A_279 = vector.broadcast %eq3A_278 : i32 to vector<16xi32>
          %eq3A_280 = arith.cmpi eq, %and3A_269, %eq3A_279 : vector<16xi32>
          %or3A_281 = arith.ori %eq3A_277, %eq3A_280 : vector<16xi1>
          %jit3A = arith.constant 1.000000e+02 : f32
          %jit3A_282 = arith.constant 0.000000e+00 : f32
          %broadcast_in_dim3A_283 = vector.broadcast %jit3A : f32 to vector<16xf32>
          %broadcast_in_dim3A_284 = vector.broadcast %jit3A_282 : f32 to vector<16xf32>
          %select_n3A = arith.select %or3A, %broadcast_in_dim3A_283, %broadcast_in_dim3A_284 : vector<16xi1>, vector<16xf32>
          %jit3A_285 = arith.constant 5.000000e+01 : f32
          %jit3A_286 = arith.constant 0.000000e+00 : f32
          %broadcast_in_dim3A_287 = vector.broadcast %jit3A_285 : f32 to vector<16xf32>
          %broadcast_in_dim3A_288 = vector.broadcast %jit3A_286 : f32 to vector<16xf32>
          %select_n3A_289 = arith.select %or3A_281, %broadcast_in_dim3A_287, %broadcast_in_dim3A_288 : vector<16xi1>, vector<16xf32>
          %add3A_290 = arith.addf %select_n3A, %select_n3A_289 : vector<16xf32>
          %jit3A_291 = arith.constant 1.000000e+02 : f32
          %jit3A_292 = arith.constant 3.000000e+38 : f32
          %broadcast_in_dim3A_293 = vector.broadcast %jit3A_291 : f32 to vector<16xf32>
          %broadcast_in_dim3A_294 = vector.broadcast %jit3A_292 : f32 to vector<16xf32>
          %select_n3A_295 = arith.select %or3A, %broadcast_in_dim3A_293, %broadcast_in_dim3A_294 : vector<16xi1>, vector<16xf32>
          %broadcast_in_dim3A_296 = arith.constant 0.000000e+00 : f32
          %broadcast_in_dim3A_297 = vector.broadcast %broadcast_in_dim3A_296 : f32 to vector<16xf32>
          %mul3A_298 = arith.constant 128 : i32
          %mul3A_299 = arith.muli %scan3A_232, %mul3A_298 : i32
          %add3A_300 = arith.constant 0 : i32
          %add3A_301 = arith.addi %mul3A_299, %add3A_300 : i32
          %get3A_302 = arith.constant 1 : i32
          %get3A_303 = arith.index_cast %get3A_302 : i32 to index
          %get3A_304 = arith.index_cast %add3A_301 : i32 to index
          %get3A_305 = tpu.vector_load %arg12[%get3A_303, %get3A_304] {strides = array<i32>} : memref<5x2560xf32, #tpu.memory_space<vmem>>, vector<16xf32>,
          %sub3A_306 = arith.subf %get3A_305, %select_n3A_295 : vector<16xf32>
          %max3A = arith.maximumf %sub3A_306, %broadcast_in_dim3A_297 : vector<16xf32>
          %sub3A_307 = arith.subf %get3A_305, %select_n3A : vector<16xf32>
          %swap3A_308 = arith.constant 1 : i32
          %swap3A_309 = arith.index_cast %swap3A_308 : i32 to index
          %swap3A_310 = arith.index_cast %add3A_301 : i32 to index
          %swap3A_311 = tpu.vector_load %arg12[%swap3A_309, %swap3A_310] {strides = array<i32>} : memref<5x2560xf32, #tpu.memory_space<vmem>>, vector<16xf32>,
          tpu.vector_store %arg12[%swap3A_309, %swap3A_310], %sub3A_307 {strides = array<i32>} : memref<5x2560xf32, #tpu.memory_space<vmem>>, vector<16xf32>,
          %get3A_312 = arith.constant 2 : i32
          %get3A_313 = arith.index_cast %get3A_312 : i32 to index
          %get3A_314 = arith.index_cast %add3A_301 : i32 to index
          %get3A_315 = tpu.vector_load %arg12[%get3A_313, %get3A_314] {strides = array<i32>} : memref<5x2560xf32, #tpu.memory_space<vmem>>, vector<16xf32>,
          %sub3A_316 = arith.subf %get3A_315, %select_n3A_295 : vector<16xf32>
          %max3A_317 = arith.maximumf %sub3A_316, %broadcast_in_dim3A_297 : vector<16xf32>
          %add3A_318 = arith.addf %max3A, %max3A_317 : vector<16xf32>
          %sub3A_319 = arith.subf %get3A_315, %add3A_290 : vector<16xf32>
          %swap3A_320 = arith.constant 2 : i32
          %swap3A_321 = arith.index_cast %swap3A_320 : i32 to index
          %swap3A_322 = arith.index_cast %add3A_301 : i32 to index
          %swap3A_323 = tpu.vector_load %arg12[%swap3A_321, %swap3A_322] {strides = array<i32>} : memref<5x2560xf32, #tpu.memory_space<vmem>>, vector<16xf32>,
          tpu.vector_store %arg12[%swap3A_321, %swap3A_322], %sub3A_319 {strides = array<i32>} : memref<5x2560xf32, #tpu.memory_space<vmem>>, vector<16xf32>,
          %get3A_324 = arith.constant 3 : i32
          %get3A_325 = arith.index_cast %get3A_324 : i32 to index
          %get3A_326 = arith.index_cast %add3A_301 : i32 to index
          %get3A_327 = tpu.vector_load %arg12[%get3A_325, %get3A_326] {strides = array<i32>} : memref<5x2560xf32, #tpu.memory_space<vmem>>, vector<16xf32>,
          %sub3A_328 = arith.subf %get3A_327, %select_n3A_295 : vector<16xf32>
          %max3A_329 = arith.maximumf %sub3A_328, %broadcast_in_dim3A_297 : vector<16xf32>
          %add3A_330 = arith.addf %add3A_318, %max3A_329 : vector<16xf32>
          %sub3A_331 = arith.subf %get3A_327, %add3A_290 : vector<16xf32>
          %swap3A_332 = arith.constant 3 : i32
          %swap3A_333 = arith.index_cast %swap3A_332 : i32 to index
          %swap3A_334 = arith.index_cast %add3A_301 : i32 to index
          %swap3A_335 = tpu.vector_load %arg12[%swap3A_333, %swap3A_334] {strides = array<i32>} : memref<5x2560xf32, #tpu.memory_space<vmem>>, vector<16xf32>,
          tpu.vector_store %arg12[%swap3A_333, %swap3A_334], %sub3A_331 {strides = array<i32>} : memref<5x2560xf32, #tpu.memory_space<vmem>>, vector<16xf32>,
          %get3A_336 = arith.constant 4 : i32
          %get3A_337 = arith.index_cast %get3A_336 : i32 to index
          %get3A_338 = arith.index_cast %add3A_301 : i32 to index
          %get3A_339 = tpu.vector_load %arg12[%get3A_337, %get3A_338] {strides = array<i32>} : memref<5x2560xf32, #tpu.memory_space<vmem>>, vector<16xf32>,
          %sub3A_340 = arith.subf %get3A_339, %select_n3A_295 : vector<16xf32>
          %max3A_341 = arith.maximumf %sub3A_340, %broadcast_in_dim3A_297 : vector<16xf32>
          %add3A_342 = arith.addf %add3A_330, %max3A_341 : vector<16xf32>
          %sub3A_343 = arith.subf %get3A_339, %add3A_290 : vector<16xf32>
          %swap3A_344 = arith.constant 4 : i32
          %swap3A_345 = arith.index_cast %swap3A_344 : i32 to index
          %swap3A_346 = arith.index_cast %add3A_301 : i32 to index
          %swap3A_347 = tpu.vector_load %arg12[%swap3A_345, %swap3A_346] {strides = array<i32>} : memref<5x2560xf32, #tpu.memory_space<vmem>>, vector<16xf32>,
          tpu.vector_store %arg12[%swap3A_345, %swap3A_346], %sub3A_343 {strides = array<i32>} : memref<5x2560xf32, #tpu.memory_space<vmem>>, vector<16xf32>,
          %add3A_348 = arith.addf %scan3A_233, %add3A_342 : vector<16xf32>
          %mul3A_349 = arith.constant 2 : i32
          %mul3A_350 = arith.muli %mul3A_349, %scan3A_232 : i32
          %get3A_351 = arith.index_cast %mul3A_350 : i32 to index
          %get3A_352 = arith.constant 16 : index
          %get3A_353 = tpu.vector_load %arg9[%get3A_351, %get3A_352] {strides = array<i32>} : memref<40x128xi32, #tpu.memory_space<vmem>>, vector<16xi32>,
          %mul3A_354 = arith.constant 2 : i32
          %mul3A_355 = arith.muli %mul3A_354, %scan3A_232 : i32
          %add3A_356 = arith.constant 1 : i32
          %add3A_357 = arith.addi %mul3A_355, %add3A_356 : i32
          %get3A_358 = arith.index_cast %add3A_357 : i32 to index
          %get3A_359 = arith.constant 16 : index
          %get3A_360 = tpu.vector_load %arg9[%get3A_358, %get3A_359] {strides = array<i32>} : memref<40x128xi32, #tpu.memory_space<vmem>>, vector<16xi32>,
          %shift_right_logical3A_361 = arith.constant 3 : i32
          %shift_right_logical3A_362 = vector.broadcast %shift_right_logical3A_361 : i32 to vector<16xi32>
          %shift_right_logical3A_363 = arith.shrui %get3A_353, %shift_right_logical3A_362 : vector<16xi32>
          %gather3A_364 = tpu.vector_load_idx %arg7[%shift_right_logical3A_363] : memref<12500xi32, #tpu.memory_space<vmem>>[vector<16xi32>], vector<16xi32>,
          %shift_right_logical3A_365 = arith.constant 3 : i32
          %shift_right_logical3A_366 = vector.broadcast %shift_right_logical3A_365 : i32 to vector<16xi32>
          %shift_right_logical3A_367 = arith.shrui %get3A_360, %shift_right_logical3A_366 : vector<16xi32>
          %gather3A_368 = tpu.vector_load_idx %arg7[%shift_right_logical3A_367] : memref<12500xi32, #tpu.memory_space<vmem>>[vector<16xi32>], vector<16xi32>,
          %and3A_369 = arith.constant 7 : i32
          %and3A_370 = vector.broadcast %and3A_369 : i32 to vector<16xi32>
          %and3A_371 = arith.andi %get3A_353, %and3A_370 : vector<16xi32>
          %shift_left3A_372 = arith.constant 2 : i32
          %shift_left3A_373 = vector.broadcast %shift_left3A_372 : i32 to vector<16xi32>
          %shift_left3A_374 = arith.shli %and3A_371, %shift_left3A_373 : vector<16xi32>
          %shift_right_logical3A_375 = arith.shrui %gather3A_364, %shift_left3A_374 : vector<16xi32>
          %and3A_376 = arith.constant 7 : i32
          %and3A_377 = vector.broadcast %and3A_376 : i32 to vector<16xi32>
          %and3A_378 = arith.andi %shift_right_logical3A_375, %and3A_377 : vector<16xi32>
          %and3A_379 = arith.constant 7 : i32
          %and3A_380 = vector.broadcast %and3A_379 : i32 to vector<16xi32>
          %and3A_381 = arith.andi %get3A_360, %and3A_380 : vector<16xi32>
          %shift_left3A_382 = arith.constant 2 : i32
          %shift_left3A_383 = vector.broadcast %shift_left3A_382 : i32 to vector<16xi32>
          %shift_left3A_384 = arith.shli %and3A_381, %shift_left3A_383 : vector<16xi32>
          %shift_right_logical3A_385 = arith.shrui %gather3A_368, %shift_left3A_384 : vector<16xi32>
          %and3A_386 = arith.constant 7 : i32
          %and3A_387 = vector.broadcast %and3A_386 : i32 to vector<16xi32>
          %and3A_388 = arith.andi %shift_right_logical3A_385, %and3A_387 : vector<16xi32>
          %eq3A_389 = arith.constant 4 : i32
          %eq3A_390 = vector.broadcast %eq3A_389 : i32 to vector<16xi32>
          %eq3A_391 = arith.cmpi eq, %and3A_378, %eq3A_390 : vector<16xi32>
          %eq3A_392 = arith.constant 4 : i32
          %eq3A_393 = vector.broadcast %eq3A_392 : i32 to vector<16xi32>
          %eq3A_394 = arith.cmpi eq, %and3A_388, %eq3A_393 : vector<16xi32>
          %or3A_395 = arith.ori %eq3A_391, %eq3A_394 : vector<16xi1>
          %eq3A_396 = arith.constant 5 : i32
          %eq3A_397 = vector.broadcast %eq3A_396 : i32 to vector<16xi32>
          %eq3A_398 = arith.cmpi eq, %and3A_378, %eq3A_397 : vector<16xi32>
          %eq3A_399 = arith.constant 5 : i32
          %eq3A_400 = vector.broadcast %eq3A_399 : i32 to vector<16xi32>
          %eq3A_401 = arith.cmpi eq, %and3A_388, %eq3A_400 : vector<16xi32>
          %or3A_402 = arith.ori %eq3A_398, %eq3A_401 : vector<16xi1>
          %jit3A_403 = arith.constant 1.000000e+02 : f32
          %jit3A_404 = arith.constant 0.000000e+00 : f32
          %broadcast_in_dim3A_405 = vector.broadcast %jit3A_403 : f32 to vector<16xf32>
          %broadcast_in_dim3A_406 = vector.broadcast %jit3A_404 : f32 to vector<16xf32>
          %select_n3A_407 = arith.select %or3A_395, %broadcast_in_dim3A_405, %broadcast_in_dim3A_406 : vector<16xi1>, vector<16xf32>
          %jit3A_408 = arith.constant 5.000000e+01 : f32
          %jit3A_409 = arith.constant 0.000000e+00 : f32
          %broadcast_in_dim3A_410 = vector.broadcast %jit3A_408 : f32 to vector<16xf32>
          %broadcast_in_dim3A_411 = vector.broadcast %jit3A_409 : f32 to vector<16xf32>
          %select_n3A_412 = arith.select %or3A_402, %broadcast_in_dim3A_410, %broadcast_in_dim3A_411 : vector<16xi1>, vector<16xf32>
          %add3A_413 = arith.addf %select_n3A_407, %select_n3A_412 : vector<16xf32>
          %jit3A_414 = arith.constant 1.000000e+02 : f32
          %jit3A_415 = arith.constant 3.000000e+38 : f32
          %broadcast_in_dim3A_416 = vector.broadcast %jit3A_414 : f32 to vector<16xf32>
          %broadcast_in_dim3A_417 = vector.broadcast %jit3A_415 : f32 to vector<16xf32>
          %select_n3A_418 = arith.select %or3A_395, %broadcast_in_dim3A_416, %broadcast_in_dim3A_417 : vector<16xi1>, vector<16xf32>
          %broadcast_in_dim3A_419 = arith.constant 0.000000e+00 : f32
          %broadcast_in_dim3A_420 = vector.broadcast %broadcast_in_dim3A_419 : f32 to vector<16xf32>
          %mul3A_421 = arith.constant 128 : i32
          %mul3A_422 = arith.muli %scan3A_232, %mul3A_421 : i32
          %add3A_423 = arith.constant 16 : i32
          %add3A_424 = arith.addi %mul3A_422, %add3A_423 : i32
          %get3A_425 = arith.constant 1 : i32
          %get3A_426 = arith.index_cast %get3A_425 : i32 to index
          %get3A_427 = arith.index_cast %add3A_424 : i32 to index
          %get3A_428 = tpu.vector_load %arg12[%get3A_426, %get3A_427] {strides = array<i32>} : memref<5x2560xf32, #tpu.memory_space<vmem>>, vector<16xf32>,
          %sub3A_429 = arith.subf %get3A_428, %select_n3A_418 : vector<16xf32>
          %max3A_430 = arith.maximumf %sub3A_429, %broadcast_in_dim3A_420 : vector<16xf32>
          %sub3A_431 = arith.subf %get3A_428, %select_n3A_407 : vector<16xf32>
          %swap3A_432 = arith.constant 1 : i32
          %swap3A_433 = arith.index_cast %swap3A_432 : i32 to index
          %swap3A_434 = arith.index_cast %add3A_424 : i32 to index
          %swap3A_435 = tpu.vector_load %arg12[%swap3A_433, %swap3A_434] {strides = array<i32>} : memref<5x2560xf32, #tpu.memory_space<vmem>>, vector<16xf32>,
          tpu.vector_store %arg12[%swap3A_433, %swap3A_434], %sub3A_431 {strides = array<i32>} : memref<5x2560xf32, #tpu.memory_space<vmem>>, vector<16xf32>,
          %get3A_436 = arith.constant 2 : i32
          %get3A_437 = arith.index_cast %get3A_436 : i32 to index
          %get3A_438 = arith.index_cast %add3A_424 : i32 to index
          %get3A_439 = tpu.vector_load %arg12[%get3A_437, %get3A_438] {strides = array<i32>} : memref<5x2560xf32, #tpu.memory_space<vmem>>, vector<16xf32>,
          %sub3A_440 = arith.subf %get3A_439, %select_n3A_418 : vector<16xf32>
          %max3A_441 = arith.maximumf %sub3A_440, %broadcast_in_dim3A_420 : vector<16xf32>
          %add3A_442 = arith.addf %max3A_430, %max3A_441 : vector<16xf32>
          %sub3A_443 = arith.subf %get3A_439, %add3A_413 : vector<16xf32>
          %swap3A_444 = arith.constant 2 : i32
          %swap3A_445 = arith.index_cast %swap3A_444 : i32 to index
          %swap3A_446 = arith.index_cast %add3A_424 : i32 to index
          %swap3A_447 = tpu.vector_load %arg12[%swap3A_445, %swap3A_446] {strides = array<i32>} : memref<5x2560xf32, #tpu.memory_space<vmem>>, vector<16xf32>,
          tpu.vector_store %arg12[%swap3A_445, %swap3A_446], %sub3A_443 {strides = array<i32>} : memref<5x2560xf32, #tpu.memory_space<vmem>>, vector<16xf32>,
          %get3A_448 = arith.constant 3 : i32
          %get3A_449 = arith.index_cast %get3A_448 : i32 to index
          %get3A_450 = arith.index_cast %add3A_424 : i32 to index
          %get3A_451 = tpu.vector_load %arg12[%get3A_449, %get3A_450] {strides = array<i32>} : memref<5x2560xf32, #tpu.memory_space<vmem>>, vector<16xf32>,
          %sub3A_452 = arith.subf %get3A_451, %select_n3A_418 : vector<16xf32>
          %max3A_453 = arith.maximumf %sub3A_452, %broadcast_in_dim3A_420 : vector<16xf32>
          %add3A_454 = arith.addf %add3A_442, %max3A_453 : vector<16xf32>
          %sub3A_455 = arith.subf %get3A_451, %add3A_413 : vector<16xf32>
          %swap3A_456 = arith.constant 3 : i32
          %swap3A_457 = arith.index_cast %swap3A_456 : i32 to index
          %swap3A_458 = arith.index_cast %add3A_424 : i32 to index
          %swap3A_459 = tpu.vector_load %arg12[%swap3A_457, %swap3A_458] {strides = array<i32>} : memref<5x2560xf32, #tpu.memory_space<vmem>>, vector<16xf32>,
          tpu.vector_store %arg12[%swap3A_457, %swap3A_458], %sub3A_455 {strides = array<i32>} : memref<5x2560xf32, #tpu.memory_space<vmem>>, vector<16xf32>,
          %get3A_460 = arith.constant 4 : i32
          %get3A_461 = arith.index_cast %get3A_460 : i32 to index
          %get3A_462 = arith.index_cast %add3A_424 : i32 to index
          %get3A_463 = tpu.vector_load %arg12[%get3A_461, %get3A_462] {strides = array<i32>} : memref<5x2560xf32, #tpu.memory_space<vmem>>, vector<16xf32>,
          %sub3A_464 = arith.subf %get3A_463, %select_n3A_418 : vector<16xf32>
          %max3A_465 = arith.maximumf %sub3A_464, %broadcast_in_dim3A_420 : vector<16xf32>
          %add3A_466 = arith.addf %add3A_454, %max3A_465 : vector<16xf32>
          %sub3A_467 = arith.subf %get3A_463, %add3A_413 : vector<16xf32>
          %swap3A_468 = arith.constant 4 : i32
          %swap3A_469 = arith.index_cast %swap3A_468 : i32 to index
          %swap3A_470 = arith.index_cast %add3A_424 : i32 to index
          %swap3A_471 = tpu.vector_load %arg12[%swap3A_469, %swap3A_470] {strides = array<i32>} : memref<5x2560xf32, #tpu.memory_space<vmem>>, vector<16xf32>,
          tpu.vector_store %arg12[%swap3A_469, %swap3A_470], %sub3A_467 {strides = array<i32>} : memref<5x2560xf32, #tpu.memory_space<vmem>>, vector<16xf32>,
          %add3A_472 = arith.addf %add3A_348, %add3A_466 : vector<16xf32>
          %mul3A_473 = arith.constant 2 : i32
          %mul3A_474 = arith.muli %mul3A_473, %scan3A_232 : i32
          %get3A_475 = arith.index_cast %mul3A_474 : i32 to index
          %get3A_476 = arith.constant 32 : index
          %get3A_477 = tpu.vector_load %arg9[%get3A_475, %get3A_476] {strides = array<i32>} : memref<40x128xi32, #tpu.memory_space<vmem>>, vector<16xi32>,
          %mul3A_478 = arith.constant 2 : i32
          %mul3A_479 = arith.muli %mul3A_478, %scan3A_232 : i32
          %add3A_480 = arith.constant 1 : i32
          %add3A_481 = arith.addi %mul3A_479, %add3A_480 : i32
          %get3A_482 = arith.index_cast %add3A_481 : i32 to index
          %get3A_483 = arith.constant 32 : index
          %get3A_484 = tpu.vector_load %arg9[%get3A_482, %get3A_483] {strides = array<i32>} : memref<40x128xi32, #tpu.memory_space<vmem>>, vector<16xi32>,
          %shift_right_logical3A_485 = arith.constant 3 : i32
          %shift_right_logical3A_486 = vector.broadcast %shift_right_logical3A_485 : i32 to vector<16xi32>
          %shift_right_logical3A_487 = arith.shrui %get3A_477, %shift_right_logical3A_486 : vector<16xi32>
          %gather3A_488 = tpu.vector_load_idx %arg7[%shift_right_logical3A_487] : memref<12500xi32, #tpu.memory_space<vmem>>[vector<16xi32>], vector<16xi32>,
          %shift_right_logical3A_489 = arith.constant 3 : i32
          %shift_right_logical3A_490 = vector.broadcast %shift_right_logical3A_489 : i32 to vector<16xi32>
          %shift_right_logical3A_491 = arith.shrui %get3A_484, %shift_right_logical3A_490 : vector<16xi32>
          %gather3A_492 = tpu.vector_load_idx %arg7[%shift_right_logical3A_491] : memref<12500xi32, #tpu.memory_space<vmem>>[vector<16xi32>], vector<16xi32>,
          %and3A_493 = arith.constant 7 : i32
          %and3A_494 = vector.broadcast %and3A_493 : i32 to vector<16xi32>
          %and3A_495 = arith.andi %get3A_477, %and3A_494 : vector<16xi32>
          %shift_left3A_496 = arith.constant 2 : i32
          %shift_left3A_497 = vector.broadcast %shift_left3A_496 : i32 to vector<16xi32>
          %shift_left3A_498 = arith.shli %and3A_495, %shift_left3A_497 : vector<16xi32>
          %shift_right_logical3A_499 = arith.shrui %gather3A_488, %shift_left3A_498 : vector<16xi32>
          %and3A_500 = arith.constant 7 : i32
          %and3A_501 = vector.broadcast %and3A_500 : i32 to vector<16xi32>
          %and3A_502 = arith.andi %shift_right_logical3A_499, %and3A_501 : vector<16xi32>
          %and3A_503 = arith.constant 7 : i32
          %and3A_504 = vector.broadcast %and3A_503 : i32 to vector<16xi32>
          %and3A_505 = arith.andi %get3A_484, %and3A_504 : vector<16xi32>
          %shift_left3A_506 = arith.constant 2 : i32
          %shift_left3A_507 = vector.broadcast %shift_left3A_506 : i32 to vector<16xi32>
          %shift_left3A_508 = arith.shli %and3A_505, %shift_left3A_507 : vector<16xi32>
          %shift_right_logical3A_509 = arith.shrui %gather3A_492, %shift_left3A_508 : vector<16xi32>
          %and3A_510 = arith.constant 7 : i32
          %and3A_511 = vector.broadcast %and3A_510 : i32 to vector<16xi32>
          %and3A_512 = arith.andi %shift_right_logical3A_509, %and3A_511 : vector<16xi32>
          %eq3A_513 = arith.constant 4 : i32
          %eq3A_514 = vector.broadcast %eq3A_513 : i32 to vector<16xi32>
          %eq3A_515 = arith.cmpi eq, %and3A_502, %eq3A_514 : vector<16xi32>
          %eq3A_516 = arith.constant 4 : i32
          %eq3A_517 = vector.broadcast %eq3A_516 : i32 to vector<16xi32>
          %eq3A_518 = arith.cmpi eq, %and3A_512, %eq3A_517 : vector<16xi32>
          %or3A_519 = arith.ori %eq3A_515, %eq3A_518 : vector<16xi1>
          %eq3A_520 = arith.constant 5 : i32
          %eq3A_521 = vector.broadcast %eq3A_520 : i32 to vector<16xi32>
          %eq3A_522 = arith.cmpi eq, %and3A_502, %eq3A_521 : vector<16xi32>
          %eq3A_523 = arith.constant 5 : i32
          %eq3A_524 = vector.broadcast %eq3A_523 : i32 to vector<16xi32>
          %eq3A_525 = arith.cmpi eq, %and3A_512, %eq3A_524 : vector<16xi32>
          %or3A_526 = arith.ori %eq3A_522, %eq3A_525 : vector<16xi1>
          %jit3A_527 = arith.constant 1.000000e+02 : f32
          %jit3A_528 = arith.constant 0.000000e+00 : f32
          %broadcast_in_dim3A_529 = vector.broadcast %jit3A_527 : f32 to vector<16xf32>
          %broadcast_in_dim3A_530 = vector.broadcast %jit3A_528 : f32 to vector<16xf32>
          %select_n3A_531 = arith.select %or3A_519, %broadcast_in_dim3A_529, %broadcast_in_dim3A_530 : vector<16xi1>, vector<16xf32>
          %jit3A_532 = arith.constant 5.000000e+01 : f32
          %jit3A_533 = arith.constant 0.000000e+00 : f32
          %broadcast_in_dim3A_534 = vector.broadcast %jit3A_532 : f32 to vector<16xf32>
          %broadcast_in_dim3A_535 = vector.broadcast %jit3A_533 : f32 to vector<16xf32>
          %select_n3A_536 = arith.select %or3A_526, %broadcast_in_dim3A_534, %broadcast_in_dim3A_535 : vector<16xi1>, vector<16xf32>
          %add3A_537 = arith.addf %select_n3A_531, %select_n3A_536 : vector<16xf32>
          %jit3A_538 = arith.constant 1.000000e+02 : f32
          %jit3A_539 = arith.constant 3.000000e+38 : f32
          %broadcast_in_dim3A_540 = vector.broadcast %jit3A_538 : f32 to vector<16xf32>
          %broadcast_in_dim3A_541 = vector.broadcast %jit3A_539 : f32 to vector<16xf32>
          %select_n3A_542 = arith.select %or3A_519, %broadcast_in_dim3A_540, %broadcast_in_dim3A_541 : vector<16xi1>, vector<16xf32>
          %broadcast_in_dim3A_543 = arith.constant 0.000000e+00 : f32
          %broadcast_in_dim3A_544 = vector.broadcast %broadcast_in_dim3A_543 : f32 to vector<16xf32>
          %mul3A_545 = arith.constant 128 : i32
          %mul3A_546 = arith.muli %scan3A_232, %mul3A_545 : i32
          %add3A_547 = arith.constant 32 : i32
          %add3A_548 = arith.addi %mul3A_546, %add3A_547 : i32
          %get3A_549 = arith.constant 1 : i32
          %get3A_550 = arith.index_cast %get3A_549 : i32 to index
          %get3A_551 = arith.index_cast %add3A_548 : i32 to index
          %get3A_552 = tpu.vector_load %arg12[%get3A_550, %get3A_551] {strides = array<i32>} : memref<5x2560xf32, #tpu.memory_space<vmem>>, vector<16xf32>,
          %sub3A_553 = arith.subf %get3A_552, %select_n3A_542 : vector<16xf32>
          %max3A_554 = arith.maximumf %sub3A_553, %broadcast_in_dim3A_544 : vector<16xf32>
          %sub3A_555 = arith.subf %get3A_552, %select_n3A_531 : vector<16xf32>
          %swap3A_556 = arith.constant 1 : i32
          %swap3A_557 = arith.index_cast %swap3A_556 : i32 to index
          %swap3A_558 = arith.index_cast %add3A_548 : i32 to index
          %swap3A_559 = tpu.vector_load %arg12[%swap3A_557, %swap3A_558] {strides = array<i32>} : memref<5x2560xf32, #tpu.memory_space<vmem>>, vector<16xf32>,
          tpu.vector_store %arg12[%swap3A_557, %swap3A_558], %sub3A_555 {strides = array<i32>} : memref<5x2560xf32, #tpu.memory_space<vmem>>, vector<16xf32>,
          %get3A_560 = arith.constant 2 : i32
          %get3A_561 = arith.index_cast %get3A_560 : i32 to index
          %get3A_562 = arith.index_cast %add3A_548 : i32 to index
          %get3A_563 = tpu.vector_load %arg12[%get3A_561, %get3A_562] {strides = array<i32>} : memref<5x2560xf32, #tpu.memory_space<vmem>>, vector<16xf32>,
          %sub3A_564 = arith.subf %get3A_563, %select_n3A_542 : vector<16xf32>
          %max3A_565 = arith.maximumf %sub3A_564, %broadcast_in_dim3A_544 : vector<16xf32>
          %add3A_566 = arith.addf %max3A_554, %max3A_565 : vector<16xf32>
          %sub3A_567 = arith.subf %get3A_563, %add3A_537 : vector<16xf32>
          %swap3A_568 = arith.constant 2 : i32
          %swap3A_569 = arith.index_cast %swap3A_568 : i32 to index
          %swap3A_570 = arith.index_cast %add3A_548 : i32 to index
          %swap3A_571 = tpu.vector_load %arg12[%swap3A_569, %swap3A_570] {strides = array<i32>} : memref<5x2560xf32, #tpu.memory_space<vmem>>, vector<16xf32>,
          tpu.vector_store %arg12[%swap3A_569, %swap3A_570], %sub3A_567 {strides = array<i32>} : memref<5x2560xf32, #tpu.memory_space<vmem>>, vector<16xf32>,
          %get3A_572 = arith.constant 3 : i32
          %get3A_573 = arith.index_cast %get3A_572 : i32 to index
          %get3A_574 = arith.index_cast %add3A_548 : i32 to index
          %get3A_575 = tpu.vector_load %arg12[%get3A_573, %get3A_574] {strides = array<i32>} : memref<5x2560xf32, #tpu.memory_space<vmem>>, vector<16xf32>,
          %sub3A_576 = arith.subf %get3A_575, %select_n3A_542 : vector<16xf32>
          %max3A_577 = arith.maximumf %sub3A_576, %broadcast_in_dim3A_544 : vector<16xf32>
          %add3A_578 = arith.addf %add3A_566, %max3A_577 : vector<16xf32>
          %sub3A_579 = arith.subf %get3A_575, %add3A_537 : vector<16xf32>
          %swap3A_580 = arith.constant 3 : i32
          %swap3A_581 = arith.index_cast %swap3A_580 : i32 to index
          %swap3A_582 = arith.index_cast %add3A_548 : i32 to index
          %swap3A_583 = tpu.vector_load %arg12[%swap3A_581, %swap3A_582] {strides = array<i32>} : memref<5x2560xf32, #tpu.memory_space<vmem>>, vector<16xf32>,
          tpu.vector_store %arg12[%swap3A_581, %swap3A_582], %sub3A_579 {strides = array<i32>} : memref<5x2560xf32, #tpu.memory_space<vmem>>, vector<16xf32>,
          %get3A_584 = arith.constant 4 : i32
          %get3A_585 = arith.index_cast %get3A_584 : i32 to index
          %get3A_586 = arith.index_cast %add3A_548 : i32 to index
          %get3A_587 = tpu.vector_load %arg12[%get3A_585, %get3A_586] {strides = array<i32>} : memref<5x2560xf32, #tpu.memory_space<vmem>>, vector<16xf32>,
          %sub3A_588 = arith.subf %get3A_587, %select_n3A_542 : vector<16xf32>
          %max3A_589 = arith.maximumf %sub3A_588, %broadcast_in_dim3A_544 : vector<16xf32>
          %add3A_590 = arith.addf %add3A_578, %max3A_589 : vector<16xf32>
          %sub3A_591 = arith.subf %get3A_587, %add3A_537 : vector<16xf32>
          %swap3A_592 = arith.constant 4 : i32
          %swap3A_593 = arith.index_cast %swap3A_592 : i32 to index
          %swap3A_594 = arith.index_cast %add3A_548 : i32 to index
          %swap3A_595 = tpu.vector_load %arg12[%swap3A_593, %swap3A_594] {strides = array<i32>} : memref<5x2560xf32, #tpu.memory_space<vmem>>, vector<16xf32>,
          tpu.vector_store %arg12[%swap3A_593, %swap3A_594], %sub3A_591 {strides = array<i32>} : memref<5x2560xf32, #tpu.memory_space<vmem>>, vector<16xf32>,
          %add3A_596 = arith.addf %add3A_472, %add3A_590 : vector<16xf32>
          %mul3A_597 = arith.constant 2 : i32
          %mul3A_598 = arith.muli %mul3A_597, %scan3A_232 : i32
          %get3A_599 = arith.index_cast %mul3A_598 : i32 to index
          %get3A_600 = arith.constant 48 : index
          %get3A_601 = tpu.vector_load %arg9[%get3A_599, %get3A_600] {strides = array<i32>} : memref<40x128xi32, #tpu.memory_space<vmem>>, vector<16xi32>,
          %mul3A_602 = arith.constant 2 : i32
          %mul3A_603 = arith.muli %mul3A_602, %scan3A_232 : i32
          %add3A_604 = arith.constant 1 : i32
          %add3A_605 = arith.addi %mul3A_603, %add3A_604 : i32
          %get3A_606 = arith.index_cast %add3A_605 : i32 to index
          %get3A_607 = arith.constant 48 : index
          %get3A_608 = tpu.vector_load %arg9[%get3A_606, %get3A_607] {strides = array<i32>} : memref<40x128xi32, #tpu.memory_space<vmem>>, vector<16xi32>,
          %shift_right_logical3A_609 = arith.constant 3 : i32
          %shift_right_logical3A_610 = vector.broadcast %shift_right_logical3A_609 : i32 to vector<16xi32>
          %shift_right_logical3A_611 = arith.shrui %get3A_601, %shift_right_logical3A_610 : vector<16xi32>
          %gather3A_612 = tpu.vector_load_idx %arg7[%shift_right_logical3A_611] : memref<12500xi32, #tpu.memory_space<vmem>>[vector<16xi32>], vector<16xi32>,
          %shift_right_logical3A_613 = arith.constant 3 : i32
          %shift_right_logical3A_614 = vector.broadcast %shift_right_logical3A_613 : i32 to vector<16xi32>
          %shift_right_logical3A_615 = arith.shrui %get3A_608, %shift_right_logical3A_614 : vector<16xi32>
          %gather3A_616 = tpu.vector_load_idx %arg7[%shift_right_logical3A_615] : memref<12500xi32, #tpu.memory_space<vmem>>[vector<16xi32>], vector<16xi32>,
          %and3A_617 = arith.constant 7 : i32
          %and3A_618 = vector.broadcast %and3A_617 : i32 to vector<16xi32>
          %and3A_619 = arith.andi %get3A_601, %and3A_618 : vector<16xi32>
          %shift_left3A_620 = arith.constant 2 : i32
          %shift_left3A_621 = vector.broadcast %shift_left3A_620 : i32 to vector<16xi32>
          %shift_left3A_622 = arith.shli %and3A_619, %shift_left3A_621 : vector<16xi32>
          %shift_right_logical3A_623 = arith.shrui %gather3A_612, %shift_left3A_622 : vector<16xi32>
          %and3A_624 = arith.constant 7 : i32
          %and3A_625 = vector.broadcast %and3A_624 : i32 to vector<16xi32>
          %and3A_626 = arith.andi %shift_right_logical3A_623, %and3A_625 : vector<16xi32>
          %and3A_627 = arith.constant 7 : i32
          %and3A_628 = vector.broadcast %and3A_627 : i32 to vector<16xi32>
          %and3A_629 = arith.andi %get3A_608, %and3A_628 : vector<16xi32>
          %shift_left3A_630 = arith.constant 2 : i32
          %shift_left3A_631 = vector.broadcast %shift_left3A_630 : i32 to vector<16xi32>
          %shift_left3A_632 = arith.shli %and3A_629, %shift_left3A_631 : vector<16xi32>
          %shift_right_logical3A_633 = arith.shrui %gather3A_616, %shift_left3A_632 : vector<16xi32>
          %and3A_634 = arith.constant 7 : i32
          %and3A_635 = vector.broadcast %and3A_634 : i32 to vector<16xi32>
          %and3A_636 = arith.andi %shift_right_logical3A_633, %and3A_635 : vector<16xi32>
          %eq3A_637 = arith.constant 4 : i32
          %eq3A_638 = vector.broadcast %eq3A_637 : i32 to vector<16xi32>
          %eq3A_639 = arith.cmpi eq, %and3A_626, %eq3A_638 : vector<16xi32>
          %eq3A_640 = arith.constant 4 : i32
          %eq3A_641 = vector.broadcast %eq3A_640 : i32 to vector<16xi32>
          %eq3A_642 = arith.cmpi eq, %and3A_636, %eq3A_641 : vector<16xi32>
          %or3A_643 = arith.ori %eq3A_639, %eq3A_642 : vector<16xi1>
          %eq3A_644 = arith.constant 5 : i32
          %eq3A_645 = vector.broadcast %eq3A_644 : i32 to vector<16xi32>
          %eq3A_646 = arith.cmpi eq, %and3A_626, %eq3A_645 : vector<16xi32>
          %eq3A_647 = arith.constant 5 : i32
          %eq3A_648 = vector.broadcast %eq3A_647 : i32 to vector<16xi32>
          %eq3A_649 = arith.cmpi eq, %and3A_636, %eq3A_648 : vector<16xi32>
          %or3A_650 = arith.ori %eq3A_646, %eq3A_649 : vector<16xi1>
          %jit3A_651 = arith.constant 1.000000e+02 : f32
          %jit3A_652 = arith.constant 0.000000e+00 : f32
          %broadcast_in_dim3A_653 = vector.broadcast %jit3A_651 : f32 to vector<16xf32>
          %broadcast_in_dim3A_654 = vector.broadcast %jit3A_652 : f32 to vector<16xf32>
          %select_n3A_655 = arith.select %or3A_643, %broadcast_in_dim3A_653, %broadcast_in_dim3A_654 : vector<16xi1>, vector<16xf32>
          %jit3A_656 = arith.constant 5.000000e+01 : f32
          %jit3A_657 = arith.constant 0.000000e+00 : f32
          %broadcast_in_dim3A_658 = vector.broadcast %jit3A_656 : f32 to vector<16xf32>
          %broadcast_in_dim3A_659 = vector.broadcast %jit3A_657 : f32 to vector<16xf32>
          %select_n3A_660 = arith.select %or3A_650, %broadcast_in_dim3A_658, %broadcast_in_dim3A_659 : vector<16xi1>, vector<16xf32>
          %add3A_661 = arith.addf %select_n3A_655, %select_n3A_660 : vector<16xf32>
          %jit3A_662 = arith.constant 1.000000e+02 : f32
          %jit3A_663 = arith.constant 3.000000e+38 : f32
          %broadcast_in_dim3A_664 = vector.broadcast %jit3A_662 : f32 to vector<16xf32>
          %broadcast_in_dim3A_665 = vector.broadcast %jit3A_663 : f32 to vector<16xf32>
          %select_n3A_666 = arith.select %or3A_643, %broadcast_in_dim3A_664, %broadcast_in_dim3A_665 : vector<16xi1>, vector<16xf32>
          %broadcast_in_dim3A_667 = arith.constant 0.000000e+00 : f32
          %broadcast_in_dim3A_668 = vector.broadcast %broadcast_in_dim3A_667 : f32 to vector<16xf32>
          %mul3A_669 = arith.constant 128 : i32
          %mul3A_670 = arith.muli %scan3A_232, %mul3A_669 : i32
          %add3A_671 = arith.constant 48 : i32
          %add3A_672 = arith.addi %mul3A_670, %add3A_671 : i32
          %get3A_673 = arith.constant 1 : i32
          %get3A_674 = arith.index_cast %get3A_673 : i32 to index
          %get3A_675 = arith.index_cast %add3A_672 : i32 to index
          %get3A_676 = tpu.vector_load %arg12[%get3A_674, %get3A_675] {strides = array<i32>} : memref<5x2560xf32, #tpu.memory_space<vmem>>, vector<16xf32>,
          %sub3A_677 = arith.subf %get3A_676, %select_n3A_666 : vector<16xf32>
          %max3A_678 = arith.maximumf %sub3A_677, %broadcast_in_dim3A_668 : vector<16xf32>
          %sub3A_679 = arith.subf %get3A_676, %select_n3A_655 : vector<16xf32>
          %swap3A_680 = arith.constant 1 : i32
          %swap3A_681 = arith.index_cast %swap3A_680 : i32 to index
          %swap3A_682 = arith.index_cast %add3A_672 : i32 to index
          %swap3A_683 = tpu.vector_load %arg12[%swap3A_681, %swap3A_682] {strides = array<i32>} : memref<5x2560xf32, #tpu.memory_space<vmem>>, vector<16xf32>,
          tpu.vector_store %arg12[%swap3A_681, %swap3A_682], %sub3A_679 {strides = array<i32>} : memref<5x2560xf32, #tpu.memory_space<vmem>>, vector<16xf32>,
          %get3A_684 = arith.constant 2 : i32
          %get3A_685 = arith.index_cast %get3A_684 : i32 to index
          %get3A_686 = arith.index_cast %add3A_672 : i32 to index
          %get3A_687 = tpu.vector_load %arg12[%get3A_685, %get3A_686] {strides = array<i32>} : memref<5x2560xf32, #tpu.memory_space<vmem>>, vector<16xf32>,
          %sub3A_688 = arith.subf %get3A_687, %select_n3A_666 : vector<16xf32>
          %max3A_689 = arith.maximumf %sub3A_688, %broadcast_in_dim3A_668 : vector<16xf32>
          %add3A_690 = arith.addf %max3A_678, %max3A_689 : vector<16xf32>
          %sub3A_691 = arith.subf %get3A_687, %add3A_661 : vector<16xf32>
          %swap3A_692 = arith.constant 2 : i32
          %swap3A_693 = arith.index_cast %swap3A_692 : i32 to index
          %swap3A_694 = arith.index_cast %add3A_672 : i32 to index
          %swap3A_695 = tpu.vector_load %arg12[%swap3A_693, %swap3A_694] {strides = array<i32>} : memref<5x2560xf32, #tpu.memory_space<vmem>>, vector<16xf32>,
          tpu.vector_store %arg12[%swap3A_693, %swap3A_694], %sub3A_691 {strides = array<i32>} : memref<5x2560xf32, #tpu.memory_space<vmem>>, vector<16xf32>,
          %get3A_696 = arith.constant 3 : i32
          %get3A_697 = arith.index_cast %get3A_696 : i32 to index
          %get3A_698 = arith.index_cast %add3A_672 : i32 to index
          %get3A_699 = tpu.vector_load %arg12[%get3A_697, %get3A_698] {strides = array<i32>} : memref<5x2560xf32, #tpu.memory_space<vmem>>, vector<16xf32>,
          %sub3A_700 = arith.subf %get3A_699, %select_n3A_666 : vector<16xf32>
          %max3A_701 = arith.maximumf %sub3A_700, %broadcast_in_dim3A_668 : vector<16xf32>
          %add3A_702 = arith.addf %add3A_690, %max3A_701 : vector<16xf32>
          %sub3A_703 = arith.subf %get3A_699, %add3A_661 : vector<16xf32>
          %swap3A_704 = arith.constant 3 : i32
          %swap3A_705 = arith.index_cast %swap3A_704 : i32 to index
          %swap3A_706 = arith.index_cast %add3A_672 : i32 to index
          %swap3A_707 = tpu.vector_load %arg12[%swap3A_705, %swap3A_706] {strides = array<i32>} : memref<5x2560xf32, #tpu.memory_space<vmem>>, vector<16xf32>,
          tpu.vector_store %arg12[%swap3A_705, %swap3A_706], %sub3A_703 {strides = array<i32>} : memref<5x2560xf32, #tpu.memory_space<vmem>>, vector<16xf32>,
          %get3A_708 = arith.constant 4 : i32
          %get3A_709 = arith.index_cast %get3A_708 : i32 to index
          %get3A_710 = arith.index_cast %add3A_672 : i32 to index
          %get3A_711 = tpu.vector_load %arg12[%get3A_709, %get3A_710] {strides = array<i32>} : memref<5x2560xf32, #tpu.memory_space<vmem>>, vector<16xf32>,
          %sub3A_712 = arith.subf %get3A_711, %select_n3A_666 : vector<16xf32>
          %max3A_713 = arith.maximumf %sub3A_712, %broadcast_in_dim3A_668 : vector<16xf32>
          %add3A_714 = arith.addf %add3A_702, %max3A_713 : vector<16xf32>
          %sub3A_715 = arith.subf %get3A_711, %add3A_661 : vector<16xf32>
          %swap3A_716 = arith.constant 4 : i32
          %swap3A_717 = arith.index_cast %swap3A_716 : i32 to index
          %swap3A_718 = arith.index_cast %add3A_672 : i32 to index
          %swap3A_719 = tpu.vector_load %arg12[%swap3A_717, %swap3A_718] {strides = array<i32>} : memref<5x2560xf32, #tpu.memory_space<vmem>>, vector<16xf32>,
          tpu.vector_store %arg12[%swap3A_717, %swap3A_718], %sub3A_715 {strides = array<i32>} : memref<5x2560xf32, #tpu.memory_space<vmem>>, vector<16xf32>,
          %add3A_720 = arith.addf %add3A_596, %add3A_714 : vector<16xf32>
          %mul3A_721 = arith.constant 2 : i32
          %mul3A_722 = arith.muli %mul3A_721, %scan3A_232 : i32
          %get3A_723 = arith.index_cast %mul3A_722 : i32 to index
          %get3A_724 = arith.constant 64 : index
          %get3A_725 = tpu.vector_load %arg9[%get3A_723, %get3A_724] {strides = array<i32>} : memref<40x128xi32, #tpu.memory_space<vmem>>, vector<16xi32>,
          %mul3A_726 = arith.constant 2 : i32
          %mul3A_727 = arith.muli %mul3A_726, %scan3A_232 : i32
          %add3A_728 = arith.constant 1 : i32
          %add3A_729 = arith.addi %mul3A_727, %add3A_728 : i32
          %get3A_730 = arith.index_cast %add3A_729 : i32 to index
          %get3A_731 = arith.constant 64 : index
          %get3A_732 = tpu.vector_load %arg9[%get3A_730, %get3A_731] {strides = array<i32>} : memref<40x128xi32, #tpu.memory_space<vmem>>, vector<16xi32>,
          %shift_right_logical3A_733 = arith.constant 3 : i32
          %shift_right_logical3A_734 = vector.broadcast %shift_right_logical3A_733 : i32 to vector<16xi32>
          %shift_right_logical3A_735 = arith.shrui %get3A_725, %shift_right_logical3A_734 : vector<16xi32>
          %gather3A_736 = tpu.vector_load_idx %arg7[%shift_right_logical3A_735] : memref<12500xi32, #tpu.memory_space<vmem>>[vector<16xi32>], vector<16xi32>,
          %shift_right_logical3A_737 = arith.constant 3 : i32
          %shift_right_logical3A_738 = vector.broadcast %shift_right_logical3A_737 : i32 to vector<16xi32>
          %shift_right_logical3A_739 = arith.shrui %get3A_732, %shift_right_logical3A_738 : vector<16xi32>
          %gather3A_740 = tpu.vector_load_idx %arg7[%shift_right_logical3A_739] : memref<12500xi32, #tpu.memory_space<vmem>>[vector<16xi32>], vector<16xi32>,
          %and3A_741 = arith.constant 7 : i32
          %and3A_742 = vector.broadcast %and3A_741 : i32 to vector<16xi32>
          %and3A_743 = arith.andi %get3A_725, %and3A_742 : vector<16xi32>
          %shift_left3A_744 = arith.constant 2 : i32
          %shift_left3A_745 = vector.broadcast %shift_left3A_744 : i32 to vector<16xi32>
          %shift_left3A_746 = arith.shli %and3A_743, %shift_left3A_745 : vector<16xi32>
          %shift_right_logical3A_747 = arith.shrui %gather3A_736, %shift_left3A_746 : vector<16xi32>
          %and3A_748 = arith.constant 7 : i32
          %and3A_749 = vector.broadcast %and3A_748 : i32 to vector<16xi32>
          %and3A_750 = arith.andi %shift_right_logical3A_747, %and3A_749 : vector<16xi32>
          %and3A_751 = arith.constant 7 : i32
          %and3A_752 = vector.broadcast %and3A_751 : i32 to vector<16xi32>
          %and3A_753 = arith.andi %get3A_732, %and3A_752 : vector<16xi32>
          %shift_left3A_754 = arith.constant 2 : i32
          %shift_left3A_755 = vector.broadcast %shift_left3A_754 : i32 to vector<16xi32>
          %shift_left3A_756 = arith.shli %and3A_753, %shift_left3A_755 : vector<16xi32>
          %shift_right_logical3A_757 = arith.shrui %gather3A_740, %shift_left3A_756 : vector<16xi32>
          %and3A_758 = arith.constant 7 : i32
          %and3A_759 = vector.broadcast %and3A_758 : i32 to vector<16xi32>
          %and3A_760 = arith.andi %shift_right_logical3A_757, %and3A_759 : vector<16xi32>
          %eq3A_761 = arith.constant 4 : i32
          %eq3A_762 = vector.broadcast %eq3A_761 : i32 to vector<16xi32>
          %eq3A_763 = arith.cmpi eq, %and3A_750, %eq3A_762 : vector<16xi32>
          %eq3A_764 = arith.constant 4 : i32
          %eq3A_765 = vector.broadcast %eq3A_764 : i32 to vector<16xi32>
          %eq3A_766 = arith.cmpi eq, %and3A_760, %eq3A_765 : vector<16xi32>
          %or3A_767 = arith.ori %eq3A_763, %eq3A_766 : vector<16xi1>
          %eq3A_768 = arith.constant 5 : i32
          %eq3A_769 = vector.broadcast %eq3A_768 : i32 to vector<16xi32>
          %eq3A_770 = arith.cmpi eq, %and3A_750, %eq3A_769 : vector<16xi32>
          %eq3A_771 = arith.constant 5 : i32
          %eq3A_772 = vector.broadcast %eq3A_771 : i32 to vector<16xi32>
          %eq3A_773 = arith.cmpi eq, %and3A_760, %eq3A_772 : vector<16xi32>
          %or3A_774 = arith.ori %eq3A_770, %eq3A_773 : vector<16xi1>
          %jit3A_775 = arith.constant 1.000000e+02 : f32
          %jit3A_776 = arith.constant 0.000000e+00 : f32
          %broadcast_in_dim3A_777 = vector.broadcast %jit3A_775 : f32 to vector<16xf32>
          %broadcast_in_dim3A_778 = vector.broadcast %jit3A_776 : f32 to vector<16xf32>
          %select_n3A_779 = arith.select %or3A_767, %broadcast_in_dim3A_777, %broadcast_in_dim3A_778 : vector<16xi1>, vector<16xf32>
          %jit3A_780 = arith.constant 5.000000e+01 : f32
          %jit3A_781 = arith.constant 0.000000e+00 : f32
          %broadcast_in_dim3A_782 = vector.broadcast %jit3A_780 : f32 to vector<16xf32>
          %broadcast_in_dim3A_783 = vector.broadcast %jit3A_781 : f32 to vector<16xf32>
          %select_n3A_784 = arith.select %or3A_774, %broadcast_in_dim3A_782, %broadcast_in_dim3A_783 : vector<16xi1>, vector<16xf32>
          %add3A_785 = arith.addf %select_n3A_779, %select_n3A_784 : vector<16xf32>
          %jit3A_786 = arith.constant 1.000000e+02 : f32
          %jit3A_787 = arith.constant 3.000000e+38 : f32
          %broadcast_in_dim3A_788 = vector.broadcast %jit3A_786 : f32 to vector<16xf32>
          %broadcast_in_dim3A_789 = vector.broadcast %jit3A_787 : f32 to vector<16xf32>
          %select_n3A_790 = arith.select %or3A_767, %broadcast_in_dim3A_788, %broadcast_in_dim3A_789 : vector<16xi1>, vector<16xf32>
          %broadcast_in_dim3A_791 = arith.constant 0.000000e+00 : f32
          %broadcast_in_dim3A_792 = vector.broadcast %broadcast_in_dim3A_791 : f32 to vector<16xf32>
          %mul3A_793 = arith.constant 128 : i32
          %mul3A_794 = arith.muli %scan3A_232, %mul3A_793 : i32
          %add3A_795 = arith.constant 64 : i32
          %add3A_796 = arith.addi %mul3A_794, %add3A_795 : i32
          %get3A_797 = arith.constant 1 : i32
          %get3A_798 = arith.index_cast %get3A_797 : i32 to index
          %get3A_799 = arith.index_cast %add3A_796 : i32 to index
          %get3A_800 = tpu.vector_load %arg12[%get3A_798, %get3A_799] {strides = array<i32>} : memref<5x2560xf32, #tpu.memory_space<vmem>>, vector<16xf32>,
          %sub3A_801 = arith.subf %get3A_800, %select_n3A_790 : vector<16xf32>
          %max3A_802 = arith.maximumf %sub3A_801, %broadcast_in_dim3A_792 : vector<16xf32>
          %sub3A_803 = arith.subf %get3A_800, %select_n3A_779 : vector<16xf32>
          %swap3A_804 = arith.constant 1 : i32
          %swap3A_805 = arith.index_cast %swap3A_804 : i32 to index
          %swap3A_806 = arith.index_cast %add3A_796 : i32 to index
          %swap3A_807 = tpu.vector_load %arg12[%swap3A_805, %swap3A_806] {strides = array<i32>} : memref<5x2560xf32, #tpu.memory_space<vmem>>, vector<16xf32>,
          tpu.vector_store %arg12[%swap3A_805, %swap3A_806], %sub3A_803 {strides = array<i32>} : memref<5x2560xf32, #tpu.memory_space<vmem>>, vector<16xf32>,
          %get3A_808 = arith.constant 2 : i32
          %get3A_809 = arith.index_cast %get3A_808 : i32 to index
          %get3A_810 = arith.index_cast %add3A_796 : i32 to index
          %get3A_811 = tpu.vector_load %arg12[%get3A_809, %get3A_810] {strides = array<i32>} : memref<5x2560xf32, #tpu.memory_space<vmem>>, vector<16xf32>,
          %sub3A_812 = arith.subf %get3A_811, %select_n3A_790 : vector<16xf32>
          %max3A_813 = arith.maximumf %sub3A_812, %broadcast_in_dim3A_792 : vector<16xf32>
          %add3A_814 = arith.addf %max3A_802, %max3A_813 : vector<16xf32>
          %sub3A_815 = arith.subf %get3A_811, %add3A_785 : vector<16xf32>
          %swap3A_816 = arith.constant 2 : i32
          %swap3A_817 = arith.index_cast %swap3A_816 : i32 to index
          %swap3A_818 = arith.index_cast %add3A_796 : i32 to index
          %swap3A_819 = tpu.vector_load %arg12[%swap3A_817, %swap3A_818] {strides = array<i32>} : memref<5x2560xf32, #tpu.memory_space<vmem>>, vector<16xf32>,
          tpu.vector_store %arg12[%swap3A_817, %swap3A_818], %sub3A_815 {strides = array<i32>} : memref<5x2560xf32, #tpu.memory_space<vmem>>, vector<16xf32>,
          %get3A_820 = arith.constant 3 : i32
          %get3A_821 = arith.index_cast %get3A_820 : i32 to index
          %get3A_822 = arith.index_cast %add3A_796 : i32 to index
          %get3A_823 = tpu.vector_load %arg12[%get3A_821, %get3A_822] {strides = array<i32>} : memref<5x2560xf32, #tpu.memory_space<vmem>>, vector<16xf32>,
          %sub3A_824 = arith.subf %get3A_823, %select_n3A_790 : vector<16xf32>
          %max3A_825 = arith.maximumf %sub3A_824, %broadcast_in_dim3A_792 : vector<16xf32>
          %add3A_826 = arith.addf %add3A_814, %max3A_825 : vector<16xf32>
          %sub3A_827 = arith.subf %get3A_823, %add3A_785 : vector<16xf32>
          %swap3A_828 = arith.constant 3 : i32
          %swap3A_829 = arith.index_cast %swap3A_828 : i32 to index
          %swap3A_830 = arith.index_cast %add3A_796 : i32 to index
          %swap3A_831 = tpu.vector_load %arg12[%swap3A_829, %swap3A_830] {strides = array<i32>} : memref<5x2560xf32, #tpu.memory_space<vmem>>, vector<16xf32>,
          tpu.vector_store %arg12[%swap3A_829, %swap3A_830], %sub3A_827 {strides = array<i32>} : memref<5x2560xf32, #tpu.memory_space<vmem>>, vector<16xf32>,
          %get3A_832 = arith.constant 4 : i32
          %get3A_833 = arith.index_cast %get3A_832 : i32 to index
          %get3A_834 = arith.index_cast %add3A_796 : i32 to index
          %get3A_835 = tpu.vector_load %arg12[%get3A_833, %get3A_834] {strides = array<i32>} : memref<5x2560xf32, #tpu.memory_space<vmem>>, vector<16xf32>,
          %sub3A_836 = arith.subf %get3A_835, %select_n3A_790 : vector<16xf32>
          %max3A_837 = arith.maximumf %sub3A_836, %broadcast_in_dim3A_792 : vector<16xf32>
          %add3A_838 = arith.addf %add3A_826, %max3A_837 : vector<16xf32>
          %sub3A_839 = arith.subf %get3A_835, %add3A_785 : vector<16xf32>
          %swap3A_840 = arith.constant 4 : i32
          %swap3A_841 = arith.index_cast %swap3A_840 : i32 to index
          %swap3A_842 = arith.index_cast %add3A_796 : i32 to index
          %swap3A_843 = tpu.vector_load %arg12[%swap3A_841, %swap3A_842] {strides = array<i32>} : memref<5x2560xf32, #tpu.memory_space<vmem>>, vector<16xf32>,
          tpu.vector_store %arg12[%swap3A_841, %swap3A_842], %sub3A_839 {strides = array<i32>} : memref<5x2560xf32, #tpu.memory_space<vmem>>, vector<16xf32>,
          %add3A_844 = arith.addf %add3A_720, %add3A_838 : vector<16xf32>
          %mul3A_845 = arith.constant 2 : i32
          %mul3A_846 = arith.muli %mul3A_845, %scan3A_232 : i32
          %get3A_847 = arith.index_cast %mul3A_846 : i32 to index
          %get3A_848 = arith.constant 80 : index
          %get3A_849 = tpu.vector_load %arg9[%get3A_847, %get3A_848] {strides = array<i32>} : memref<40x128xi32, #tpu.memory_space<vmem>>, vector<16xi32>,
          %mul3A_850 = arith.constant 2 : i32
          %mul3A_851 = arith.muli %mul3A_850, %scan3A_232 : i32
          %add3A_852 = arith.constant 1 : i32
          %add3A_853 = arith.addi %mul3A_851, %add3A_852 : i32
          %get3A_854 = arith.index_cast %add3A_853 : i32 to index
          %get3A_855 = arith.constant 80 : index
          %get3A_856 = tpu.vector_load %arg9[%get3A_854, %get3A_855] {strides = array<i32>} : memref<40x128xi32, #tpu.memory_space<vmem>>, vector<16xi32>,
          %shift_right_logical3A_857 = arith.constant 3 : i32
          %shift_right_logical3A_858 = vector.broadcast %shift_right_logical3A_857 : i32 to vector<16xi32>
          %shift_right_logical3A_859 = arith.shrui %get3A_849, %shift_right_logical3A_858 : vector<16xi32>
          %gather3A_860 = tpu.vector_load_idx %arg7[%shift_right_logical3A_859] : memref<12500xi32, #tpu.memory_space<vmem>>[vector<16xi32>], vector<16xi32>,
          %shift_right_logical3A_861 = arith.constant 3 : i32
          %shift_right_logical3A_862 = vector.broadcast %shift_right_logical3A_861 : i32 to vector<16xi32>
          %shift_right_logical3A_863 = arith.shrui %get3A_856, %shift_right_logical3A_862 : vector<16xi32>
          %gather3A_864 = tpu.vector_load_idx %arg7[%shift_right_logical3A_863] : memref<12500xi32, #tpu.memory_space<vmem>>[vector<16xi32>], vector<16xi32>,
          %and3A_865 = arith.constant 7 : i32
          %and3A_866 = vector.broadcast %and3A_865 : i32 to vector<16xi32>
          %and3A_867 = arith.andi %get3A_849, %and3A_866 : vector<16xi32>
          %shift_left3A_868 = arith.constant 2 : i32
          %shift_left3A_869 = vector.broadcast %shift_left3A_868 : i32 to vector<16xi32>
          %shift_left3A_870 = arith.shli %and3A_867, %shift_left3A_869 : vector<16xi32>
          %shift_right_logical3A_871 = arith.shrui %gather3A_860, %shift_left3A_870 : vector<16xi32>
          %and3A_872 = arith.constant 7 : i32
          %and3A_873 = vector.broadcast %and3A_872 : i32 to vector<16xi32>
          %and3A_874 = arith.andi %shift_right_logical3A_871, %and3A_873 : vector<16xi32>
          %and3A_875 = arith.constant 7 : i32
          %and3A_876 = vector.broadcast %and3A_875 : i32 to vector<16xi32>
          %and3A_877 = arith.andi %get3A_856, %and3A_876 : vector<16xi32>
          %shift_left3A_878 = arith.constant 2 : i32
          %shift_left3A_879 = vector.broadcast %shift_left3A_878 : i32 to vector<16xi32>
          %shift_left3A_880 = arith.shli %and3A_877, %shift_left3A_879 : vector<16xi32>
          %shift_right_logical3A_881 = arith.shrui %gather3A_864, %shift_left3A_880 : vector<16xi32>
          %and3A_882 = arith.constant 7 : i32
          %and3A_883 = vector.broadcast %and3A_882 : i32 to vector<16xi32>
          %and3A_884 = arith.andi %shift_right_logical3A_881, %and3A_883 : vector<16xi32>
          %eq3A_885 = arith.constant 4 : i32
          %eq3A_886 = vector.broadcast %eq3A_885 : i32 to vector<16xi32>
          %eq3A_887 = arith.cmpi eq, %and3A_874, %eq3A_886 : vector<16xi32>
          %eq3A_888 = arith.constant 4 : i32
          %eq3A_889 = vector.broadcast %eq3A_888 : i32 to vector<16xi32>
          %eq3A_890 = arith.cmpi eq, %and3A_884, %eq3A_889 : vector<16xi32>
          %or3A_891 = arith.ori %eq3A_887, %eq3A_890 : vector<16xi1>
          %eq3A_892 = arith.constant 5 : i32
          %eq3A_893 = vector.broadcast %eq3A_892 : i32 to vector<16xi32>
          %eq3A_894 = arith.cmpi eq, %and3A_874, %eq3A_893 : vector<16xi32>
          %eq3A_895 = arith.constant 5 : i32
          %eq3A_896 = vector.broadcast %eq3A_895 : i32 to vector<16xi32>
          %eq3A_897 = arith.cmpi eq, %and3A_884, %eq3A_896 : vector<16xi32>
          %or3A_898 = arith.ori %eq3A_894, %eq3A_897 : vector<16xi1>
          %jit3A_899 = arith.constant 1.000000e+02 : f32
          %jit3A_900 = arith.constant 0.000000e+00 : f32
          %broadcast_in_dim3A_901 = vector.broadcast %jit3A_899 : f32 to vector<16xf32>
          %broadcast_in_dim3A_902 = vector.broadcast %jit3A_900 : f32 to vector<16xf32>
          %select_n3A_903 = arith.select %or3A_891, %broadcast_in_dim3A_901, %broadcast_in_dim3A_902 : vector<16xi1>, vector<16xf32>
          %jit3A_904 = arith.constant 5.000000e+01 : f32
          %jit3A_905 = arith.constant 0.000000e+00 : f32
          %broadcast_in_dim3A_906 = vector.broadcast %jit3A_904 : f32 to vector<16xf32>
          %broadcast_in_dim3A_907 = vector.broadcast %jit3A_905 : f32 to vector<16xf32>
          %select_n3A_908 = arith.select %or3A_898, %broadcast_in_dim3A_906, %broadcast_in_dim3A_907 : vector<16xi1>, vector<16xf32>
          %add3A_909 = arith.addf %select_n3A_903, %select_n3A_908 : vector<16xf32>
          %jit3A_910 = arith.constant 1.000000e+02 : f32
          %jit3A_911 = arith.constant 3.000000e+38 : f32
          %broadcast_in_dim3A_912 = vector.broadcast %jit3A_910 : f32 to vector<16xf32>
          %broadcast_in_dim3A_913 = vector.broadcast %jit3A_911 : f32 to vector<16xf32>
          %select_n3A_914 = arith.select %or3A_891, %broadcast_in_dim3A_912, %broadcast_in_dim3A_913 : vector<16xi1>, vector<16xf32>
          %broadcast_in_dim3A_915 = arith.constant 0.000000e+00 : f32
          %broadcast_in_dim3A_916 = vector.broadcast %broadcast_in_dim3A_915 : f32 to vector<16xf32>
          %mul3A_917 = arith.constant 128 : i32
          %mul3A_918 = arith.muli %scan3A_232, %mul3A_917 : i32
          %add3A_919 = arith.constant 80 : i32
          %add3A_920 = arith.addi %mul3A_918, %add3A_919 : i32
          %get3A_921 = arith.constant 1 : i32
          %get3A_922 = arith.index_cast %get3A_921 : i32 to index
          %get3A_923 = arith.index_cast %add3A_920 : i32 to index
          %get3A_924 = tpu.vector_load %arg12[%get3A_922, %get3A_923] {strides = array<i32>} : memref<5x2560xf32, #tpu.memory_space<vmem>>, vector<16xf32>,
          %sub3A_925 = arith.subf %get3A_924, %select_n3A_914 : vector<16xf32>
          %max3A_926 = arith.maximumf %sub3A_925, %broadcast_in_dim3A_916 : vector<16xf32>
          %sub3A_927 = arith.subf %get3A_924, %select_n3A_903 : vector<16xf32>
          %swap3A_928 = arith.constant 1 : i32
          %swap3A_929 = arith.index_cast %swap3A_928 : i32 to index
          %swap3A_930 = arith.index_cast %add3A_920 : i32 to index
          %swap3A_931 = tpu.vector_load %arg12[%swap3A_929, %swap3A_930] {strides = array<i32>} : memref<5x2560xf32, #tpu.memory_space<vmem>>, vector<16xf32>,
          tpu.vector_store %arg12[%swap3A_929, %swap3A_930], %sub3A_927 {strides = array<i32>} : memref<5x2560xf32, #tpu.memory_space<vmem>>, vector<16xf32>,
          %get3A_932 = arith.constant 2 : i32
          %get3A_933 = arith.index_cast %get3A_932 : i32 to index
          %get3A_934 = arith.index_cast %add3A_920 : i32 to index
          %get3A_935 = tpu.vector_load %arg12[%get3A_933, %get3A_934] {strides = array<i32>} : memref<5x2560xf32, #tpu.memory_space<vmem>>, vector<16xf32>,
          %sub3A_936 = arith.subf %get3A_935, %select_n3A_914 : vector<16xf32>
          %max3A_937 = arith.maximumf %sub3A_936, %broadcast_in_dim3A_916 : vector<16xf32>
          %add3A_938 = arith.addf %max3A_926, %max3A_937 : vector<16xf32>
          %sub3A_939 = arith.subf %get3A_935, %add3A_909 : vector<16xf32>
          %swap3A_940 = arith.constant 2 : i32
          %swap3A_941 = arith.index_cast %swap3A_940 : i32 to index
          %swap3A_942 = arith.index_cast %add3A_920 : i32 to index
          %swap3A_943 = tpu.vector_load %arg12[%swap3A_941, %swap3A_942] {strides = array<i32>} : memref<5x2560xf32, #tpu.memory_space<vmem>>, vector<16xf32>,
          tpu.vector_store %arg12[%swap3A_941, %swap3A_942], %sub3A_939 {strides = array<i32>} : memref<5x2560xf32, #tpu.memory_space<vmem>>, vector<16xf32>,
          %get3A_944 = arith.constant 3 : i32
          %get3A_945 = arith.index_cast %get3A_944 : i32 to index
          %get3A_946 = arith.index_cast %add3A_920 : i32 to index
          %get3A_947 = tpu.vector_load %arg12[%get3A_945, %get3A_946] {strides = array<i32>} : memref<5x2560xf32, #tpu.memory_space<vmem>>, vector<16xf32>,
          %sub3A_948 = arith.subf %get3A_947, %select_n3A_914 : vector<16xf32>
          %max3A_949 = arith.maximumf %sub3A_948, %broadcast_in_dim3A_916 : vector<16xf32>
          %add3A_950 = arith.addf %add3A_938, %max3A_949 : vector<16xf32>
          %sub3A_951 = arith.subf %get3A_947, %add3A_909 : vector<16xf32>
          %swap3A_952 = arith.constant 3 : i32
          %swap3A_953 = arith.index_cast %swap3A_952 : i32 to index
          %swap3A_954 = arith.index_cast %add3A_920 : i32 to index
          %swap3A_955 = tpu.vector_load %arg12[%swap3A_953, %swap3A_954] {strides = array<i32>} : memref<5x2560xf32, #tpu.memory_space<vmem>>, vector<16xf32>,
          tpu.vector_store %arg12[%swap3A_953, %swap3A_954], %sub3A_951 {strides = array<i32>} : memref<5x2560xf32, #tpu.memory_space<vmem>>, vector<16xf32>,
          %get3A_956 = arith.constant 4 : i32
          %get3A_957 = arith.index_cast %get3A_956 : i32 to index
          %get3A_958 = arith.index_cast %add3A_920 : i32 to index
          %get3A_959 = tpu.vector_load %arg12[%get3A_957, %get3A_958] {strides = array<i32>} : memref<5x2560xf32, #tpu.memory_space<vmem>>, vector<16xf32>,
          %sub3A_960 = arith.subf %get3A_959, %select_n3A_914 : vector<16xf32>
          %max3A_961 = arith.maximumf %sub3A_960, %broadcast_in_dim3A_916 : vector<16xf32>
          %add3A_962 = arith.addf %add3A_950, %max3A_961 : vector<16xf32>
          %sub3A_963 = arith.subf %get3A_959, %add3A_909 : vector<16xf32>
          %swap3A_964 = arith.constant 4 : i32
          %swap3A_965 = arith.index_cast %swap3A_964 : i32 to index
          %swap3A_966 = arith.index_cast %add3A_920 : i32 to index
          %swap3A_967 = tpu.vector_load %arg12[%swap3A_965, %swap3A_966] {strides = array<i32>} : memref<5x2560xf32, #tpu.memory_space<vmem>>, vector<16xf32>,
          tpu.vector_store %arg12[%swap3A_965, %swap3A_966], %sub3A_963 {strides = array<i32>} : memref<5x2560xf32, #tpu.memory_space<vmem>>, vector<16xf32>,
          %add3A_968 = arith.addf %add3A_844, %add3A_962 : vector<16xf32>
          %mul3A_969 = arith.constant 2 : i32
          %mul3A_970 = arith.muli %mul3A_969, %scan3A_232 : i32
          %get3A_971 = arith.index_cast %mul3A_970 : i32 to index
          %get3A_972 = arith.constant 96 : index
          %get3A_973 = tpu.vector_load %arg9[%get3A_971, %get3A_972] {strides = array<i32>} : memref<40x128xi32, #tpu.memory_space<vmem>>, vector<16xi32>,
          %mul3A_974 = arith.constant 2 : i32
          %mul3A_975 = arith.muli %mul3A_974, %scan3A_232 : i32
          %add3A_976 = arith.constant 1 : i32
          %add3A_977 = arith.addi %mul3A_975, %add3A_976 : i32
          %get3A_978 = arith.index_cast %add3A_977 : i32 to index
          %get3A_979 = arith.constant 96 : index
          %get3A_980 = tpu.vector_load %arg9[%get3A_978, %get3A_979] {strides = array<i32>} : memref<40x128xi32, #tpu.memory_space<vmem>>, vector<16xi32>,
          %shift_right_logical3A_981 = arith.constant 3 : i32
          %shift_right_logical3A_982 = vector.broadcast %shift_right_logical3A_981 : i32 to vector<16xi32>
          %shift_right_logical3A_983 = arith.shrui %get3A_973, %shift_right_logical3A_982 : vector<16xi32>
          %gather3A_984 = tpu.vector_load_idx %arg7[%shift_right_logical3A_983] : memref<12500xi32, #tpu.memory_space<vmem>>[vector<16xi32>], vector<16xi32>,
          %shift_right_logical3A_985 = arith.constant 3 : i32
          %shift_right_logical3A_986 = vector.broadcast %shift_right_logical3A_985 : i32 to vector<16xi32>
          %shift_right_logical3A_987 = arith.shrui %get3A_980, %shift_right_logical3A_986 : vector<16xi32>
          %gather3A_988 = tpu.vector_load_idx %arg7[%shift_right_logical3A_987] : memref<12500xi32, #tpu.memory_space<vmem>>[vector<16xi32>], vector<16xi32>,
          %and3A_989 = arith.constant 7 : i32
          %and3A_990 = vector.broadcast %and3A_989 : i32 to vector<16xi32>
          %and3A_991 = arith.andi %get3A_973, %and3A_990 : vector<16xi32>
          %shift_left3A_992 = arith.constant 2 : i32
          %shift_left3A_993 = vector.broadcast %shift_left3A_992 : i32 to vector<16xi32>
          %shift_left3A_994 = arith.shli %and3A_991, %shift_left3A_993 : vector<16xi32>
          %shift_right_logical3A_995 = arith.shrui %gather3A_984, %shift_left3A_994 : vector<16xi32>
          %and3A_996 = arith.constant 7 : i32
          %and3A_997 = vector.broadcast %and3A_996 : i32 to vector<16xi32>
          %and3A_998 = arith.andi %shift_right_logical3A_995, %and3A_997 : vector<16xi32>
          %and3A_999 = arith.constant 7 : i32
          %and3A_1000 = vector.broadcast %and3A_999 : i32 to vector<16xi32>
          %and3A_1001 = arith.andi %get3A_980, %and3A_1000 : vector<16xi32>
          %shift_left3A_1002 = arith.constant 2 : i32
          %shift_left3A_1003 = vector.broadcast %shift_left3A_1002 : i32 to vector<16xi32>
          %shift_left3A_1004 = arith.shli %and3A_1001, %shift_left3A_1003 : vector<16xi32>
          %shift_right_logical3A_1005 = arith.shrui %gather3A_988, %shift_left3A_1004 : vector<16xi32>
          %and3A_1006 = arith.constant 7 : i32
          %and3A_1007 = vector.broadcast %and3A_1006 : i32 to vector<16xi32>
          %and3A_1008 = arith.andi %shift_right_logical3A_1005, %and3A_1007 : vector<16xi32>
          %eq3A_1009 = arith.constant 4 : i32
          %eq3A_1010 = vector.broadcast %eq3A_1009 : i32 to vector<16xi32>
          %eq3A_1011 = arith.cmpi eq, %and3A_998, %eq3A_1010 : vector<16xi32>
          %eq3A_1012 = arith.constant 4 : i32
          %eq3A_1013 = vector.broadcast %eq3A_1012 : i32 to vector<16xi32>
          %eq3A_1014 = arith.cmpi eq, %and3A_1008, %eq3A_1013 : vector<16xi32>
          %or3A_1015 = arith.ori %eq3A_1011, %eq3A_1014 : vector<16xi1>
          %eq3A_1016 = arith.constant 5 : i32
          %eq3A_1017 = vector.broadcast %eq3A_1016 : i32 to vector<16xi32>
          %eq3A_1018 = arith.cmpi eq, %and3A_998, %eq3A_1017 : vector<16xi32>
          %eq3A_1019 = arith.constant 5 : i32
          %eq3A_1020 = vector.broadcast %eq3A_1019 : i32 to vector<16xi32>
          %eq3A_1021 = arith.cmpi eq, %and3A_1008, %eq3A_1020 : vector<16xi32>
          %or3A_1022 = arith.ori %eq3A_1018, %eq3A_1021 : vector<16xi1>
          %jit3A_1023 = arith.constant 1.000000e+02 : f32
          %jit3A_1024 = arith.constant 0.000000e+00 : f32
          %broadcast_in_dim3A_1025 = vector.broadcast %jit3A_1023 : f32 to vector<16xf32>
          %broadcast_in_dim3A_1026 = vector.broadcast %jit3A_1024 : f32 to vector<16xf32>
          %select_n3A_1027 = arith.select %or3A_1015, %broadcast_in_dim3A_1025, %broadcast_in_dim3A_1026 : vector<16xi1>, vector<16xf32>
          %jit3A_1028 = arith.constant 5.000000e+01 : f32
          %jit3A_1029 = arith.constant 0.000000e+00 : f32
          %broadcast_in_dim3A_1030 = vector.broadcast %jit3A_1028 : f32 to vector<16xf32>
          %broadcast_in_dim3A_1031 = vector.broadcast %jit3A_1029 : f32 to vector<16xf32>
          %select_n3A_1032 = arith.select %or3A_1022, %broadcast_in_dim3A_1030, %broadcast_in_dim3A_1031 : vector<16xi1>, vector<16xf32>
          %add3A_1033 = arith.addf %select_n3A_1027, %select_n3A_1032 : vector<16xf32>
          %jit3A_1034 = arith.constant 1.000000e+02 : f32
          %jit3A_1035 = arith.constant 3.000000e+38 : f32
          %broadcast_in_dim3A_1036 = vector.broadcast %jit3A_1034 : f32 to vector<16xf32>
          %broadcast_in_dim3A_1037 = vector.broadcast %jit3A_1035 : f32 to vector<16xf32>
          %select_n3A_1038 = arith.select %or3A_1015, %broadcast_in_dim3A_1036, %broadcast_in_dim3A_1037 : vector<16xi1>, vector<16xf32>
          %broadcast_in_dim3A_1039 = arith.constant 0.000000e+00 : f32
          %broadcast_in_dim3A_1040 = vector.broadcast %broadcast_in_dim3A_1039 : f32 to vector<16xf32>
          %mul3A_1041 = arith.constant 128 : i32
          %mul3A_1042 = arith.muli %scan3A_232, %mul3A_1041 : i32
          %add3A_1043 = arith.constant 96 : i32
          %add3A_1044 = arith.addi %mul3A_1042, %add3A_1043 : i32
          %get3A_1045 = arith.constant 1 : i32
          %get3A_1046 = arith.index_cast %get3A_1045 : i32 to index
          %get3A_1047 = arith.index_cast %add3A_1044 : i32 to index
          %get3A_1048 = tpu.vector_load %arg12[%get3A_1046, %get3A_1047] {strides = array<i32>} : memref<5x2560xf32, #tpu.memory_space<vmem>>, vector<16xf32>,
          %sub3A_1049 = arith.subf %get3A_1048, %select_n3A_1038 : vector<16xf32>
          %max3A_1050 = arith.maximumf %sub3A_1049, %broadcast_in_dim3A_1040 : vector<16xf32>
          %sub3A_1051 = arith.subf %get3A_1048, %select_n3A_1027 : vector<16xf32>
          %swap3A_1052 = arith.constant 1 : i32
          %swap3A_1053 = arith.index_cast %swap3A_1052 : i32 to index
          %swap3A_1054 = arith.index_cast %add3A_1044 : i32 to index
          %swap3A_1055 = tpu.vector_load %arg12[%swap3A_1053, %swap3A_1054] {strides = array<i32>} : memref<5x2560xf32, #tpu.memory_space<vmem>>, vector<16xf32>,
          tpu.vector_store %arg12[%swap3A_1053, %swap3A_1054], %sub3A_1051 {strides = array<i32>} : memref<5x2560xf32, #tpu.memory_space<vmem>>, vector<16xf32>,
          %get3A_1056 = arith.constant 2 : i32
          %get3A_1057 = arith.index_cast %get3A_1056 : i32 to index
          %get3A_1058 = arith.index_cast %add3A_1044 : i32 to index
          %get3A_1059 = tpu.vector_load %arg12[%get3A_1057, %get3A_1058] {strides = array<i32>} : memref<5x2560xf32, #tpu.memory_space<vmem>>, vector<16xf32>,
          %sub3A_1060 = arith.subf %get3A_1059, %select_n3A_1038 : vector<16xf32>
          %max3A_1061 = arith.maximumf %sub3A_1060, %broadcast_in_dim3A_1040 : vector<16xf32>
          %add3A_1062 = arith.addf %max3A_1050, %max3A_1061 : vector<16xf32>
          %sub3A_1063 = arith.subf %get3A_1059, %add3A_1033 : vector<16xf32>
          %swap3A_1064 = arith.constant 2 : i32
          %swap3A_1065 = arith.index_cast %swap3A_1064 : i32 to index
          %swap3A_1066 = arith.index_cast %add3A_1044 : i32 to index
          %swap3A_1067 = tpu.vector_load %arg12[%swap3A_1065, %swap3A_1066] {strides = array<i32>} : memref<5x2560xf32, #tpu.memory_space<vmem>>, vector<16xf32>,
          tpu.vector_store %arg12[%swap3A_1065, %swap3A_1066], %sub3A_1063 {strides = array<i32>} : memref<5x2560xf32, #tpu.memory_space<vmem>>, vector<16xf32>,
          %get3A_1068 = arith.constant 3 : i32
          %get3A_1069 = arith.index_cast %get3A_1068 : i32 to index
          %get3A_1070 = arith.index_cast %add3A_1044 : i32 to index
          %get3A_1071 = tpu.vector_load %arg12[%get3A_1069, %get3A_1070] {strides = array<i32>} : memref<5x2560xf32, #tpu.memory_space<vmem>>, vector<16xf32>,
          %sub3A_1072 = arith.subf %get3A_1071, %select_n3A_1038 : vector<16xf32>
          %max3A_1073 = arith.maximumf %sub3A_1072, %broadcast_in_dim3A_1040 : vector<16xf32>
          %add3A_1074 = arith.addf %add3A_1062, %max3A_1073 : vector<16xf32>
          %sub3A_1075 = arith.subf %get3A_1071, %add3A_1033 : vector<16xf32>
          %swap3A_1076 = arith.constant 3 : i32
          %swap3A_1077 = arith.index_cast %swap3A_1076 : i32 to index
          %swap3A_1078 = arith.index_cast %add3A_1044 : i32 to index
          %swap3A_1079 = tpu.vector_load %arg12[%swap3A_1077, %swap3A_1078] {strides = array<i32>} : memref<5x2560xf32, #tpu.memory_space<vmem>>, vector<16xf32>,
          tpu.vector_store %arg12[%swap3A_1077, %swap3A_1078], %sub3A_1075 {strides = array<i32>} : memref<5x2560xf32, #tpu.memory_space<vmem>>, vector<16xf32>,
          %get3A_1080 = arith.constant 4 : i32
          %get3A_1081 = arith.index_cast %get3A_1080 : i32 to index
          %get3A_1082 = arith.index_cast %add3A_1044 : i32 to index
          %get3A_1083 = tpu.vector_load %arg12[%get3A_1081, %get3A_1082] {strides = array<i32>} : memref<5x2560xf32, #tpu.memory_space<vmem>>, vector<16xf32>,
          %sub3A_1084 = arith.subf %get3A_1083, %select_n3A_1038 : vector<16xf32>
          %max3A_1085 = arith.maximumf %sub3A_1084, %broadcast_in_dim3A_1040 : vector<16xf32>
          %add3A_1086 = arith.addf %add3A_1074, %max3A_1085 : vector<16xf32>
          %sub3A_1087 = arith.subf %get3A_1083, %add3A_1033 : vector<16xf32>
          %swap3A_1088 = arith.constant 4 : i32
          %swap3A_1089 = arith.index_cast %swap3A_1088 : i32 to index
          %swap3A_1090 = arith.index_cast %add3A_1044 : i32 to index
          %swap3A_1091 = tpu.vector_load %arg12[%swap3A_1089, %swap3A_1090] {strides = array<i32>} : memref<5x2560xf32, #tpu.memory_space<vmem>>, vector<16xf32>,
          tpu.vector_store %arg12[%swap3A_1089, %swap3A_1090], %sub3A_1087 {strides = array<i32>} : memref<5x2560xf32, #tpu.memory_space<vmem>>, vector<16xf32>,
          %add3A_1092 = arith.addf %add3A_968, %add3A_1086 : vector<16xf32>
          %mul3A_1093 = arith.constant 2 : i32
          %mul3A_1094 = arith.muli %mul3A_1093, %scan3A_232 : i32
          %get3A_1095 = arith.index_cast %mul3A_1094 : i32 to index
          %get3A_1096 = arith.constant 112 : index
          %get3A_1097 = tpu.vector_load %arg9[%get3A_1095, %get3A_1096] {strides = array<i32>} : memref<40x128xi32, #tpu.memory_space<vmem>>, vector<16xi32>,
          %mul3A_1098 = arith.constant 2 : i32
          %mul3A_1099 = arith.muli %mul3A_1098, %scan3A_232 : i32
          %add3A_1100 = arith.constant 1 : i32
          %add3A_1101 = arith.addi %mul3A_1099, %add3A_1100 : i32
          %get3A_1102 = arith.index_cast %add3A_1101 : i32 to index
          %get3A_1103 = arith.constant 112 : index
          %get3A_1104 = tpu.vector_load %arg9[%get3A_1102, %get3A_1103] {strides = array<i32>} : memref<40x128xi32, #tpu.memory_space<vmem>>, vector<16xi32>,
          %shift_right_logical3A_1105 = arith.constant 3 : i32
          %shift_right_logical3A_1106 = vector.broadcast %shift_right_logical3A_1105 : i32 to vector<16xi32>
          %shift_right_logical3A_1107 = arith.shrui %get3A_1097, %shift_right_logical3A_1106 : vector<16xi32>
          %gather3A_1108 = tpu.vector_load_idx %arg7[%shift_right_logical3A_1107] : memref<12500xi32, #tpu.memory_space<vmem>>[vector<16xi32>], vector<16xi32>,
          %shift_right_logical3A_1109 = arith.constant 3 : i32
          %shift_right_logical3A_1110 = vector.broadcast %shift_right_logical3A_1109 : i32 to vector<16xi32>
          %shift_right_logical3A_1111 = arith.shrui %get3A_1104, %shift_right_logical3A_1110 : vector<16xi32>
          %gather3A_1112 = tpu.vector_load_idx %arg7[%shift_right_logical3A_1111] : memref<12500xi32, #tpu.memory_space<vmem>>[vector<16xi32>], vector<16xi32>,
          %and3A_1113 = arith.constant 7 : i32
          %and3A_1114 = vector.broadcast %and3A_1113 : i32 to vector<16xi32>
          %and3A_1115 = arith.andi %get3A_1097, %and3A_1114 : vector<16xi32>
          %shift_left3A_1116 = arith.constant 2 : i32
          %shift_left3A_1117 = vector.broadcast %shift_left3A_1116 : i32 to vector<16xi32>
          %shift_left3A_1118 = arith.shli %and3A_1115, %shift_left3A_1117 : vector<16xi32>
          %shift_right_logical3A_1119 = arith.shrui %gather3A_1108, %shift_left3A_1118 : vector<16xi32>
          %and3A_1120 = arith.constant 7 : i32
          %and3A_1121 = vector.broadcast %and3A_1120 : i32 to vector<16xi32>
          %and3A_1122 = arith.andi %shift_right_logical3A_1119, %and3A_1121 : vector<16xi32>
          %and3A_1123 = arith.constant 7 : i32
          %and3A_1124 = vector.broadcast %and3A_1123 : i32 to vector<16xi32>
          %and3A_1125 = arith.andi %get3A_1104, %and3A_1124 : vector<16xi32>
          %shift_left3A_1126 = arith.constant 2 : i32
          %shift_left3A_1127 = vector.broadcast %shift_left3A_1126 : i32 to vector<16xi32>
          %shift_left3A_1128 = arith.shli %and3A_1125, %shift_left3A_1127 : vector<16xi32>
          %shift_right_logical3A_1129 = arith.shrui %gather3A_1112, %shift_left3A_1128 : vector<16xi32>
          %and3A_1130 = arith.constant 7 : i32
          %and3A_1131 = vector.broadcast %and3A_1130 : i32 to vector<16xi32>
          %and3A_1132 = arith.andi %shift_right_logical3A_1129, %and3A_1131 : vector<16xi32>
          %eq3A_1133 = arith.constant 4 : i32
          %eq3A_1134 = vector.broadcast %eq3A_1133 : i32 to vector<16xi32>
          %eq3A_1135 = arith.cmpi eq, %and3A_1122, %eq3A_1134 : vector<16xi32>
          %eq3A_1136 = arith.constant 4 : i32
          %eq3A_1137 = vector.broadcast %eq3A_1136 : i32 to vector<16xi32>
          %eq3A_1138 = arith.cmpi eq, %and3A_1132, %eq3A_1137 : vector<16xi32>
          %or3A_1139 = arith.ori %eq3A_1135, %eq3A_1138 : vector<16xi1>
          %eq3A_1140 = arith.constant 5 : i32
          %eq3A_1141 = vector.broadcast %eq3A_1140 : i32 to vector<16xi32>
          %eq3A_1142 = arith.cmpi eq, %and3A_1122, %eq3A_1141 : vector<16xi32>
          %eq3A_1143 = arith.constant 5 : i32
          %eq3A_1144 = vector.broadcast %eq3A_1143 : i32 to vector<16xi32>
          %eq3A_1145 = arith.cmpi eq, %and3A_1132, %eq3A_1144 : vector<16xi32>
          %or3A_1146 = arith.ori %eq3A_1142, %eq3A_1145 : vector<16xi1>
          %jit3A_1147 = arith.constant 1.000000e+02 : f32
          %jit3A_1148 = arith.constant 0.000000e+00 : f32
          %broadcast_in_dim3A_1149 = vector.broadcast %jit3A_1147 : f32 to vector<16xf32>
          %broadcast_in_dim3A_1150 = vector.broadcast %jit3A_1148 : f32 to vector<16xf32>
          %select_n3A_1151 = arith.select %or3A_1139, %broadcast_in_dim3A_1149, %broadcast_in_dim3A_1150 : vector<16xi1>, vector<16xf32>
          %jit3A_1152 = arith.constant 5.000000e+01 : f32
          %jit3A_1153 = arith.constant 0.000000e+00 : f32
          %broadcast_in_dim3A_1154 = vector.broadcast %jit3A_1152 : f32 to vector<16xf32>
          %broadcast_in_dim3A_1155 = vector.broadcast %jit3A_1153 : f32 to vector<16xf32>
          %select_n3A_1156 = arith.select %or3A_1146, %broadcast_in_dim3A_1154, %broadcast_in_dim3A_1155 : vector<16xi1>, vector<16xf32>
          %add3A_1157 = arith.addf %select_n3A_1151, %select_n3A_1156 : vector<16xf32>
          %jit3A_1158 = arith.constant 1.000000e+02 : f32
          %jit3A_1159 = arith.constant 3.000000e+38 : f32
          %broadcast_in_dim3A_1160 = vector.broadcast %jit3A_1158 : f32 to vector<16xf32>
          %broadcast_in_dim3A_1161 = vector.broadcast %jit3A_1159 : f32 to vector<16xf32>
          %select_n3A_1162 = arith.select %or3A_1139, %broadcast_in_dim3A_1160, %broadcast_in_dim3A_1161 : vector<16xi1>, vector<16xf32>
          %broadcast_in_dim3A_1163 = arith.constant 0.000000e+00 : f32
          %broadcast_in_dim3A_1164 = vector.broadcast %broadcast_in_dim3A_1163 : f32 to vector<16xf32>
          %mul3A_1165 = arith.constant 128 : i32
          %mul3A_1166 = arith.muli %scan3A_232, %mul3A_1165 : i32
          %add3A_1167 = arith.constant 112 : i32
          %add3A_1168 = arith.addi %mul3A_1166, %add3A_1167 : i32
          %get3A_1169 = arith.constant 1 : i32
          %get3A_1170 = arith.index_cast %get3A_1169 : i32 to index
          %get3A_1171 = arith.index_cast %add3A_1168 : i32 to index
          %get3A_1172 = tpu.vector_load %arg12[%get3A_1170, %get3A_1171] {strides = array<i32>} : memref<5x2560xf32, #tpu.memory_space<vmem>>, vector<16xf32>,
          %sub3A_1173 = arith.subf %get3A_1172, %select_n3A_1162 : vector<16xf32>
          %max3A_1174 = arith.maximumf %sub3A_1173, %broadcast_in_dim3A_1164 : vector<16xf32>
          %sub3A_1175 = arith.subf %get3A_1172, %select_n3A_1151 : vector<16xf32>
          %swap3A_1176 = arith.constant 1 : i32
          %swap3A_1177 = arith.index_cast %swap3A_1176 : i32 to index
          %swap3A_1178 = arith.index_cast %add3A_1168 : i32 to index
          %swap3A_1179 = tpu.vector_load %arg12[%swap3A_1177, %swap3A_1178] {strides = array<i32>} : memref<5x2560xf32, #tpu.memory_space<vmem>>, vector<16xf32>,
          tpu.vector_store %arg12[%swap3A_1177, %swap3A_1178], %sub3A_1175 {strides = array<i32>} : memref<5x2560xf32, #tpu.memory_space<vmem>>, vector<16xf32>,
          %get3A_1180 = arith.constant 2 : i32
          %get3A_1181 = arith.index_cast %get3A_1180 : i32 to index
          %get3A_1182 = arith.index_cast %add3A_1168 : i32 to index
          %get3A_1183 = tpu.vector_load %arg12[%get3A_1181, %get3A_1182] {strides = array<i32>} : memref<5x2560xf32, #tpu.memory_space<vmem>>, vector<16xf32>,
          %sub3A_1184 = arith.subf %get3A_1183, %select_n3A_1162 : vector<16xf32>
          %max3A_1185 = arith.maximumf %sub3A_1184, %broadcast_in_dim3A_1164 : vector<16xf32>
          %add3A_1186 = arith.addf %max3A_1174, %max3A_1185 : vector<16xf32>
          %sub3A_1187 = arith.subf %get3A_1183, %add3A_1157 : vector<16xf32>
          %swap3A_1188 = arith.constant 2 : i32
          %swap3A_1189 = arith.index_cast %swap3A_1188 : i32 to index
          %swap3A_1190 = arith.index_cast %add3A_1168 : i32 to index
          %swap3A_1191 = tpu.vector_load %arg12[%swap3A_1189, %swap3A_1190] {strides = array<i32>} : memref<5x2560xf32, #tpu.memory_space<vmem>>, vector<16xf32>,
          tpu.vector_store %arg12[%swap3A_1189, %swap3A_1190], %sub3A_1187 {strides = array<i32>} : memref<5x2560xf32, #tpu.memory_space<vmem>>, vector<16xf32>,
          %get3A_1192 = arith.constant 3 : i32
          %get3A_1193 = arith.index_cast %get3A_1192 : i32 to index
          %get3A_1194 = arith.index_cast %add3A_1168 : i32 to index
          %get3A_1195 = tpu.vector_load %arg12[%get3A_1193, %get3A_1194] {strides = array<i32>} : memref<5x2560xf32, #tpu.memory_space<vmem>>, vector<16xf32>,
          %sub3A_1196 = arith.subf %get3A_1195, %select_n3A_1162 : vector<16xf32>
          %max3A_1197 = arith.maximumf %sub3A_1196, %broadcast_in_dim3A_1164 : vector<16xf32>
          %add3A_1198 = arith.addf %add3A_1186, %max3A_1197 : vector<16xf32>
          %sub3A_1199 = arith.subf %get3A_1195, %add3A_1157 : vector<16xf32>
          %swap3A_1200 = arith.constant 3 : i32
          %swap3A_1201 = arith.index_cast %swap3A_1200 : i32 to index
          %swap3A_1202 = arith.index_cast %add3A_1168 : i32 to index
          %swap3A_1203 = tpu.vector_load %arg12[%swap3A_1201, %swap3A_1202] {strides = array<i32>} : memref<5x2560xf32, #tpu.memory_space<vmem>>, vector<16xf32>,
          tpu.vector_store %arg12[%swap3A_1201, %swap3A_1202], %sub3A_1199 {strides = array<i32>} : memref<5x2560xf32, #tpu.memory_space<vmem>>, vector<16xf32>,
          %get3A_1204 = arith.constant 4 : i32
          %get3A_1205 = arith.index_cast %get3A_1204 : i32 to index
          %get3A_1206 = arith.index_cast %add3A_1168 : i32 to index
          %get3A_1207 = tpu.vector_load %arg12[%get3A_1205, %get3A_1206] {strides = array<i32>} : memref<5x2560xf32, #tpu.memory_space<vmem>>, vector<16xf32>,
          %sub3A_1208 = arith.subf %get3A_1207, %select_n3A_1162 : vector<16xf32>
          %max3A_1209 = arith.maximumf %sub3A_1208, %broadcast_in_dim3A_1164 : vector<16xf32>
          %add3A_1210 = arith.addf %add3A_1198, %max3A_1209 : vector<16xf32>
          %sub3A_1211 = arith.subf %get3A_1207, %add3A_1157 : vector<16xf32>
          %swap3A_1212 = arith.constant 4 : i32
          %swap3A_1213 = arith.index_cast %swap3A_1212 : i32 to index
          %swap3A_1214 = arith.index_cast %add3A_1168 : i32 to index
          %swap3A_1215 = tpu.vector_load %arg12[%swap3A_1213, %swap3A_1214] {strides = array<i32>} : memref<5x2560xf32, #tpu.memory_space<vmem>>, vector<16xf32>,
          tpu.vector_store %arg12[%swap3A_1213, %swap3A_1214], %sub3A_1211 {strides = array<i32>} : memref<5x2560xf32, #tpu.memory_space<vmem>>, vector<16xf32>,
          %add3A_1216 = arith.addf %add3A_1092, %add3A_1210 : vector<16xf32>
          scf.yield %add3A_1216 : vector<16xf32>
        }
        %scan3A_231 = arith.constant 20 : i32
        scf.yield %scan3A_230 : vector<16xf32>
      } else {
        scf.yield %cond3A_76 : vector<16xf32>
      }
      %mul3A_146 = arith.constant 32 : i32
      %mul3A_147 = arith.muli %add3A_91, %mul3A_146 : i32
      %add3A_148 = arith.addi %mul3A_147, %add3A : i32
      %lt3A_149 = arith.constant 79 : i32
      %lt3A_150 = arith.cmpi slt, %add3A_91, %lt3A_149 : i32
      %lt3A_151 = arith.constant 2500 : i32
      %lt3A_152 = arith.cmpi slt, %add3A_148, %lt3A_151 : i32
      %and3A_153 = arith.andi %lt3A_150, %lt3A_152 : i1
      %convert_element_type3A_154 = arith.extui %and3A_153 : i1 to i32
      %cond3A_155 = arith.constant 0 : i32
      %cond3A_156 = arith.cmpi ne, %convert_element_type3A_154, %cond3A_155 : i32
      scf.if %cond3A_156 {
        %mul3A_226 = arith.constant 2560 : i32
        %mul3A_227 = arith.muli %add3A_148, %mul3A_226 : i32
        %dma_start3A = arith.constant 0 : i32
        %dma_start3A_228 = tpu.memref_slice %arg5[%dma_start3A, %mul3A_227] : memref<5x6400000xf32, #tpu.memory_space<hbm>> -> memref<5x2560xf32, #tpu.memory_space<hbm>>
        %dma_start3A_229 = arith.constant 0 : i32
        %dma_start3A_230 = tpu.memref_slice %arg5[%dma_start3A_229, %mul3A_227] : memref<5x6400000xf32, #tpu.memory_space<hbm>> -> memref<5x2560xf32, #tpu.memory_space<hbm>>
        tpu.enqueue_dma source(%arg12 : memref<5x2560xf32, #tpu.memory_space<vmem>>) target(%dma_start3A_230 : memref<5x2560xf32, #tpu.memory_space<hbm>>) target_semaphore(%arg19 : memref<!tpu.dma_semaphore, #tpu.memory_space<semaphore_mem>>)
      } else {
      }
      %mul3A_157 = arith.constant 3 : i32
      %mul3A_158 = arith.muli %scan3A_19, %mul3A_157 : i32
      %add3A_159 = arith.constant 2 : i32
      %add3A_160 = arith.addi %mul3A_158, %add3A_159 : i32
      %add3A_161 = arith.constant 1 : i32
      %add3A_162 = arith.addi %add3A_160, %add3A_161 : i32
      %sub3A_163 = arith.constant 3 : i32
      %sub3A_164 = arith.subi %add3A_162, %sub3A_163 : i32
      %mul3A_165 = arith.constant 32 : i32
      %mul3A_166 = arith.muli %sub3A_164, %mul3A_165 : i32
      %add3A_167 = arith.addi %mul3A_166, %add3A : i32
      %ge3A_168 = arith.constant 0 : i32
      %ge3A_169 = arith.cmpi sge, %sub3A_164, %ge3A_168 : i32
      %lt3A_170 = arith.constant 79 : i32
      %lt3A_171 = arith.cmpi slt, %sub3A_164, %lt3A_170 : i32
      %and3A_172 = arith.andi %ge3A_169, %lt3A_171 : i1
      %lt3A_173 = arith.constant 2500 : i32
      %lt3A_174 = arith.cmpi slt, %add3A_167, %lt3A_173 : i32
      %and3A_175 = arith.andi %and3A_172, %lt3A_174 : i1
      %convert_element_type3A_176 = arith.extui %and3A_175 : i1 to i32
      %cond3A_177 = arith.constant 0 : i32
      %cond3A_178 = arith.cmpi ne, %convert_element_type3A_176, %cond3A_177 : i32
      scf.if %cond3A_178 {
        %mul3A_226 = arith.constant 2560 : i32
        %mul3A_227 = arith.muli %add3A_167, %mul3A_226 : i32
        %dma_wait3A = arith.constant 0 : i32
        %dma_wait3A_228 = tpu.memref_slice %arg5[%dma_wait3A, %mul3A_227] : memref<5x6400000xf32, #tpu.memory_space<hbm>> -> memref<5x2560xf32, #tpu.memory_space<hbm>>
        %dma_wait3A_229 = arith.constant 0 : i32
        %dma_wait3A_230 = tpu.memref_slice %arg5[%dma_wait3A_229, %mul3A_227] : memref<5x6400000xf32, #tpu.memory_space<hbm>> -> memref<5x2560xf32, #tpu.memory_space<hbm>>
        tpu.wait_dma2 semaphore(%arg18 : memref<!tpu.dma_semaphore, #tpu.memory_space<semaphore_mem>>) src(%arg11 : memref<5x2560xf32, #tpu.memory_space<vmem>>) dst(%dma_wait3A_230 : memref<5x2560xf32, #tpu.memory_space<hbm>>)
      } else {
      }
      %add3A_179 = arith.constant 1 : i32
      %add3A_180 = arith.addi %add3A_160, %add3A_179 : i32
      %mul3A_181 = arith.constant 32 : i32
      %mul3A_182 = arith.muli %add3A_180, %mul3A_181 : i32
      %add3A_183 = arith.addi %mul3A_182, %add3A : i32
      %lt3A_184 = arith.constant 79 : i32
      %lt3A_185 = arith.cmpi slt, %add3A_180, %lt3A_184 : i32
      %lt3A_186 = arith.constant 2500 : i32
      %lt3A_187 = arith.cmpi slt, %add3A_183, %lt3A_186 : i32
      %and3A_188 = arith.andi %lt3A_185, %lt3A_187 : i1
      %convert_element_type3A_189 = arith.extui %and3A_188 : i1 to i32
      %cond3A_190 = arith.constant 0 : i32
      %cond3A_191 = arith.cmpi ne, %convert_element_type3A_189, %cond3A_190 : i32
      scf.if %cond3A_191 {
        %mul3A_226 = arith.constant 40 : i32
        %mul3A_227 = arith.muli %add3A_183, %mul3A_226 : i32
        %mul3A_228 = arith.constant 2560 : i32
        %mul3A_229 = arith.muli %add3A_183, %mul3A_228 : i32
        %dma_start3A = arith.constant 0 : i32
        %dma_start3A_230 = tpu.memref_slice %arg3[%mul3A_227, %dma_start3A] : memref<100000x128xi32, #tpu.memory_space<hbm>> -> memref<40x128xi32, #tpu.memory_space<hbm>>
        %dma_start3A_231 = arith.constant 0 : i32
        %dma_start3A_232 = tpu.memref_slice %arg3[%mul3A_227, %dma_start3A_231] : memref<100000x128xi32, #tpu.memory_space<hbm>> -> memref<40x128xi32, #tpu.memory_space<hbm>>
        tpu.enqueue_dma source(%dma_start3A_232 : memref<40x128xi32, #tpu.memory_space<hbm>>) target(%arg8 : memref<40x128xi32, #tpu.memory_space<vmem>>) target_semaphore(%arg15 : memref<!tpu.dma_semaphore, #tpu.memory_space<semaphore_mem>>)
        %dma_start3A_233 = arith.constant 0 : i32
        %dma_start3A_234 = tpu.memref_slice %arg2[%dma_start3A_233, %mul3A_229] : memref<5x6400000xf32, #tpu.memory_space<hbm>> -> memref<5x2560xf32, #tpu.memory_space<hbm>>
        %dma_start3A_235 = arith.constant 0 : i32
        %dma_start3A_236 = tpu.memref_slice %arg2[%dma_start3A_235, %mul3A_229] : memref<5x6400000xf32, #tpu.memory_space<hbm>> -> memref<5x2560xf32, #tpu.memory_space<hbm>>
        tpu.enqueue_dma source(%dma_start3A_236 : memref<5x2560xf32, #tpu.memory_space<hbm>>) target(%arg11 : memref<5x2560xf32, #tpu.memory_space<vmem>>) target_semaphore(%arg15 : memref<!tpu.dma_semaphore, #tpu.memory_space<semaphore_mem>>)
      } else {
      }
      %mul3A_192 = arith.constant 32 : i32
      %mul3A_193 = arith.muli %add3A_160, %mul3A_192 : i32
      %add3A_194 = arith.addi %mul3A_193, %add3A : i32
      %lt3A_195 = arith.constant 79 : i32
      %lt3A_196 = arith.cmpi slt, %add3A_160, %lt3A_195 : i32
      %lt3A_197 = arith.constant 2500 : i32
      %lt3A_198 = arith.cmpi slt, %add3A_194, %lt3A_197 : i32
      %and3A_199 = arith.andi %lt3A_196, %lt3A_198 : i1
      %convert_element_type3A_200 = arith.extui %and3A_199 : i1 to i32
      %cond3A_201 = arith.constant 0 : i32
      %cond3A_202 = arith.cmpi ne, %convert_element_type3A_200, %cond3A_201 : i32
      scf.if %cond3A_202 {
        %mul3A_226 = arith.constant 40 : i32
        %mul3A_227 = arith.muli %add3A_194, %mul3A_226 : i32
        %mul3A_228 = arith.constant 2560 : i32
        %mul3A_229 = arith.muli %add3A_194, %mul3A_228 : i32
        %dma_wait3A = arith.constant 0 : i32
        %dma_wait3A_230 = tpu.memref_slice %arg3[%mul3A_227, %dma_wait3A] : memref<100000x128xi32, #tpu.memory_space<hbm>> -> memref<40x128xi32, #tpu.memory_space<hbm>>
        %dma_wait3A_231 = arith.constant 0 : i32
        %dma_wait3A_232 = tpu.memref_slice %arg3[%mul3A_227, %dma_wait3A_231] : memref<100000x128xi32, #tpu.memory_space<hbm>> -> memref<40x128xi32, #tpu.memory_space<hbm>>
        tpu.wait_dma2 semaphore(%arg17 : memref<!tpu.dma_semaphore, #tpu.memory_space<semaphore_mem>>) src(%dma_wait3A_232 : memref<40x128xi32, #tpu.memory_space<hbm>>) dst(%arg10 : memref<40x128xi32, #tpu.memory_space<vmem>>)
        %dma_wait3A_233 = arith.constant 0 : i32
        %dma_wait3A_234 = tpu.memref_slice %arg2[%dma_wait3A_233, %mul3A_229] : memref<5x6400000xf32, #tpu.memory_space<hbm>> -> memref<5x2560xf32, #tpu.memory_space<hbm>>
        %dma_wait3A_235 = arith.constant 0 : i32
        %dma_wait3A_236 = tpu.memref_slice %arg2[%dma_wait3A_235, %mul3A_229] : memref<5x6400000xf32, #tpu.memory_space<hbm>> -> memref<5x2560xf32, #tpu.memory_space<hbm>>
        tpu.wait_dma2 semaphore(%arg17 : memref<!tpu.dma_semaphore, #tpu.memory_space<semaphore_mem>>) src(%dma_wait3A_236 : memref<5x2560xf32, #tpu.memory_space<hbm>>) dst(%arg13 : memref<5x2560xf32, #tpu.memory_space<vmem>>)
      } else {
      }
      %mul3A_203 = arith.constant 32 : i32
      %mul3A_204 = arith.muli %add3A_160, %mul3A_203 : i32
      %add3A_205 = arith.addi %mul3A_204, %add3A : i32
      %lt3A_206 = arith.constant 79 : i32
      %lt3A_207 = arith.cmpi slt, %add3A_160, %lt3A_206 : i32
      %lt3A_208 = arith.constant 2500 : i32
      %lt3A_209 = arith.cmpi slt, %add3A_205, %lt3A_208 : i32
      %and3A_210 = arith.andi %lt3A_207, %lt3A_209 : i1
      %convert_element_type3A_211 = arith.extui %and3A_210 : i1 to i32
      %cond3A_212 = arith.constant 0 : i32
      %cond3A_213 = arith.cmpi ne, %convert_element_type3A_211, %cond3A_212 : i32
      %cond3A_214 = scf.if %cond3A_213 -> (vector<16xf32>) {
        %scan3A_226 = arith.constant 0 : i32
        %scan3A_227 = arith.constant 20 : i32
        %scan3A_228 = arith.addi %scan3A_226, %scan3A_227 : i32
        %scan3A_229 = arith.constant 1 : i32
        %scan3A_230 = scf.for %scan3A_232 = %scan3A_226 to %scan3A_228 step %scan3A_229 iter_args(%scan3A_233 = %cond3A_145) -> (vector<16xf32>)  : i32 {
          %mul3A_234 = arith.constant 2 : i32
          %mul3A_235 = arith.muli %mul3A_234, %scan3A_232 : i32
          %get3A = arith.index_cast %mul3A_235 : i32 to index
          %get3A_236 = arith.constant 0 : index
          %get3A_237 = tpu.vector_load %arg10[%get3A, %get3A_236] {strides = array<i32>} : memref<40x128xi32, #tpu.memory_space<vmem>>, vector<16xi32>,
          %mul3A_238 = arith.constant 2 : i32
          %mul3A_239 = arith.muli %mul3A_238, %scan3A_232 : i32
          %add3A_240 = arith.constant 1 : i32
          %add3A_241 = arith.addi %mul3A_239, %add3A_240 : i32
          %get3A_242 = arith.index_cast %add3A_241 : i32 to index
          %get3A_243 = arith.constant 0 : index
          %get3A_244 = tpu.vector_load %arg10[%get3A_242, %get3A_243] {strides = array<i32>} : memref<40x128xi32, #tpu.memory_space<vmem>>, vector<16xi32>,
          %shift_right_logical3A = arith.constant 3 : i32
          %shift_right_logical3A_245 = vector.broadcast %shift_right_logical3A : i32 to vector<16xi32>
          %shift_right_logical3A_246 = arith.shrui %get3A_237, %shift_right_logical3A_245 : vector<16xi32>
          %gather3A = tpu.vector_load_idx %arg7[%shift_right_logical3A_246] : memref<12500xi32, #tpu.memory_space<vmem>>[vector<16xi32>], vector<16xi32>,
          %shift_right_logical3A_247 = arith.constant 3 : i32
          %shift_right_logical3A_248 = vector.broadcast %shift_right_logical3A_247 : i32 to vector<16xi32>
          %shift_right_logical3A_249 = arith.shrui %get3A_244, %shift_right_logical3A_248 : vector<16xi32>
          %gather3A_250 = tpu.vector_load_idx %arg7[%shift_right_logical3A_249] : memref<12500xi32, #tpu.memory_space<vmem>>[vector<16xi32>], vector<16xi32>,
          %and3A_251 = arith.constant 7 : i32
          %and3A_252 = vector.broadcast %and3A_251 : i32 to vector<16xi32>
          %and3A_253 = arith.andi %get3A_237, %and3A_252 : vector<16xi32>
          %shift_left3A = arith.constant 2 : i32
          %shift_left3A_254 = vector.broadcast %shift_left3A : i32 to vector<16xi32>
          %shift_left3A_255 = arith.shli %and3A_253, %shift_left3A_254 : vector<16xi32>
          %shift_right_logical3A_256 = arith.shrui %gather3A, %shift_left3A_255 : vector<16xi32>
          %and3A_257 = arith.constant 7 : i32
          %and3A_258 = vector.broadcast %and3A_257 : i32 to vector<16xi32>
          %and3A_259 = arith.andi %shift_right_logical3A_256, %and3A_258 : vector<16xi32>
          %and3A_260 = arith.constant 7 : i32
          %and3A_261 = vector.broadcast %and3A_260 : i32 to vector<16xi32>
          %and3A_262 = arith.andi %get3A_244, %and3A_261 : vector<16xi32>
          %shift_left3A_263 = arith.constant 2 : i32
          %shift_left3A_264 = vector.broadcast %shift_left3A_263 : i32 to vector<16xi32>
          %shift_left3A_265 = arith.shli %and3A_262, %shift_left3A_264 : vector<16xi32>
          %shift_right_logical3A_266 = arith.shrui %gather3A_250, %shift_left3A_265 : vector<16xi32>
          %and3A_267 = arith.constant 7 : i32
          %and3A_268 = vector.broadcast %and3A_267 : i32 to vector<16xi32>
          %and3A_269 = arith.andi %shift_right_logical3A_266, %and3A_268 : vector<16xi32>
          %eq3A = arith.constant 4 : i32
          %eq3A_270 = vector.broadcast %eq3A : i32 to vector<16xi32>
          %eq3A_271 = arith.cmpi eq, %and3A_259, %eq3A_270 : vector<16xi32>
          %eq3A_272 = arith.constant 4 : i32
          %eq3A_273 = vector.broadcast %eq3A_272 : i32 to vector<16xi32>
          %eq3A_274 = arith.cmpi eq, %and3A_269, %eq3A_273 : vector<16xi32>
          %or3A = arith.ori %eq3A_271, %eq3A_274 : vector<16xi1>
          %eq3A_275 = arith.constant 5 : i32
          %eq3A_276 = vector.broadcast %eq3A_275 : i32 to vector<16xi32>
          %eq3A_277 = arith.cmpi eq, %and3A_259, %eq3A_276 : vector<16xi32>
          %eq3A_278 = arith.constant 5 : i32
          %eq3A_279 = vector.broadcast %eq3A_278 : i32 to vector<16xi32>
          %eq3A_280 = arith.cmpi eq, %and3A_269, %eq3A_279 : vector<16xi32>
          %or3A_281 = arith.ori %eq3A_277, %eq3A_280 : vector<16xi1>
          %jit3A = arith.constant 1.000000e+02 : f32
          %jit3A_282 = arith.constant 0.000000e+00 : f32
          %broadcast_in_dim3A_283 = vector.broadcast %jit3A : f32 to vector<16xf32>
          %broadcast_in_dim3A_284 = vector.broadcast %jit3A_282 : f32 to vector<16xf32>
          %select_n3A = arith.select %or3A, %broadcast_in_dim3A_283, %broadcast_in_dim3A_284 : vector<16xi1>, vector<16xf32>
          %jit3A_285 = arith.constant 5.000000e+01 : f32
          %jit3A_286 = arith.constant 0.000000e+00 : f32
          %broadcast_in_dim3A_287 = vector.broadcast %jit3A_285 : f32 to vector<16xf32>
          %broadcast_in_dim3A_288 = vector.broadcast %jit3A_286 : f32 to vector<16xf32>
          %select_n3A_289 = arith.select %or3A_281, %broadcast_in_dim3A_287, %broadcast_in_dim3A_288 : vector<16xi1>, vector<16xf32>
          %add3A_290 = arith.addf %select_n3A, %select_n3A_289 : vector<16xf32>
          %jit3A_291 = arith.constant 1.000000e+02 : f32
          %jit3A_292 = arith.constant 3.000000e+38 : f32
          %broadcast_in_dim3A_293 = vector.broadcast %jit3A_291 : f32 to vector<16xf32>
          %broadcast_in_dim3A_294 = vector.broadcast %jit3A_292 : f32 to vector<16xf32>
          %select_n3A_295 = arith.select %or3A, %broadcast_in_dim3A_293, %broadcast_in_dim3A_294 : vector<16xi1>, vector<16xf32>
          %broadcast_in_dim3A_296 = arith.constant 0.000000e+00 : f32
          %broadcast_in_dim3A_297 = vector.broadcast %broadcast_in_dim3A_296 : f32 to vector<16xf32>
          %mul3A_298 = arith.constant 128 : i32
          %mul3A_299 = arith.muli %scan3A_232, %mul3A_298 : i32
          %add3A_300 = arith.constant 0 : i32
          %add3A_301 = arith.addi %mul3A_299, %add3A_300 : i32
          %get3A_302 = arith.constant 1 : i32
          %get3A_303 = arith.index_cast %get3A_302 : i32 to index
          %get3A_304 = arith.index_cast %add3A_301 : i32 to index
          %get3A_305 = tpu.vector_load %arg13[%get3A_303, %get3A_304] {strides = array<i32>} : memref<5x2560xf32, #tpu.memory_space<vmem>>, vector<16xf32>,
          %sub3A_306 = arith.subf %get3A_305, %select_n3A_295 : vector<16xf32>
          %max3A = arith.maximumf %sub3A_306, %broadcast_in_dim3A_297 : vector<16xf32>
          %sub3A_307 = arith.subf %get3A_305, %select_n3A : vector<16xf32>
          %swap3A_308 = arith.constant 1 : i32
          %swap3A_309 = arith.index_cast %swap3A_308 : i32 to index
          %swap3A_310 = arith.index_cast %add3A_301 : i32 to index
          %swap3A_311 = tpu.vector_load %arg13[%swap3A_309, %swap3A_310] {strides = array<i32>} : memref<5x2560xf32, #tpu.memory_space<vmem>>, vector<16xf32>,
          tpu.vector_store %arg13[%swap3A_309, %swap3A_310], %sub3A_307 {strides = array<i32>} : memref<5x2560xf32, #tpu.memory_space<vmem>>, vector<16xf32>,
          %get3A_312 = arith.constant 2 : i32
          %get3A_313 = arith.index_cast %get3A_312 : i32 to index
          %get3A_314 = arith.index_cast %add3A_301 : i32 to index
          %get3A_315 = tpu.vector_load %arg13[%get3A_313, %get3A_314] {strides = array<i32>} : memref<5x2560xf32, #tpu.memory_space<vmem>>, vector<16xf32>,
          %sub3A_316 = arith.subf %get3A_315, %select_n3A_295 : vector<16xf32>
          %max3A_317 = arith.maximumf %sub3A_316, %broadcast_in_dim3A_297 : vector<16xf32>
          %add3A_318 = arith.addf %max3A, %max3A_317 : vector<16xf32>
          %sub3A_319 = arith.subf %get3A_315, %add3A_290 : vector<16xf32>
          %swap3A_320 = arith.constant 2 : i32
          %swap3A_321 = arith.index_cast %swap3A_320 : i32 to index
          %swap3A_322 = arith.index_cast %add3A_301 : i32 to index
          %swap3A_323 = tpu.vector_load %arg13[%swap3A_321, %swap3A_322] {strides = array<i32>} : memref<5x2560xf32, #tpu.memory_space<vmem>>, vector<16xf32>,
          tpu.vector_store %arg13[%swap3A_321, %swap3A_322], %sub3A_319 {strides = array<i32>} : memref<5x2560xf32, #tpu.memory_space<vmem>>, vector<16xf32>,
          %get3A_324 = arith.constant 3 : i32
          %get3A_325 = arith.index_cast %get3A_324 : i32 to index
          %get3A_326 = arith.index_cast %add3A_301 : i32 to index
          %get3A_327 = tpu.vector_load %arg13[%get3A_325, %get3A_326] {strides = array<i32>} : memref<5x2560xf32, #tpu.memory_space<vmem>>, vector<16xf32>,
          %sub3A_328 = arith.subf %get3A_327, %select_n3A_295 : vector<16xf32>
          %max3A_329 = arith.maximumf %sub3A_328, %broadcast_in_dim3A_297 : vector<16xf32>
          %add3A_330 = arith.addf %add3A_318, %max3A_329 : vector<16xf32>
          %sub3A_331 = arith.subf %get3A_327, %add3A_290 : vector<16xf32>
          %swap3A_332 = arith.constant 3 : i32
          %swap3A_333 = arith.index_cast %swap3A_332 : i32 to index
          %swap3A_334 = arith.index_cast %add3A_301 : i32 to index
          %swap3A_335 = tpu.vector_load %arg13[%swap3A_333, %swap3A_334] {strides = array<i32>} : memref<5x2560xf32, #tpu.memory_space<vmem>>, vector<16xf32>,
          tpu.vector_store %arg13[%swap3A_333, %swap3A_334], %sub3A_331 {strides = array<i32>} : memref<5x2560xf32, #tpu.memory_space<vmem>>, vector<16xf32>,
          %get3A_336 = arith.constant 4 : i32
          %get3A_337 = arith.index_cast %get3A_336 : i32 to index
          %get3A_338 = arith.index_cast %add3A_301 : i32 to index
          %get3A_339 = tpu.vector_load %arg13[%get3A_337, %get3A_338] {strides = array<i32>} : memref<5x2560xf32, #tpu.memory_space<vmem>>, vector<16xf32>,
          %sub3A_340 = arith.subf %get3A_339, %select_n3A_295 : vector<16xf32>
          %max3A_341 = arith.maximumf %sub3A_340, %broadcast_in_dim3A_297 : vector<16xf32>
          %add3A_342 = arith.addf %add3A_330, %max3A_341 : vector<16xf32>
          %sub3A_343 = arith.subf %get3A_339, %add3A_290 : vector<16xf32>
          %swap3A_344 = arith.constant 4 : i32
          %swap3A_345 = arith.index_cast %swap3A_344 : i32 to index
          %swap3A_346 = arith.index_cast %add3A_301 : i32 to index
          %swap3A_347 = tpu.vector_load %arg13[%swap3A_345, %swap3A_346] {strides = array<i32>} : memref<5x2560xf32, #tpu.memory_space<vmem>>, vector<16xf32>,
          tpu.vector_store %arg13[%swap3A_345, %swap3A_346], %sub3A_343 {strides = array<i32>} : memref<5x2560xf32, #tpu.memory_space<vmem>>, vector<16xf32>,
          %add3A_348 = arith.addf %scan3A_233, %add3A_342 : vector<16xf32>
          %mul3A_349 = arith.constant 2 : i32
          %mul3A_350 = arith.muli %mul3A_349, %scan3A_232 : i32
          %get3A_351 = arith.index_cast %mul3A_350 : i32 to index
          %get3A_352 = arith.constant 16 : index
          %get3A_353 = tpu.vector_load %arg10[%get3A_351, %get3A_352] {strides = array<i32>} : memref<40x128xi32, #tpu.memory_space<vmem>>, vector<16xi32>,
          %mul3A_354 = arith.constant 2 : i32
          %mul3A_355 = arith.muli %mul3A_354, %scan3A_232 : i32
          %add3A_356 = arith.constant 1 : i32
          %add3A_357 = arith.addi %mul3A_355, %add3A_356 : i32
          %get3A_358 = arith.index_cast %add3A_357 : i32 to index
          %get3A_359 = arith.constant 16 : index
          %get3A_360 = tpu.vector_load %arg10[%get3A_358, %get3A_359] {strides = array<i32>} : memref<40x128xi32, #tpu.memory_space<vmem>>, vector<16xi32>,
          %shift_right_logical3A_361 = arith.constant 3 : i32
          %shift_right_logical3A_362 = vector.broadcast %shift_right_logical3A_361 : i32 to vector<16xi32>
          %shift_right_logical3A_363 = arith.shrui %get3A_353, %shift_right_logical3A_362 : vector<16xi32>
          %gather3A_364 = tpu.vector_load_idx %arg7[%shift_right_logical3A_363] : memref<12500xi32, #tpu.memory_space<vmem>>[vector<16xi32>], vector<16xi32>,
          %shift_right_logical3A_365 = arith.constant 3 : i32
          %shift_right_logical3A_366 = vector.broadcast %shift_right_logical3A_365 : i32 to vector<16xi32>
          %shift_right_logical3A_367 = arith.shrui %get3A_360, %shift_right_logical3A_366 : vector<16xi32>
          %gather3A_368 = tpu.vector_load_idx %arg7[%shift_right_logical3A_367] : memref<12500xi32, #tpu.memory_space<vmem>>[vector<16xi32>], vector<16xi32>,
          %and3A_369 = arith.constant 7 : i32
          %and3A_370 = vector.broadcast %and3A_369 : i32 to vector<16xi32>
          %and3A_371 = arith.andi %get3A_353, %and3A_370 : vector<16xi32>
          %shift_left3A_372 = arith.constant 2 : i32
          %shift_left3A_373 = vector.broadcast %shift_left3A_372 : i32 to vector<16xi32>
          %shift_left3A_374 = arith.shli %and3A_371, %shift_left3A_373 : vector<16xi32>
          %shift_right_logical3A_375 = arith.shrui %gather3A_364, %shift_left3A_374 : vector<16xi32>
          %and3A_376 = arith.constant 7 : i32
          %and3A_377 = vector.broadcast %and3A_376 : i32 to vector<16xi32>
          %and3A_378 = arith.andi %shift_right_logical3A_375, %and3A_377 : vector<16xi32>
          %and3A_379 = arith.constant 7 : i32
          %and3A_380 = vector.broadcast %and3A_379 : i32 to vector<16xi32>
          %and3A_381 = arith.andi %get3A_360, %and3A_380 : vector<16xi32>
          %shift_left3A_382 = arith.constant 2 : i32
          %shift_left3A_383 = vector.broadcast %shift_left3A_382 : i32 to vector<16xi32>
          %shift_left3A_384 = arith.shli %and3A_381, %shift_left3A_383 : vector<16xi32>
          %shift_right_logical3A_385 = arith.shrui %gather3A_368, %shift_left3A_384 : vector<16xi32>
          %and3A_386 = arith.constant 7 : i32
          %and3A_387 = vector.broadcast %and3A_386 : i32 to vector<16xi32>
          %and3A_388 = arith.andi %shift_right_logical3A_385, %and3A_387 : vector<16xi32>
          %eq3A_389 = arith.constant 4 : i32
          %eq3A_390 = vector.broadcast %eq3A_389 : i32 to vector<16xi32>
          %eq3A_391 = arith.cmpi eq, %and3A_378, %eq3A_390 : vector<16xi32>
          %eq3A_392 = arith.constant 4 : i32
          %eq3A_393 = vector.broadcast %eq3A_392 : i32 to vector<16xi32>
          %eq3A_394 = arith.cmpi eq, %and3A_388, %eq3A_393 : vector<16xi32>
          %or3A_395 = arith.ori %eq3A_391, %eq3A_394 : vector<16xi1>
          %eq3A_396 = arith.constant 5 : i32
          %eq3A_397 = vector.broadcast %eq3A_396 : i32 to vector<16xi32>
          %eq3A_398 = arith.cmpi eq, %and3A_378, %eq3A_397 : vector<16xi32>
          %eq3A_399 = arith.constant 5 : i32
          %eq3A_400 = vector.broadcast %eq3A_399 : i32 to vector<16xi32>
          %eq3A_401 = arith.cmpi eq, %and3A_388, %eq3A_400 : vector<16xi32>
          %or3A_402 = arith.ori %eq3A_398, %eq3A_401 : vector<16xi1>
          %jit3A_403 = arith.constant 1.000000e+02 : f32
          %jit3A_404 = arith.constant 0.000000e+00 : f32
          %broadcast_in_dim3A_405 = vector.broadcast %jit3A_403 : f32 to vector<16xf32>
          %broadcast_in_dim3A_406 = vector.broadcast %jit3A_404 : f32 to vector<16xf32>
          %select_n3A_407 = arith.select %or3A_395, %broadcast_in_dim3A_405, %broadcast_in_dim3A_406 : vector<16xi1>, vector<16xf32>
          %jit3A_408 = arith.constant 5.000000e+01 : f32
          %jit3A_409 = arith.constant 0.000000e+00 : f32
          %broadcast_in_dim3A_410 = vector.broadcast %jit3A_408 : f32 to vector<16xf32>
          %broadcast_in_dim3A_411 = vector.broadcast %jit3A_409 : f32 to vector<16xf32>
          %select_n3A_412 = arith.select %or3A_402, %broadcast_in_dim3A_410, %broadcast_in_dim3A_411 : vector<16xi1>, vector<16xf32>
          %add3A_413 = arith.addf %select_n3A_407, %select_n3A_412 : vector<16xf32>
          %jit3A_414 = arith.constant 1.000000e+02 : f32
          %jit3A_415 = arith.constant 3.000000e+38 : f32
          %broadcast_in_dim3A_416 = vector.broadcast %jit3A_414 : f32 to vector<16xf32>
          %broadcast_in_dim3A_417 = vector.broadcast %jit3A_415 : f32 to vector<16xf32>
          %select_n3A_418 = arith.select %or3A_395, %broadcast_in_dim3A_416, %broadcast_in_dim3A_417 : vector<16xi1>, vector<16xf32>
          %broadcast_in_dim3A_419 = arith.constant 0.000000e+00 : f32
          %broadcast_in_dim3A_420 = vector.broadcast %broadcast_in_dim3A_419 : f32 to vector<16xf32>
          %mul3A_421 = arith.constant 128 : i32
          %mul3A_422 = arith.muli %scan3A_232, %mul3A_421 : i32
          %add3A_423 = arith.constant 16 : i32
          %add3A_424 = arith.addi %mul3A_422, %add3A_423 : i32
          %get3A_425 = arith.constant 1 : i32
          %get3A_426 = arith.index_cast %get3A_425 : i32 to index
          %get3A_427 = arith.index_cast %add3A_424 : i32 to index
          %get3A_428 = tpu.vector_load %arg13[%get3A_426, %get3A_427] {strides = array<i32>} : memref<5x2560xf32, #tpu.memory_space<vmem>>, vector<16xf32>,
          %sub3A_429 = arith.subf %get3A_428, %select_n3A_418 : vector<16xf32>
          %max3A_430 = arith.maximumf %sub3A_429, %broadcast_in_dim3A_420 : vector<16xf32>
          %sub3A_431 = arith.subf %get3A_428, %select_n3A_407 : vector<16xf32>
          %swap3A_432 = arith.constant 1 : i32
          %swap3A_433 = arith.index_cast %swap3A_432 : i32 to index
          %swap3A_434 = arith.index_cast %add3A_424 : i32 to index
          %swap3A_435 = tpu.vector_load %arg13[%swap3A_433, %swap3A_434] {strides = array<i32>} : memref<5x2560xf32, #tpu.memory_space<vmem>>, vector<16xf32>,
          tpu.vector_store %arg13[%swap3A_433, %swap3A_434], %sub3A_431 {strides = array<i32>} : memref<5x2560xf32, #tpu.memory_space<vmem>>, vector<16xf32>,
          %get3A_436 = arith.constant 2 : i32
          %get3A_437 = arith.index_cast %get3A_436 : i32 to index
          %get3A_438 = arith.index_cast %add3A_424 : i32 to index
          %get3A_439 = tpu.vector_load %arg13[%get3A_437, %get3A_438] {strides = array<i32>} : memref<5x2560xf32, #tpu.memory_space<vmem>>, vector<16xf32>,
          %sub3A_440 = arith.subf %get3A_439, %select_n3A_418 : vector<16xf32>
          %max3A_441 = arith.maximumf %sub3A_440, %broadcast_in_dim3A_420 : vector<16xf32>
          %add3A_442 = arith.addf %max3A_430, %max3A_441 : vector<16xf32>
          %sub3A_443 = arith.subf %get3A_439, %add3A_413 : vector<16xf32>
          %swap3A_444 = arith.constant 2 : i32
          %swap3A_445 = arith.index_cast %swap3A_444 : i32 to index
          %swap3A_446 = arith.index_cast %add3A_424 : i32 to index
          %swap3A_447 = tpu.vector_load %arg13[%swap3A_445, %swap3A_446] {strides = array<i32>} : memref<5x2560xf32, #tpu.memory_space<vmem>>, vector<16xf32>,
          tpu.vector_store %arg13[%swap3A_445, %swap3A_446], %sub3A_443 {strides = array<i32>} : memref<5x2560xf32, #tpu.memory_space<vmem>>, vector<16xf32>,
          %get3A_448 = arith.constant 3 : i32
          %get3A_449 = arith.index_cast %get3A_448 : i32 to index
          %get3A_450 = arith.index_cast %add3A_424 : i32 to index
          %get3A_451 = tpu.vector_load %arg13[%get3A_449, %get3A_450] {strides = array<i32>} : memref<5x2560xf32, #tpu.memory_space<vmem>>, vector<16xf32>,
          %sub3A_452 = arith.subf %get3A_451, %select_n3A_418 : vector<16xf32>
          %max3A_453 = arith.maximumf %sub3A_452, %broadcast_in_dim3A_420 : vector<16xf32>
          %add3A_454 = arith.addf %add3A_442, %max3A_453 : vector<16xf32>
          %sub3A_455 = arith.subf %get3A_451, %add3A_413 : vector<16xf32>
          %swap3A_456 = arith.constant 3 : i32
          %swap3A_457 = arith.index_cast %swap3A_456 : i32 to index
          %swap3A_458 = arith.index_cast %add3A_424 : i32 to index
          %swap3A_459 = tpu.vector_load %arg13[%swap3A_457, %swap3A_458] {strides = array<i32>} : memref<5x2560xf32, #tpu.memory_space<vmem>>, vector<16xf32>,
          tpu.vector_store %arg13[%swap3A_457, %swap3A_458], %sub3A_455 {strides = array<i32>} : memref<5x2560xf32, #tpu.memory_space<vmem>>, vector<16xf32>,
          %get3A_460 = arith.constant 4 : i32
          %get3A_461 = arith.index_cast %get3A_460 : i32 to index
          %get3A_462 = arith.index_cast %add3A_424 : i32 to index
          %get3A_463 = tpu.vector_load %arg13[%get3A_461, %get3A_462] {strides = array<i32>} : memref<5x2560xf32, #tpu.memory_space<vmem>>, vector<16xf32>,
          %sub3A_464 = arith.subf %get3A_463, %select_n3A_418 : vector<16xf32>
          %max3A_465 = arith.maximumf %sub3A_464, %broadcast_in_dim3A_420 : vector<16xf32>
          %add3A_466 = arith.addf %add3A_454, %max3A_465 : vector<16xf32>
          %sub3A_467 = arith.subf %get3A_463, %add3A_413 : vector<16xf32>
          %swap3A_468 = arith.constant 4 : i32
          %swap3A_469 = arith.index_cast %swap3A_468 : i32 to index
          %swap3A_470 = arith.index_cast %add3A_424 : i32 to index
          %swap3A_471 = tpu.vector_load %arg13[%swap3A_469, %swap3A_470] {strides = array<i32>} : memref<5x2560xf32, #tpu.memory_space<vmem>>, vector<16xf32>,
          tpu.vector_store %arg13[%swap3A_469, %swap3A_470], %sub3A_467 {strides = array<i32>} : memref<5x2560xf32, #tpu.memory_space<vmem>>, vector<16xf32>,
          %add3A_472 = arith.addf %add3A_348, %add3A_466 : vector<16xf32>
          %mul3A_473 = arith.constant 2 : i32
          %mul3A_474 = arith.muli %mul3A_473, %scan3A_232 : i32
          %get3A_475 = arith.index_cast %mul3A_474 : i32 to index
          %get3A_476 = arith.constant 32 : index
          %get3A_477 = tpu.vector_load %arg10[%get3A_475, %get3A_476] {strides = array<i32>} : memref<40x128xi32, #tpu.memory_space<vmem>>, vector<16xi32>,
          %mul3A_478 = arith.constant 2 : i32
          %mul3A_479 = arith.muli %mul3A_478, %scan3A_232 : i32
          %add3A_480 = arith.constant 1 : i32
          %add3A_481 = arith.addi %mul3A_479, %add3A_480 : i32
          %get3A_482 = arith.index_cast %add3A_481 : i32 to index
          %get3A_483 = arith.constant 32 : index
          %get3A_484 = tpu.vector_load %arg10[%get3A_482, %get3A_483] {strides = array<i32>} : memref<40x128xi32, #tpu.memory_space<vmem>>, vector<16xi32>,
          %shift_right_logical3A_485 = arith.constant 3 : i32
          %shift_right_logical3A_486 = vector.broadcast %shift_right_logical3A_485 : i32 to vector<16xi32>
          %shift_right_logical3A_487 = arith.shrui %get3A_477, %shift_right_logical3A_486 : vector<16xi32>
          %gather3A_488 = tpu.vector_load_idx %arg7[%shift_right_logical3A_487] : memref<12500xi32, #tpu.memory_space<vmem>>[vector<16xi32>], vector<16xi32>,
          %shift_right_logical3A_489 = arith.constant 3 : i32
          %shift_right_logical3A_490 = vector.broadcast %shift_right_logical3A_489 : i32 to vector<16xi32>
          %shift_right_logical3A_491 = arith.shrui %get3A_484, %shift_right_logical3A_490 : vector<16xi32>
          %gather3A_492 = tpu.vector_load_idx %arg7[%shift_right_logical3A_491] : memref<12500xi32, #tpu.memory_space<vmem>>[vector<16xi32>], vector<16xi32>,
          %and3A_493 = arith.constant 7 : i32
          %and3A_494 = vector.broadcast %and3A_493 : i32 to vector<16xi32>
          %and3A_495 = arith.andi %get3A_477, %and3A_494 : vector<16xi32>
          %shift_left3A_496 = arith.constant 2 : i32
          %shift_left3A_497 = vector.broadcast %shift_left3A_496 : i32 to vector<16xi32>
          %shift_left3A_498 = arith.shli %and3A_495, %shift_left3A_497 : vector<16xi32>
          %shift_right_logical3A_499 = arith.shrui %gather3A_488, %shift_left3A_498 : vector<16xi32>
          %and3A_500 = arith.constant 7 : i32
          %and3A_501 = vector.broadcast %and3A_500 : i32 to vector<16xi32>
          %and3A_502 = arith.andi %shift_right_logical3A_499, %and3A_501 : vector<16xi32>
          %and3A_503 = arith.constant 7 : i32
          %and3A_504 = vector.broadcast %and3A_503 : i32 to vector<16xi32>
          %and3A_505 = arith.andi %get3A_484, %and3A_504 : vector<16xi32>
          %shift_left3A_506 = arith.constant 2 : i32
          %shift_left3A_507 = vector.broadcast %shift_left3A_506 : i32 to vector<16xi32>
          %shift_left3A_508 = arith.shli %and3A_505, %shift_left3A_507 : vector<16xi32>
          %shift_right_logical3A_509 = arith.shrui %gather3A_492, %shift_left3A_508 : vector<16xi32>
          %and3A_510 = arith.constant 7 : i32
          %and3A_511 = vector.broadcast %and3A_510 : i32 to vector<16xi32>
          %and3A_512 = arith.andi %shift_right_logical3A_509, %and3A_511 : vector<16xi32>
          %eq3A_513 = arith.constant 4 : i32
          %eq3A_514 = vector.broadcast %eq3A_513 : i32 to vector<16xi32>
          %eq3A_515 = arith.cmpi eq, %and3A_502, %eq3A_514 : vector<16xi32>
          %eq3A_516 = arith.constant 4 : i32
          %eq3A_517 = vector.broadcast %eq3A_516 : i32 to vector<16xi32>
          %eq3A_518 = arith.cmpi eq, %and3A_512, %eq3A_517 : vector<16xi32>
          %or3A_519 = arith.ori %eq3A_515, %eq3A_518 : vector<16xi1>
          %eq3A_520 = arith.constant 5 : i32
          %eq3A_521 = vector.broadcast %eq3A_520 : i32 to vector<16xi32>
          %eq3A_522 = arith.cmpi eq, %and3A_502, %eq3A_521 : vector<16xi32>
          %eq3A_523 = arith.constant 5 : i32
          %eq3A_524 = vector.broadcast %eq3A_523 : i32 to vector<16xi32>
          %eq3A_525 = arith.cmpi eq, %and3A_512, %eq3A_524 : vector<16xi32>
          %or3A_526 = arith.ori %eq3A_522, %eq3A_525 : vector<16xi1>
          %jit3A_527 = arith.constant 1.000000e+02 : f32
          %jit3A_528 = arith.constant 0.000000e+00 : f32
          %broadcast_in_dim3A_529 = vector.broadcast %jit3A_527 : f32 to vector<16xf32>
          %broadcast_in_dim3A_530 = vector.broadcast %jit3A_528 : f32 to vector<16xf32>
          %select_n3A_531 = arith.select %or3A_519, %broadcast_in_dim3A_529, %broadcast_in_dim3A_530 : vector<16xi1>, vector<16xf32>
          %jit3A_532 = arith.constant 5.000000e+01 : f32
          %jit3A_533 = arith.constant 0.000000e+00 : f32
          %broadcast_in_dim3A_534 = vector.broadcast %jit3A_532 : f32 to vector<16xf32>
          %broadcast_in_dim3A_535 = vector.broadcast %jit3A_533 : f32 to vector<16xf32>
          %select_n3A_536 = arith.select %or3A_526, %broadcast_in_dim3A_534, %broadcast_in_dim3A_535 : vector<16xi1>, vector<16xf32>
          %add3A_537 = arith.addf %select_n3A_531, %select_n3A_536 : vector<16xf32>
          %jit3A_538 = arith.constant 1.000000e+02 : f32
          %jit3A_539 = arith.constant 3.000000e+38 : f32
          %broadcast_in_dim3A_540 = vector.broadcast %jit3A_538 : f32 to vector<16xf32>
          %broadcast_in_dim3A_541 = vector.broadcast %jit3A_539 : f32 to vector<16xf32>
          %select_n3A_542 = arith.select %or3A_519, %broadcast_in_dim3A_540, %broadcast_in_dim3A_541 : vector<16xi1>, vector<16xf32>
          %broadcast_in_dim3A_543 = arith.constant 0.000000e+00 : f32
          %broadcast_in_dim3A_544 = vector.broadcast %broadcast_in_dim3A_543 : f32 to vector<16xf32>
          %mul3A_545 = arith.constant 128 : i32
          %mul3A_546 = arith.muli %scan3A_232, %mul3A_545 : i32
          %add3A_547 = arith.constant 32 : i32
          %add3A_548 = arith.addi %mul3A_546, %add3A_547 : i32
          %get3A_549 = arith.constant 1 : i32
          %get3A_550 = arith.index_cast %get3A_549 : i32 to index
          %get3A_551 = arith.index_cast %add3A_548 : i32 to index
          %get3A_552 = tpu.vector_load %arg13[%get3A_550, %get3A_551] {strides = array<i32>} : memref<5x2560xf32, #tpu.memory_space<vmem>>, vector<16xf32>,
          %sub3A_553 = arith.subf %get3A_552, %select_n3A_542 : vector<16xf32>
          %max3A_554 = arith.maximumf %sub3A_553, %broadcast_in_dim3A_544 : vector<16xf32>
          %sub3A_555 = arith.subf %get3A_552, %select_n3A_531 : vector<16xf32>
          %swap3A_556 = arith.constant 1 : i32
          %swap3A_557 = arith.index_cast %swap3A_556 : i32 to index
          %swap3A_558 = arith.index_cast %add3A_548 : i32 to index
          %swap3A_559 = tpu.vector_load %arg13[%swap3A_557, %swap3A_558] {strides = array<i32>} : memref<5x2560xf32, #tpu.memory_space<vmem>>, vector<16xf32>,
          tpu.vector_store %arg13[%swap3A_557, %swap3A_558], %sub3A_555 {strides = array<i32>} : memref<5x2560xf32, #tpu.memory_space<vmem>>, vector<16xf32>,
          %get3A_560 = arith.constant 2 : i32
          %get3A_561 = arith.index_cast %get3A_560 : i32 to index
          %get3A_562 = arith.index_cast %add3A_548 : i32 to index
          %get3A_563 = tpu.vector_load %arg13[%get3A_561, %get3A_562] {strides = array<i32>} : memref<5x2560xf32, #tpu.memory_space<vmem>>, vector<16xf32>,
          %sub3A_564 = arith.subf %get3A_563, %select_n3A_542 : vector<16xf32>
          %max3A_565 = arith.maximumf %sub3A_564, %broadcast_in_dim3A_544 : vector<16xf32>
          %add3A_566 = arith.addf %max3A_554, %max3A_565 : vector<16xf32>
          %sub3A_567 = arith.subf %get3A_563, %add3A_537 : vector<16xf32>
          %swap3A_568 = arith.constant 2 : i32
          %swap3A_569 = arith.index_cast %swap3A_568 : i32 to index
          %swap3A_570 = arith.index_cast %add3A_548 : i32 to index
          %swap3A_571 = tpu.vector_load %arg13[%swap3A_569, %swap3A_570] {strides = array<i32>} : memref<5x2560xf32, #tpu.memory_space<vmem>>, vector<16xf32>,
          tpu.vector_store %arg13[%swap3A_569, %swap3A_570], %sub3A_567 {strides = array<i32>} : memref<5x2560xf32, #tpu.memory_space<vmem>>, vector<16xf32>,
          %get3A_572 = arith.constant 3 : i32
          %get3A_573 = arith.index_cast %get3A_572 : i32 to index
          %get3A_574 = arith.index_cast %add3A_548 : i32 to index
          %get3A_575 = tpu.vector_load %arg13[%get3A_573, %get3A_574] {strides = array<i32>} : memref<5x2560xf32, #tpu.memory_space<vmem>>, vector<16xf32>,
          %sub3A_576 = arith.subf %get3A_575, %select_n3A_542 : vector<16xf32>
          %max3A_577 = arith.maximumf %sub3A_576, %broadcast_in_dim3A_544 : vector<16xf32>
          %add3A_578 = arith.addf %add3A_566, %max3A_577 : vector<16xf32>
          %sub3A_579 = arith.subf %get3A_575, %add3A_537 : vector<16xf32>
          %swap3A_580 = arith.constant 3 : i32
          %swap3A_581 = arith.index_cast %swap3A_580 : i32 to index
          %swap3A_582 = arith.index_cast %add3A_548 : i32 to index
          %swap3A_583 = tpu.vector_load %arg13[%swap3A_581, %swap3A_582] {strides = array<i32>} : memref<5x2560xf32, #tpu.memory_space<vmem>>, vector<16xf32>,
          tpu.vector_store %arg13[%swap3A_581, %swap3A_582], %sub3A_579 {strides = array<i32>} : memref<5x2560xf32, #tpu.memory_space<vmem>>, vector<16xf32>,
          %get3A_584 = arith.constant 4 : i32
          %get3A_585 = arith.index_cast %get3A_584 : i32 to index
          %get3A_586 = arith.index_cast %add3A_548 : i32 to index
          %get3A_587 = tpu.vector_load %arg13[%get3A_585, %get3A_586] {strides = array<i32>} : memref<5x2560xf32, #tpu.memory_space<vmem>>, vector<16xf32>,
          %sub3A_588 = arith.subf %get3A_587, %select_n3A_542 : vector<16xf32>
          %max3A_589 = arith.maximumf %sub3A_588, %broadcast_in_dim3A_544 : vector<16xf32>
          %add3A_590 = arith.addf %add3A_578, %max3A_589 : vector<16xf32>
          %sub3A_591 = arith.subf %get3A_587, %add3A_537 : vector<16xf32>
          %swap3A_592 = arith.constant 4 : i32
          %swap3A_593 = arith.index_cast %swap3A_592 : i32 to index
          %swap3A_594 = arith.index_cast %add3A_548 : i32 to index
          %swap3A_595 = tpu.vector_load %arg13[%swap3A_593, %swap3A_594] {strides = array<i32>} : memref<5x2560xf32, #tpu.memory_space<vmem>>, vector<16xf32>,
          tpu.vector_store %arg13[%swap3A_593, %swap3A_594], %sub3A_591 {strides = array<i32>} : memref<5x2560xf32, #tpu.memory_space<vmem>>, vector<16xf32>,
          %add3A_596 = arith.addf %add3A_472, %add3A_590 : vector<16xf32>
          %mul3A_597 = arith.constant 2 : i32
          %mul3A_598 = arith.muli %mul3A_597, %scan3A_232 : i32
          %get3A_599 = arith.index_cast %mul3A_598 : i32 to index
          %get3A_600 = arith.constant 48 : index
          %get3A_601 = tpu.vector_load %arg10[%get3A_599, %get3A_600] {strides = array<i32>} : memref<40x128xi32, #tpu.memory_space<vmem>>, vector<16xi32>,
          %mul3A_602 = arith.constant 2 : i32
          %mul3A_603 = arith.muli %mul3A_602, %scan3A_232 : i32
          %add3A_604 = arith.constant 1 : i32
          %add3A_605 = arith.addi %mul3A_603, %add3A_604 : i32
          %get3A_606 = arith.index_cast %add3A_605 : i32 to index
          %get3A_607 = arith.constant 48 : index
          %get3A_608 = tpu.vector_load %arg10[%get3A_606, %get3A_607] {strides = array<i32>} : memref<40x128xi32, #tpu.memory_space<vmem>>, vector<16xi32>,
          %shift_right_logical3A_609 = arith.constant 3 : i32
          %shift_right_logical3A_610 = vector.broadcast %shift_right_logical3A_609 : i32 to vector<16xi32>
          %shift_right_logical3A_611 = arith.shrui %get3A_601, %shift_right_logical3A_610 : vector<16xi32>
          %gather3A_612 = tpu.vector_load_idx %arg7[%shift_right_logical3A_611] : memref<12500xi32, #tpu.memory_space<vmem>>[vector<16xi32>], vector<16xi32>,
          %shift_right_logical3A_613 = arith.constant 3 : i32
          %shift_right_logical3A_614 = vector.broadcast %shift_right_logical3A_613 : i32 to vector<16xi32>
          %shift_right_logical3A_615 = arith.shrui %get3A_608, %shift_right_logical3A_614 : vector<16xi32>
          %gather3A_616 = tpu.vector_load_idx %arg7[%shift_right_logical3A_615] : memref<12500xi32, #tpu.memory_space<vmem>>[vector<16xi32>], vector<16xi32>,
          %and3A_617 = arith.constant 7 : i32
          %and3A_618 = vector.broadcast %and3A_617 : i32 to vector<16xi32>
          %and3A_619 = arith.andi %get3A_601, %and3A_618 : vector<16xi32>
          %shift_left3A_620 = arith.constant 2 : i32
          %shift_left3A_621 = vector.broadcast %shift_left3A_620 : i32 to vector<16xi32>
          %shift_left3A_622 = arith.shli %and3A_619, %shift_left3A_621 : vector<16xi32>
          %shift_right_logical3A_623 = arith.shrui %gather3A_612, %shift_left3A_622 : vector<16xi32>
          %and3A_624 = arith.constant 7 : i32
          %and3A_625 = vector.broadcast %and3A_624 : i32 to vector<16xi32>
          %and3A_626 = arith.andi %shift_right_logical3A_623, %and3A_625 : vector<16xi32>
          %and3A_627 = arith.constant 7 : i32
          %and3A_628 = vector.broadcast %and3A_627 : i32 to vector<16xi32>
          %and3A_629 = arith.andi %get3A_608, %and3A_628 : vector<16xi32>
          %shift_left3A_630 = arith.constant 2 : i32
          %shift_left3A_631 = vector.broadcast %shift_left3A_630 : i32 to vector<16xi32>
          %shift_left3A_632 = arith.shli %and3A_629, %shift_left3A_631 : vector<16xi32>
          %shift_right_logical3A_633 = arith.shrui %gather3A_616, %shift_left3A_632 : vector<16xi32>
          %and3A_634 = arith.constant 7 : i32
          %and3A_635 = vector.broadcast %and3A_634 : i32 to vector<16xi32>
          %and3A_636 = arith.andi %shift_right_logical3A_633, %and3A_635 : vector<16xi32>
          %eq3A_637 = arith.constant 4 : i32
          %eq3A_638 = vector.broadcast %eq3A_637 : i32 to vector<16xi32>
          %eq3A_639 = arith.cmpi eq, %and3A_626, %eq3A_638 : vector<16xi32>
          %eq3A_640 = arith.constant 4 : i32
          %eq3A_641 = vector.broadcast %eq3A_640 : i32 to vector<16xi32>
          %eq3A_642 = arith.cmpi eq, %and3A_636, %eq3A_641 : vector<16xi32>
          %or3A_643 = arith.ori %eq3A_639, %eq3A_642 : vector<16xi1>
          %eq3A_644 = arith.constant 5 : i32
          %eq3A_645 = vector.broadcast %eq3A_644 : i32 to vector<16xi32>
          %eq3A_646 = arith.cmpi eq, %and3A_626, %eq3A_645 : vector<16xi32>
          %eq3A_647 = arith.constant 5 : i32
          %eq3A_648 = vector.broadcast %eq3A_647 : i32 to vector<16xi32>
          %eq3A_649 = arith.cmpi eq, %and3A_636, %eq3A_648 : vector<16xi32>
          %or3A_650 = arith.ori %eq3A_646, %eq3A_649 : vector<16xi1>
          %jit3A_651 = arith.constant 1.000000e+02 : f32
          %jit3A_652 = arith.constant 0.000000e+00 : f32
          %broadcast_in_dim3A_653 = vector.broadcast %jit3A_651 : f32 to vector<16xf32>
          %broadcast_in_dim3A_654 = vector.broadcast %jit3A_652 : f32 to vector<16xf32>
          %select_n3A_655 = arith.select %or3A_643, %broadcast_in_dim3A_653, %broadcast_in_dim3A_654 : vector<16xi1>, vector<16xf32>
          %jit3A_656 = arith.constant 5.000000e+01 : f32
          %jit3A_657 = arith.constant 0.000000e+00 : f32
          %broadcast_in_dim3A_658 = vector.broadcast %jit3A_656 : f32 to vector<16xf32>
          %broadcast_in_dim3A_659 = vector.broadcast %jit3A_657 : f32 to vector<16xf32>
          %select_n3A_660 = arith.select %or3A_650, %broadcast_in_dim3A_658, %broadcast_in_dim3A_659 : vector<16xi1>, vector<16xf32>
          %add3A_661 = arith.addf %select_n3A_655, %select_n3A_660 : vector<16xf32>
          %jit3A_662 = arith.constant 1.000000e+02 : f32
          %jit3A_663 = arith.constant 3.000000e+38 : f32
          %broadcast_in_dim3A_664 = vector.broadcast %jit3A_662 : f32 to vector<16xf32>
          %broadcast_in_dim3A_665 = vector.broadcast %jit3A_663 : f32 to vector<16xf32>
          %select_n3A_666 = arith.select %or3A_643, %broadcast_in_dim3A_664, %broadcast_in_dim3A_665 : vector<16xi1>, vector<16xf32>
          %broadcast_in_dim3A_667 = arith.constant 0.000000e+00 : f32
          %broadcast_in_dim3A_668 = vector.broadcast %broadcast_in_dim3A_667 : f32 to vector<16xf32>
          %mul3A_669 = arith.constant 128 : i32
          %mul3A_670 = arith.muli %scan3A_232, %mul3A_669 : i32
          %add3A_671 = arith.constant 48 : i32
          %add3A_672 = arith.addi %mul3A_670, %add3A_671 : i32
          %get3A_673 = arith.constant 1 : i32
          %get3A_674 = arith.index_cast %get3A_673 : i32 to index
          %get3A_675 = arith.index_cast %add3A_672 : i32 to index
          %get3A_676 = tpu.vector_load %arg13[%get3A_674, %get3A_675] {strides = array<i32>} : memref<5x2560xf32, #tpu.memory_space<vmem>>, vector<16xf32>,
          %sub3A_677 = arith.subf %get3A_676, %select_n3A_666 : vector<16xf32>
          %max3A_678 = arith.maximumf %sub3A_677, %broadcast_in_dim3A_668 : vector<16xf32>
          %sub3A_679 = arith.subf %get3A_676, %select_n3A_655 : vector<16xf32>
          %swap3A_680 = arith.constant 1 : i32
          %swap3A_681 = arith.index_cast %swap3A_680 : i32 to index
          %swap3A_682 = arith.index_cast %add3A_672 : i32 to index
          %swap3A_683 = tpu.vector_load %arg13[%swap3A_681, %swap3A_682] {strides = array<i32>} : memref<5x2560xf32, #tpu.memory_space<vmem>>, vector<16xf32>,
          tpu.vector_store %arg13[%swap3A_681, %swap3A_682], %sub3A_679 {strides = array<i32>} : memref<5x2560xf32, #tpu.memory_space<vmem>>, vector<16xf32>,
          %get3A_684 = arith.constant 2 : i32
          %get3A_685 = arith.index_cast %get3A_684 : i32 to index
          %get3A_686 = arith.index_cast %add3A_672 : i32 to index
          %get3A_687 = tpu.vector_load %arg13[%get3A_685, %get3A_686] {strides = array<i32>} : memref<5x2560xf32, #tpu.memory_space<vmem>>, vector<16xf32>,
          %sub3A_688 = arith.subf %get3A_687, %select_n3A_666 : vector<16xf32>
          %max3A_689 = arith.maximumf %sub3A_688, %broadcast_in_dim3A_668 : vector<16xf32>
          %add3A_690 = arith.addf %max3A_678, %max3A_689 : vector<16xf32>
          %sub3A_691 = arith.subf %get3A_687, %add3A_661 : vector<16xf32>
          %swap3A_692 = arith.constant 2 : i32
          %swap3A_693 = arith.index_cast %swap3A_692 : i32 to index
          %swap3A_694 = arith.index_cast %add3A_672 : i32 to index
          %swap3A_695 = tpu.vector_load %arg13[%swap3A_693, %swap3A_694] {strides = array<i32>} : memref<5x2560xf32, #tpu.memory_space<vmem>>, vector<16xf32>,
          tpu.vector_store %arg13[%swap3A_693, %swap3A_694], %sub3A_691 {strides = array<i32>} : memref<5x2560xf32, #tpu.memory_space<vmem>>, vector<16xf32>,
          %get3A_696 = arith.constant 3 : i32
          %get3A_697 = arith.index_cast %get3A_696 : i32 to index
          %get3A_698 = arith.index_cast %add3A_672 : i32 to index
          %get3A_699 = tpu.vector_load %arg13[%get3A_697, %get3A_698] {strides = array<i32>} : memref<5x2560xf32, #tpu.memory_space<vmem>>, vector<16xf32>,
          %sub3A_700 = arith.subf %get3A_699, %select_n3A_666 : vector<16xf32>
          %max3A_701 = arith.maximumf %sub3A_700, %broadcast_in_dim3A_668 : vector<16xf32>
          %add3A_702 = arith.addf %add3A_690, %max3A_701 : vector<16xf32>
          %sub3A_703 = arith.subf %get3A_699, %add3A_661 : vector<16xf32>
          %swap3A_704 = arith.constant 3 : i32
          %swap3A_705 = arith.index_cast %swap3A_704 : i32 to index
          %swap3A_706 = arith.index_cast %add3A_672 : i32 to index
          %swap3A_707 = tpu.vector_load %arg13[%swap3A_705, %swap3A_706] {strides = array<i32>} : memref<5x2560xf32, #tpu.memory_space<vmem>>, vector<16xf32>,
          tpu.vector_store %arg13[%swap3A_705, %swap3A_706], %sub3A_703 {strides = array<i32>} : memref<5x2560xf32, #tpu.memory_space<vmem>>, vector<16xf32>,
          %get3A_708 = arith.constant 4 : i32
          %get3A_709 = arith.index_cast %get3A_708 : i32 to index
          %get3A_710 = arith.index_cast %add3A_672 : i32 to index
          %get3A_711 = tpu.vector_load %arg13[%get3A_709, %get3A_710] {strides = array<i32>} : memref<5x2560xf32, #tpu.memory_space<vmem>>, vector<16xf32>,
          %sub3A_712 = arith.subf %get3A_711, %select_n3A_666 : vector<16xf32>
          %max3A_713 = arith.maximumf %sub3A_712, %broadcast_in_dim3A_668 : vector<16xf32>
          %add3A_714 = arith.addf %add3A_702, %max3A_713 : vector<16xf32>
          %sub3A_715 = arith.subf %get3A_711, %add3A_661 : vector<16xf32>
          %swap3A_716 = arith.constant 4 : i32
          %swap3A_717 = arith.index_cast %swap3A_716 : i32 to index
          %swap3A_718 = arith.index_cast %add3A_672 : i32 to index
          %swap3A_719 = tpu.vector_load %arg13[%swap3A_717, %swap3A_718] {strides = array<i32>} : memref<5x2560xf32, #tpu.memory_space<vmem>>, vector<16xf32>,
          tpu.vector_store %arg13[%swap3A_717, %swap3A_718], %sub3A_715 {strides = array<i32>} : memref<5x2560xf32, #tpu.memory_space<vmem>>, vector<16xf32>,
          %add3A_720 = arith.addf %add3A_596, %add3A_714 : vector<16xf32>
          %mul3A_721 = arith.constant 2 : i32
          %mul3A_722 = arith.muli %mul3A_721, %scan3A_232 : i32
          %get3A_723 = arith.index_cast %mul3A_722 : i32 to index
          %get3A_724 = arith.constant 64 : index
          %get3A_725 = tpu.vector_load %arg10[%get3A_723, %get3A_724] {strides = array<i32>} : memref<40x128xi32, #tpu.memory_space<vmem>>, vector<16xi32>,
          %mul3A_726 = arith.constant 2 : i32
          %mul3A_727 = arith.muli %mul3A_726, %scan3A_232 : i32
          %add3A_728 = arith.constant 1 : i32
          %add3A_729 = arith.addi %mul3A_727, %add3A_728 : i32
          %get3A_730 = arith.index_cast %add3A_729 : i32 to index
          %get3A_731 = arith.constant 64 : index
          %get3A_732 = tpu.vector_load %arg10[%get3A_730, %get3A_731] {strides = array<i32>} : memref<40x128xi32, #tpu.memory_space<vmem>>, vector<16xi32>,
          %shift_right_logical3A_733 = arith.constant 3 : i32
          %shift_right_logical3A_734 = vector.broadcast %shift_right_logical3A_733 : i32 to vector<16xi32>
          %shift_right_logical3A_735 = arith.shrui %get3A_725, %shift_right_logical3A_734 : vector<16xi32>
          %gather3A_736 = tpu.vector_load_idx %arg7[%shift_right_logical3A_735] : memref<12500xi32, #tpu.memory_space<vmem>>[vector<16xi32>], vector<16xi32>,
          %shift_right_logical3A_737 = arith.constant 3 : i32
          %shift_right_logical3A_738 = vector.broadcast %shift_right_logical3A_737 : i32 to vector<16xi32>
          %shift_right_logical3A_739 = arith.shrui %get3A_732, %shift_right_logical3A_738 : vector<16xi32>
          %gather3A_740 = tpu.vector_load_idx %arg7[%shift_right_logical3A_739] : memref<12500xi32, #tpu.memory_space<vmem>>[vector<16xi32>], vector<16xi32>,
          %and3A_741 = arith.constant 7 : i32
          %and3A_742 = vector.broadcast %and3A_741 : i32 to vector<16xi32>
          %and3A_743 = arith.andi %get3A_725, %and3A_742 : vector<16xi32>
          %shift_left3A_744 = arith.constant 2 : i32
          %shift_left3A_745 = vector.broadcast %shift_left3A_744 : i32 to vector<16xi32>
          %shift_left3A_746 = arith.shli %and3A_743, %shift_left3A_745 : vector<16xi32>
          %shift_right_logical3A_747 = arith.shrui %gather3A_736, %shift_left3A_746 : vector<16xi32>
          %and3A_748 = arith.constant 7 : i32
          %and3A_749 = vector.broadcast %and3A_748 : i32 to vector<16xi32>
          %and3A_750 = arith.andi %shift_right_logical3A_747, %and3A_749 : vector<16xi32>
          %and3A_751 = arith.constant 7 : i32
          %and3A_752 = vector.broadcast %and3A_751 : i32 to vector<16xi32>
          %and3A_753 = arith.andi %get3A_732, %and3A_752 : vector<16xi32>
          %shift_left3A_754 = arith.constant 2 : i32
          %shift_left3A_755 = vector.broadcast %shift_left3A_754 : i32 to vector<16xi32>
          %shift_left3A_756 = arith.shli %and3A_753, %shift_left3A_755 : vector<16xi32>
          %shift_right_logical3A_757 = arith.shrui %gather3A_740, %shift_left3A_756 : vector<16xi32>
          %and3A_758 = arith.constant 7 : i32
          %and3A_759 = vector.broadcast %and3A_758 : i32 to vector<16xi32>
          %and3A_760 = arith.andi %shift_right_logical3A_757, %and3A_759 : vector<16xi32>
          %eq3A_761 = arith.constant 4 : i32
          %eq3A_762 = vector.broadcast %eq3A_761 : i32 to vector<16xi32>
          %eq3A_763 = arith.cmpi eq, %and3A_750, %eq3A_762 : vector<16xi32>
          %eq3A_764 = arith.constant 4 : i32
          %eq3A_765 = vector.broadcast %eq3A_764 : i32 to vector<16xi32>
          %eq3A_766 = arith.cmpi eq, %and3A_760, %eq3A_765 : vector<16xi32>
          %or3A_767 = arith.ori %eq3A_763, %eq3A_766 : vector<16xi1>
          %eq3A_768 = arith.constant 5 : i32
          %eq3A_769 = vector.broadcast %eq3A_768 : i32 to vector<16xi32>
          %eq3A_770 = arith.cmpi eq, %and3A_750, %eq3A_769 : vector<16xi32>
          %eq3A_771 = arith.constant 5 : i32
          %eq3A_772 = vector.broadcast %eq3A_771 : i32 to vector<16xi32>
          %eq3A_773 = arith.cmpi eq, %and3A_760, %eq3A_772 : vector<16xi32>
          %or3A_774 = arith.ori %eq3A_770, %eq3A_773 : vector<16xi1>
          %jit3A_775 = arith.constant 1.000000e+02 : f32
          %jit3A_776 = arith.constant 0.000000e+00 : f32
          %broadcast_in_dim3A_777 = vector.broadcast %jit3A_775 : f32 to vector<16xf32>
          %broadcast_in_dim3A_778 = vector.broadcast %jit3A_776 : f32 to vector<16xf32>
          %select_n3A_779 = arith.select %or3A_767, %broadcast_in_dim3A_777, %broadcast_in_dim3A_778 : vector<16xi1>, vector<16xf32>
          %jit3A_780 = arith.constant 5.000000e+01 : f32
          %jit3A_781 = arith.constant 0.000000e+00 : f32
          %broadcast_in_dim3A_782 = vector.broadcast %jit3A_780 : f32 to vector<16xf32>
          %broadcast_in_dim3A_783 = vector.broadcast %jit3A_781 : f32 to vector<16xf32>
          %select_n3A_784 = arith.select %or3A_774, %broadcast_in_dim3A_782, %broadcast_in_dim3A_783 : vector<16xi1>, vector<16xf32>
          %add3A_785 = arith.addf %select_n3A_779, %select_n3A_784 : vector<16xf32>
          %jit3A_786 = arith.constant 1.000000e+02 : f32
          %jit3A_787 = arith.constant 3.000000e+38 : f32
          %broadcast_in_dim3A_788 = vector.broadcast %jit3A_786 : f32 to vector<16xf32>
          %broadcast_in_dim3A_789 = vector.broadcast %jit3A_787 : f32 to vector<16xf32>
          %select_n3A_790 = arith.select %or3A_767, %broadcast_in_dim3A_788, %broadcast_in_dim3A_789 : vector<16xi1>, vector<16xf32>
          %broadcast_in_dim3A_791 = arith.constant 0.000000e+00 : f32
          %broadcast_in_dim3A_792 = vector.broadcast %broadcast_in_dim3A_791 : f32 to vector<16xf32>
          %mul3A_793 = arith.constant 128 : i32
          %mul3A_794 = arith.muli %scan3A_232, %mul3A_793 : i32
          %add3A_795 = arith.constant 64 : i32
          %add3A_796 = arith.addi %mul3A_794, %add3A_795 : i32
          %get3A_797 = arith.constant 1 : i32
          %get3A_798 = arith.index_cast %get3A_797 : i32 to index
          %get3A_799 = arith.index_cast %add3A_796 : i32 to index
          %get3A_800 = tpu.vector_load %arg13[%get3A_798, %get3A_799] {strides = array<i32>} : memref<5x2560xf32, #tpu.memory_space<vmem>>, vector<16xf32>,
          %sub3A_801 = arith.subf %get3A_800, %select_n3A_790 : vector<16xf32>
          %max3A_802 = arith.maximumf %sub3A_801, %broadcast_in_dim3A_792 : vector<16xf32>
          %sub3A_803 = arith.subf %get3A_800, %select_n3A_779 : vector<16xf32>
          %swap3A_804 = arith.constant 1 : i32
          %swap3A_805 = arith.index_cast %swap3A_804 : i32 to index
          %swap3A_806 = arith.index_cast %add3A_796 : i32 to index
          %swap3A_807 = tpu.vector_load %arg13[%swap3A_805, %swap3A_806] {strides = array<i32>} : memref<5x2560xf32, #tpu.memory_space<vmem>>, vector<16xf32>,
          tpu.vector_store %arg13[%swap3A_805, %swap3A_806], %sub3A_803 {strides = array<i32>} : memref<5x2560xf32, #tpu.memory_space<vmem>>, vector<16xf32>,
          %get3A_808 = arith.constant 2 : i32
          %get3A_809 = arith.index_cast %get3A_808 : i32 to index
          %get3A_810 = arith.index_cast %add3A_796 : i32 to index
          %get3A_811 = tpu.vector_load %arg13[%get3A_809, %get3A_810] {strides = array<i32>} : memref<5x2560xf32, #tpu.memory_space<vmem>>, vector<16xf32>,
          %sub3A_812 = arith.subf %get3A_811, %select_n3A_790 : vector<16xf32>
          %max3A_813 = arith.maximumf %sub3A_812, %broadcast_in_dim3A_792 : vector<16xf32>
          %add3A_814 = arith.addf %max3A_802, %max3A_813 : vector<16xf32>
          %sub3A_815 = arith.subf %get3A_811, %add3A_785 : vector<16xf32>
          %swap3A_816 = arith.constant 2 : i32
          %swap3A_817 = arith.index_cast %swap3A_816 : i32 to index
          %swap3A_818 = arith.index_cast %add3A_796 : i32 to index
          %swap3A_819 = tpu.vector_load %arg13[%swap3A_817, %swap3A_818] {strides = array<i32>} : memref<5x2560xf32, #tpu.memory_space<vmem>>, vector<16xf32>,
          tpu.vector_store %arg13[%swap3A_817, %swap3A_818], %sub3A_815 {strides = array<i32>} : memref<5x2560xf32, #tpu.memory_space<vmem>>, vector<16xf32>,
          %get3A_820 = arith.constant 3 : i32
          %get3A_821 = arith.index_cast %get3A_820 : i32 to index
          %get3A_822 = arith.index_cast %add3A_796 : i32 to index
          %get3A_823 = tpu.vector_load %arg13[%get3A_821, %get3A_822] {strides = array<i32>} : memref<5x2560xf32, #tpu.memory_space<vmem>>, vector<16xf32>,
          %sub3A_824 = arith.subf %get3A_823, %select_n3A_790 : vector<16xf32>
          %max3A_825 = arith.maximumf %sub3A_824, %broadcast_in_dim3A_792 : vector<16xf32>
          %add3A_826 = arith.addf %add3A_814, %max3A_825 : vector<16xf32>
          %sub3A_827 = arith.subf %get3A_823, %add3A_785 : vector<16xf32>
          %swap3A_828 = arith.constant 3 : i32
          %swap3A_829 = arith.index_cast %swap3A_828 : i32 to index
          %swap3A_830 = arith.index_cast %add3A_796 : i32 to index
          %swap3A_831 = tpu.vector_load %arg13[%swap3A_829, %swap3A_830] {strides = array<i32>} : memref<5x2560xf32, #tpu.memory_space<vmem>>, vector<16xf32>,
          tpu.vector_store %arg13[%swap3A_829, %swap3A_830], %sub3A_827 {strides = array<i32>} : memref<5x2560xf32, #tpu.memory_space<vmem>>, vector<16xf32>,
          %get3A_832 = arith.constant 4 : i32
          %get3A_833 = arith.index_cast %get3A_832 : i32 to index
          %get3A_834 = arith.index_cast %add3A_796 : i32 to index
          %get3A_835 = tpu.vector_load %arg13[%get3A_833, %get3A_834] {strides = array<i32>} : memref<5x2560xf32, #tpu.memory_space<vmem>>, vector<16xf32>,
          %sub3A_836 = arith.subf %get3A_835, %select_n3A_790 : vector<16xf32>
          %max3A_837 = arith.maximumf %sub3A_836, %broadcast_in_dim3A_792 : vector<16xf32>
          %add3A_838 = arith.addf %add3A_826, %max3A_837 : vector<16xf32>
          %sub3A_839 = arith.subf %get3A_835, %add3A_785 : vector<16xf32>
          %swap3A_840 = arith.constant 4 : i32
          %swap3A_841 = arith.index_cast %swap3A_840 : i32 to index
          %swap3A_842 = arith.index_cast %add3A_796 : i32 to index
          %swap3A_843 = tpu.vector_load %arg13[%swap3A_841, %swap3A_842] {strides = array<i32>} : memref<5x2560xf32, #tpu.memory_space<vmem>>, vector<16xf32>,
          tpu.vector_store %arg13[%swap3A_841, %swap3A_842], %sub3A_839 {strides = array<i32>} : memref<5x2560xf32, #tpu.memory_space<vmem>>, vector<16xf32>,
          %add3A_844 = arith.addf %add3A_720, %add3A_838 : vector<16xf32>
          %mul3A_845 = arith.constant 2 : i32
          %mul3A_846 = arith.muli %mul3A_845, %scan3A_232 : i32
          %get3A_847 = arith.index_cast %mul3A_846 : i32 to index
          %get3A_848 = arith.constant 80 : index
          %get3A_849 = tpu.vector_load %arg10[%get3A_847, %get3A_848] {strides = array<i32>} : memref<40x128xi32, #tpu.memory_space<vmem>>, vector<16xi32>,
          %mul3A_850 = arith.constant 2 : i32
          %mul3A_851 = arith.muli %mul3A_850, %scan3A_232 : i32
          %add3A_852 = arith.constant 1 : i32
          %add3A_853 = arith.addi %mul3A_851, %add3A_852 : i32
          %get3A_854 = arith.index_cast %add3A_853 : i32 to index
          %get3A_855 = arith.constant 80 : index
          %get3A_856 = tpu.vector_load %arg10[%get3A_854, %get3A_855] {strides = array<i32>} : memref<40x128xi32, #tpu.memory_space<vmem>>, vector<16xi32>,
          %shift_right_logical3A_857 = arith.constant 3 : i32
          %shift_right_logical3A_858 = vector.broadcast %shift_right_logical3A_857 : i32 to vector<16xi32>
          %shift_right_logical3A_859 = arith.shrui %get3A_849, %shift_right_logical3A_858 : vector<16xi32>
          %gather3A_860 = tpu.vector_load_idx %arg7[%shift_right_logical3A_859] : memref<12500xi32, #tpu.memory_space<vmem>>[vector<16xi32>], vector<16xi32>,
          %shift_right_logical3A_861 = arith.constant 3 : i32
          %shift_right_logical3A_862 = vector.broadcast %shift_right_logical3A_861 : i32 to vector<16xi32>
          %shift_right_logical3A_863 = arith.shrui %get3A_856, %shift_right_logical3A_862 : vector<16xi32>
          %gather3A_864 = tpu.vector_load_idx %arg7[%shift_right_logical3A_863] : memref<12500xi32, #tpu.memory_space<vmem>>[vector<16xi32>], vector<16xi32>,
          %and3A_865 = arith.constant 7 : i32
          %and3A_866 = vector.broadcast %and3A_865 : i32 to vector<16xi32>
          %and3A_867 = arith.andi %get3A_849, %and3A_866 : vector<16xi32>
          %shift_left3A_868 = arith.constant 2 : i32
          %shift_left3A_869 = vector.broadcast %shift_left3A_868 : i32 to vector<16xi32>
          %shift_left3A_870 = arith.shli %and3A_867, %shift_left3A_869 : vector<16xi32>
          %shift_right_logical3A_871 = arith.shrui %gather3A_860, %shift_left3A_870 : vector<16xi32>
          %and3A_872 = arith.constant 7 : i32
          %and3A_873 = vector.broadcast %and3A_872 : i32 to vector<16xi32>
          %and3A_874 = arith.andi %shift_right_logical3A_871, %and3A_873 : vector<16xi32>
          %and3A_875 = arith.constant 7 : i32
          %and3A_876 = vector.broadcast %and3A_875 : i32 to vector<16xi32>
          %and3A_877 = arith.andi %get3A_856, %and3A_876 : vector<16xi32>
          %shift_left3A_878 = arith.constant 2 : i32
          %shift_left3A_879 = vector.broadcast %shift_left3A_878 : i32 to vector<16xi32>
          %shift_left3A_880 = arith.shli %and3A_877, %shift_left3A_879 : vector<16xi32>
          %shift_right_logical3A_881 = arith.shrui %gather3A_864, %shift_left3A_880 : vector<16xi32>
          %and3A_882 = arith.constant 7 : i32
          %and3A_883 = vector.broadcast %and3A_882 : i32 to vector<16xi32>
          %and3A_884 = arith.andi %shift_right_logical3A_881, %and3A_883 : vector<16xi32>
          %eq3A_885 = arith.constant 4 : i32
          %eq3A_886 = vector.broadcast %eq3A_885 : i32 to vector<16xi32>
          %eq3A_887 = arith.cmpi eq, %and3A_874, %eq3A_886 : vector<16xi32>
          %eq3A_888 = arith.constant 4 : i32
          %eq3A_889 = vector.broadcast %eq3A_888 : i32 to vector<16xi32>
          %eq3A_890 = arith.cmpi eq, %and3A_884, %eq3A_889 : vector<16xi32>
          %or3A_891 = arith.ori %eq3A_887, %eq3A_890 : vector<16xi1>
          %eq3A_892 = arith.constant 5 : i32
          %eq3A_893 = vector.broadcast %eq3A_892 : i32 to vector<16xi32>
          %eq3A_894 = arith.cmpi eq, %and3A_874, %eq3A_893 : vector<16xi32>
          %eq3A_895 = arith.constant 5 : i32
          %eq3A_896 = vector.broadcast %eq3A_895 : i32 to vector<16xi32>
          %eq3A_897 = arith.cmpi eq, %and3A_884, %eq3A_896 : vector<16xi32>
          %or3A_898 = arith.ori %eq3A_894, %eq3A_897 : vector<16xi1>
          %jit3A_899 = arith.constant 1.000000e+02 : f32
          %jit3A_900 = arith.constant 0.000000e+00 : f32
          %broadcast_in_dim3A_901 = vector.broadcast %jit3A_899 : f32 to vector<16xf32>
          %broadcast_in_dim3A_902 = vector.broadcast %jit3A_900 : f32 to vector<16xf32>
          %select_n3A_903 = arith.select %or3A_891, %broadcast_in_dim3A_901, %broadcast_in_dim3A_902 : vector<16xi1>, vector<16xf32>
          %jit3A_904 = arith.constant 5.000000e+01 : f32
          %jit3A_905 = arith.constant 0.000000e+00 : f32
          %broadcast_in_dim3A_906 = vector.broadcast %jit3A_904 : f32 to vector<16xf32>
          %broadcast_in_dim3A_907 = vector.broadcast %jit3A_905 : f32 to vector<16xf32>
          %select_n3A_908 = arith.select %or3A_898, %broadcast_in_dim3A_906, %broadcast_in_dim3A_907 : vector<16xi1>, vector<16xf32>
          %add3A_909 = arith.addf %select_n3A_903, %select_n3A_908 : vector<16xf32>
          %jit3A_910 = arith.constant 1.000000e+02 : f32
          %jit3A_911 = arith.constant 3.000000e+38 : f32
          %broadcast_in_dim3A_912 = vector.broadcast %jit3A_910 : f32 to vector<16xf32>
          %broadcast_in_dim3A_913 = vector.broadcast %jit3A_911 : f32 to vector<16xf32>
          %select_n3A_914 = arith.select %or3A_891, %broadcast_in_dim3A_912, %broadcast_in_dim3A_913 : vector<16xi1>, vector<16xf32>
          %broadcast_in_dim3A_915 = arith.constant 0.000000e+00 : f32
          %broadcast_in_dim3A_916 = vector.broadcast %broadcast_in_dim3A_915 : f32 to vector<16xf32>
          %mul3A_917 = arith.constant 128 : i32
          %mul3A_918 = arith.muli %scan3A_232, %mul3A_917 : i32
          %add3A_919 = arith.constant 80 : i32
          %add3A_920 = arith.addi %mul3A_918, %add3A_919 : i32
          %get3A_921 = arith.constant 1 : i32
          %get3A_922 = arith.index_cast %get3A_921 : i32 to index
          %get3A_923 = arith.index_cast %add3A_920 : i32 to index
          %get3A_924 = tpu.vector_load %arg13[%get3A_922, %get3A_923] {strides = array<i32>} : memref<5x2560xf32, #tpu.memory_space<vmem>>, vector<16xf32>,
          %sub3A_925 = arith.subf %get3A_924, %select_n3A_914 : vector<16xf32>
          %max3A_926 = arith.maximumf %sub3A_925, %broadcast_in_dim3A_916 : vector<16xf32>
          %sub3A_927 = arith.subf %get3A_924, %select_n3A_903 : vector<16xf32>
          %swap3A_928 = arith.constant 1 : i32
          %swap3A_929 = arith.index_cast %swap3A_928 : i32 to index
          %swap3A_930 = arith.index_cast %add3A_920 : i32 to index
          %swap3A_931 = tpu.vector_load %arg13[%swap3A_929, %swap3A_930] {strides = array<i32>} : memref<5x2560xf32, #tpu.memory_space<vmem>>, vector<16xf32>,
          tpu.vector_store %arg13[%swap3A_929, %swap3A_930], %sub3A_927 {strides = array<i32>} : memref<5x2560xf32, #tpu.memory_space<vmem>>, vector<16xf32>,
          %get3A_932 = arith.constant 2 : i32
          %get3A_933 = arith.index_cast %get3A_932 : i32 to index
          %get3A_934 = arith.index_cast %add3A_920 : i32 to index
          %get3A_935 = tpu.vector_load %arg13[%get3A_933, %get3A_934] {strides = array<i32>} : memref<5x2560xf32, #tpu.memory_space<vmem>>, vector<16xf32>,
          %sub3A_936 = arith.subf %get3A_935, %select_n3A_914 : vector<16xf32>
          %max3A_937 = arith.maximumf %sub3A_936, %broadcast_in_dim3A_916 : vector<16xf32>
          %add3A_938 = arith.addf %max3A_926, %max3A_937 : vector<16xf32>
          %sub3A_939 = arith.subf %get3A_935, %add3A_909 : vector<16xf32>
          %swap3A_940 = arith.constant 2 : i32
          %swap3A_941 = arith.index_cast %swap3A_940 : i32 to index
          %swap3A_942 = arith.index_cast %add3A_920 : i32 to index
          %swap3A_943 = tpu.vector_load %arg13[%swap3A_941, %swap3A_942] {strides = array<i32>} : memref<5x2560xf32, #tpu.memory_space<vmem>>, vector<16xf32>,
          tpu.vector_store %arg13[%swap3A_941, %swap3A_942], %sub3A_939 {strides = array<i32>} : memref<5x2560xf32, #tpu.memory_space<vmem>>, vector<16xf32>,
          %get3A_944 = arith.constant 3 : i32
          %get3A_945 = arith.index_cast %get3A_944 : i32 to index
          %get3A_946 = arith.index_cast %add3A_920 : i32 to index
          %get3A_947 = tpu.vector_load %arg13[%get3A_945, %get3A_946] {strides = array<i32>} : memref<5x2560xf32, #tpu.memory_space<vmem>>, vector<16xf32>,
          %sub3A_948 = arith.subf %get3A_947, %select_n3A_914 : vector<16xf32>
          %max3A_949 = arith.maximumf %sub3A_948, %broadcast_in_dim3A_916 : vector<16xf32>
          %add3A_950 = arith.addf %add3A_938, %max3A_949 : vector<16xf32>
          %sub3A_951 = arith.subf %get3A_947, %add3A_909 : vector<16xf32>
          %swap3A_952 = arith.constant 3 : i32
          %swap3A_953 = arith.index_cast %swap3A_952 : i32 to index
          %swap3A_954 = arith.index_cast %add3A_920 : i32 to index
          %swap3A_955 = tpu.vector_load %arg13[%swap3A_953, %swap3A_954] {strides = array<i32>} : memref<5x2560xf32, #tpu.memory_space<vmem>>, vector<16xf32>,
          tpu.vector_store %arg13[%swap3A_953, %swap3A_954], %sub3A_951 {strides = array<i32>} : memref<5x2560xf32, #tpu.memory_space<vmem>>, vector<16xf32>,
          %get3A_956 = arith.constant 4 : i32
          %get3A_957 = arith.index_cast %get3A_956 : i32 to index
          %get3A_958 = arith.index_cast %add3A_920 : i32 to index
          %get3A_959 = tpu.vector_load %arg13[%get3A_957, %get3A_958] {strides = array<i32>} : memref<5x2560xf32, #tpu.memory_space<vmem>>, vector<16xf32>,
          %sub3A_960 = arith.subf %get3A_959, %select_n3A_914 : vector<16xf32>
          %max3A_961 = arith.maximumf %sub3A_960, %broadcast_in_dim3A_916 : vector<16xf32>
          %add3A_962 = arith.addf %add3A_950, %max3A_961 : vector<16xf32>
          %sub3A_963 = arith.subf %get3A_959, %add3A_909 : vector<16xf32>
          %swap3A_964 = arith.constant 4 : i32
          %swap3A_965 = arith.index_cast %swap3A_964 : i32 to index
          %swap3A_966 = arith.index_cast %add3A_920 : i32 to index
          %swap3A_967 = tpu.vector_load %arg13[%swap3A_965, %swap3A_966] {strides = array<i32>} : memref<5x2560xf32, #tpu.memory_space<vmem>>, vector<16xf32>,
          tpu.vector_store %arg13[%swap3A_965, %swap3A_966], %sub3A_963 {strides = array<i32>} : memref<5x2560xf32, #tpu.memory_space<vmem>>, vector<16xf32>,
          %add3A_968 = arith.addf %add3A_844, %add3A_962 : vector<16xf32>
          %mul3A_969 = arith.constant 2 : i32
          %mul3A_970 = arith.muli %mul3A_969, %scan3A_232 : i32
          %get3A_971 = arith.index_cast %mul3A_970 : i32 to index
          %get3A_972 = arith.constant 96 : index
          %get3A_973 = tpu.vector_load %arg10[%get3A_971, %get3A_972] {strides = array<i32>} : memref<40x128xi32, #tpu.memory_space<vmem>>, vector<16xi32>,
          %mul3A_974 = arith.constant 2 : i32
          %mul3A_975 = arith.muli %mul3A_974, %scan3A_232 : i32
          %add3A_976 = arith.constant 1 : i32
          %add3A_977 = arith.addi %mul3A_975, %add3A_976 : i32
          %get3A_978 = arith.index_cast %add3A_977 : i32 to index
          %get3A_979 = arith.constant 96 : index
          %get3A_980 = tpu.vector_load %arg10[%get3A_978, %get3A_979] {strides = array<i32>} : memref<40x128xi32, #tpu.memory_space<vmem>>, vector<16xi32>,
          %shift_right_logical3A_981 = arith.constant 3 : i32
          %shift_right_logical3A_982 = vector.broadcast %shift_right_logical3A_981 : i32 to vector<16xi32>
          %shift_right_logical3A_983 = arith.shrui %get3A_973, %shift_right_logical3A_982 : vector<16xi32>
          %gather3A_984 = tpu.vector_load_idx %arg7[%shift_right_logical3A_983] : memref<12500xi32, #tpu.memory_space<vmem>>[vector<16xi32>], vector<16xi32>,
          %shift_right_logical3A_985 = arith.constant 3 : i32
          %shift_right_logical3A_986 = vector.broadcast %shift_right_logical3A_985 : i32 to vector<16xi32>
          %shift_right_logical3A_987 = arith.shrui %get3A_980, %shift_right_logical3A_986 : vector<16xi32>
          %gather3A_988 = tpu.vector_load_idx %arg7[%shift_right_logical3A_987] : memref<12500xi32, #tpu.memory_space<vmem>>[vector<16xi32>], vector<16xi32>,
          %and3A_989 = arith.constant 7 : i32
          %and3A_990 = vector.broadcast %and3A_989 : i32 to vector<16xi32>
          %and3A_991 = arith.andi %get3A_973, %and3A_990 : vector<16xi32>
          %shift_left3A_992 = arith.constant 2 : i32
          %shift_left3A_993 = vector.broadcast %shift_left3A_992 : i32 to vector<16xi32>
          %shift_left3A_994 = arith.shli %and3A_991, %shift_left3A_993 : vector<16xi32>
          %shift_right_logical3A_995 = arith.shrui %gather3A_984, %shift_left3A_994 : vector<16xi32>
          %and3A_996 = arith.constant 7 : i32
          %and3A_997 = vector.broadcast %and3A_996 : i32 to vector<16xi32>
          %and3A_998 = arith.andi %shift_right_logical3A_995, %and3A_997 : vector<16xi32>
          %and3A_999 = arith.constant 7 : i32
          %and3A_1000 = vector.broadcast %and3A_999 : i32 to vector<16xi32>
          %and3A_1001 = arith.andi %get3A_980, %and3A_1000 : vector<16xi32>
          %shift_left3A_1002 = arith.constant 2 : i32
          %shift_left3A_1003 = vector.broadcast %shift_left3A_1002 : i32 to vector<16xi32>
          %shift_left3A_1004 = arith.shli %and3A_1001, %shift_left3A_1003 : vector<16xi32>
          %shift_right_logical3A_1005 = arith.shrui %gather3A_988, %shift_left3A_1004 : vector<16xi32>
          %and3A_1006 = arith.constant 7 : i32
          %and3A_1007 = vector.broadcast %and3A_1006 : i32 to vector<16xi32>
          %and3A_1008 = arith.andi %shift_right_logical3A_1005, %and3A_1007 : vector<16xi32>
          %eq3A_1009 = arith.constant 4 : i32
          %eq3A_1010 = vector.broadcast %eq3A_1009 : i32 to vector<16xi32>
          %eq3A_1011 = arith.cmpi eq, %and3A_998, %eq3A_1010 : vector<16xi32>
          %eq3A_1012 = arith.constant 4 : i32
          %eq3A_1013 = vector.broadcast %eq3A_1012 : i32 to vector<16xi32>
          %eq3A_1014 = arith.cmpi eq, %and3A_1008, %eq3A_1013 : vector<16xi32>
          %or3A_1015 = arith.ori %eq3A_1011, %eq3A_1014 : vector<16xi1>
          %eq3A_1016 = arith.constant 5 : i32
          %eq3A_1017 = vector.broadcast %eq3A_1016 : i32 to vector<16xi32>
          %eq3A_1018 = arith.cmpi eq, %and3A_998, %eq3A_1017 : vector<16xi32>
          %eq3A_1019 = arith.constant 5 : i32
          %eq3A_1020 = vector.broadcast %eq3A_1019 : i32 to vector<16xi32>
          %eq3A_1021 = arith.cmpi eq, %and3A_1008, %eq3A_1020 : vector<16xi32>
          %or3A_1022 = arith.ori %eq3A_1018, %eq3A_1021 : vector<16xi1>
          %jit3A_1023 = arith.constant 1.000000e+02 : f32
          %jit3A_1024 = arith.constant 0.000000e+00 : f32
          %broadcast_in_dim3A_1025 = vector.broadcast %jit3A_1023 : f32 to vector<16xf32>
          %broadcast_in_dim3A_1026 = vector.broadcast %jit3A_1024 : f32 to vector<16xf32>
          %select_n3A_1027 = arith.select %or3A_1015, %broadcast_in_dim3A_1025, %broadcast_in_dim3A_1026 : vector<16xi1>, vector<16xf32>
          %jit3A_1028 = arith.constant 5.000000e+01 : f32
          %jit3A_1029 = arith.constant 0.000000e+00 : f32
          %broadcast_in_dim3A_1030 = vector.broadcast %jit3A_1028 : f32 to vector<16xf32>
          %broadcast_in_dim3A_1031 = vector.broadcast %jit3A_1029 : f32 to vector<16xf32>
          %select_n3A_1032 = arith.select %or3A_1022, %broadcast_in_dim3A_1030, %broadcast_in_dim3A_1031 : vector<16xi1>, vector<16xf32>
          %add3A_1033 = arith.addf %select_n3A_1027, %select_n3A_1032 : vector<16xf32>
          %jit3A_1034 = arith.constant 1.000000e+02 : f32
          %jit3A_1035 = arith.constant 3.000000e+38 : f32
          %broadcast_in_dim3A_1036 = vector.broadcast %jit3A_1034 : f32 to vector<16xf32>
          %broadcast_in_dim3A_1037 = vector.broadcast %jit3A_1035 : f32 to vector<16xf32>
          %select_n3A_1038 = arith.select %or3A_1015, %broadcast_in_dim3A_1036, %broadcast_in_dim3A_1037 : vector<16xi1>, vector<16xf32>
          %broadcast_in_dim3A_1039 = arith.constant 0.000000e+00 : f32
          %broadcast_in_dim3A_1040 = vector.broadcast %broadcast_in_dim3A_1039 : f32 to vector<16xf32>
          %mul3A_1041 = arith.constant 128 : i32
          %mul3A_1042 = arith.muli %scan3A_232, %mul3A_1041 : i32
          %add3A_1043 = arith.constant 96 : i32
          %add3A_1044 = arith.addi %mul3A_1042, %add3A_1043 : i32
          %get3A_1045 = arith.constant 1 : i32
          %get3A_1046 = arith.index_cast %get3A_1045 : i32 to index
          %get3A_1047 = arith.index_cast %add3A_1044 : i32 to index
          %get3A_1048 = tpu.vector_load %arg13[%get3A_1046, %get3A_1047] {strides = array<i32>} : memref<5x2560xf32, #tpu.memory_space<vmem>>, vector<16xf32>,
          %sub3A_1049 = arith.subf %get3A_1048, %select_n3A_1038 : vector<16xf32>
          %max3A_1050 = arith.maximumf %sub3A_1049, %broadcast_in_dim3A_1040 : vector<16xf32>
          %sub3A_1051 = arith.subf %get3A_1048, %select_n3A_1027 : vector<16xf32>
          %swap3A_1052 = arith.constant 1 : i32
          %swap3A_1053 = arith.index_cast %swap3A_1052 : i32 to index
          %swap3A_1054 = arith.index_cast %add3A_1044 : i32 to index
          %swap3A_1055 = tpu.vector_load %arg13[%swap3A_1053, %swap3A_1054] {strides = array<i32>} : memref<5x2560xf32, #tpu.memory_space<vmem>>, vector<16xf32>,
          tpu.vector_store %arg13[%swap3A_1053, %swap3A_1054], %sub3A_1051 {strides = array<i32>} : memref<5x2560xf32, #tpu.memory_space<vmem>>, vector<16xf32>,
          %get3A_1056 = arith.constant 2 : i32
          %get3A_1057 = arith.index_cast %get3A_1056 : i32 to index
          %get3A_1058 = arith.index_cast %add3A_1044 : i32 to index
          %get3A_1059 = tpu.vector_load %arg13[%get3A_1057, %get3A_1058] {strides = array<i32>} : memref<5x2560xf32, #tpu.memory_space<vmem>>, vector<16xf32>,
          %sub3A_1060 = arith.subf %get3A_1059, %select_n3A_1038 : vector<16xf32>
          %max3A_1061 = arith.maximumf %sub3A_1060, %broadcast_in_dim3A_1040 : vector<16xf32>
          %add3A_1062 = arith.addf %max3A_1050, %max3A_1061 : vector<16xf32>
          %sub3A_1063 = arith.subf %get3A_1059, %add3A_1033 : vector<16xf32>
          %swap3A_1064 = arith.constant 2 : i32
          %swap3A_1065 = arith.index_cast %swap3A_1064 : i32 to index
          %swap3A_1066 = arith.index_cast %add3A_1044 : i32 to index
          %swap3A_1067 = tpu.vector_load %arg13[%swap3A_1065, %swap3A_1066] {strides = array<i32>} : memref<5x2560xf32, #tpu.memory_space<vmem>>, vector<16xf32>,
          tpu.vector_store %arg13[%swap3A_1065, %swap3A_1066], %sub3A_1063 {strides = array<i32>} : memref<5x2560xf32, #tpu.memory_space<vmem>>, vector<16xf32>,
          %get3A_1068 = arith.constant 3 : i32
          %get3A_1069 = arith.index_cast %get3A_1068 : i32 to index
          %get3A_1070 = arith.index_cast %add3A_1044 : i32 to index
          %get3A_1071 = tpu.vector_load %arg13[%get3A_1069, %get3A_1070] {strides = array<i32>} : memref<5x2560xf32, #tpu.memory_space<vmem>>, vector<16xf32>,
          %sub3A_1072 = arith.subf %get3A_1071, %select_n3A_1038 : vector<16xf32>
          %max3A_1073 = arith.maximumf %sub3A_1072, %broadcast_in_dim3A_1040 : vector<16xf32>
          %add3A_1074 = arith.addf %add3A_1062, %max3A_1073 : vector<16xf32>
          %sub3A_1075 = arith.subf %get3A_1071, %add3A_1033 : vector<16xf32>
          %swap3A_1076 = arith.constant 3 : i32
          %swap3A_1077 = arith.index_cast %swap3A_1076 : i32 to index
          %swap3A_1078 = arith.index_cast %add3A_1044 : i32 to index
          %swap3A_1079 = tpu.vector_load %arg13[%swap3A_1077, %swap3A_1078] {strides = array<i32>} : memref<5x2560xf32, #tpu.memory_space<vmem>>, vector<16xf32>,
          tpu.vector_store %arg13[%swap3A_1077, %swap3A_1078], %sub3A_1075 {strides = array<i32>} : memref<5x2560xf32, #tpu.memory_space<vmem>>, vector<16xf32>,
          %get3A_1080 = arith.constant 4 : i32
          %get3A_1081 = arith.index_cast %get3A_1080 : i32 to index
          %get3A_1082 = arith.index_cast %add3A_1044 : i32 to index
          %get3A_1083 = tpu.vector_load %arg13[%get3A_1081, %get3A_1082] {strides = array<i32>} : memref<5x2560xf32, #tpu.memory_space<vmem>>, vector<16xf32>,
          %sub3A_1084 = arith.subf %get3A_1083, %select_n3A_1038 : vector<16xf32>
          %max3A_1085 = arith.maximumf %sub3A_1084, %broadcast_in_dim3A_1040 : vector<16xf32>
          %add3A_1086 = arith.addf %add3A_1074, %max3A_1085 : vector<16xf32>
          %sub3A_1087 = arith.subf %get3A_1083, %add3A_1033 : vector<16xf32>
          %swap3A_1088 = arith.constant 4 : i32
          %swap3A_1089 = arith.index_cast %swap3A_1088 : i32 to index
          %swap3A_1090 = arith.index_cast %add3A_1044 : i32 to index
          %swap3A_1091 = tpu.vector_load %arg13[%swap3A_1089, %swap3A_1090] {strides = array<i32>} : memref<5x2560xf32, #tpu.memory_space<vmem>>, vector<16xf32>,
          tpu.vector_store %arg13[%swap3A_1089, %swap3A_1090], %sub3A_1087 {strides = array<i32>} : memref<5x2560xf32, #tpu.memory_space<vmem>>, vector<16xf32>,
          %add3A_1092 = arith.addf %add3A_968, %add3A_1086 : vector<16xf32>
          %mul3A_1093 = arith.constant 2 : i32
          %mul3A_1094 = arith.muli %mul3A_1093, %scan3A_232 : i32
          %get3A_1095 = arith.index_cast %mul3A_1094 : i32 to index
          %get3A_1096 = arith.constant 112 : index
          %get3A_1097 = tpu.vector_load %arg10[%get3A_1095, %get3A_1096] {strides = array<i32>} : memref<40x128xi32, #tpu.memory_space<vmem>>, vector<16xi32>,
          %mul3A_1098 = arith.constant 2 : i32
          %mul3A_1099 = arith.muli %mul3A_1098, %scan3A_232 : i32
          %add3A_1100 = arith.constant 1 : i32
          %add3A_1101 = arith.addi %mul3A_1099, %add3A_1100 : i32
          %get3A_1102 = arith.index_cast %add3A_1101 : i32 to index
          %get3A_1103 = arith.constant 112 : index
          %get3A_1104 = tpu.vector_load %arg10[%get3A_1102, %get3A_1103] {strides = array<i32>} : memref<40x128xi32, #tpu.memory_space<vmem>>, vector<16xi32>,
          %shift_right_logical3A_1105 = arith.constant 3 : i32
          %shift_right_logical3A_1106 = vector.broadcast %shift_right_logical3A_1105 : i32 to vector<16xi32>
          %shift_right_logical3A_1107 = arith.shrui %get3A_1097, %shift_right_logical3A_1106 : vector<16xi32>
          %gather3A_1108 = tpu.vector_load_idx %arg7[%shift_right_logical3A_1107] : memref<12500xi32, #tpu.memory_space<vmem>>[vector<16xi32>], vector<16xi32>,
          %shift_right_logical3A_1109 = arith.constant 3 : i32
          %shift_right_logical3A_1110 = vector.broadcast %shift_right_logical3A_1109 : i32 to vector<16xi32>
          %shift_right_logical3A_1111 = arith.shrui %get3A_1104, %shift_right_logical3A_1110 : vector<16xi32>
          %gather3A_1112 = tpu.vector_load_idx %arg7[%shift_right_logical3A_1111] : memref<12500xi32, #tpu.memory_space<vmem>>[vector<16xi32>], vector<16xi32>,
          %and3A_1113 = arith.constant 7 : i32
          %and3A_1114 = vector.broadcast %and3A_1113 : i32 to vector<16xi32>
          %and3A_1115 = arith.andi %get3A_1097, %and3A_1114 : vector<16xi32>
          %shift_left3A_1116 = arith.constant 2 : i32
          %shift_left3A_1117 = vector.broadcast %shift_left3A_1116 : i32 to vector<16xi32>
          %shift_left3A_1118 = arith.shli %and3A_1115, %shift_left3A_1117 : vector<16xi32>
          %shift_right_logical3A_1119 = arith.shrui %gather3A_1108, %shift_left3A_1118 : vector<16xi32>
          %and3A_1120 = arith.constant 7 : i32
          %and3A_1121 = vector.broadcast %and3A_1120 : i32 to vector<16xi32>
          %and3A_1122 = arith.andi %shift_right_logical3A_1119, %and3A_1121 : vector<16xi32>
          %and3A_1123 = arith.constant 7 : i32
          %and3A_1124 = vector.broadcast %and3A_1123 : i32 to vector<16xi32>
          %and3A_1125 = arith.andi %get3A_1104, %and3A_1124 : vector<16xi32>
          %shift_left3A_1126 = arith.constant 2 : i32
          %shift_left3A_1127 = vector.broadcast %shift_left3A_1126 : i32 to vector<16xi32>
          %shift_left3A_1128 = arith.shli %and3A_1125, %shift_left3A_1127 : vector<16xi32>
          %shift_right_logical3A_1129 = arith.shrui %gather3A_1112, %shift_left3A_1128 : vector<16xi32>
          %and3A_1130 = arith.constant 7 : i32
          %and3A_1131 = vector.broadcast %and3A_1130 : i32 to vector<16xi32>
          %and3A_1132 = arith.andi %shift_right_logical3A_1129, %and3A_1131 : vector<16xi32>
          %eq3A_1133 = arith.constant 4 : i32
          %eq3A_1134 = vector.broadcast %eq3A_1133 : i32 to vector<16xi32>
          %eq3A_1135 = arith.cmpi eq, %and3A_1122, %eq3A_1134 : vector<16xi32>
          %eq3A_1136 = arith.constant 4 : i32
          %eq3A_1137 = vector.broadcast %eq3A_1136 : i32 to vector<16xi32>
          %eq3A_1138 = arith.cmpi eq, %and3A_1132, %eq3A_1137 : vector<16xi32>
          %or3A_1139 = arith.ori %eq3A_1135, %eq3A_1138 : vector<16xi1>
          %eq3A_1140 = arith.constant 5 : i32
          %eq3A_1141 = vector.broadcast %eq3A_1140 : i32 to vector<16xi32>
          %eq3A_1142 = arith.cmpi eq, %and3A_1122, %eq3A_1141 : vector<16xi32>
          %eq3A_1143 = arith.constant 5 : i32
          %eq3A_1144 = vector.broadcast %eq3A_1143 : i32 to vector<16xi32>
          %eq3A_1145 = arith.cmpi eq, %and3A_1132, %eq3A_1144 : vector<16xi32>
          %or3A_1146 = arith.ori %eq3A_1142, %eq3A_1145 : vector<16xi1>
          %jit3A_1147 = arith.constant 1.000000e+02 : f32
          %jit3A_1148 = arith.constant 0.000000e+00 : f32
          %broadcast_in_dim3A_1149 = vector.broadcast %jit3A_1147 : f32 to vector<16xf32>
          %broadcast_in_dim3A_1150 = vector.broadcast %jit3A_1148 : f32 to vector<16xf32>
          %select_n3A_1151 = arith.select %or3A_1139, %broadcast_in_dim3A_1149, %broadcast_in_dim3A_1150 : vector<16xi1>, vector<16xf32>
          %jit3A_1152 = arith.constant 5.000000e+01 : f32
          %jit3A_1153 = arith.constant 0.000000e+00 : f32
          %broadcast_in_dim3A_1154 = vector.broadcast %jit3A_1152 : f32 to vector<16xf32>
          %broadcast_in_dim3A_1155 = vector.broadcast %jit3A_1153 : f32 to vector<16xf32>
          %select_n3A_1156 = arith.select %or3A_1146, %broadcast_in_dim3A_1154, %broadcast_in_dim3A_1155 : vector<16xi1>, vector<16xf32>
          %add3A_1157 = arith.addf %select_n3A_1151, %select_n3A_1156 : vector<16xf32>
          %jit3A_1158 = arith.constant 1.000000e+02 : f32
          %jit3A_1159 = arith.constant 3.000000e+38 : f32
          %broadcast_in_dim3A_1160 = vector.broadcast %jit3A_1158 : f32 to vector<16xf32>
          %broadcast_in_dim3A_1161 = vector.broadcast %jit3A_1159 : f32 to vector<16xf32>
          %select_n3A_1162 = arith.select %or3A_1139, %broadcast_in_dim3A_1160, %broadcast_in_dim3A_1161 : vector<16xi1>, vector<16xf32>
          %broadcast_in_dim3A_1163 = arith.constant 0.000000e+00 : f32
          %broadcast_in_dim3A_1164 = vector.broadcast %broadcast_in_dim3A_1163 : f32 to vector<16xf32>
          %mul3A_1165 = arith.constant 128 : i32
          %mul3A_1166 = arith.muli %scan3A_232, %mul3A_1165 : i32
          %add3A_1167 = arith.constant 112 : i32
          %add3A_1168 = arith.addi %mul3A_1166, %add3A_1167 : i32
          %get3A_1169 = arith.constant 1 : i32
          %get3A_1170 = arith.index_cast %get3A_1169 : i32 to index
          %get3A_1171 = arith.index_cast %add3A_1168 : i32 to index
          %get3A_1172 = tpu.vector_load %arg13[%get3A_1170, %get3A_1171] {strides = array<i32>} : memref<5x2560xf32, #tpu.memory_space<vmem>>, vector<16xf32>,
          %sub3A_1173 = arith.subf %get3A_1172, %select_n3A_1162 : vector<16xf32>
          %max3A_1174 = arith.maximumf %sub3A_1173, %broadcast_in_dim3A_1164 : vector<16xf32>
          %sub3A_1175 = arith.subf %get3A_1172, %select_n3A_1151 : vector<16xf32>
          %swap3A_1176 = arith.constant 1 : i32
          %swap3A_1177 = arith.index_cast %swap3A_1176 : i32 to index
          %swap3A_1178 = arith.index_cast %add3A_1168 : i32 to index
          %swap3A_1179 = tpu.vector_load %arg13[%swap3A_1177, %swap3A_1178] {strides = array<i32>} : memref<5x2560xf32, #tpu.memory_space<vmem>>, vector<16xf32>,
          tpu.vector_store %arg13[%swap3A_1177, %swap3A_1178], %sub3A_1175 {strides = array<i32>} : memref<5x2560xf32, #tpu.memory_space<vmem>>, vector<16xf32>,
          %get3A_1180 = arith.constant 2 : i32
          %get3A_1181 = arith.index_cast %get3A_1180 : i32 to index
          %get3A_1182 = arith.index_cast %add3A_1168 : i32 to index
          %get3A_1183 = tpu.vector_load %arg13[%get3A_1181, %get3A_1182] {strides = array<i32>} : memref<5x2560xf32, #tpu.memory_space<vmem>>, vector<16xf32>,
          %sub3A_1184 = arith.subf %get3A_1183, %select_n3A_1162 : vector<16xf32>
          %max3A_1185 = arith.maximumf %sub3A_1184, %broadcast_in_dim3A_1164 : vector<16xf32>
          %add3A_1186 = arith.addf %max3A_1174, %max3A_1185 : vector<16xf32>
          %sub3A_1187 = arith.subf %get3A_1183, %add3A_1157 : vector<16xf32>
          %swap3A_1188 = arith.constant 2 : i32
          %swap3A_1189 = arith.index_cast %swap3A_1188 : i32 to index
          %swap3A_1190 = arith.index_cast %add3A_1168 : i32 to index
          %swap3A_1191 = tpu.vector_load %arg13[%swap3A_1189, %swap3A_1190] {strides = array<i32>} : memref<5x2560xf32, #tpu.memory_space<vmem>>, vector<16xf32>,
          tpu.vector_store %arg13[%swap3A_1189, %swap3A_1190], %sub3A_1187 {strides = array<i32>} : memref<5x2560xf32, #tpu.memory_space<vmem>>, vector<16xf32>,
          %get3A_1192 = arith.constant 3 : i32
          %get3A_1193 = arith.index_cast %get3A_1192 : i32 to index
          %get3A_1194 = arith.index_cast %add3A_1168 : i32 to index
          %get3A_1195 = tpu.vector_load %arg13[%get3A_1193, %get3A_1194] {strides = array<i32>} : memref<5x2560xf32, #tpu.memory_space<vmem>>, vector<16xf32>,
          %sub3A_1196 = arith.subf %get3A_1195, %select_n3A_1162 : vector<16xf32>
          %max3A_1197 = arith.maximumf %sub3A_1196, %broadcast_in_dim3A_1164 : vector<16xf32>
          %add3A_1198 = arith.addf %add3A_1186, %max3A_1197 : vector<16xf32>
          %sub3A_1199 = arith.subf %get3A_1195, %add3A_1157 : vector<16xf32>
          %swap3A_1200 = arith.constant 3 : i32
          %swap3A_1201 = arith.index_cast %swap3A_1200 : i32 to index
          %swap3A_1202 = arith.index_cast %add3A_1168 : i32 to index
          %swap3A_1203 = tpu.vector_load %arg13[%swap3A_1201, %swap3A_1202] {strides = array<i32>} : memref<5x2560xf32, #tpu.memory_space<vmem>>, vector<16xf32>,
          tpu.vector_store %arg13[%swap3A_1201, %swap3A_1202], %sub3A_1199 {strides = array<i32>} : memref<5x2560xf32, #tpu.memory_space<vmem>>, vector<16xf32>,
          %get3A_1204 = arith.constant 4 : i32
          %get3A_1205 = arith.index_cast %get3A_1204 : i32 to index
          %get3A_1206 = arith.index_cast %add3A_1168 : i32 to index
          %get3A_1207 = tpu.vector_load %arg13[%get3A_1205, %get3A_1206] {strides = array<i32>} : memref<5x2560xf32, #tpu.memory_space<vmem>>, vector<16xf32>,
          %sub3A_1208 = arith.subf %get3A_1207, %select_n3A_1162 : vector<16xf32>
          %max3A_1209 = arith.maximumf %sub3A_1208, %broadcast_in_dim3A_1164 : vector<16xf32>
          %add3A_1210 = arith.addf %add3A_1198, %max3A_1209 : vector<16xf32>
          %sub3A_1211 = arith.subf %get3A_1207, %add3A_1157 : vector<16xf32>
          %swap3A_1212 = arith.constant 4 : i32
          %swap3A_1213 = arith.index_cast %swap3A_1212 : i32 to index
          %swap3A_1214 = arith.index_cast %add3A_1168 : i32 to index
          %swap3A_1215 = tpu.vector_load %arg13[%swap3A_1213, %swap3A_1214] {strides = array<i32>} : memref<5x2560xf32, #tpu.memory_space<vmem>>, vector<16xf32>,
          tpu.vector_store %arg13[%swap3A_1213, %swap3A_1214], %sub3A_1211 {strides = array<i32>} : memref<5x2560xf32, #tpu.memory_space<vmem>>, vector<16xf32>,
          %add3A_1216 = arith.addf %add3A_1092, %add3A_1210 : vector<16xf32>
          scf.yield %add3A_1216 : vector<16xf32>
        }
        %scan3A_231 = arith.constant 20 : i32
        scf.yield %scan3A_230 : vector<16xf32>
      } else {
        scf.yield %cond3A_145 : vector<16xf32>
      }
      %mul3A_215 = arith.constant 32 : i32
      %mul3A_216 = arith.muli %add3A_160, %mul3A_215 : i32
      %add3A_217 = arith.addi %mul3A_216, %add3A : i32
      %lt3A_218 = arith.constant 79 : i32
      %lt3A_219 = arith.cmpi slt, %add3A_160, %lt3A_218 : i32
      %lt3A_220 = arith.constant 2500 : i32
      %lt3A_221 = arith.cmpi slt, %add3A_217, %lt3A_220 : i32
      %and3A_222 = arith.andi %lt3A_219, %lt3A_221 : i1
      %convert_element_type3A_223 = arith.extui %and3A_222 : i1 to i32
      %cond3A_224 = arith.constant 0 : i32
      %cond3A_225 = arith.cmpi ne, %convert_element_type3A_223, %cond3A_224 : i32
      scf.if %cond3A_225 {
        %mul3A_226 = arith.constant 2560 : i32
        %mul3A_227 = arith.muli %add3A_217, %mul3A_226 : i32
        %dma_start3A = arith.constant 0 : i32
        %dma_start3A_228 = tpu.memref_slice %arg5[%dma_start3A, %mul3A_227] : memref<5x6400000xf32, #tpu.memory_space<hbm>> -> memref<5x2560xf32, #tpu.memory_space<hbm>>
        %dma_start3A_229 = arith.constant 0 : i32
        %dma_start3A_230 = tpu.memref_slice %arg5[%dma_start3A_229, %mul3A_227] : memref<5x6400000xf32, #tpu.memory_space<hbm>> -> memref<5x2560xf32, #tpu.memory_space<hbm>>
        tpu.enqueue_dma source(%arg13 : memref<5x2560xf32, #tpu.memory_space<vmem>>) target(%dma_start3A_230 : memref<5x2560xf32, #tpu.memory_space<hbm>>) target_semaphore(%arg20 : memref<!tpu.dma_semaphore, #tpu.memory_space<semaphore_mem>>)
      } else {
      }
      scf.yield %cond3A_214 : vector<16xf32>
    }
    %scan3A_15 = arith.constant 27 : i32
    %swap3A = arith.constant 0 : index
    %swap3A_16 = tpu.vector_load %arg14[%swap3A] {strides = array<i32>} : memref<16xf32, #tpu.memory_space<vmem>>, vector<16xf32>,
    tpu.vector_store %arg14[%swap3A], %scan3A_14 {strides = array<i32>} : memref<16xf32, #tpu.memory_space<vmem>>, vector<16xf32>,
    %mul3A_17 = arith.constant 16 : i32
    %mul3A_18 = arith.muli %add3A, %mul3A_17 : i32
    "tpu.region"() ({
      %run_scoped3A = tpu.sem_alloc : memref<!tpu.dma_semaphore, #tpu.memory_space<semaphore_mem>>
      %dma_start3A = tpu.memref_slice %arg6[%mul3A_18] : memref<512xf32, #tpu.memory_space<hbm>> -> memref<16xf32, #tpu.memory_space<hbm>>
      %dma_start3A_19 = tpu.memref_slice %arg6[%mul3A_18] : memref<512xf32, #tpu.memory_space<hbm>> -> memref<16xf32, #tpu.memory_space<hbm>>
      tpu.enqueue_dma source(%arg14 : memref<16xf32, #tpu.memory_space<vmem>>) target(%dma_start3A_19 : memref<16xf32, #tpu.memory_space<hbm>>) target_semaphore(%run_scoped3A : memref<!tpu.dma_semaphore, #tpu.memory_space<semaphore_mem>>)
      %dma_wait3A = tpu.memref_slice %arg6[%mul3A_18] : memref<512xf32, #tpu.memory_space<hbm>> -> memref<16xf32, #tpu.memory_space<hbm>>
      %dma_wait3A_20 = tpu.memref_slice %arg6[%mul3A_18] : memref<512xf32, #tpu.memory_space<hbm>> -> memref<16xf32, #tpu.memory_space<hbm>>
      tpu.wait_dma2 semaphore(%run_scoped3A : memref<!tpu.dma_semaphore, #tpu.memory_space<semaphore_mem>>) src(%arg14 : memref<16xf32, #tpu.memory_space<vmem>>) dst(%dma_wait3A_20 : memref<16xf32, #tpu.memory_space<hbm>>)
      tpu.yield
    }) : () -> ()
    return
  }
}

</mosaic_0001>

<sc_bundles>
// kernel: kernel.3.cloned.1.call-start
scs
__scs_entry_jumppad:
0x0: {  	(pc) =	sbr.rel $0x88, $3  }
0x1: {  	(tag) =	ssettag $0x0;
	lr =	simm.s32 $0x1  }
0x2: {  	[smem:$0x3F9E] =	sst lr;
	_ =	strace $0xD0000000  }
0x3: {  	_ = 	snop  }
0x4: {  	_ = 	snop  }
0x5: {  	_ = 	snop  }
0x6: {  	_ = 	snop  }
0x7: {  	_ = 	snop  }
__scs_overlays_trampoline_lowered:
0x8: {  	[smem:$0x3FAD] =	sst s0  }
0x9: {  	[smem:$0x3FAE] =	sst s1  }
0xa: {  	[smem:$0x3FAF] =	sst s2  }
0xb: {  	[smem:$0x3FB0] =	sst s3  }
0xc: {  	[smem:$0x3FB1] =	sst s4  }
0xd: {  	[smem:$0x3FB2] =	sst s5  }
0xe: {  	[smem:$0x3FB3] =	sst s6  }
0xf: {  	[smem:$0x3FB4] =	sst s7  }
0x10: {  	[smem:$0x3FB5] =	sst s8  }
0x11: {  	[smem:$0x3FB6] =	sst s9;
	s0 =	simm.s32 @!p0 $0x0  }
0x12: {  	s1 =	sld [smem:$0x3F9C];
	s0 =	simm.s32 @p0 $0x1  }
0x13: {  	[smem:$0x3FB7] =	sst s0;
	s0 =	simm.s32 @!p1 $0x0  }
0x14: {  	s2 =	sld [smem:$0x3F9B];
	s0 =	simm.s32 @p1 $0x1  }
0x15: {  	[smem:$0x3FB8] =	sst s0;
	s0 =	simm.s32 @!p2 $0x0  }
0x16: {  	s3 =	sld [smem:$0x3FDB];
	s0 =	simm.s32 @p2 $0x1  }
0x17: {  	s4 =	simm.s32 $0x1BF5;
	[smem:$0x3FBA] =	sst s0  }
0x18: {  	s0 =	sld [smem:$0x3F9D];
	_ =	swait.ge [sflag:s4], $0x0  }
0x19: {  	s7 =	sld [smem:$0x3F9E]  }
0x1a: {  	s8 =	sadd.s32 $0xFFFFE003, lr  }
0x1b: {  	s9 =	sadd.s32 $0xFFFFFEF7, lr;
	s5 =	simm.s32 $0xFFFFFFFF;
	p2 =	slt.u32 s8, $0xFFFFF086  }
0x1c: {  	p1 =	slt.u32 s9, $0xF7A;
	s5 =	simm.s32 @!p2 $0x0  }
0x1d: {  	s5 =	simm.s32 @p1 $0x1;
	p0 =	seq.s32 s7, s2  }
0x1e: {  	s7 =	smul.u32 @!p0 $0xF7A, s2;
	p2 =	seq.s32 @!p0 s5, $0x0  }
0x1f: {  	s9 =	smul.u32 $0xF7A, s1;
	s8 =	simm.s32 @!p0 $0x1BF5;
	p2 =	por !p2, p0  }
0x20: {  	[sflag:s8] =	ssyncset.s32 @!p0 $0xFFFFF086;
	s6 =	sadd.s32 @!p0 s3, s7;
	s7 =	simm.s32 @!p0 $0x108  }
0x21: {  	s3 =	sadd.s32 s3, s9;
	s6 =	sadd.s32 @!p0 $0x88, s6;
	s7 =	simm.s32 @p2 $0x1082  }
0x22: {  	[simem:s7], [sflag:s8] =	dma.local @!p0 [hbm:s6], $0xF7A  }
0x23: {  	s9 =	sor.u32 $0xD0000000, s2;
	s6 =	simm.s32 $0x108;
	_ =	swait.ge @!p0 [sflag:s8], $0x0  }
0x24: {  	s3 =	sadd.s32 $0x88, s3;
	s6 =	simm.s32 @!p1 $0x1082;
	[sflag:s4] =	ssyncset.s32 $0xFFFFF086  }
0x25: {  	[simem:s6], [sflag:s4] =	dma.local [hbm:s3], $0xF7A  }
0x26: {  	[smem:$0x3F9E] =	sst s1;
	(tag) =	ssettag s2;
	_ =	strace s9  }
0x27: {  	s1 =	sld [smem:$0x3FAE]  }
0x28: {  	s2 =	sld [smem:$0x3FAF]  }
0x29: {  	s4 =	sld [smem:$0x3FB1]  }
0x2a: {  	p0 =	seq.s32 s5, $0x0;
	s5 =	sld [smem:$0x3FB2]  }
0x2b: {  	s6 =	sld [smem:$0x3FB3]  }
0x2c: {  	s7 =	sld [smem:$0x3FB4]  }
0x2d: {  	s3 =	simm.s32 $0x108;
	s8 =	sld [smem:$0x3FB5]  }
0x2e: {  	s3 =	simm.s32 @!p0 $0x1082;
	s9 =	sld [smem:$0x3FB6]  }
0x2f: {  	lr =	sadd.s32 s0, s3;
	s0 =	sld [smem:$0x3FAD]  }
0x30: {  	s3 =	sld [smem:$0x3FB0]  }
0x31: {  	[smem:$0x3FB9] =	sst s10  }
0x32: {  	s10 =	sld [smem:$0x3FB7];
	_ =	sdelay $0x3  }
0x33: {  	p0 =	seq.s32 s10, $0x1;
	s10 =	sld [smem:$0x3FB9];
	_ =	sdelay $0x3  }
0x34: {  	[smem:$0x3FB9] =	sst s10  }
0x35: {  	s10 =	sld [smem:$0x3FB8];
	_ =	sdelay $0x3  }
0x36: {  	p1 =	seq.s32 s10, $0x1;
	s10 =	sld [smem:$0x3FB9];
	_ =	sdelay $0x3  }
0x37: {  	[smem:$0x3FB9] =	sst s10  }
0x38: {  	s10 =	sld [smem:$0x3FBA]  }
0x39: {  	_ = 	snop;
	(pc) =	sbr.ind lr, $3  }
0x3a: {  	_ = 	snop  }
0x3b: {  	_ = 	snop  }
0x3c: {  	p2 =	seq.s32 s10, $0x1;
	s10 =	sld [smem:$0x3FB9]  }
0x3d: {  	_ =	shalt  }
0x3e: {  	_ =	shalt  }
0x3f: {  	_ =	shalt  }
0x40: {  	_ =	shalt  }
0x41: {  	_ =	shalt  }
0x42: {  	_ =	shalt  }
0x43: {  	_ =	shalt  }
0x44: {  	_ =	shalt  }
0x45: {  	_ =	shalt  }
0x46: {  	_ =	shalt  }
0x47: {  	_ =	shalt  }
0x48: {  	_ =	shalt  }
0x49: {  	_ =	shalt  }
0x4a: {  	_ =	shalt  }
0x4b: {  	_ =	shalt  }
0x4c: {  	_ =	shalt  }
0x4d: {  	_ =	shalt  }
0x4e: {  	_ =	shalt  }
0x4f: {  	_ =	shalt  }
0x50: {  	_ =	shalt  }
0x51: {  	_ =	shalt  }
0x52: {  	_ =	shalt  }
0x53: {  	_ =	shalt  }
0x54: {  	_ =	shalt  }
0x55: {  	_ =	shalt  }
0x56: {  	_ =	shalt  }
0x57: {  	_ =	shalt  }
0x58: {  	_ =	shalt  }
0x59: {  	_ =	shalt  }
0x5a: {  	_ =	shalt  }
0x5b: {  	_ =	shalt  }
0x5c: {  	_ =	shalt  }
0x5d: {  	_ =	shalt  }
0x5e: {  	_ =	shalt  }
0x5f: {  	_ =	shalt  }
0x60: {  	_ =	shalt  }
0x61: {  	_ =	shalt  }
0x62: {  	_ =	shalt  }
0x63: {  	_ =	shalt  }
0x64: {  	_ =	shalt  }
0x65: {  	_ =	shalt  }
0x66: {  	_ =	shalt  }
0x67: {  	_ =	shalt  }
0x68: {  	_ =	shalt  }
0x69: {  	_ =	shalt  }
0x6a: {  	_ =	shalt  }
0x6b: {  	_ =	shalt  }
0x6c: {  	_ =	shalt  }
0x6d: {  	_ =	shalt  }
0x6e: {  	_ =	shalt  }
0x6f: {  	_ =	shalt  }
0x70: {  	_ =	shalt  }
0x71: {  	_ =	shalt  }
0x72: {  	_ =	shalt  }
0x73: {  	_ =	shalt  }
0x74: {  	_ =	shalt  }
0x75: {  	_ =	shalt  }
0x76: {  	_ =	shalt  }
0x77: {  	_ =	shalt  }
0x78: {  	_ =	shalt  }
0x79: {  	_ =	shalt  }
0x7a: {  	_ =	shalt  }
0x7b: {  	_ =	shalt  }
0x7c: {  	_ =	shalt  }
0x7d: {  	_ =	shalt  }
0x7e: {  	_ =	shalt  }
0x7f: {  	_ =	shalt  }
0x80: {  	_ =	shalt  }
0x81: {  	_ =	shalt  }
0x82: {  	_ =	shalt  }
0x83: {  	_ =	shalt  }
0x84: {  	_ =	shalt  }
0x85: {  	_ =	shalt  }
0x86: {  	_ =	shalt  }
0x87: {  	_ =	shalt  }
.Lfunc_end0:
.L_simem_size_0:
called_computation_lowered:
.L_overlay_start_0:
0x88: {  	s2 =	sld [smem:$0x3FD9]  }
0x89: {  	s3 =	sld [smem:$0x3FFE];
	_ =	sdelay $0x1  }
0x8a: {  	s1 =	srdreg.scid  }
0x8b: {  	s0 =	sand.u32 $0x1, s1  }
0x8c: {  	s14 =	sshll.u32 s0, $0xA;
	s2 =	sadd.s32 s3, s2  }
0x8d: {  	s2 =	sadd.s32 s2, s14  }
0x8e: {  	[smem:$0x3FC5] =	sst s2  }
0x8f: {  	_ = 	snop  }
0x90: {  	s2 =	sld [smem:$0x3FD0];
	_ =	sdelay $0x1  }
0x91: {  	s15 =	sld [smem:$0x3FC9]  }
0x92: {  	s5 =	simm.s32 $0xA;
	s6 =	simm.s32 $0x10;
	s4 =	sld [smem:$0x3FC8]  }
0x93: {  	[smem:s6], [sflag:s5] =	dma.local [hbm:s2], $0x1  }
0x94: {  	_ =	swait.eq [sflag:s5], $0x1  }
0x95: {  	[sflag:s5] =	ssyncset.done $0x0  }
0x96: {  	[sflag:s5] =	ssyncadd.s32 $0xFFFFFFFF  }
0x97: {  	s16 =	sld [smem:$0x10];
	(tm) =	ssettm $0x1  }
0x98: {  	s17 =	sld [smem:$0x3FFB];
	_ =	sdelay $0x3  }
0x99: {  	_ =	strace s17  }
0x9a: {  	s5 =	sld [smem:$0x3FFC];
	_ =	sdelay $0x3  }
0x9b: {  	_ =	strace s5  }
0x9c: {  	s5 =	sld [smem:$0x3FFD];
	_ =	sdelay $0x3  }
0x9d: {  	_ =	strace s5  }
0x9e: {  	_ =	strace $0x8FFFFFFF  }
0x9f: {  	s18 =	sld [smem:$0x3FDB];
	_ =	sdelay $0x1  }
0xa0: {  	s19 =	simm.s32 $_scs_section_size  }
0xa1: {  	s7 =	simm.s32 $_size__tile_overlayer_lowered;
	s8 =	simm.s32 $_tile_overlayer_lowered  }
0xa2: {  	s22 =	simm.s32 $0x1BFF;
	s21 =	sshll.u32 s8, $0x1;
	s5 =	sadd.s32 s19, s18  }
0xa3: {  	s9 =	simm.s32 $0x0;
	s20 =	sshll.u32 s7, $0x1;
	s7 =	sadd.s32 s21, s5  }
0xa4: {  	[timem:s9], [sflag:s22] =	dma.local [hbm:s7], s20  }
0xa5: {  	_ =	swait.ge [sflag:s22], s20  }
0xa6: {  	s6 =	ssub.s32 $0x0, s20;
	[sflag:s22] =	ssyncset.done $0x0  }
0xa7: {  	[sflag:s22] =	ssyncadd.s32 s6;
	_ =	sdelay $0x1  }
0xa8: {  	s23 =	simm.s32 $0x1B8B  }
0xa9: {  	_ =	swait.ge [sflag:s23], $0x1  }
0xaa: {  	[sflag:s23] =	ssyncset.done $0x0  }
0xab: {  	s25 =	simm.s32 $0x1B8E;
	s24 =	sld [smem:$0x3FFE];
	[sflag:s23] =	ssyncadd.s32 $0xFFFFFFFF  }
0xac: {  	s26 =	simm.s32 $execute0_lowered;
	[smem:$0x3FD2] =	sst s25  }
0xad: {  	s7 =	sshll.u32 s26, $0x1;
	_ =	strace $0x80000046;
	[dreg:$0x1] =	wrdreg $0xFFFFFFFF  }
0xae: {  	s28 =	simm.s32 $_size_execute0_lowered;
	s5 =	sadd.s32 s5, s7;
	[dreg:$0x0] =	wrdreg $0x0  }
0xaf: {  	s7 =	sshll.u32 s28, $0x1;
	[dreg:$0x2] =	wrdreg s5  }
0xb0: {  	[dreg:$0x3] =	wrdreg s7  }
0xb1: {  	[dreg:$0x4] =	wrdreg $0xC0  }
0xb2: {  	_ =	task [dreg:s9], $0x5FFFF  }
0xb3: {  	[dreg:$0x1] =	wrdreg $0xFFFFFFFF  }
0xb4: {  	[dreg:$0x0] =	wrdreg $0x60  }
0xb5: {  	[dreg:$0x2] =	wrdreg s15  }
0xb6: {  	[dreg:$0x3] =	wrdreg s4  }
0xb7: {  	[dreg:$0x4] =	wrdreg s24  }
0xb8: {  	[dreg:$0x5] =	wrdreg s16  }
0xb9: {  	[dreg:$0x6] =	wrdreg $0x9  }
0xba: {  	_ =	task.clear_ibuf [dreg:s9], $0x7FFFF;
	_ =	strace $0x90000046  }
0xbb: {  	s29 =	simm.s32 $0x9;
	_ =	strace $0x80000048  }
0xbc: {  	_ =	swait.ge [sflag:s29], $0x1  }
0xbd: {  	[sflag:s29] =	ssyncadd.s32 $0xFFFFFFFF  }
0xbe: {  	_ =	strace $0x90000048  }
0xbf: {  	_ =	sfence  }
0xc0: {  	s30 =	sld [smem:$0x0];
	_ =	sdelay $0x2  }
0xc1: {  	s31 =	sshll.u32 s1, $0xD;
	s1 =	sshrl.u32 s1, $0x2  }
0xc2: {  	s3 =	sand.u32 $0x4000, s31;
	s1 =	sadd.s32 s1, s30  }
0xc3: {  	s0 =	sor.u32 s3, s0;
	s1 =	sshll.u32 s1, $0x11  }
0xc4: {  	s0 =	sor.u32 s1, s0  }
0xc5: {  	s0 =	sadd.s32 $0x8F2B, s0  }
0xc6: {  	[sflag:s0] =	ssyncadd.remote.s32 $0x1  }
0xc7: {  	_ =	sfence.sel $0xFFFF  }
0xc8: {  	[dreg:$0x0] =	wrdreg $0xFFFFFFFF;
	(pc) =	sbr.abs _section_cstart, $3  }
0xc9: {  	[dreg:$0x1] =	wrdreg $0xFFFFFFFF  }
0xca: {  	_ =	task.clear_ibuf [dreg:s9], $0x2FFFF;
	_ =	strace $0x9FFFFFFF  }
0xcb: {  	(tm) =	ssettm $0x7FFFFFFF  }
tec
execute0_lowered:
.L_overlay_start_1:
0x0: {  	(tag) =	ssettag $0x1  }
0x1: {  	s1 =	rddreg [dreg:$0x0]  }
0x2: {  	s2 =	rddreg [dreg:$0x1]  }
0x3: {  	s4 =	rddreg [dreg:$0x2];
	s0 =	srdreg.scid  }
0x4: {  	s3 =	stileid.u32;
	s5 =	rddreg [dreg:$0x3];
	s6 =	simm.s32 $0x0  }
0x5: {  	s15 =	simm.s32 $0x7;
	s16 =	simm.s32 $0x3100;
	s17 =	simm.s32 $0x6D00  }
0x6: {  	s18 =	simm.s32 $0x1;
	s19 =	simm.s32 $0x2;
	s20 =	simm.s32 $0xBD00  }
0x7: {  	s21 =	simm.s32 $0x3;
	s0 =	sand.u32 $0x1, s0;
	s3 =	sshll.u32 s3, $0x1  }
0x8: {  	s22 =	simm.s32 $0x10D00;
	s23 =	simm.s32 $0x15D00;
	s7 =	sor.u32 s0, s3  }
0x9: {  	s24 =	simm.s32 $0x0;
	[smem:$0x7FF] =	sst s6;
	s3 =	smul.u32 $0x280, s7  }
.Ltmp0:
0xa: {  	s0 =	ssub.s32 $0x2, s0;
	_ =	strace $0x80000047;
	(pc) =	sbr.rel .LBB2_1-.Ltmp0, $4  }
0xb: {  	s8 =	sshll.u32 s7, $0x1;
	s9 =	smul.u32 $0xA00, s7;
	s31 =	sshrl.u32 s0, $0x1  }
0xc: {  	s10 =	sor.u32 $0x20, s7;
	s11 =	sor.u32 $0x40, s7;
	s12 =	sor.u32 $0x60, s7  }
0xd: {  	s13 =	sadd.s32 s8, s4;
	s0 =	ssub.s32 s0, s31;
	s8 =	sadd.s32 s2, s3  }
0xe: {  	v0 =	vimm.f32 $0.0e+00;
	v1 =	vimm.f32 $3.000000010e+38;
	s9 =	sadd.s32 s1, s9;
	s13 =	sadd.s32 $0x800, s13;
	s14 =	smax.u32 s0, $0x1  }
.LBB2_15:
0xf: {  	s24 =	sadd.s32 $0x1, s24  }
0x10: {  	p0 =	sne.s32 s24, s14  }
.Ltmp1:
0x11: {  	[tilespmem:$0x15D00] =	vst v2;
	(pc) =	sbr.rel @!p0 .LBB2_16-.Ltmp1, $4  }
0x12: {  	[hbm4b:s13+s6] =	stream.linear.scatter [tilespmem:s23], [sflag:$0x7], $0x10, $0x38;
	[tilespmem:$0x15D80] =	vst v63  }
0x13: {  	_ =	swait.ge [sflag:s15], $0x10  }
0x14: {  	[sflag:s15] =	ssyncset.done $0x0  }
0x15: {  	[sflag:s15] =	ssyncadd.s32 $0xFFFFFFF0  }
.LBB2_1:
0x16: {  	[tilespmem:s6], [sflag:$0x7] =	stream.linear.gather [hbm4b:s4+s6], $0x3100, $0x38;
	[tilespmem:$0x15D80] =	vst v63  }
0x17: {  	_ =	swait.ge [sflag:s15], $0x3100  }
.Ltmp2:
0x18: {  	[sflag:s15] =	ssyncset.done $0x0;
	(pc) =	sbr.rel .LBB2_2-.Ltmp2, $4  }
0x19: {  	[sflag:s15] =	ssyncadd.s32 $0xFFFFCF00  }
0x1a: {  	[tilespmem:s16], [sflag:$0x1] =	stream.linear.gather [hbm4b:s8+s6], $0x1400, $0x38;
	[tilespmem:$0x15D80] =	vst v63  }
0x1b: {  	s25 =	simm.s32 $0x0  }
0x1c: {  	v2 =	vimm.f32 $0.0e+00;
	[tilespmem:s17], [sflag:$0x1] =	stream.linear.gather [hbm4b:s9+s6], $0x5000, $0x38;
	[tilespmem:$0x15D80] =	vst v63  }
.LBB2_14:
0x1d: {  	s25 =	sadd.s32 $0x1, s25  }
0x1e: {  	p0 =	sne.s32 s25, $0x1B  }
.Ltmp3:
0x1f: {  	_ = 	snop;
	(pc) =	sbr.rel @!p0 .LBB2_15-.Ltmp3, $1  }
0x20: {  	_ =	sdelay $0x3  }
.LBB2_2:
0x21: {  	s29 =	smul.u32 $0x3, s25  }
0x22: {  	s26 =	smul.u32 $0x60, s25  }
0x23: {  	s0 =	sadd.s32 $0xFFFFFFFE, s29  }
0x24: {  	s28 =	sadd.s32 s10, s26;
	p0 =	sgt.u32 s0, $0x4E  }
0x25: {  	p1 =	sgt.u32 s28, $0x9C3;
	s0 =	simm.s32 @!p0 $0x5  }
0x26: {  	s3 =	smul.u32 @!p1 $0x280, s28;
	_ =	swait.ge @!p0 [sflag:s0], $0x5000  }
0x27: {  	s30 =	simm.s32 @!p1 $0x4500;
	s31 =	smul.u32 @!p1 $0xA00, s28;
	[sflag:s0] =	ssyncset.done @!p0 $0x0  }
0x28: {  	[sflag:s0] =	ssyncadd.s32 @!p0 $0xFFFFB000;
	s0 =	sadd.s32 @!p1 s2, s3;
	s3 =	simm.s32 @!p1 $0x0  }
0x29: {  	[tilespmem:s30], [sflag:$0x2] =	stream.linear.gather @!p1 [hbm4b:s0+s3], $0x1400, $0x38;
	[tilespmem:$0x15D80] =	vst v63  }
0x2a: {  	s0 =	sadd.s32 @!p1 s1, s31;
	s30 =	simm.s32 @!p1 $0xBD00  }
0x2b: {  	[tilespmem:s30], [sflag:$0x2] =	stream.linear.gather @!p1 [hbm4b:s0+s3], $0x5000, $0x38;
	[tilespmem:$0x15D80] =	vst v63  }
0x2c: {  	s30 =	sor.u32 s7, s26  }
0x2d: {  	p0 =	sgt.u32 s30, $0x9C3  }
.Ltmp4:
0x2e: {  	_ = 	snop;
	(pc) =	sbr.rel @p0 .LBB2_6-.Ltmp4, $1  }
0x2f: {  	_ =	sdelay $0x3  }
0x30: {  	_ =	swait.ge [sflag:s18], $0x1400  }
0x31: {  	[sflag:s18] =	ssyncset.done $0x0  }
0x32: {  	[sflag:s18] =	ssyncadd.s32 $0xFFFFEC00  }
0x33: {  	_ =	swait.ge [sflag:s18], $0x5000  }
0x34: {  	[sflag:s18] =	ssyncset.done $0x0  }
0x35: {  	s31 =	simm.s32 $0x3C0;
	s3 =	simm.s32 $0x6E40;
	[sflag:s18] =	ssyncadd.s32 $0xFFFFB000  }
.LBB2_4:
0x36: {  	s0 =	sshra.s32 s31, $0x2  }
0x37: {  	v3 =	vld [tilespmem:s0+$0x3010]  }
0x38: {  	v4 =	vld [tilespmem:s0+$0x3090];
	_ =	sdelay $0x3  }
0x39: {  	v5 =	vshrl.u32 v3, $0x3  }
0x3a: {  	v6 =	vshrl.u32 v4, $0x3;
	_ =	sdelay $0x3  }
0x3b: {  	v5 =	vld.idx.msk [tilespmem:v5+s6+$0x0], $0xffff  }
0x3c: {  	v6 =	vld.idx.msk [tilespmem:v6+s6+$0x0], $0xffff;
	_ =	sdelay $0x1  }
0x3d: {  	v3 =	vshll.u32 v3, $0x2  }
0x3e: {  	v4 =	vshll.u32 v4, $0x2;
	v3 =	vand.u32 $0x1C, v3  }
0x3f: {  	v4 =	vand.u32 $0x1C, v4;
	v3 =	vshrl.u32 v5, v3  }
0x40: {  	v5 =	vand.u32 $0x7, v3;
	v3 =	vshrl.u32 v6, v4  }
0x41: {  	v4 =	vand.u32 $0x7, v3;
	vm0 =	veq.s32 v5, $0x4;
	v3 =	vld [tilespmem:s3+$0xFFFFFF40]  }
0x42: {  	v39 =	vld [tilespmem:s3+$0xFFFFFFC0];
	vm2 =	veq.s32 v5, $0x5;
	vm1 =	veq.s32 v4, $0x4;
	vm3 =	veq.s32 v4, $0x5  }
0x43: {  	v40 =	vld [tilespmem:s3+$0x40];
	vm0 =	vmor vm0, vm1;
	vm13 =	vmor vm2, vm3  }
0x44: {  	v41 =	vld [tilespmem:s3+$0xC0];
	v7 =	vsel vm0, $0x42C80000, v0;
	v8 =	vsel vm13, $0x42480000, v0  }
0x45: {  	v8 =	vadd.f32 v8, v7  }
0x46: {  	v7 =	vsub.f32 v3, v7  }
0x47: {  	v9 =	vsub.f32 v39, v8  }
0x48: {  	v42 =	vsub.f32 v40, v8;
	[tilespmem:s3+$0xFFFFFF40] =	vst v7  }
0x49: {  	v8 =	vsub.f32 v41, v8;
	[tilespmem:s3+$0xFFFFFFC0] =	vst v9  }
0x4a: {  	[tilespmem:s3+$0x40] =	vst v42  }
0x4b: {  	[tilespmem:s3+$0xC0] =	vst v8  }
0x4c: {  	v7 =	vld [tilespmem:s0+$0x3020]  }
0x4d: {  	v8 =	vld [tilespmem:s0+$0x30A0];
	_ =	sdelay $0x3  }
0x4e: {  	v43 =	vshrl.u32 v7, $0x3  }
0x4f: {  	v10 =	vshrl.u32 v8, $0x3;
	_ =	sdelay $0x3  }
0x50: {  	v9 =	vld.idx.msk [tilespmem:v43+s6+$0x0], $0xffff  }
0x51: {  	v10 =	vld.idx.msk [tilespmem:v10+s6+$0x0], $0xffff;
	_ =	sdelay $0x1  }
0x52: {  	v7 =	vshll.u32 v7, $0x2  }
0x53: {  	v8 =	vshll.u32 v8, $0x2;
	v7 =	vand.u32 $0x1C, v7  }
0x54: {  	v8 =	vand.u32 $0x1C, v8;
	v7 =	vshrl.u32 v9, v7  }
0x55: {  	v8 =	vshrl.u32 v10, v8;
	v7 =	vand.u32 $0x7, v7  }
0x56: {  	v45 =	vld [tilespmem:s3+$0xFFFFFF50];
	v44 =	vand.u32 $0x7, v8;
	vm14 =	veq.s32 v7, $0x4  }
0x57: {  	v11 =	vld [tilespmem:s3+$0xFFFFFFD0];
	vm15 =	veq.s32 v44, $0x4;
	vm8 =	veq.s32 v7, $0x5;
	vm4 =	veq.s32 v44, $0x5  }
0x58: {  	v46 =	vld [tilespmem:s3+$0x50];
	vm1 =	vmor vm14, vm15;
	vm9 =	vmor vm8, vm4  }
0x59: {  	v48 =	vld [tilespmem:s3+$0xD0];
	v47 =	vsel vm1, $0x42C80000, v0;
	v12 =	vsel vm9, $0x42480000, v0  }
0x5a: {  	v12 =	vadd.f32 v12, v47  }
0x5b: {  	v10 =	vsub.f32 v45, v47  }
0x5c: {  	v13 =	vsub.f32 v11, v12  }
0x5d: {  	[tilespmem:s3+$0xFFFFFF50] =	vst v10;
	v49 =	vsub.f32 v46, v12  }
0x5e: {  	v12 =	vsub.f32 v48, v12;
	[tilespmem:s3+$0xFFFFFFD0] =	vst v13  }
0x5f: {  	[tilespmem:s3+$0x50] =	vst v49  }
0x60: {  	[tilespmem:s3+$0xD0] =	vst v12  }
0x61: {  	v10 =	vld [tilespmem:s0+$0x3030]  }
0x62: {  	v12 =	vld [tilespmem:s0+$0x30B0];
	_ =	sdelay $0x3  }
0x63: {  	v50 =	vshrl.u32 v10, $0x3  }
0x64: {  	v14 =	vshrl.u32 v12, $0x3;
	_ =	sdelay $0x3  }
0x65: {  	v13 =	vld.idx.msk [tilespmem:v50+s6+$0x0], $0xffff  }
0x66: {  	v14 =	vld.idx.msk [tilespmem:v14+s6+$0x0], $0xffff;
	_ =	sdelay $0x1  }
0x67: {  	v10 =	vshll.u32 v10, $0x2  }
0x68: {  	v12 =	vshll.u32 v12, $0x2;
	v10 =	vand.u32 $0x1C, v10  }
0x69: {  	v12 =	vand.u32 $0x1C, v12;
	v10 =	vshrl.u32 v13, v10  }
0x6a: {  	v12 =	vshrl.u32 v14, v12;
	v10 =	vand.u32 $0x7, v10  }
0x6b: {  	v51 =	vld [tilespmem:s3+$0xFFFFFF60];
	v12 =	vand.u32 $0x7, v12;
	vm10 =	veq.s32 v10, $0x4  }
0x6c: {  	v52 =	vld [tilespmem:s3+$0xFFFFFFE0];
	vm11 =	veq.s32 v12, $0x4;
	vm12 =	veq.s32 v10, $0x5;
	vm5 =	veq.s32 v12, $0x5  }
0x6d: {  	v53 =	vld [tilespmem:s3+$0x60];
	vm2 =	vmor vm10, vm11;
	vm13 =	vmor vm12, vm5  }
0x6e: {  	v54 =	vld [tilespmem:s3+$0xE0];
	v15 =	vsel vm2, $0x42C80000, v0;
	v16 =	vsel vm13, $0x42480000, v0  }
0x6f: {  	v16 =	vadd.f32 v16, v15  }
0x70: {  	v15 =	vsub.f32 v51, v15  }
0x71: {  	v17 =	vsub.f32 v52, v16  }
0x72: {  	[tilespmem:s3+$0xFFFFFF60] =	vst v15;
	v55 =	vsub.f32 v53, v16  }
0x73: {  	v16 =	vsub.f32 v54, v16;
	[tilespmem:s3+$0xFFFFFFE0] =	vst v17  }
0x74: {  	[tilespmem:s3+$0x60] =	vst v55  }
0x75: {  	[tilespmem:s3+$0xE0] =	vst v16  }
0x76: {  	v15 =	vld [tilespmem:s0+$0x3040]  }
0x77: {  	v16 =	vld [tilespmem:s0+$0x30C0];
	_ =	sdelay $0x3  }
0x78: {  	v56 =	vshrl.u32 v15, $0x3  }
0x79: {  	v18 =	vshrl.u32 v16, $0x3;
	_ =	sdelay $0x3  }
0x7a: {  	v17 =	vld.idx.msk [tilespmem:v56+s6+$0x0], $0xffff  }
0x7b: {  	v18 =	vld.idx.msk [tilespmem:v18+s6+$0x0], $0xffff;
	_ =	sdelay $0x1  }
0x7c: {  	v15 =	vshll.u32 v15, $0x2  }
0x7d: {  	v16 =	vshll.u32 v16, $0x2;
	v15 =	vand.u32 $0x1C, v15  }
0x7e: {  	v16 =	vand.u32 $0x1C, v16;
	v15 =	vshrl.u32 v17, v15  }
0x7f: {  	v16 =	vshrl.u32 v18, v16;
	v15 =	vand.u32 $0x7, v15  }
0x80: {  	v57 =	vld [tilespmem:s3+$0xFFFFFF70];
	v16 =	vand.u32 $0x7, v16;
	vm14 =	veq.s32 v15, $0x4  }
0x81: {  	v58 =	vld [tilespmem:s3+$0xFFFFFFF0];
	vm15 =	veq.s32 v16, $0x4;
	vm9 =	veq.s32 v15, $0x5;
	vm6 =	veq.s32 v16, $0x5  }
0x82: {  	v16 =	vld [tilespmem:s3+$0x70];
	vm4 =	vmor vm14, vm15;
	vm10 =	vmor vm9, vm6  }
0x83: {  	v15 =	vld [tilespmem:s3+$0xF0];
	v19 =	vsel vm4, $0x42C80000, v0;
	v20 =	vsel vm10, $0x42480000, v0  }
0x84: {  	v20 =	vadd.f32 v20, v19  }
0x85: {  	v19 =	vsub.f32 v57, v19  }
0x86: {  	v21 =	vsub.f32 v58, v20  }
0x87: {  	[tilespmem:s3+$0xFFFFFF70] =	vst v19;
	v59 =	vsub.f32 v16, v20  }
0x88: {  	v20 =	vsub.f32 v15, v20;
	[tilespmem:s3+$0xFFFFFFF0] =	vst v21  }
0x89: {  	[tilespmem:s3+$0x70] =	vst v59  }
0x8a: {  	[tilespmem:s3+$0xF0] =	vst v20  }
0x8b: {  	v19 =	vld [tilespmem:s0+$0x3050]  }
0x8c: {  	v20 =	vld [tilespmem:s0+$0x30D0];
	_ =	sdelay $0x3  }
0x8d: {  	v60 =	vshrl.u32 v19, $0x3  }
0x8e: {  	v22 =	vshrl.u32 v20, $0x3;
	_ =	sdelay $0x3  }
0x8f: {  	v21 =	vld.idx.msk [tilespmem:v60+s6+$0x0], $0xffff  }
0x90: {  	v22 =	vld.idx.msk [tilespmem:v22+s6+$0x0], $0xffff;
	_ =	sdelay $0x1  }
0x91: {  	v19 =	vshll.u32 v19, $0x2  }
0x92: {  	v20 =	vshll.u32 v20, $0x2;
	v19 =	vand.u32 $0x1C, v19  }
0x93: {  	v20 =	vand.u32 $0x1C, v20;
	v19 =	vshrl.u32 v21, v19  }
0x94: {  	v20 =	vshrl.u32 v22, v20;
	v19 =	vand.u32 $0x7, v19  }
0x95: {  	v21 =	vld [tilespmem:s3+$0xFFFFFF80];
	v20 =	vand.u32 $0x7, v20;
	vm11 =	veq.s32 v19, $0x4  }
0x96: {  	v22 =	vld [tilespmem:s3+$0x0];
	vm12 =	veq.s32 v20, $0x4;
	vm13 =	veq.s32 v19, $0x5;
	vm7 =	veq.s32 v20, $0x5  }
0x97: {  	v20 =	vld [tilespmem:s3+$0x80];
	vm3 =	vmor vm11, vm12;
	vm14 =	vmor vm13, vm7  }
0x98: {  	v19 =	vld [tilespmem:s3+$0x100];
	v23 =	vsel vm3, $0x42C80000, v0;
	v24 =	vsel vm14, $0x42480000, v0  }
0x99: {  	v24 =	vadd.f32 v24, v23  }
0x9a: {  	v23 =	vsub.f32 v21, v23  }
0x9b: {  	v25 =	vsub.f32 v22, v24  }
0x9c: {  	[tilespmem:s3+$0xFFFFFF80] =	vst v23;
	v61 =	vsub.f32 v20, v24  }
0x9d: {  	v24 =	vsub.f32 v19, v24;
	[tilespmem:s3+$0x0] =	vst v25  }
0x9e: {  	[tilespmem:s3+$0x80] =	vst v61  }
0x9f: {  	[tilespmem:s3+$0x100] =	vst v24  }
0xa0: {  	v23 =	vld [tilespmem:s0+$0x3060]  }
0xa1: {  	v24 =	vld [tilespmem:s0+$0x30E0];
	_ =	sdelay $0x3  }
0xa2: {  	v62 =	vshrl.u32 v23, $0x3  }
0xa3: {  	v26 =	vshrl.u32 v24, $0x3;
	_ =	sdelay $0x3  }
0xa4: {  	v25 =	vld.idx.msk [tilespmem:v62+s6+$0x0], $0xffff  }
0xa5: {  	v26 =	vld.idx.msk [tilespmem:v26+s6+$0x0], $0xffff;
	_ =	sdelay $0x1  }
0xa6: {  	v23 =	vshll.u32 v23, $0x2  }
0xa7: {  	v24 =	vshll.u32 v24, $0x2;
	v23 =	vand.u32 $0x1C, v23  }
0xa8: {  	v24 =	vand.u32 $0x1C, v24;
	v23 =	vshrl.u32 v25, v23  }
0xa9: {  	v24 =	vshrl.u32 v26, v24;
	v23 =	vand.u32 $0x7, v23  }
0xaa: {  	v25 =	vld [tilespmem:s3+$0xFFFFFF90];
	v24 =	vand.u32 $0x7, v24;
	vm15 =	veq.s32 v23, $0x4  }
0xab: {  	vm12 =	veq.s32 v24, $0x4;
	vm13 =	veq.s32 v23, $0x5;
	vm8 =	veq.s32 v24, $0x5;
	v23 =	vld [tilespmem:s3+$0x10]  }
0xac: {  	v24 =	vld [tilespmem:s3+$0x90];
	vm5 =	vmor vm15, vm12;
	vm14 =	vmor vm13, vm8  }
0xad: {  	v28 =	vld [tilespmem:s3+$0x110];
	v63 =	vsel vm14, $0x42480000, v0;
	v27 =	vsel vm5, $0x42C80000, v0  }
0xae: {  	v26 =	vadd.f32 v63, v27  }
0xaf: {  	v27 =	vsub.f32 v25, v27  }
0xb0: {  	v29 =	vsub.f32 v23, v26  }
0xb1: {  	[tilespmem:s3+$0xFFFFFF90] =	vst v27;
	v32 =	vsub.f32 v24, v26  }
0xb2: {  	v26 =	vsub.f32 v28, v26;
	[tilespmem:s3+$0x10] =	vst v29  }
0xb3: {  	[tilespmem:s3+$0x90] =	vst v32  }
0xb4: {  	[tilespmem:s3+$0x110] =	vst v26  }
0xb5: {  	v33 =	vsel vm0, $0x42C80000, v1;
	v26 =	vld [tilespmem:s0+$0x3070]  }
0xb6: {  	v6 =	vsub.f32 v39, v33;
	v3 =	vsub.f32 v3, v33;
	v29 =	vld [tilespmem:s0+$0x30F0]  }
0xb7: {  	v5 =	vsub.f32 v40, v33  }
0xb8: {  	v4 =	vsub.f32 v41, v33;
	v6 =	vmax.f32 v6, $0.0e+00;
	v3 =	vmax.f32 v3, $0.0e+00  }
0xb9: {  	v5 =	vmax.f32 v5, $0.0e+00;
	v3 =	vadd.f32 v6, v3;
	v35 =	vsel vm1, $0x42C80000, v1  }
0xba: {  	v8 =	vsub.f32 v45, v35;
	v11 =	vsub.f32 v11, v35;
	v34 =	vshrl.u32 v26, $0x3  }
0xbb: {  	v4 =	vmax.f32 v4, $0.0e+00;
	v3 =	vadd.f32 v3, v5;
	v30 =	vshrl.u32 v29, $0x3  }
0xbc: {  	v9 =	vsub.f32 v46, v35;
	v36 =	vmax.f32 v8, $0.0e+00;
	v37 =	vmax.f32 v11, $0.0e+00  }
0xbd: {  	v3 =	vadd.f32 v4, v3;
	v38 =	vadd.f32 v37, v36  }
0xbe: {  	v40 =	vsub.f32 v48, v35;
	v41 =	vmax.f32 v9, $0.0e+00  }
0xbf: {  	v2 =	vadd.f32 v3, v2;
	v3 =	vadd.f32 v38, v41;
	v39 =	vld.idx.msk [tilespmem:v34+s6+$0x0], $0xffff  }
0xc0: {  	v6 =	vmax.f32 v40, $0.0e+00;
	v43 =	vsel vm2, $0x42C80000, v1;
	v42 =	vld.idx.msk [tilespmem:v30+s6+$0x0], $0xffff  }
0xc1: {  	v3 =	vadd.f32 v6, v3;
	v45 =	vsub.f32 v51, v43  }
0xc2: {  	v46 =	vsub.f32 v52, v43;
	v50 =	vsub.f32 v53, v43;
	v44 =	vshll.u32 v26, $0x2  }
0xc3: {  	v7 =	vsub.f32 v54, v43;
	v47 =	vshll.u32 v29, $0x2;
	v8 =	vand.u32 $0x1C, v44  }
0xc4: {  	v48 =	vmax.f32 v45, $0.0e+00;
	v6 =	vand.u32 $0x1C, v47;
	v5 =	vshrl.u32 v39, v8  }
0xc5: {  	v49 =	vmax.f32 v46, $0.0e+00;
	v4 =	vshrl.u32 v42, v6;
	v5 =	vand.u32 $0x7, v5  }
0xc6: {  	v53 =	vld [tilespmem:s3+$0xFFFFFFA0];
	v51 =	vsel vm4, $0x42C80000, v1;
	v4 =	vand.u32 $0x7, v4;
	vm15 =	veq.s32 v5, $0x4  }
0xc7: {  	v54 =	vld [tilespmem:s3+$0x20];
	vm8 =	veq.s32 v4, $0x4;
	vm9 =	veq.s32 v5, $0x5;
	vm10 =	veq.s32 v4, $0x5  }
0xc8: {  	v56 =	vsub.f32 v57, v51;
	v57 =	vld [tilespmem:s3+$0xA0];
	vm0 =	vmor vm15, vm8;
	vm11 =	vmor vm9, vm10  }
0xc9: {  	v52 =	vadd.f32 v49, v48;
	v60 =	vld [tilespmem:s3+$0x120];
	v55 =	vsel vm11, $0x42480000, v0;
	v59 =	vsel vm0, $0x42C80000, v0  }
0xca: {  	v2 =	vadd.f32 v3, v2;
	v3 =	vmax.f32 v50, $0.0e+00;
	v61 =	vadd.f32 v55, v59  }
0xcb: {  	v3 =	vadd.f32 v52, v3;
	v12 =	vsub.f32 v53, v59  }
0xcc: {  	v63 =	vsub.f32 v16, v51;
	v16 =	vsub.f32 v54, v61  }
0xcd: {  	v7 =	vmax.f32 v7, $0.0e+00;
	v58 =	vsub.f32 v58, v51;
	[tilespmem:s3+$0xFFFFFFA0] =	vst v12;
	v17 =	vsub.f32 v57, v61  }
0xce: {  	v3 =	vadd.f32 v7, v3;
	v7 =	vsub.f32 v60, v61;
	[tilespmem:s3+$0x20] =	vst v16  }
0xcf: {  	v62 =	vmax.f32 v58, $0.0e+00;
	v4 =	vmax.f32 v56, $0.0e+00;
	[tilespmem:s3+$0xA0] =	vst v17  }
0xd0: {  	v4 =	vadd.f32 v62, v4;
	[tilespmem:s3+$0x120] =	vst v7  }
0xd1: {  	v11 =	vmax.f32 v63, $0.0e+00;
	v6 =	vsub.f32 v15, v51;
	v9 =	vld [tilespmem:s0+$0x3080]  }
0xd2: {  	v2 =	vadd.f32 v3, v2;
	v18 =	vsel vm3, $0x42C80000, v1;
	v4 =	vadd.f32 v4, v11;
	v30 =	vld [tilespmem:s0+$0x3100]  }
0xd3: {  	v31 =	vsub.f32 v20, v18;
	v27 =	vsub.f32 v22, v18;
	v3 =	vmax.f32 v6, $0.0e+00  }
0xd4: {  	v26 =	vsub.f32 v21, v18;
	v29 =	vsel vm5, $0x42C80000, v1;
	v3 =	vadd.f32 v3, v4  }
0xd5: {  	v32 =	vsub.f32 v25, v29;
	v33 =	vsub.f32 v23, v29  }
0xd6: {  	v34 =	vsub.f32 v24, v29;
	v2 =	vadd.f32 v3, v2;
	v35 =	vshrl.u32 v9, $0x3  }
0xd7: {  	v3 =	vmax.f32 v26, $0.0e+00;
	v7 =	vmax.f32 v27, $0.0e+00;
	v36 =	vshrl.u32 v30, $0x3  }
0xd8: {  	v14 =	vmax.f32 v32, $0.0e+00;
	v37 =	vmax.f32 v34, $0.0e+00;
	v3 =	vadd.f32 v7, v3  }
0xd9: {  	v6 =	vsub.f32 v19, v18;
	v12 =	vmax.f32 v31, $0.0e+00;
	v7 =	vmax.f32 v33, $0.0e+00  }
0xda: {  	v39 =	vsel vm0, $0x42C80000, v1;
	v7 =	vadd.f32 v7, v14;
	v3 =	vadd.f32 v3, v12  }
0xdb: {  	v6 =	vmax.f32 v6, $0.0e+00;
	v5 =	vsub.f32 v53, v39;
	v4 =	vsub.f32 v28, v29;
	v40 =	vld.idx.msk [tilespmem:v35+s6+$0x0], $0xffff  }
0xdc: {  	v38 =	vadd.f32 v7, v37;
	v3 =	vadd.f32 v6, v3;
	v42 =	vld.idx.msk [tilespmem:v36+s6+$0x0], $0xffff  }
0xdd: {  	v41 =	vsub.f32 v54, v39;
	v44 =	vsub.f32 v57, v39;
	v4 =	vmax.f32 v4, $0.0e+00  }
0xde: {  	v46 =	vshll.u32 v30, $0x2;
	v2 =	vadd.f32 v3, v2;
	v3 =	vadd.f32 v4, v38  }
0xdf: {  	v43 =	vmax.f32 v41, $0.0e+00;
	v45 =	vshll.u32 v9, $0x2;
	v9 =	vand.u32 $0x1C, v46  }
0xe0: {  	v49 =	vld [tilespmem:s3+$0x30];
	v2 =	vadd.f32 v3, v2;
	v3 =	vmax.f32 v5, $0.0e+00;
	v5 =	vand.u32 $0x1C, v45  }
0xe1: {  	v47 =	vld [tilespmem:s3+$0xFFFFFFB0];
	v4 =	vsub.f32 v60, v39;
	v5 =	vshrl.u32 v40, v5;
	v48 =	vshrl.u32 v42, v9  }
0xe2: {  	v3 =	vadd.f32 v43, v3;
	v5 =	vand.u32 $0x7, v5;
	v6 =	vand.u32 $0x7, v48  }
0xe3: {  	v50 =	vld [tilespmem:s3+$0xB0];
	v7 =	vmax.f32 v44, $0.0e+00;
	vm12 =	veq.s32 v5, $0x4;
	vm13 =	veq.s32 v6, $0x4  }
0xe4: {  	v4 =	vmax.f32 v4, $0.0e+00;
	v3 =	vadd.f32 v3, v7;
	vm0 =	vmor vm12, vm13  }
0xe5: {  	v53 =	vld [tilespmem:s3+$0x130];
	vm14 =	veq.s32 v5, $0x5;
	vm15 =	veq.s32 v6, $0x5;
	v52 =	vsel vm0, $0x42C80000, v1  }
0xe6: {  	vm1 =	vmor vm14, vm15;
	v55 =	vsub.f32 v47, v52;
	v56 =	vsub.f32 v49, v52  }
0xe7: {  	v3 =	vadd.f32 v4, v3;
	v51 =	vsel vm0, $0x42C80000, v0;
	v54 =	vsel vm1, $0x42480000, v0  }
0xe8: {  	v60 =	vsub.f32 v50, v52;
	v58 =	vmax.f32 v55, $0.0e+00;
	v59 =	vmax.f32 v56, $0.0e+00  }
0xe9: {  	v57 =	vadd.f32 v54, v51;
	v61 =	vadd.f32 v59, v58  }
0xea: {  	p2 =	sne.s32 s31, $0x4FC0;
	v5 =	vsub.f32 v47, v51;
	v6 =	vsub.f32 v53, v52;
	v62 =	vmax.f32 v60, $0.0e+00  }
.Ltmp5:
0xeb: {  	v8 =	vsub.f32 v49, v57;
	v63 =	vadd.f32 v61, v62;
	(pc) =	sbr.rel @p2 .LBB2_4-.Ltmp5, $4  }
0xec: {  	v2 =	vadd.f32 v3, v2;
	[tilespmem:s3+$0xFFFFFFB0] =	vst v5;
	v7 =	vsub.f32 v50, v57;
	v6 =	vmax.f32 v6, $0.0e+00  }
0xed: {  	v4 =	vsub.f32 v53, v57;
	[tilespmem:s3+$0x30] =	vst v8;
	v3 =	vadd.f32 v6, v63  }
0xee: {  	[tilespmem:s3+$0xB0] =	vst v7  }
0xef: {  	s31 =	sadd.s32 $0x400, s31;
	[tilespmem:s3+$0x130] =	vst v4;
	s3 =	sadd.s32 $0x400, s3;
	v2 =	vadd.f32 v3, v2  }
0xf0: {  	s0 =	smul.u32 $0xA00, s30;
	_ =	sdelay $0x1  }
0xf1: {  	s0 =	sadd.s32 s5, s0  }
0xf2: {  	[hbm4b:s0+s6] =	stream.linear.scatter [tilespmem:s17], [sflag:$0x4], $0x5000, $0x38;
	[tilespmem:$0x15D80] =	vst v63  }
.LBB2_6:
0xf3: {  	s0 =	sadd.s32 $0xFFFFFFFF, s29;
	s29 =	sadd.s32 s11, s26  }
0xf4: {  	p3 =	sgt.u32 s0, $0x4E;
	p2 =	sgt.u32 s29, $0x9C3  }
0xf5: {  	s0 =	simm.s32 @!p3 $0x6;
	s3 =	smul.u32 @!p2 $0x280, s29  }
0xf6: {  	s31 =	smul.u32 @!p2 $0xA00, s29;
	_ =	swait.ge @!p3 [sflag:s0], $0x5000  }
.Ltmp6:
0xf7: {  	s30 =	simm.s32 @!p2 $0x5900;
	[sflag:s0] =	ssyncset.done @!p3 $0x0;
	(pc) =	sbr.rel @p1 .LBB2_10-.Ltmp6, $4  }
0xf8: {  	[sflag:s0] =	ssyncadd.s32 @!p3 $0xFFFFB000;
	s0 =	sadd.s32 @!p2 s2, s3;
	s3 =	simm.s32 @!p2 $0x0  }
0xf9: {  	[tilespmem:s30], [sflag:$0x3] =	stream.linear.gather @!p2 [hbm4b:s0+s3], $0x1400, $0x38;
	[tilespmem:$0x15D80] =	vst v63  }
0xfa: {  	s0 =	sadd.s32 @!p2 s1, s31;
	s30 =	simm.s32 @!p2 $0x10D00  }
0xfb: {  	[tilespmem:s30], [sflag:$0x3] =	stream.linear.gather @!p2 [hbm4b:s0+s3], $0x5000, $0x38;
	[tilespmem:$0x15D80] =	vst v63  }
0xfc: {  	_ =	swait.ge [sflag:s19], $0x1400  }
0xfd: {  	[sflag:s19] =	ssyncset.done $0x0  }
0xfe: {  	[sflag:s19] =	ssyncadd.s32 $0xFFFFEC00  }
0xff: {  	_ =	swait.ge [sflag:s19], $0x5000  }
0x100: {  	[sflag:s19] =	ssyncset.done $0x0  }
0x101: {  	s30 =	simm.s32 $0x3C0;
	s3 =	simm.s32 $0xBE40;
	[sflag:s19] =	ssyncadd.s32 $0xFFFFB000  }
.LBB2_8:
0x102: {  	s0 =	sshra.s32 s30, $0x2  }
0x103: {  	v3 =	vld [tilespmem:s0+$0x4410]  }
0x104: {  	v4 =	vld [tilespmem:s0+$0x4490];
	_ =	sdelay $0x3  }
0x105: {  	v5 =	vshrl.u32 v3, $0x3  }
0x106: {  	v6 =	vshrl.u32 v4, $0x3;
	_ =	sdelay $0x3  }
0x107: {  	v5 =	vld.idx.msk [tilespmem:v5+s6+$0x0], $0xffff  }
0x108: {  	v6 =	vld.idx.msk [tilespmem:v6+s6+$0x0], $0xffff;
	_ =	sdelay $0x1  }
0x109: {  	v3 =	vshll.u32 v3, $0x2  }
0x10a: {  	v4 =	vshll.u32 v4, $0x2;
	v3 =	vand.u32 $0x1C, v3  }
0x10b: {  	v4 =	vand.u32 $0x1C, v4;
	v3 =	vshrl.u32 v5, v3  }
0x10c: {  	v5 =	vand.u32 $0x7, v3;
	v3 =	vshrl.u32 v6, v4  }
0x10d: {  	v4 =	vand.u32 $0x7, v3;
	vm0 =	veq.s32 v5, $0x4;
	v3 =	vld [tilespmem:s3+$0xFFFFFF40]  }
0x10e: {  	v39 =	vld [tilespmem:s3+$0xFFFFFFC0];
	vm2 =	veq.s32 v5, $0x5;
	vm1 =	veq.s32 v4, $0x4;
	vm3 =	veq.s32 v4, $0x5  }
0x10f: {  	v40 =	vld [tilespmem:s3+$0x40];
	vm0 =	vmor vm0, vm1;
	vm13 =	vmor vm2, vm3  }
0x110: {  	v41 =	vld [tilespmem:s3+$0xC0];
	v7 =	vsel vm0, $0x42C80000, v0;
	v8 =	vsel vm13, $0x42480000, v0  }
0x111: {  	v8 =	vadd.f32 v8, v7  }
0x112: {  	v7 =	vsub.f32 v3, v7  }
0x113: {  	v9 =	vsub.f32 v39, v8  }
0x114: {  	v42 =	vsub.f32 v40, v8;
	[tilespmem:s3+$0xFFFFFF40] =	vst v7  }
0x115: {  	v8 =	vsub.f32 v41, v8;
	[tilespmem:s3+$0xFFFFFFC0] =	vst v9  }
0x116: {  	[tilespmem:s3+$0x40] =	vst v42  }
0x117: {  	[tilespmem:s3+$0xC0] =	vst v8  }
0x118: {  	v7 =	vld [tilespmem:s0+$0x4420]  }
0x119: {  	v8 =	vld [tilespmem:s0+$0x44A0];
	_ =	sdelay $0x3  }
0x11a: {  	v43 =	vshrl.u32 v7, $0x3  }
0x11b: {  	v10 =	vshrl.u32 v8, $0x3;
	_ =	sdelay $0x3  }
0x11c: {  	v9 =	vld.idx.msk [tilespmem:v43+s6+$0x0], $0xffff  }
0x11d: {  	v10 =	vld.idx.msk [tilespmem:v10+s6+$0x0], $0xffff;
	_ =	sdelay $0x1  }
0x11e: {  	v7 =	vshll.u32 v7, $0x2  }
0x11f: {  	v8 =	vshll.u32 v8, $0x2;
	v7 =	vand.u32 $0x1C, v7  }
0x120: {  	v8 =	vand.u32 $0x1C, v8;
	v7 =	vshrl.u32 v9, v7  }
0x121: {  	v8 =	vshrl.u32 v10, v8;
	v7 =	vand.u32 $0x7, v7  }
0x122: {  	v45 =	vld [tilespmem:s3+$0xFFFFFF50];
	v44 =	vand.u32 $0x7, v8;
	vm14 =	veq.s32 v7, $0x4  }
0x123: {  	v11 =	vld [tilespmem:s3+$0xFFFFFFD0];
	vm15 =	veq.s32 v44, $0x4;
	vm8 =	veq.s32 v7, $0x5;
	vm4 =	veq.s32 v44, $0x5  }
0x124: {  	v46 =	vld [tilespmem:s3+$0x50];
	vm1 =	vmor vm14, vm15;
	vm9 =	vmor vm8, vm4  }
0x125: {  	v48 =	vld [tilespmem:s3+$0xD0];
	v47 =	vsel vm1, $0x42C80000, v0;
	v12 =	vsel vm9, $0x42480000, v0  }
0x126: {  	v12 =	vadd.f32 v12, v47  }
0x127: {  	v10 =	vsub.f32 v45, v47  }
0x128: {  	v13 =	vsub.f32 v11, v12  }
0x129: {  	[tilespmem:s3+$0xFFFFFF50] =	vst v10;
	v49 =	vsub.f32 v46, v12  }
0x12a: {  	v12 =	vsub.f32 v48, v12;
	[tilespmem:s3+$0xFFFFFFD0] =	vst v13  }
0x12b: {  	[tilespmem:s3+$0x50] =	vst v49  }
0x12c: {  	[tilespmem:s3+$0xD0] =	vst v12  }
0x12d: {  	v10 =	vld [tilespmem:s0+$0x4430]  }
0x12e: {  	v12 =	vld [tilespmem:s0+$0x44B0];
	_ =	sdelay $0x3  }
0x12f: {  	v50 =	vshrl.u32 v10, $0x3  }
0x130: {  	v14 =	vshrl.u32 v12, $0x3;
	_ =	sdelay $0x3  }
0x131: {  	v13 =	vld.idx.msk [tilespmem:v50+s6+$0x0], $0xffff  }
0x132: {  	v14 =	vld.idx.msk [tilespmem:v14+s6+$0x0], $0xffff;
	_ =	sdelay $0x1  }
0x133: {  	v10 =	vshll.u32 v10, $0x2  }
0x134: {  	v12 =	vshll.u32 v12, $0x2;
	v10 =	vand.u32 $0x1C, v10  }
0x135: {  	v12 =	vand.u32 $0x1C, v12;
	v10 =	vshrl.u32 v13, v10  }
0x136: {  	v12 =	vshrl.u32 v14, v12;
	v10 =	vand.u32 $0x7, v10  }
0x137: {  	v51 =	vld [tilespmem:s3+$0xFFFFFF60];
	v12 =	vand.u32 $0x7, v12;
	vm10 =	veq.s32 v10, $0x4  }
0x138: {  	v52 =	vld [tilespmem:s3+$0xFFFFFFE0];
	vm11 =	veq.s32 v12, $0x4;
	vm12 =	veq.s32 v10, $0x5;
	vm5 =	veq.s32 v12, $0x5  }
0x139: {  	v53 =	vld [tilespmem:s3+$0x60];
	vm2 =	vmor vm10, vm11;
	vm13 =	vmor vm12, vm5  }
0x13a: {  	v54 =	vld [tilespmem:s3+$0xE0];
	v15 =	vsel vm2, $0x42C80000, v0;
	v16 =	vsel vm13, $0x42480000, v0  }
0x13b: {  	v16 =	vadd.f32 v16, v15  }
0x13c: {  	v15 =	vsub.f32 v51, v15  }
0x13d: {  	v17 =	vsub.f32 v52, v16  }
0x13e: {  	[tilespmem:s3+$0xFFFFFF60] =	vst v15;
	v55 =	vsub.f32 v53, v16  }
0x13f: {  	v16 =	vsub.f32 v54, v16;
	[tilespmem:s3+$0xFFFFFFE0] =	vst v17  }
0x140: {  	[tilespmem:s3+$0x60] =	vst v55  }
0x141: {  	[tilespmem:s3+$0xE0] =	vst v16  }
0x142: {  	v15 =	vld [tilespmem:s0+$0x4440]  }
0x143: {  	v16 =	vld [tilespmem:s0+$0x44C0];
	_ =	sdelay $0x3  }
0x144: {  	v56 =	vshrl.u32 v15, $0x3  }
0x145: {  	v18 =	vshrl.u32 v16, $0x3;
	_ =	sdelay $0x3  }
0x146: {  	v17 =	vld.idx.msk [tilespmem:v56+s6+$0x0], $0xffff  }
0x147: {  	v18 =	vld.idx.msk [tilespmem:v18+s6+$0x0], $0xffff;
	_ =	sdelay $0x1  }
0x148: {  	v15 =	vshll.u32 v15, $0x2  }
0x149: {  	v16 =	vshll.u32 v16, $0x2;
	v15 =	vand.u32 $0x1C, v15  }
0x14a: {  	v16 =	vand.u32 $0x1C, v16;
	v15 =	vshrl.u32 v17, v15  }
0x14b: {  	v16 =	vshrl.u32 v18, v16;
	v15 =	vand.u32 $0x7, v15  }
0x14c: {  	v57 =	vld [tilespmem:s3+$0xFFFFFF70];
	v16 =	vand.u32 $0x7, v16;
	vm14 =	veq.s32 v15, $0x4  }
0x14d: {  	v58 =	vld [tilespmem:s3+$0xFFFFFFF0];
	vm15 =	veq.s32 v16, $0x4;
	vm9 =	veq.s32 v15, $0x5;
	vm6 =	veq.s32 v16, $0x5  }
0x14e: {  	v16 =	vld [tilespmem:s3+$0x70];
	vm4 =	vmor vm14, vm15;
	vm10 =	vmor vm9, vm6  }
0x14f: {  	v15 =	vld [tilespmem:s3+$0xF0];
	v19 =	vsel vm4, $0x42C80000, v0;
	v20 =	vsel vm10, $0x42480000, v0  }
0x150: {  	v20 =	vadd.f32 v20, v19  }
0x151: {  	v19 =	vsub.f32 v57, v19  }
0x152: {  	v21 =	vsub.f32 v58, v20  }
0x153: {  	[tilespmem:s3+$0xFFFFFF70] =	vst v19;
	v59 =	vsub.f32 v16, v20  }
0x154: {  	v20 =	vsub.f32 v15, v20;
	[tilespmem:s3+$0xFFFFFFF0] =	vst v21  }
0x155: {  	[tilespmem:s3+$0x70] =	vst v59  }
0x156: {  	[tilespmem:s3+$0xF0] =	vst v20  }
0x157: {  	v19 =	vld [tilespmem:s0+$0x4450]  }
0x158: {  	v20 =	vld [tilespmem:s0+$0x44D0];
	_ =	sdelay $0x3  }
0x159: {  	v60 =	vshrl.u32 v19, $0x3  }
0x15a: {  	v22 =	vshrl.u32 v20, $0x3;
	_ =	sdelay $0x3  }
0x15b: {  	v21 =	vld.idx.msk [tilespmem:v60+s6+$0x0], $0xffff  }
0x15c: {  	v22 =	vld.idx.msk [tilespmem:v22+s6+$0x0], $0xffff;
	_ =	sdelay $0x1  }
0x15d: {  	v19 =	vshll.u32 v19, $0x2  }
0x15e: {  	v20 =	vshll.u32 v20, $0x2;
	v19 =	vand.u32 $0x1C, v19  }
0x15f: {  	v20 =	vand.u32 $0x1C, v20;
	v19 =	vshrl.u32 v21, v19  }
0x160: {  	v20 =	vshrl.u32 v22, v20;
	v19 =	vand.u32 $0x7, v19  }
0x161: {  	v21 =	vld [tilespmem:s3+$0xFFFFFF80];
	v20 =	vand.u32 $0x7, v20;
	vm11 =	veq.s32 v19, $0x4  }
0x162: {  	v22 =	vld [tilespmem:s3+$0x0];
	vm12 =	veq.s32 v20, $0x4;
	vm13 =	veq.s32 v19, $0x5;
	vm7 =	veq.s32 v20, $0x5  }
0x163: {  	v20 =	vld [tilespmem:s3+$0x80];
	vm3 =	vmor vm11, vm12;
	vm14 =	vmor vm13, vm7  }
0x164: {  	v19 =	vld [tilespmem:s3+$0x100];
	v23 =	vsel vm3, $0x42C80000, v0;
	v24 =	vsel vm14, $0x42480000, v0  }
0x165: {  	v24 =	vadd.f32 v24, v23  }
0x166: {  	v23 =	vsub.f32 v21, v23  }
0x167: {  	v25 =	vsub.f32 v22, v24  }
0x168: {  	[tilespmem:s3+$0xFFFFFF80] =	vst v23;
	v61 =	vsub.f32 v20, v24  }
0x169: {  	v24 =	vsub.f32 v19, v24;
	[tilespmem:s3+$0x0] =	vst v25  }
0x16a: {  	[tilespmem:s3+$0x80] =	vst v61  }
0x16b: {  	[tilespmem:s3+$0x100] =	vst v24  }
0x16c: {  	v23 =	vld [tilespmem:s0+$0x4460]  }
0x16d: {  	v24 =	vld [tilespmem:s0+$0x44E0];
	_ =	sdelay $0x3  }
0x16e: {  	v62 =	vshrl.u32 v23, $0x3  }
0x16f: {  	v26 =	vshrl.u32 v24, $0x3;
	_ =	sdelay $0x3  }
0x170: {  	v25 =	vld.idx.msk [tilespmem:v62+s6+$0x0], $0xffff  }
0x171: {  	v26 =	vld.idx.msk [tilespmem:v26+s6+$0x0], $0xffff;
	_ =	sdelay $0x1  }
0x172: {  	v23 =	vshll.u32 v23, $0x2  }
0x173: {  	v24 =	vshll.u32 v24, $0x2;
	v23 =	vand.u32 $0x1C, v23  }
0x174: {  	v24 =	vand.u32 $0x1C, v24;
	v23 =	vshrl.u32 v25, v23  }
0x175: {  	v24 =	vshrl.u32 v26, v24;
	v23 =	vand.u32 $0x7, v23  }
0x176: {  	v25 =	vld [tilespmem:s3+$0xFFFFFF90];
	v24 =	vand.u32 $0x7, v24;
	vm15 =	veq.s32 v23, $0x4  }
0x177: {  	vm12 =	veq.s32 v24, $0x4;
	vm13 =	veq.s32 v23, $0x5;
	vm8 =	veq.s32 v24, $0x5;
	v23 =	vld [tilespmem:s3+$0x10]  }
0x178: {  	v24 =	vld [tilespmem:s3+$0x90];
	vm5 =	vmor vm15, vm12;
	vm14 =	vmor vm13, vm8  }
0x179: {  	v28 =	vld [tilespmem:s3+$0x110];
	v63 =	vsel vm14, $0x42480000, v0;
	v27 =	vsel vm5, $0x42C80000, v0  }
0x17a: {  	v26 =	vadd.f32 v63, v27  }
0x17b: {  	v27 =	vsub.f32 v25, v27  }
0x17c: {  	v29 =	vsub.f32 v23, v26  }
0x17d: {  	[tilespmem:s3+$0xFFFFFF90] =	vst v27;
	v32 =	vsub.f32 v24, v26  }
0x17e: {  	v26 =	vsub.f32 v28, v26;
	[tilespmem:s3+$0x10] =	vst v29  }
0x17f: {  	[tilespmem:s3+$0x90] =	vst v32  }
0x180: {  	[tilespmem:s3+$0x110] =	vst v26  }
0x181: {  	v33 =	vsel vm0, $0x42C80000, v1;
	v26 =	vld [tilespmem:s0+$0x4470]  }
0x182: {  	v6 =	vsub.f32 v39, v33;
	v3 =	vsub.f32 v3, v33;
	v29 =	vld [tilespmem:s0+$0x44F0]  }
0x183: {  	v5 =	vsub.f32 v40, v33  }
0x184: {  	v4 =	vsub.f32 v41, v33;
	v6 =	vmax.f32 v6, $0.0e+00;
	v3 =	vmax.f32 v3, $0.0e+00  }
0x185: {  	v5 =	vmax.f32 v5, $0.0e+00;
	v3 =	vadd.f32 v6, v3;
	v35 =	vsel vm1, $0x42C80000, v1  }
0x186: {  	v8 =	vsub.f32 v45, v35;
	v11 =	vsub.f32 v11, v35;
	v34 =	vshrl.u32 v26, $0x3  }
0x187: {  	v4 =	vmax.f32 v4, $0.0e+00;
	v3 =	vadd.f32 v3, v5;
	v30 =	vshrl.u32 v29, $0x3  }
0x188: {  	v9 =	vsub.f32 v46, v35;
	v36 =	vmax.f32 v8, $0.0e+00;
	v37 =	vmax.f32 v11, $0.0e+00  }
0x189: {  	v3 =	vadd.f32 v4, v3;
	v38 =	vadd.f32 v37, v36  }
0x18a: {  	v40 =	vsub.f32 v48, v35;
	v41 =	vmax.f32 v9, $0.0e+00  }
0x18b: {  	v2 =	vadd.f32 v3, v2;
	v3 =	vadd.f32 v38, v41;
	v39 =	vld.idx.msk [tilespmem:v34+s6+$0x0], $0xffff  }
0x18c: {  	v6 =	vmax.f32 v40, $0.0e+00;
	v43 =	vsel vm2, $0x42C80000, v1;
	v42 =	vld.idx.msk [tilespmem:v30+s6+$0x0], $0xffff  }
0x18d: {  	v3 =	vadd.f32 v6, v3;
	v45 =	vsub.f32 v51, v43  }
0x18e: {  	v46 =	vsub.f32 v52, v43;
	v50 =	vsub.f32 v53, v43;
	v44 =	vshll.u32 v26, $0x2  }
0x18f: {  	v7 =	vsub.f32 v54, v43;
	v47 =	vshll.u32 v29, $0x2;
	v8 =	vand.u32 $0x1C, v44  }
0x190: {  	v48 =	vmax.f32 v45, $0.0e+00;
	v6 =	vand.u32 $0x1C, v47;
	v5 =	vshrl.u32 v39, v8  }
0x191: {  	v49 =	vmax.f32 v46, $0.0e+00;
	v4 =	vshrl.u32 v42, v6;
	v5 =	vand.u32 $0x7, v5  }
0x192: {  	v53 =	vld [tilespmem:s3+$0xFFFFFFA0];
	v51 =	vsel vm4, $0x42C80000, v1;
	v4 =	vand.u32 $0x7, v4;
	vm15 =	veq.s32 v5, $0x4  }
0x193: {  	v54 =	vld [tilespmem:s3+$0x20];
	vm8 =	veq.s32 v4, $0x4;
	vm9 =	veq.s32 v5, $0x5;
	vm10 =	veq.s32 v4, $0x5  }
0x194: {  	v56 =	vsub.f32 v57, v51;
	v57 =	vld [tilespmem:s3+$0xA0];
	vm0 =	vmor vm15, vm8;
	vm11 =	vmor vm9, vm10  }
0x195: {  	v52 =	vadd.f32 v49, v48;
	v60 =	vld [tilespmem:s3+$0x120];
	v55 =	vsel vm11, $0x42480000, v0;
	v59 =	vsel vm0, $0x42C80000, v0  }
0x196: {  	v2 =	vadd.f32 v3, v2;
	v3 =	vmax.f32 v50, $0.0e+00;
	v61 =	vadd.f32 v55, v59  }
0x197: {  	v3 =	vadd.f32 v52, v3;
	v12 =	vsub.f32 v53, v59  }
0x198: {  	v63 =	vsub.f32 v16, v51;
	v16 =	vsub.f32 v54, v61  }
0x199: {  	v7 =	vmax.f32 v7, $0.0e+00;
	v58 =	vsub.f32 v58, v51;
	[tilespmem:s3+$0xFFFFFFA0] =	vst v12;
	v17 =	vsub.f32 v57, v61  }
0x19a: {  	v3 =	vadd.f32 v7, v3;
	v7 =	vsub.f32 v60, v61;
	[tilespmem:s3+$0x20] =	vst v16  }
0x19b: {  	v62 =	vmax.f32 v58, $0.0e+00;
	v4 =	vmax.f32 v56, $0.0e+00;
	[tilespmem:s3+$0xA0] =	vst v17  }
0x19c: {  	v4 =	vadd.f32 v62, v4;
	[tilespmem:s3+$0x120] =	vst v7  }
0x19d: {  	v11 =	vmax.f32 v63, $0.0e+00;
	v6 =	vsub.f32 v15, v51;
	v9 =	vld [tilespmem:s0+$0x4480]  }
0x19e: {  	v2 =	vadd.f32 v3, v2;
	v18 =	vsel vm3, $0x42C80000, v1;
	v4 =	vadd.f32 v4, v11;
	v30 =	vld [tilespmem:s0+$0x4500]  }
0x19f: {  	v31 =	vsub.f32 v20, v18;
	v27 =	vsub.f32 v22, v18;
	v3 =	vmax.f32 v6, $0.0e+00  }
0x1a0: {  	v26 =	vsub.f32 v21, v18;
	v29 =	vsel vm5, $0x42C80000, v1;
	v3 =	vadd.f32 v3, v4  }
0x1a1: {  	v32 =	vsub.f32 v25, v29;
	v33 =	vsub.f32 v23, v29  }
0x1a2: {  	v34 =	vsub.f32 v24, v29;
	v2 =	vadd.f32 v3, v2;
	v35 =	vshrl.u32 v9, $0x3  }
0x1a3: {  	v3 =	vmax.f32 v26, $0.0e+00;
	v7 =	vmax.f32 v27, $0.0e+00;
	v36 =	vshrl.u32 v30, $0x3  }
0x1a4: {  	v14 =	vmax.f32 v32, $0.0e+00;
	v37 =	vmax.f32 v34, $0.0e+00;
	v3 =	vadd.f32 v7, v3  }
0x1a5: {  	v6 =	vsub.f32 v19, v18;
	v12 =	vmax.f32 v31, $0.0e+00;
	v7 =	vmax.f32 v33, $0.0e+00  }
0x1a6: {  	v39 =	vsel vm0, $0x42C80000, v1;
	v7 =	vadd.f32 v7, v14;
	v3 =	vadd.f32 v3, v12  }
0x1a7: {  	v6 =	vmax.f32 v6, $0.0e+00;
	v5 =	vsub.f32 v53, v39;
	v4 =	vsub.f32 v28, v29;
	v40 =	vld.idx.msk [tilespmem:v35+s6+$0x0], $0xffff  }
0x1a8: {  	v38 =	vadd.f32 v7, v37;
	v3 =	vadd.f32 v6, v3;
	v42 =	vld.idx.msk [tilespmem:v36+s6+$0x0], $0xffff  }
0x1a9: {  	v41 =	vsub.f32 v54, v39;
	v44 =	vsub.f32 v57, v39;
	v4 =	vmax.f32 v4, $0.0e+00  }
0x1aa: {  	v46 =	vshll.u32 v30, $0x2;
	v2 =	vadd.f32 v3, v2;
	v3 =	vadd.f32 v4, v38  }
0x1ab: {  	v43 =	vmax.f32 v41, $0.0e+00;
	v45 =	vshll.u32 v9, $0x2;
	v9 =	vand.u32 $0x1C, v46  }
0x1ac: {  	v49 =	vld [tilespmem:s3+$0x30];
	v2 =	vadd.f32 v3, v2;
	v3 =	vmax.f32 v5, $0.0e+00;
	v5 =	vand.u32 $0x1C, v45  }
0x1ad: {  	v47 =	vld [tilespmem:s3+$0xFFFFFFB0];
	v4 =	vsub.f32 v60, v39;
	v5 =	vshrl.u32 v40, v5;
	v48 =	vshrl.u32 v42, v9  }
0x1ae: {  	v3 =	vadd.f32 v43, v3;
	v5 =	vand.u32 $0x7, v5;
	v6 =	vand.u32 $0x7, v48  }
0x1af: {  	v50 =	vld [tilespmem:s3+$0xB0];
	v7 =	vmax.f32 v44, $0.0e+00;
	vm12 =	veq.s32 v5, $0x4;
	vm13 =	veq.s32 v6, $0x4  }
0x1b0: {  	v4 =	vmax.f32 v4, $0.0e+00;
	v3 =	vadd.f32 v3, v7;
	vm0 =	vmor vm12, vm13  }
0x1b1: {  	v53 =	vld [tilespmem:s3+$0x130];
	vm14 =	veq.s32 v5, $0x5;
	vm15 =	veq.s32 v6, $0x5;
	v52 =	vsel vm0, $0x42C80000, v1  }
0x1b2: {  	vm1 =	vmor vm14, vm15;
	v55 =	vsub.f32 v47, v52;
	v56 =	vsub.f32 v49, v52  }
0x1b3: {  	v3 =	vadd.f32 v4, v3;
	v51 =	vsel vm0, $0x42C80000, v0;
	v54 =	vsel vm1, $0x42480000, v0  }
0x1b4: {  	v60 =	vsub.f32 v50, v52;
	v58 =	vmax.f32 v55, $0.0e+00;
	v59 =	vmax.f32 v56, $0.0e+00  }
0x1b5: {  	v57 =	vadd.f32 v54, v51;
	v61 =	vadd.f32 v59, v58  }
0x1b6: {  	p1 =	sne.s32 s30, $0x4FC0;
	v5 =	vsub.f32 v47, v51;
	v6 =	vsub.f32 v53, v52;
	v62 =	vmax.f32 v60, $0.0e+00  }
.Ltmp7:
0x1b7: {  	v8 =	vsub.f32 v49, v57;
	v63 =	vadd.f32 v61, v62;
	(pc) =	sbr.rel @p1 .LBB2_8-.Ltmp7, $4  }
0x1b8: {  	v2 =	vadd.f32 v3, v2;
	[tilespmem:s3+$0xFFFFFFB0] =	vst v5;
	v7 =	vsub.f32 v50, v57;
	v6 =	vmax.f32 v6, $0.0e+00  }
0x1b9: {  	v4 =	vsub.f32 v53, v57;
	[tilespmem:s3+$0x30] =	vst v8;
	v3 =	vadd.f32 v6, v63  }
0x1ba: {  	[tilespmem:s3+$0xB0] =	vst v7  }
0x1bb: {  	s30 =	sadd.s32 $0x400, s30;
	[tilespmem:s3+$0x130] =	vst v4;
	s3 =	sadd.s32 $0x400, s3;
	v2 =	vadd.f32 v3, v2  }
0x1bc: {  	s0 =	smul.u32 $0xA00, s28;
	_ =	sdelay $0x1  }
0x1bd: {  	s0 =	sadd.s32 s5, s0  }
0x1be: {  	[hbm4b:s0+s6] =	stream.linear.scatter [tilespmem:s20], [sflag:$0x5], $0x5000, $0x38;
	[tilespmem:$0x15D80] =	vst v63  }
.LBB2_10:
0x1bf: {  	s0 =	sadd.s32 s12, s26  }
0x1c0: {  	p1 =	sgt.u32 s0, $0x9C3  }
0x1c1: {  	s3 =	simm.s32 @!p0 $0x4;
	s26 =	smul.u32 @!p1 $0x280, s0  }
0x1c2: {  	_ =	swait.ge @!p0 [sflag:s3], $0x5000;
	s0 =	smul.u32 @!p1 $0xA00, s0  }
.Ltmp8:
0x1c3: {  	[sflag:s3] =	ssyncset.done @!p0 $0x0;
	s28 =	simm.s32 @!p1 $0x3100;
	(pc) =	sbr.rel @p2 .LBB2_14-.Ltmp8, $4  }
0x1c4: {  	[sflag:s3] =	ssyncadd.s32 @!p0 $0xFFFFB000;
	s3 =	sadd.s32 @!p1 s2, s26;
	s26 =	simm.s32 @!p1 $0x0  }
0x1c5: {  	[tilespmem:s28], [sflag:$0x1] =	stream.linear.gather @!p1 [hbm4b:s3+s26], $0x1400, $0x38;
	[tilespmem:$0x15D80] =	vst v63  }
0x1c6: {  	s0 =	sadd.s32 @!p1 s1, s0;
	s3 =	simm.s32 @!p1 $0x6D00  }
0x1c7: {  	[tilespmem:s3], [sflag:$0x1] =	stream.linear.gather @!p1 [hbm4b:s0+s26], $0x5000, $0x38;
	[tilespmem:$0x15D80] =	vst v63  }
0x1c8: {  	_ =	swait.ge [sflag:s21], $0x1400  }
0x1c9: {  	[sflag:s21] =	ssyncset.done $0x0  }
0x1ca: {  	[sflag:s21] =	ssyncadd.s32 $0xFFFFEC00  }
0x1cb: {  	_ =	swait.ge [sflag:s21], $0x5000  }
0x1cc: {  	[sflag:s21] =	ssyncset.done $0x0  }
0x1cd: {  	s26 =	simm.s32 $0x3C0;
	s3 =	simm.s32 $0x10E40;
	[sflag:s21] =	ssyncadd.s32 $0xFFFFB000  }
.LBB2_12:
0x1ce: {  	s0 =	sshra.s32 s26, $0x2  }
0x1cf: {  	v3 =	vld [tilespmem:s0+$0x5810]  }
0x1d0: {  	v4 =	vld [tilespmem:s0+$0x5890];
	_ =	sdelay $0x3  }
0x1d1: {  	v5 =	vshrl.u32 v3, $0x3  }
0x1d2: {  	v6 =	vshrl.u32 v4, $0x3;
	_ =	sdelay $0x3  }
0x1d3: {  	v5 =	vld.idx.msk [tilespmem:v5+s6+$0x0], $0xffff  }
0x1d4: {  	v6 =	vld.idx.msk [tilespmem:v6+s6+$0x0], $0xffff;
	_ =	sdelay $0x1  }
0x1d5: {  	v3 =	vshll.u32 v3, $0x2  }
0x1d6: {  	v4 =	vshll.u32 v4, $0x2;
	v3 =	vand.u32 $0x1C, v3  }
0x1d7: {  	v4 =	vand.u32 $0x1C, v4;
	v3 =	vshrl.u32 v5, v3  }
0x1d8: {  	v5 =	vand.u32 $0x7, v3;
	v3 =	vshrl.u32 v6, v4  }
0x1d9: {  	v4 =	vand.u32 $0x7, v3;
	vm0 =	veq.s32 v5, $0x4;
	v3 =	vld [tilespmem:s3+$0xFFFFFF40]  }
0x1da: {  	v39 =	vld [tilespmem:s3+$0xFFFFFFC0];
	vm2 =	veq.s32 v5, $0x5;
	vm1 =	veq.s32 v4, $0x4;
	vm3 =	veq.s32 v4, $0x5  }
0x1db: {  	v40 =	vld [tilespmem:s3+$0x40];
	vm0 =	vmor vm0, vm1;
	vm13 =	vmor vm2, vm3  }
0x1dc: {  	v41 =	vld [tilespmem:s3+$0xC0];
	v7 =	vsel vm0, $0x42C80000, v0;
	v8 =	vsel vm13, $0x42480000, v0  }
0x1dd: {  	v8 =	vadd.f32 v8, v7  }
0x1de: {  	v7 =	vsub.f32 v3, v7  }
0x1df: {  	v9 =	vsub.f32 v39, v8  }
0x1e0: {  	v42 =	vsub.f32 v40, v8;
	[tilespmem:s3+$0xFFFFFF40] =	vst v7  }
0x1e1: {  	v8 =	vsub.f32 v41, v8;
	[tilespmem:s3+$0xFFFFFFC0] =	vst v9  }
0x1e2: {  	[tilespmem:s3+$0x40] =	vst v42  }
0x1e3: {  	[tilespmem:s3+$0xC0] =	vst v8  }
0x1e4: {  	v7 =	vld [tilespmem:s0+$0x5820]  }
0x1e5: {  	v8 =	vld [tilespmem:s0+$0x58A0];
	_ =	sdelay $0x3  }
0x1e6: {  	v43 =	vshrl.u32 v7, $0x3  }
0x1e7: {  	v10 =	vshrl.u32 v8, $0x3;
	_ =	sdelay $0x3  }
0x1e8: {  	v9 =	vld.idx.msk [tilespmem:v43+s6+$0x0], $0xffff  }
0x1e9: {  	v10 =	vld.idx.msk [tilespmem:v10+s6+$0x0], $0xffff;
	_ =	sdelay $0x1  }
0x1ea: {  	v7 =	vshll.u32 v7, $0x2  }
0x1eb: {  	v8 =	vshll.u32 v8, $0x2;
	v7 =	vand.u32 $0x1C, v7  }
0x1ec: {  	v8 =	vand.u32 $0x1C, v8;
	v7 =	vshrl.u32 v9, v7  }
0x1ed: {  	v8 =	vshrl.u32 v10, v8;
	v7 =	vand.u32 $0x7, v7  }
0x1ee: {  	v45 =	vld [tilespmem:s3+$0xFFFFFF50];
	v44 =	vand.u32 $0x7, v8;
	vm14 =	veq.s32 v7, $0x4  }
0x1ef: {  	v11 =	vld [tilespmem:s3+$0xFFFFFFD0];
	vm15 =	veq.s32 v44, $0x4;
	vm8 =	veq.s32 v7, $0x5;
	vm4 =	veq.s32 v44, $0x5  }
0x1f0: {  	v46 =	vld [tilespmem:s3+$0x50];
	vm1 =	vmor vm14, vm15;
	vm9 =	vmor vm8, vm4  }
0x1f1: {  	v48 =	vld [tilespmem:s3+$0xD0];
	v47 =	vsel vm1, $0x42C80000, v0;
	v12 =	vsel vm9, $0x42480000, v0  }
0x1f2: {  	v12 =	vadd.f32 v12, v47  }
0x1f3: {  	v10 =	vsub.f32 v45, v47  }
0x1f4: {  	v13 =	vsub.f32 v11, v12  }
0x1f5: {  	[tilespmem:s3+$0xFFFFFF50] =	vst v10;
	v49 =	vsub.f32 v46, v12  }
0x1f6: {  	v12 =	vsub.f32 v48, v12;
	[tilespmem:s3+$0xFFFFFFD0] =	vst v13  }
0x1f7: {  	[tilespmem:s3+$0x50] =	vst v49  }
0x1f8: {  	[tilespmem:s3+$0xD0] =	vst v12  }
0x1f9: {  	v10 =	vld [tilespmem:s0+$0x5830]  }
0x1fa: {  	v12 =	vld [tilespmem:s0+$0x58B0];
	_ =	sdelay $0x3  }
0x1fb: {  	v50 =	vshrl.u32 v10, $0x3  }
0x1fc: {  	v14 =	vshrl.u32 v12, $0x3;
	_ =	sdelay $0x3  }
0x1fd: {  	v13 =	vld.idx.msk [tilespmem:v50+s6+$0x0], $0xffff  }
0x1fe: {  	v14 =	vld.idx.msk [tilespmem:v14+s6+$0x0], $0xffff;
	_ =	sdelay $0x1  }
0x1ff: {  	v10 =	vshll.u32 v10, $0x2  }
0x200: {  	v12 =	vshll.u32 v12, $0x2;
	v10 =	vand.u32 $0x1C, v10  }
0x201: {  	v12 =	vand.u32 $0x1C, v12;
	v10 =	vshrl.u32 v13, v10  }
0x202: {  	v12 =	vshrl.u32 v14, v12;
	v10 =	vand.u32 $0x7, v10  }
0x203: {  	v51 =	vld [tilespmem:s3+$0xFFFFFF60];
	v12 =	vand.u32 $0x7, v12;
	vm10 =	veq.s32 v10, $0x4  }
0x204: {  	v52 =	vld [tilespmem:s3+$0xFFFFFFE0];
	vm11 =	veq.s32 v12, $0x4;
	vm12 =	veq.s32 v10, $0x5;
	vm5 =	veq.s32 v12, $0x5  }
0x205: {  	v53 =	vld [tilespmem:s3+$0x60];
	vm2 =	vmor vm10, vm11;
	vm13 =	vmor vm12, vm5  }
0x206: {  	v54 =	vld [tilespmem:s3+$0xE0];
	v15 =	vsel vm2, $0x42C80000, v0;
	v16 =	vsel vm13, $0x42480000, v0  }
0x207: {  	v16 =	vadd.f32 v16, v15  }
0x208: {  	v15 =	vsub.f32 v51, v15  }
0x209: {  	v17 =	vsub.f32 v52, v16  }
0x20a: {  	[tilespmem:s3+$0xFFFFFF60] =	vst v15;
	v55 =	vsub.f32 v53, v16  }
0x20b: {  	v16 =	vsub.f32 v54, v16;
	[tilespmem:s3+$0xFFFFFFE0] =	vst v17  }
0x20c: {  	[tilespmem:s3+$0x60] =	vst v55  }
0x20d: {  	[tilespmem:s3+$0xE0] =	vst v16  }
0x20e: {  	v15 =	vld [tilespmem:s0+$0x5840]  }
0x20f: {  	v16 =	vld [tilespmem:s0+$0x58C0];
	_ =	sdelay $0x3  }
0x210: {  	v56 =	vshrl.u32 v15, $0x3  }
0x211: {  	v18 =	vshrl.u32 v16, $0x3;
	_ =	sdelay $0x3  }
0x212: {  	v17 =	vld.idx.msk [tilespmem:v56+s6+$0x0], $0xffff  }
0x213: {  	v18 =	vld.idx.msk [tilespmem:v18+s6+$0x0], $0xffff;
	_ =	sdelay $0x1  }
0x214: {  	v15 =	vshll.u32 v15, $0x2  }
0x215: {  	v16 =	vshll.u32 v16, $0x2;
	v15 =	vand.u32 $0x1C, v15  }
0x216: {  	v16 =	vand.u32 $0x1C, v16;
	v15 =	vshrl.u32 v17, v15  }
0x217: {  	v16 =	vshrl.u32 v18, v16;
	v15 =	vand.u32 $0x7, v15  }
0x218: {  	v57 =	vld [tilespmem:s3+$0xFFFFFF70];
	v16 =	vand.u32 $0x7, v16;
	vm14 =	veq.s32 v15, $0x4  }
0x219: {  	v58 =	vld [tilespmem:s3+$0xFFFFFFF0];
	vm15 =	veq.s32 v16, $0x4;
	vm9 =	veq.s32 v15, $0x5;
	vm6 =	veq.s32 v16, $0x5  }
0x21a: {  	v16 =	vld [tilespmem:s3+$0x70];
	vm4 =	vmor vm14, vm15;
	vm10 =	vmor vm9, vm6  }
0x21b: {  	v15 =	vld [tilespmem:s3+$0xF0];
	v19 =	vsel vm4, $0x42C80000, v0;
	v20 =	vsel vm10, $0x42480000, v0  }
0x21c: {  	v20 =	vadd.f32 v20, v19  }
0x21d: {  	v19 =	vsub.f32 v57, v19  }
0x21e: {  	v21 =	vsub.f32 v58, v20  }
0x21f: {  	[tilespmem:s3+$0xFFFFFF70] =	vst v19;
	v59 =	vsub.f32 v16, v20  }
0x220: {  	v20 =	vsub.f32 v15, v20;
	[tilespmem:s3+$0xFFFFFFF0] =	vst v21  }
0x221: {  	[tilespmem:s3+$0x70] =	vst v59  }
0x222: {  	[tilespmem:s3+$0xF0] =	vst v20  }
0x223: {  	v19 =	vld [tilespmem:s0+$0x5850]  }
0x224: {  	v20 =	vld [tilespmem:s0+$0x58D0];
	_ =	sdelay $0x3  }
0x225: {  	v60 =	vshrl.u32 v19, $0x3  }
0x226: {  	v22 =	vshrl.u32 v20, $0x3;
	_ =	sdelay $0x3  }
0x227: {  	v21 =	vld.idx.msk [tilespmem:v60+s6+$0x0], $0xffff  }
0x228: {  	v22 =	vld.idx.msk [tilespmem:v22+s6+$0x0], $0xffff;
	_ =	sdelay $0x1  }
0x229: {  	v19 =	vshll.u32 v19, $0x2  }
0x22a: {  	v20 =	vshll.u32 v20, $0x2;
	v19 =	vand.u32 $0x1C, v19  }
0x22b: {  	v20 =	vand.u32 $0x1C, v20;
	v19 =	vshrl.u32 v21, v19  }
0x22c: {  	v20 =	vshrl.u32 v22, v20;
	v19 =	vand.u32 $0x7, v19  }
0x22d: {  	v21 =	vld [tilespmem:s3+$0xFFFFFF80];
	v20 =	vand.u32 $0x7, v20;
	vm11 =	veq.s32 v19, $0x4  }
0x22e: {  	v22 =	vld [tilespmem:s3+$0x0];
	vm12 =	veq.s32 v20, $0x4;
	vm13 =	veq.s32 v19, $0x5;
	vm7 =	veq.s32 v20, $0x5  }
0x22f: {  	v20 =	vld [tilespmem:s3+$0x80];
	vm3 =	vmor vm11, vm12;
	vm14 =	vmor vm13, vm7  }
0x230: {  	v19 =	vld [tilespmem:s3+$0x100];
	v23 =	vsel vm3, $0x42C80000, v0;
	v24 =	vsel vm14, $0x42480000, v0  }
0x231: {  	v24 =	vadd.f32 v24, v23  }
0x232: {  	v23 =	vsub.f32 v21, v23  }
0x233: {  	v25 =	vsub.f32 v22, v24  }
0x234: {  	[tilespmem:s3+$0xFFFFFF80] =	vst v23;
	v61 =	vsub.f32 v20, v24  }
0x235: {  	v24 =	vsub.f32 v19, v24;
	[tilespmem:s3+$0x0] =	vst v25  }
0x236: {  	[tilespmem:s3+$0x80] =	vst v61  }
0x237: {  	[tilespmem:s3+$0x100] =	vst v24  }
0x238: {  	v23 =	vld [tilespmem:s0+$0x5860]  }
0x239: {  	v24 =	vld [tilespmem:s0+$0x58E0];
	_ =	sdelay $0x3  }
0x23a: {  	v62 =	vshrl.u32 v23, $0x3  }
0x23b: {  	v26 =	vshrl.u32 v24, $0x3;
	_ =	sdelay $0x3  }
0x23c: {  	v25 =	vld.idx.msk [tilespmem:v62+s6+$0x0], $0xffff  }
0x23d: {  	v26 =	vld.idx.msk [tilespmem:v26+s6+$0x0], $0xffff;
	_ =	sdelay $0x1  }
0x23e: {  	v23 =	vshll.u32 v23, $0x2  }
0x23f: {  	v24 =	vshll.u32 v24, $0x2;
	v23 =	vand.u32 $0x1C, v23  }
0x240: {  	v24 =	vand.u32 $0x1C, v24;
	v23 =	vshrl.u32 v25, v23  }
0x241: {  	v24 =	vshrl.u32 v26, v24;
	v23 =	vand.u32 $0x7, v23  }
0x242: {  	v25 =	vld [tilespmem:s3+$0xFFFFFF90];
	v24 =	vand.u32 $0x7, v24;
	vm15 =	veq.s32 v23, $0x4  }
0x243: {  	vm12 =	veq.s32 v24, $0x4;
	vm13 =	veq.s32 v23, $0x5;
	vm8 =	veq.s32 v24, $0x5;
	v23 =	vld [tilespmem:s3+$0x10]  }
0x244: {  	v24 =	vld [tilespmem:s3+$0x90];
	vm5 =	vmor vm15, vm12;
	vm14 =	vmor vm13, vm8  }
0x245: {  	v28 =	vld [tilespmem:s3+$0x110];
	v63 =	vsel vm14, $0x42480000, v0;
	v27 =	vsel vm5, $0x42C80000, v0  }
0x246: {  	v26 =	vadd.f32 v63, v27  }
0x247: {  	v27 =	vsub.f32 v25, v27  }
0x248: {  	v29 =	vsub.f32 v23, v26  }
0x249: {  	[tilespmem:s3+$0xFFFFFF90] =	vst v27;
	v32 =	vsub.f32 v24, v26  }
0x24a: {  	v26 =	vsub.f32 v28, v26;
	[tilespmem:s3+$0x10] =	vst v29  }
0x24b: {  	[tilespmem:s3+$0x90] =	vst v32  }
0x24c: {  	[tilespmem:s3+$0x110] =	vst v26  }
0x24d: {  	v33 =	vsel vm0, $0x42C80000, v1;
	v26 =	vld [tilespmem:s0+$0x5870]  }
0x24e: {  	v6 =	vsub.f32 v39, v33;
	v3 =	vsub.f32 v3, v33;
	v29 =	vld [tilespmem:s0+$0x58F0]  }
0x24f: {  	v5 =	vsub.f32 v40, v33  }
0x250: {  	v4 =	vsub.f32 v41, v33;
	v6 =	vmax.f32 v6, $0.0e+00;
	v3 =	vmax.f32 v3, $0.0e+00  }
0x251: {  	v5 =	vmax.f32 v5, $0.0e+00;
	v3 =	vadd.f32 v6, v3;
	v35 =	vsel vm1, $0x42C80000, v1  }
0x252: {  	v8 =	vsub.f32 v45, v35;
	v11 =	vsub.f32 v11, v35;
	v34 =	vshrl.u32 v26, $0x3  }
0x253: {  	v4 =	vmax.f32 v4, $0.0e+00;
	v3 =	vadd.f32 v3, v5;
	v30 =	vshrl.u32 v29, $0x3  }
0x254: {  	v9 =	vsub.f32 v46, v35;
	v36 =	vmax.f32 v8, $0.0e+00;
	v37 =	vmax.f32 v11, $0.0e+00  }
0x255: {  	v3 =	vadd.f32 v4, v3;
	v38 =	vadd.f32 v37, v36  }
0x256: {  	v40 =	vsub.f32 v48, v35;
	v41 =	vmax.f32 v9, $0.0e+00  }
0x257: {  	v2 =	vadd.f32 v3, v2;
	v3 =	vadd.f32 v38, v41;
	v39 =	vld.idx.msk [tilespmem:v34+s6+$0x0], $0xffff  }
0x258: {  	v6 =	vmax.f32 v40, $0.0e+00;
	v43 =	vsel vm2, $0x42C80000, v1;
	v42 =	vld.idx.msk [tilespmem:v30+s6+$0x0], $0xffff  }
0x259: {  	v3 =	vadd.f32 v6, v3;
	v45 =	vsub.f32 v51, v43  }
0x25a: {  	v46 =	vsub.f32 v52, v43;
	v50 =	vsub.f32 v53, v43;
	v44 =	vshll.u32 v26, $0x2  }
0x25b: {  	v7 =	vsub.f32 v54, v43;
	v47 =	vshll.u32 v29, $0x2;
	v8 =	vand.u32 $0x1C, v44  }
0x25c: {  	v48 =	vmax.f32 v45, $0.0e+00;
	v6 =	vand.u32 $0x1C, v47;
	v5 =	vshrl.u32 v39, v8  }
0x25d: {  	v49 =	vmax.f32 v46, $0.0e+00;
	v4 =	vshrl.u32 v42, v6;
	v5 =	vand.u32 $0x7, v5  }
0x25e: {  	v53 =	vld [tilespmem:s3+$0xFFFFFFA0];
	v51 =	vsel vm4, $0x42C80000, v1;
	v4 =	vand.u32 $0x7, v4;
	vm15 =	veq.s32 v5, $0x4  }
0x25f: {  	v54 =	vld [tilespmem:s3+$0x20];
	vm8 =	veq.s32 v4, $0x4;
	vm9 =	veq.s32 v5, $0x5;
	vm10 =	veq.s32 v4, $0x5  }
0x260: {  	v56 =	vsub.f32 v57, v51;
	v57 =	vld [tilespmem:s3+$0xA0];
	vm0 =	vmor vm15, vm8;
	vm11 =	vmor vm9, vm10  }
0x261: {  	v52 =	vadd.f32 v49, v48;
	v60 =	vld [tilespmem:s3+$0x120];
	v55 =	vsel vm11, $0x42480000, v0;
	v59 =	vsel vm0, $0x42C80000, v0  }
0x262: {  	v2 =	vadd.f32 v3, v2;
	v3 =	vmax.f32 v50, $0.0e+00;
	v61 =	vadd.f32 v55, v59  }
0x263: {  	v3 =	vadd.f32 v52, v3;
	v12 =	vsub.f32 v53, v59  }
0x264: {  	v63 =	vsub.f32 v16, v51;
	v16 =	vsub.f32 v54, v61  }
0x265: {  	v7 =	vmax.f32 v7, $0.0e+00;
	v58 =	vsub.f32 v58, v51;
	[tilespmem:s3+$0xFFFFFFA0] =	vst v12;
	v17 =	vsub.f32 v57, v61  }
0x266: {  	v3 =	vadd.f32 v7, v3;
	v7 =	vsub.f32 v60, v61;
	[tilespmem:s3+$0x20] =	vst v16  }
0x267: {  	v62 =	vmax.f32 v58, $0.0e+00;
	v4 =	vmax.f32 v56, $0.0e+00;
	[tilespmem:s3+$0xA0] =	vst v17  }
0x268: {  	v4 =	vadd.f32 v62, v4;
	[tilespmem:s3+$0x120] =	vst v7  }
0x269: {  	v11 =	vmax.f32 v63, $0.0e+00;
	v6 =	vsub.f32 v15, v51;
	v9 =	vld [tilespmem:s0+$0x5880]  }
0x26a: {  	v2 =	vadd.f32 v3, v2;
	v18 =	vsel vm3, $0x42C80000, v1;
	v4 =	vadd.f32 v4, v11;
	v30 =	vld [tilespmem:s0+$0x5900]  }
0x26b: {  	v31 =	vsub.f32 v20, v18;
	v27 =	vsub.f32 v22, v18;
	v3 =	vmax.f32 v6, $0.0e+00  }
0x26c: {  	v26 =	vsub.f32 v21, v18;
	v29 =	vsel vm5, $0x42C80000, v1;
	v3 =	vadd.f32 v3, v4  }
0x26d: {  	v32 =	vsub.f32 v25, v29;
	v33 =	vsub.f32 v23, v29  }
0x26e: {  	v34 =	vsub.f32 v24, v29;
	v2 =	vadd.f32 v3, v2;
	v35 =	vshrl.u32 v9, $0x3  }
0x26f: {  	v3 =	vmax.f32 v26, $0.0e+00;
	v7 =	vmax.f32 v27, $0.0e+00;
	v36 =	vshrl.u32 v30, $0x3  }
0x270: {  	v14 =	vmax.f32 v32, $0.0e+00;
	v37 =	vmax.f32 v34, $0.0e+00;
	v3 =	vadd.f32 v7, v3  }
0x271: {  	v6 =	vsub.f32 v19, v18;
	v12 =	vmax.f32 v31, $0.0e+00;
	v7 =	vmax.f32 v33, $0.0e+00  }
0x272: {  	v39 =	vsel vm0, $0x42C80000, v1;
	v7 =	vadd.f32 v7, v14;
	v3 =	vadd.f32 v3, v12  }
0x273: {  	v6 =	vmax.f32 v6, $0.0e+00;
	v5 =	vsub.f32 v53, v39;
	v4 =	vsub.f32 v28, v29;
	v40 =	vld.idx.msk [tilespmem:v35+s6+$0x0], $0xffff  }
0x274: {  	v38 =	vadd.f32 v7, v37;
	v3 =	vadd.f32 v6, v3;
	v42 =	vld.idx.msk [tilespmem:v36+s6+$0x0], $0xffff  }
0x275: {  	v41 =	vsub.f32 v54, v39;
	v44 =	vsub.f32 v57, v39;
	v4 =	vmax.f32 v4, $0.0e+00  }
0x276: {  	v46 =	vshll.u32 v30, $0x2;
	v2 =	vadd.f32 v3, v2;
	v3 =	vadd.f32 v4, v38  }
0x277: {  	v43 =	vmax.f32 v41, $0.0e+00;
	v45 =	vshll.u32 v9, $0x2;
	v9 =	vand.u32 $0x1C, v46  }
0x278: {  	v49 =	vld [tilespmem:s3+$0x30];
	v2 =	vadd.f32 v3, v2;
	v3 =	vmax.f32 v5, $0.0e+00;
	v5 =	vand.u32 $0x1C, v45  }
0x279: {  	v47 =	vld [tilespmem:s3+$0xFFFFFFB0];
	v4 =	vsub.f32 v60, v39;
	v5 =	vshrl.u32 v40, v5;
	v48 =	vshrl.u32 v42, v9  }
0x27a: {  	v3 =	vadd.f32 v43, v3;
	v5 =	vand.u32 $0x7, v5;
	v6 =	vand.u32 $0x7, v48  }
0x27b: {  	v50 =	vld [tilespmem:s3+$0xB0];
	v7 =	vmax.f32 v44, $0.0e+00;
	vm12 =	veq.s32 v5, $0x4;
	vm13 =	veq.s32 v6, $0x4  }
0x27c: {  	v4 =	vmax.f32 v4, $0.0e+00;
	v3 =	vadd.f32 v3, v7;
	vm0 =	vmor vm12, vm13  }
0x27d: {  	v53 =	vld [tilespmem:s3+$0x130];
	vm14 =	veq.s32 v5, $0x5;
	vm15 =	veq.s32 v6, $0x5;
	v52 =	vsel vm0, $0x42C80000, v1  }
0x27e: {  	vm1 =	vmor vm14, vm15;
	v55 =	vsub.f32 v47, v52;
	v56 =	vsub.f32 v49, v52  }
0x27f: {  	v3 =	vadd.f32 v4, v3;
	v51 =	vsel vm0, $0x42C80000, v0;
	v54 =	vsel vm1, $0x42480000, v0  }
0x280: {  	v60 =	vsub.f32 v50, v52;
	v58 =	vmax.f32 v55, $0.0e+00;
	v59 =	vmax.f32 v56, $0.0e+00  }
0x281: {  	v57 =	vadd.f32 v54, v51;
	v61 =	vadd.f32 v59, v58  }
0x282: {  	p0 =	sne.s32 s26, $0x4FC0;
	v5 =	vsub.f32 v47, v51;
	v6 =	vsub.f32 v53, v52;
	v62 =	vmax.f32 v60, $0.0e+00  }
.Ltmp9:
0x283: {  	v8 =	vsub.f32 v49, v57;
	v63 =	vadd.f32 v61, v62;
	(pc) =	sbr.rel @p0 .LBB2_12-.Ltmp9, $4  }
0x284: {  	v2 =	vadd.f32 v3, v2;
	[tilespmem:s3+$0xFFFFFFB0] =	vst v5;
	v7 =	vsub.f32 v50, v57;
	v6 =	vmax.f32 v6, $0.0e+00  }
0x285: {  	v4 =	vsub.f32 v53, v57;
	[tilespmem:s3+$0x30] =	vst v8;
	v3 =	vadd.f32 v6, v63  }
0x286: {  	[tilespmem:s3+$0xB0] =	vst v7  }
0x287: {  	s26 =	sadd.s32 $0x400, s26;
	[tilespmem:s3+$0x130] =	vst v4;
	s3 =	sadd.s32 $0x400, s3;
	v2 =	vadd.f32 v3, v2  }
.Ltmp10:
0x288: {  	(pc) =	sbr.rel .LBB2_14-.Ltmp10, $3  }
0x289: {  	s0 =	smul.u32 $0xA00, s29;
	_ =	sdelay $0x1  }
0x28a: {  	s0 =	sadd.s32 s5, s0  }
0x28b: {  	[hbm4b:s0+s6] =	stream.linear.scatter [tilespmem:s22], [sflag:$0x6], $0x5000, $0x38;
	[tilespmem:$0x15D80] =	vst v63  }
.LBB2_16:
0x28c: {  	_ =	sfence.sel $0x180000  }
0x28d: {  	[bflag:$0x0] =	sbarrier.arrive $0xFFFF  }
0x28e: {  	_ =	strace $0x90000047  }
0x28f: {  	s0 =	stileid.u32;
	[bflag:$0x2] =	sbarrier.arrive $0xFFFF  }
0x290: {  	p0 =	sne.s32 s0, $0x0;
	s0 =	rddreg [dreg:$0x4]  }
0x291: {  	s0 =	sadd.s32 @!p0 $0x100000, s0  }
0x292: {  	[sflag:s0] =	ssyncadd.tile.s32 @!p0 $0x1;
	_ =	shalt  }
.Lfunc_end2:
_tile_overlayer_lowered:
.L_overlay_start_2:
0x293: {  	(tag) =	ssettag $0x2  }
0x294: {  	s0 =	rddreg [dreg:$0x0];
	s2 =	stileid.u32  }
0x295: {  	s1 =	rddreg [dreg:$0x1];
	p0 =	sne.s32 s2, $0x0  }
0x296: {  	s3 =	rddreg [dreg:$0x2];
	[bflag:$0x3] =	sbarrier.arrive $0xFFFF;
	s2 =	simm.s32 @!p0 $0x1C07  }
0x297: {  	[timem:s3], [sflag:s2] =	dma.local @!p0 [hbm:s0], s1  }
0x298: {  	s0 =	simm.s32 @!p0 $0x7  }
0x299: {  	_ =	swait.ge @!p0 [sflag:s0], s1  }
0x29a: {  	s1 =	ssub.s32 @!p0 $0x0, s1;
	[sflag:s0] =	ssyncset.done @!p0 $0x0  }
0x29b: {  	[sflag:s0] =	ssyncadd.s32 @!p0 s1  }
0x29c: {  	[bflag:$0x3] =	sbarrier.arrive $0xFFFF  }
0x29d: {  	_ =	shalt  }

</sc_bundles>
